<compile_context>
chip_gen: v7x
topology: tpu7x:2x2x1
jax: 0.10.2.dev20260603
libtpu: 0.0.44.dev20260713+nightly
codegen_flags: <defaults>
</compile_context>

<pallas_src>
import jax
import jax.numpy as jnp
from jax import lax
from jax.experimental import pallas as pl
from jax.experimental.pallas import tpu as pltpu
from jax.experimental.pallas import tpu_sc as plsc

NC = 2
NS = 16
L = 16
NW = NC * NS

R = 8
NSET = 3


def kernel(x, emb):
    batch, seq_len, d = x.shape
    spw = seq_len // NW
    nch = spw // R
    hpr = d // L

    x2 = x.reshape(batch * seq_len, d)

    mesh = plsc.VectorSubcoreMesh(core_axis_name="c", subcore_axis_name="s")

    @pl.kernel(
        out_type=jax.ShapeDtypeStruct((batch * seq_len, d), x.dtype),
        mesh=mesh,
        scratch_types=[pltpu.VMEM((R, d), jnp.float32)] * (NSET * (batch + 1))
        + [pltpu.SemaphoreType.DMA] * (2 * NSET),
    )
    def sc_add(x_hbm, emb_hbm, out_hbm, *scratch):
        nbuf = batch + 1
        xbufs = [scratch[s * nbuf:s * nbuf + batch] for s in range(NSET)]
        ebufs = [scratch[s * nbuf + batch] for s in range(NSET)]
        sems = scratch[NSET * nbuf:]
        isems = sems[:NSET]
        osems = sems[NSET:]

        wid = lax.axis_index("s") * NC + lax.axis_index("c")
        s_base = wid * spw

        def start_in(c):
            st = c % NSET
            s0 = s_base + c * R
            descs = [
                pltpu.async_copy(
                    x_hbm.at[pl.ds(b * seq_len + s0, R)],
                    xbufs[st][b], isems[st])
                for b in range(batch)
            ]
            descs.append(
                pltpu.async_copy(emb_hbm.at[pl.ds(s0, R)], ebufs[st],
                                 isems[st]))
            return descs

        def start_out(c):
            st = c % NSET
            s0 = s_base + c * R
            return [
                pltpu.async_copy(
                    xbufs[st][b],
                    out_hbm.at[pl.ds(b * seq_len + s0, R)], osems[st])
                for b in range(batch)
            ]

        in_descs = [None] * NSET
        out_descs = [None] * NSET
        in_descs[0] = start_in(0)

        for c in range(nch):
            st = c % NSET
            if c + 1 < nch:
                nx = (c + 1) % NSET
                if out_descs[nx] is not None:
                    for od in out_descs[nx]:
                        od.wait()
                in_descs[nx] = start_in(c + 1)
            for idd in in_descs[st]:
                idd.wait()

            xbs = xbufs[st]
            eb = ebufs[st]

            del xbs, eb

            out_descs[st] = start_out(c)

        for st in range(NSET):
            if out_descs[st] is not None:
                for od in out_descs[st]:
                    od.wait()

    out = sc_add(x2, emb)
    return out.reshape(batch, seq_len, d)

# --- scband reference (transcript-rebuilt; emitter-appended) ---
"""Pipeline reference for scband-learnable-pos-enc-88991722373360 (READ-ONLY COPY).

The authoritative reference and input builder live on the scoring server;
editing this copy changes nothing except your own understanding.
"""

import jax, jax.numpy as jnp
import numpy as np

D_MODEL = 1024
MAX_LEN = 8192
BATCH = 4
SEQ_LEN = 4096

def setup_inputs(seed: int = 0) -> dict:
    key = jax.random.key(seed)
    k1, k2 = jax.random.split(key)
    x = jax.random.normal(k1, (BATCH, SEQ_LEN, D_MODEL), dtype=jnp.float32)
    # nn.Embedding default init: N(0, 1)
    emb = jax.random.normal(k2, (MAX_LEN, D_MODEL), dtype=jnp.float32)
    return {"x": x, "emb": emb}

def reference(x, emb):
    seq_len = x.shape[1]
    pos_idx = jnp.arange(seq_len)
    pos = jnp.take(emb, pos_idx, axis=0)  # embedding lookup: [S, d_model]
    out = x + pos[None, :, :]
    # dropout p=0.0 -> identity (eval-mode / p=0)
    return out

if __name__ == "__main__":
    import jax
    _d = setup_inputs()
    print(jax.jit(kernel)(*tuple(_d.values())))

</pallas_src>

<mosaic_0001>
#map = affine_map<(d0, d1) -> (0, 0)>
module attributes {stable_mosaic.version = 14 : i64} {
  func.func @sc_add(%arg0: i32, %arg1: i32, %arg2: memref<16384x1024xf32, #tpu.memory_space<hbm>>, %arg3: memref<8192x1024xf32, #tpu.memory_space<hbm>>, %arg4: memref<16384x1024xf32, #tpu.memory_space<hbm>>, %arg5: memref<8x1024xf32, #tpu.memory_space<vmem>>, %arg6: memref<8x1024xf32, #tpu.memory_space<vmem>>, %arg7: memref<8x1024xf32, #tpu.memory_space<vmem>>, %arg8: memref<8x1024xf32, #tpu.memory_space<vmem>>, %arg9: memref<8x1024xf32, #tpu.memory_space<vmem>>, %arg10: memref<8x1024xf32, #tpu.memory_space<vmem>>, %arg11: memref<8x1024xf32, #tpu.memory_space<vmem>>, %arg12: memref<8x1024xf32, #tpu.memory_space<vmem>>, %arg13: memref<8x1024xf32, #tpu.memory_space<vmem>>, %arg14: memref<8x1024xf32, #tpu.memory_space<vmem>>, %arg15: memref<8x1024xf32, #tpu.memory_space<vmem>>, %arg16: memref<8x1024xf32, #tpu.memory_space<vmem>>, %arg17: memref<8x1024xf32, #tpu.memory_space<vmem>>, %arg18: memref<8x1024xf32, #tpu.memory_space<vmem>>, %arg19: memref<8x1024xf32, #tpu.memory_space<vmem>>, %arg20: memref<!tpu.dma_semaphore, #tpu.memory_space<semaphore_mem>>, %arg21: memref<!tpu.dma_semaphore, #tpu.memory_space<semaphore_mem>>, %arg22: memref<!tpu.dma_semaphore, #tpu.memory_space<semaphore_mem>>, %arg23: memref<!tpu.dma_semaphore, #tpu.memory_space<semaphore_mem>>, %arg24: memref<!tpu.dma_semaphore, #tpu.memory_space<semaphore_mem>>, %arg25: memref<!tpu.dma_semaphore, #tpu.memory_space<semaphore_mem>>) attributes {dimension_semantics = [#tpu.dimension_semantics<core_parallel>, #tpu.dimension_semantics<subcore_parallel>], iteration_bounds = array<i64: 2, 16>, scalar_prefetch = 0 : i64, scratch_operands = 21 : i64, tpu.core_type = #tpu.core_type<sc_vector_subcore>, window_params = [{transform_indices = #map}, {transform_indices = #map}, {transform_indices = #map}]} {
    %mul3A = arith.constant 2 : i32
    %mul3A_0 = arith.muli %arg1, %mul3A : i32
    %add3A = arith.addi %mul3A_0, %arg0 : i32
    %mul3A_1 = arith.constant 128 : i32
    %mul3A_2 = arith.muli %add3A, %mul3A_1 : i32
    %add3A_3 = arith.constant 0 : i32
    %add3A_4 = arith.addi %mul3A_2, %add3A_3 : i32
    %add3A_5 = arith.constant 0 : i32
    %add3A_6 = arith.addi %add3A_5, %add3A_4 : i32
    %dma_start3A = arith.constant 0 : i32
    %dma_start3A_7 = tpu.memref_slice %arg2[%add3A_6, %dma_start3A] : memref<16384x1024xf32, #tpu.memory_space<hbm>> -> memref<8x1024xf32, #tpu.memory_space<hbm>>
    %dma_start3A_8 = arith.constant 0 : i32
    %dma_start3A_9 = tpu.memref_slice %arg2[%add3A_6, %dma_start3A_8] : memref<16384x1024xf32, #tpu.memory_space<hbm>> -> memref<8x1024xf32, #tpu.memory_space<hbm>>
    tpu.enqueue_dma source(%dma_start3A_9 : memref<8x1024xf32, #tpu.memory_space<hbm>>) target(%arg5 : memref<8x1024xf32, #tpu.memory_space<vmem>>) target_semaphore(%arg20 : memref<!tpu.dma_semaphore, #tpu.memory_space<semaphore_mem>>)
    %add3A_10 = arith.constant 4096 : i32
    %add3A_11 = arith.addi %add3A_10, %add3A_4 : i32
    %dma_start3A_12 = arith.constant 0 : i32
    %dma_start3A_13 = tpu.memref_slice %arg2[%add3A_11, %dma_start3A_12] : memref<16384x1024xf32, #tpu.memory_space<hbm>> -> memref<8x1024xf32, #tpu.memory_space<hbm>>
    %dma_start3A_14 = arith.constant 0 : i32
    %dma_start3A_15 = tpu.memref_slice %arg2[%add3A_11, %dma_start3A_14] : memref<16384x1024xf32, #tpu.memory_space<hbm>> -> memref<8x1024xf32, #tpu.memory_space<hbm>>
    tpu.enqueue_dma source(%dma_start3A_15 : memref<8x1024xf32, #tpu.memory_space<hbm>>) target(%arg6 : memref<8x1024xf32, #tpu.memory_space<vmem>>) target_semaphore(%arg20 : memref<!tpu.dma_semaphore, #tpu.memory_space<semaphore_mem>>)
    %add3A_16 = arith.constant 8192 : i32
    %add3A_17 = arith.addi %add3A_16, %add3A_4 : i32
    %dma_start3A_18 = arith.constant 0 : i32
    %dma_start3A_19 = tpu.memref_slice %arg2[%add3A_17, %dma_start3A_18] : memref<16384x1024xf32, #tpu.memory_space<hbm>> -> memref<8x1024xf32, #tpu.memory_space<hbm>>
    %dma_start3A_20 = arith.constant 0 : i32
    %dma_start3A_21 = tpu.memref_slice %arg2[%add3A_17, %dma_start3A_20] : memref<16384x1024xf32, #tpu.memory_space<hbm>> -> memref<8x1024xf32, #tpu.memory_space<hbm>>
    tpu.enqueue_dma source(%dma_start3A_21 : memref<8x1024xf32, #tpu.memory_space<hbm>>) target(%arg7 : memref<8x1024xf32, #tpu.memory_space<vmem>>) target_semaphore(%arg20 : memref<!tpu.dma_semaphore, #tpu.memory_space<semaphore_mem>>)
    %add3A_22 = arith.constant 12288 : i32
    %add3A_23 = arith.addi %add3A_22, %add3A_4 : i32
    %dma_start3A_24 = arith.constant 0 : i32
    %dma_start3A_25 = tpu.memref_slice %arg2[%add3A_23, %dma_start3A_24] : memref<16384x1024xf32, #tpu.memory_space<hbm>> -> memref<8x1024xf32, #tpu.memory_space<hbm>>
    %dma_start3A_26 = arith.constant 0 : i32
    %dma_start3A_27 = tpu.memref_slice %arg2[%add3A_23, %dma_start3A_26] : memref<16384x1024xf32, #tpu.memory_space<hbm>> -> memref<8x1024xf32, #tpu.memory_space<hbm>>
    tpu.enqueue_dma source(%dma_start3A_27 : memref<8x1024xf32, #tpu.memory_space<hbm>>) target(%arg8 : memref<8x1024xf32, #tpu.memory_space<vmem>>) target_semaphore(%arg20 : memref<!tpu.dma_semaphore, #tpu.memory_space<semaphore_mem>>)
    %dma_start3A_28 = arith.constant 0 : i32
    %dma_start3A_29 = tpu.memref_slice %arg3[%add3A_4, %dma_start3A_28] : memref<8192x1024xf32, #tpu.memory_space<hbm>> -> memref<8x1024xf32, #tpu.memory_space<hbm>>
    %dma_start3A_30 = arith.constant 0 : i32
    %dma_start3A_31 = tpu.memref_slice %arg3[%add3A_4, %dma_start3A_30] : memref<8192x1024xf32, #tpu.memory_space<hbm>> -> memref<8x1024xf32, #tpu.memory_space<hbm>>
    tpu.enqueue_dma source(%dma_start3A_31 : memref<8x1024xf32, #tpu.memory_space<hbm>>) target(%arg9 : memref<8x1024xf32, #tpu.memory_space<vmem>>) target_semaphore(%arg20 : memref<!tpu.dma_semaphore, #tpu.memory_space<semaphore_mem>>)
    %add3A_32 = arith.constant 8 : i32
    %add3A_33 = arith.addi %mul3A_2, %add3A_32 : i32
    %add3A_34 = arith.constant 0 : i32
    %add3A_35 = arith.addi %add3A_34, %add3A_33 : i32
    %dma_start3A_36 = arith.constant 0 : i32
    %dma_start3A_37 = tpu.memref_slice %arg2[%add3A_35, %dma_start3A_36] : memref<16384x1024xf32, #tpu.memory_space<hbm>> -> memref<8x1024xf32, #tpu.memory_space<hbm>>
    %dma_start3A_38 = arith.constant 0 : i32
    %dma_start3A_39 = tpu.memref_slice %arg2[%add3A_35, %dma_start3A_38] : memref<16384x1024xf32, #tpu.memory_space<hbm>> -> memref<8x1024xf32, #tpu.memory_space<hbm>>
    tpu.enqueue_dma source(%dma_start3A_39 : memref<8x1024xf32, #tpu.memory_space<hbm>>) target(%arg10 : memref<8x1024xf32, #tpu.memory_space<vmem>>) target_semaphore(%arg21 : memref<!tpu.dma_semaphore, #tpu.memory_space<semaphore_mem>>)
    %add3A_40 = arith.constant 4096 : i32
    %add3A_41 = arith.addi %add3A_40, %add3A_33 : i32
    %dma_start3A_42 = arith.constant 0 : i32
    %dma_start3A_43 = tpu.memref_slice %arg2[%add3A_41, %dma_start3A_42] : memref<16384x1024xf32, #tpu.memory_space<hbm>> -> memref<8x1024xf32, #tpu.memory_space<hbm>>
    %dma_start3A_44 = arith.constant 0 : i32
    %dma_start3A_45 = tpu.memref_slice %arg2[%add3A_41, %dma_start3A_44] : memref<16384x1024xf32, #tpu.memory_space<hbm>> -> memref<8x1024xf32, #tpu.memory_space<hbm>>
    tpu.enqueue_dma source(%dma_start3A_45 : memref<8x1024xf32, #tpu.memory_space<hbm>>) target(%arg11 : memref<8x1024xf32, #tpu.memory_space<vmem>>) target_semaphore(%arg21 : memref<!tpu.dma_semaphore, #tpu.memory_space<semaphore_mem>>)
    %add3A_46 = arith.constant 8192 : i32
    %add3A_47 = arith.addi %add3A_46, %add3A_33 : i32
    %dma_start3A_48 = arith.constant 0 : i32
    %dma_start3A_49 = tpu.memref_slice %arg2[%add3A_47, %dma_start3A_48] : memref<16384x1024xf32, #tpu.memory_space<hbm>> -> memref<8x1024xf32, #tpu.memory_space<hbm>>
    %dma_start3A_50 = arith.constant 0 : i32
    %dma_start3A_51 = tpu.memref_slice %arg2[%add3A_47, %dma_start3A_50] : memref<16384x1024xf32, #tpu.memory_space<hbm>> -> memref<8x1024xf32, #tpu.memory_space<hbm>>
    tpu.enqueue_dma source(%dma_start3A_51 : memref<8x1024xf32, #tpu.memory_space<hbm>>) target(%arg12 : memref<8x1024xf32, #tpu.memory_space<vmem>>) target_semaphore(%arg21 : memref<!tpu.dma_semaphore, #tpu.memory_space<semaphore_mem>>)
    %add3A_52 = arith.constant 12288 : i32
    %add3A_53 = arith.addi %add3A_52, %add3A_33 : i32
    %dma_start3A_54 = arith.constant 0 : i32
    %dma_start3A_55 = tpu.memref_slice %arg2[%add3A_53, %dma_start3A_54] : memref<16384x1024xf32, #tpu.memory_space<hbm>> -> memref<8x1024xf32, #tpu.memory_space<hbm>>
    %dma_start3A_56 = arith.constant 0 : i32
    %dma_start3A_57 = tpu.memref_slice %arg2[%add3A_53, %dma_start3A_56] : memref<16384x1024xf32, #tpu.memory_space<hbm>> -> memref<8x1024xf32, #tpu.memory_space<hbm>>
    tpu.enqueue_dma source(%dma_start3A_57 : memref<8x1024xf32, #tpu.memory_space<hbm>>) target(%arg13 : memref<8x1024xf32, #tpu.memory_space<vmem>>) target_semaphore(%arg21 : memref<!tpu.dma_semaphore, #tpu.memory_space<semaphore_mem>>)
    %dma_start3A_58 = arith.constant 0 : i32
    %dma_start3A_59 = tpu.memref_slice %arg3[%add3A_33, %dma_start3A_58] : memref<8192x1024xf32, #tpu.memory_space<hbm>> -> memref<8x1024xf32, #tpu.memory_space<hbm>>
    %dma_start3A_60 = arith.constant 0 : i32
    %dma_start3A_61 = tpu.memref_slice %arg3[%add3A_33, %dma_start3A_60] : memref<8192x1024xf32, #tpu.memory_space<hbm>> -> memref<8x1024xf32, #tpu.memory_space<hbm>>
    tpu.enqueue_dma source(%dma_start3A_61 : memref<8x1024xf32, #tpu.memory_space<hbm>>) target(%arg14 : memref<8x1024xf32, #tpu.memory_space<vmem>>) target_semaphore(%arg21 : memref<!tpu.dma_semaphore, #tpu.memory_space<semaphore_mem>>)
    %dma_wait3A = arith.constant 0 : i32
    %dma_wait3A_62 = tpu.memref_slice %arg2[%add3A_6, %dma_wait3A] : memref<16384x1024xf32, #tpu.memory_space<hbm>> -> memref<8x1024xf32, #tpu.memory_space<hbm>>
    %dma_wait3A_63 = arith.constant 0 : i32
    %dma_wait3A_64 = tpu.memref_slice %arg2[%add3A_6, %dma_wait3A_63] : memref<16384x1024xf32, #tpu.memory_space<hbm>> -> memref<8x1024xf32, #tpu.memory_space<hbm>>
    tpu.wait_dma2 semaphore(%arg20 : memref<!tpu.dma_semaphore, #tpu.memory_space<semaphore_mem>>) src(%dma_wait3A_64 : memref<8x1024xf32, #tpu.memory_space<hbm>>) dst(%arg5 : memref<8x1024xf32, #tpu.memory_space<vmem>>)
    %dma_wait3A_65 = arith.constant 0 : i32
    %dma_wait3A_66 = tpu.memref_slice %arg2[%add3A_11, %dma_wait3A_65] : memref<16384x1024xf32, #tpu.memory_space<hbm>> -> memref<8x1024xf32, #tpu.memory_space<hbm>>
    %dma_wait3A_67 = arith.constant 0 : i32
    %dma_wait3A_68 = tpu.memref_slice %arg2[%add3A_11, %dma_wait3A_67] : memref<16384x1024xf32, #tpu.memory_space<hbm>> -> memref<8x1024xf32, #tpu.memory_space<hbm>>
    tpu.wait_dma2 semaphore(%arg20 : memref<!tpu.dma_semaphore, #tpu.memory_space<semaphore_mem>>) src(%dma_wait3A_68 : memref<8x1024xf32, #tpu.memory_space<hbm>>) dst(%arg6 : memref<8x1024xf32, #tpu.memory_space<vmem>>)
    %dma_wait3A_69 = arith.constant 0 : i32
    %dma_wait3A_70 = tpu.memref_slice %arg2[%add3A_17, %dma_wait3A_69] : memref<16384x1024xf32, #tpu.memory_space<hbm>> -> memref<8x1024xf32, #tpu.memory_space<hbm>>
    %dma_wait3A_71 = arith.constant 0 : i32
    %dma_wait3A_72 = tpu.memref_slice %arg2[%add3A_17, %dma_wait3A_71] : memref<16384x1024xf32, #tpu.memory_space<hbm>> -> memref<8x1024xf32, #tpu.memory_space<hbm>>
    tpu.wait_dma2 semaphore(%arg20 : memref<!tpu.dma_semaphore, #tpu.memory_space<semaphore_mem>>) src(%dma_wait3A_72 : memref<8x1024xf32, #tpu.memory_space<hbm>>) dst(%arg7 : memref<8x1024xf32, #tpu.memory_space<vmem>>)
    %dma_wait3A_73 = arith.constant 0 : i32
    %dma_wait3A_74 = tpu.memref_slice %arg2[%add3A_23, %dma_wait3A_73] : memref<16384x1024xf32, #tpu.memory_space<hbm>> -> memref<8x1024xf32, #tpu.memory_space<hbm>>
    %dma_wait3A_75 = arith.constant 0 : i32
    %dma_wait3A_76 = tpu.memref_slice %arg2[%add3A_23, %dma_wait3A_75] : memref<16384x1024xf32, #tpu.memory_space<hbm>> -> memref<8x1024xf32, #tpu.memory_space<hbm>>
    tpu.wait_dma2 semaphore(%arg20 : memref<!tpu.dma_semaphore, #tpu.memory_space<semaphore_mem>>) src(%dma_wait3A_76 : memref<8x1024xf32, #tpu.memory_space<hbm>>) dst(%arg8 : memref<8x1024xf32, #tpu.memory_space<vmem>>)
    %dma_wait3A_77 = arith.constant 0 : i32
    %dma_wait3A_78 = tpu.memref_slice %arg3[%add3A_4, %dma_wait3A_77] : memref<8192x1024xf32, #tpu.memory_space<hbm>> -> memref<8x1024xf32, #tpu.memory_space<hbm>>
    %dma_wait3A_79 = arith.constant 0 : i32
    %dma_wait3A_80 = tpu.memref_slice %arg3[%add3A_4, %dma_wait3A_79] : memref<8192x1024xf32, #tpu.memory_space<hbm>> -> memref<8x1024xf32, #tpu.memory_space<hbm>>
    tpu.wait_dma2 semaphore(%arg20 : memref<!tpu.dma_semaphore, #tpu.memory_space<semaphore_mem>>) src(%dma_wait3A_80 : memref<8x1024xf32, #tpu.memory_space<hbm>>) dst(%arg9 : memref<8x1024xf32, #tpu.memory_space<vmem>>)
    %add3A_81 = arith.constant 0 : i32
    %add3A_82 = arith.addi %mul3A_2, %add3A_81 : i32
    %add3A_83 = arith.constant 0 : i32
    %add3A_84 = arith.addi %add3A_83, %add3A_82 : i32
    %dma_start3A_85 = arith.constant 0 : i32
    %dma_start3A_86 = tpu.memref_slice %arg4[%add3A_84, %dma_start3A_85] : memref<16384x1024xf32, #tpu.memory_space<hbm>> -> memref<8x1024xf32, #tpu.memory_space<hbm>>
    %dma_start3A_87 = arith.constant 0 : i32
    %dma_start3A_88 = tpu.memref_slice %arg4[%add3A_84, %dma_start3A_87] : memref<16384x1024xf32, #tpu.memory_space<hbm>> -> memref<8x1024xf32, #tpu.memory_space<hbm>>
    tpu.enqueue_dma source(%arg5 : memref<8x1024xf32, #tpu.memory_space<vmem>>) target(%dma_start3A_88 : memref<8x1024xf32, #tpu.memory_space<hbm>>) target_semaphore(%arg23 : memref<!tpu.dma_semaphore, #tpu.memory_space<semaphore_mem>>)
    %add3A_89 = arith.constant 4096 : i32
    %add3A_90 = arith.addi %add3A_89, %add3A_82 : i32
    %dma_start3A_91 = arith.constant 0 : i32
    %dma_start3A_92 = tpu.memref_slice %arg4[%add3A_90, %dma_start3A_91] : memref<16384x1024xf32, #tpu.memory_space<hbm>> -> memref<8x1024xf32, #tpu.memory_space<hbm>>
    %dma_start3A_93 = arith.constant 0 : i32
    %dma_start3A_94 = tpu.memref_slice %arg4[%add3A_90, %dma_start3A_93] : memref<16384x1024xf32, #tpu.memory_space<hbm>> -> memref<8x1024xf32, #tpu.memory_space<hbm>>
    tpu.enqueue_dma source(%arg6 : memref<8x1024xf32, #tpu.memory_space<vmem>>) target(%dma_start3A_94 : memref<8x1024xf32, #tpu.memory_space<hbm>>) target_semaphore(%arg23 : memref<!tpu.dma_semaphore, #tpu.memory_space<semaphore_mem>>)
    %add3A_95 = arith.constant 8192 : i32
    %add3A_96 = arith.addi %add3A_95, %add3A_82 : i32
    %dma_start3A_97 = arith.constant 0 : i32
    %dma_start3A_98 = tpu.memref_slice %arg4[%add3A_96, %dma_start3A_97] : memref<16384x1024xf32, #tpu.memory_space<hbm>> -> memref<8x1024xf32, #tpu.memory_space<hbm>>
    %dma_start3A_99 = arith.constant 0 : i32
    %dma_start3A_100 = tpu.memref_slice %arg4[%add3A_96, %dma_start3A_99] : memref<16384x1024xf32, #tpu.memory_space<hbm>> -> memref<8x1024xf32, #tpu.memory_space<hbm>>
    tpu.enqueue_dma source(%arg7 : memref<8x1024xf32, #tpu.memory_space<vmem>>) target(%dma_start3A_100 : memref<8x1024xf32, #tpu.memory_space<hbm>>) target_semaphore(%arg23 : memref<!tpu.dma_semaphore, #tpu.memory_space<semaphore_mem>>)
    %add3A_101 = arith.constant 12288 : i32
    %add3A_102 = arith.addi %add3A_101, %add3A_82 : i32
    %dma_start3A_103 = arith.constant 0 : i32
    %dma_start3A_104 = tpu.memref_slice %arg4[%add3A_102, %dma_start3A_103] : memref<16384x1024xf32, #tpu.memory_space<hbm>> -> memref<8x1024xf32, #tpu.memory_space<hbm>>
    %dma_start3A_105 = arith.constant 0 : i32
    %dma_start3A_106 = tpu.memref_slice %arg4[%add3A_102, %dma_start3A_105] : memref<16384x1024xf32, #tpu.memory_space<hbm>> -> memref<8x1024xf32, #tpu.memory_space<hbm>>
    tpu.enqueue_dma source(%arg8 : memref<8x1024xf32, #tpu.memory_space<vmem>>) target(%dma_start3A_106 : memref<8x1024xf32, #tpu.memory_space<hbm>>) target_semaphore(%arg23 : memref<!tpu.dma_semaphore, #tpu.memory_space<semaphore_mem>>)
    %add3A_107 = arith.constant 16 : i32
    %add3A_108 = arith.addi %mul3A_2, %add3A_107 : i32
    %add3A_109 = arith.constant 0 : i32
    %add3A_110 = arith.addi %add3A_109, %add3A_108 : i32
    %dma_start3A_111 = arith.constant 0 : i32
    %dma_start3A_112 = tpu.memref_slice %arg2[%add3A_110, %dma_start3A_111] : memref<16384x1024xf32, #tpu.memory_space<hbm>> -> memref<8x1024xf32, #tpu.memory_space<hbm>>
    %dma_start3A_113 = arith.constant 0 : i32
    %dma_start3A_114 = tpu.memref_slice %arg2[%add3A_110, %dma_start3A_113] : memref<16384x1024xf32, #tpu.memory_space<hbm>> -> memref<8x1024xf32, #tpu.memory_space<hbm>>
    tpu.enqueue_dma source(%dma_start3A_114 : memref<8x1024xf32, #tpu.memory_space<hbm>>) target(%arg15 : memref<8x1024xf32, #tpu.memory_space<vmem>>) target_semaphore(%arg22 : memref<!tpu.dma_semaphore, #tpu.memory_space<semaphore_mem>>)
    %add3A_115 = arith.constant 4096 : i32
    %add3A_116 = arith.addi %add3A_115, %add3A_108 : i32
    %dma_start3A_117 = arith.constant 0 : i32
    %dma_start3A_118 = tpu.memref_slice %arg2[%add3A_116, %dma_start3A_117] : memref<16384x1024xf32, #tpu.memory_space<hbm>> -> memref<8x1024xf32, #tpu.memory_space<hbm>>
    %dma_start3A_119 = arith.constant 0 : i32
    %dma_start3A_120 = tpu.memref_slice %arg2[%add3A_116, %dma_start3A_119] : memref<16384x1024xf32, #tpu.memory_space<hbm>> -> memref<8x1024xf32, #tpu.memory_space<hbm>>
    tpu.enqueue_dma source(%dma_start3A_120 : memref<8x1024xf32, #tpu.memory_space<hbm>>) target(%arg16 : memref<8x1024xf32, #tpu.memory_space<vmem>>) target_semaphore(%arg22 : memref<!tpu.dma_semaphore, #tpu.memory_space<semaphore_mem>>)
    %add3A_121 = arith.constant 8192 : i32
    %add3A_122 = arith.addi %add3A_121, %add3A_108 : i32
    %dma_start3A_123 = arith.constant 0 : i32
    %dma_start3A_124 = tpu.memref_slice %arg2[%add3A_122, %dma_start3A_123] : memref<16384x1024xf32, #tpu.memory_space<hbm>> -> memref<8x1024xf32, #tpu.memory_space<hbm>>
    %dma_start3A_125 = arith.constant 0 : i32
    %dma_start3A_126 = tpu.memref_slice %arg2[%add3A_122, %dma_start3A_125] : memref<16384x1024xf32, #tpu.memory_space<hbm>> -> memref<8x1024xf32, #tpu.memory_space<hbm>>
    tpu.enqueue_dma source(%dma_start3A_126 : memref<8x1024xf32, #tpu.memory_space<hbm>>) target(%arg17 : memref<8x1024xf32, #tpu.memory_space<vmem>>) target_semaphore(%arg22 : memref<!tpu.dma_semaphore, #tpu.memory_space<semaphore_mem>>)
    %add3A_127 = arith.constant 12288 : i32
    %add3A_128 = arith.addi %add3A_127, %add3A_108 : i32
    %dma_start3A_129 = arith.constant 0 : i32
    %dma_start3A_130 = tpu.memref_slice %arg2[%add3A_128, %dma_start3A_129] : memref<16384x1024xf32, #tpu.memory_space<hbm>> -> memref<8x1024xf32, #tpu.memory_space<hbm>>
    %dma_start3A_131 = arith.constant 0 : i32
    %dma_start3A_132 = tpu.memref_slice %arg2[%add3A_128, %dma_start3A_131] : memref<16384x1024xf32, #tpu.memory_space<hbm>> -> memref<8x1024xf32, #tpu.memory_space<hbm>>
    tpu.enqueue_dma source(%dma_start3A_132 : memref<8x1024xf32, #tpu.memory_space<hbm>>) target(%arg18 : memref<8x1024xf32, #tpu.memory_space<vmem>>) target_semaphore(%arg22 : memref<!tpu.dma_semaphore, #tpu.memory_space<semaphore_mem>>)
    %dma_start3A_133 = arith.constant 0 : i32
    %dma_start3A_134 = tpu.memref_slice %arg3[%add3A_108, %dma_start3A_133] : memref<8192x1024xf32, #tpu.memory_space<hbm>> -> memref<8x1024xf32, #tpu.memory_space<hbm>>
    %dma_start3A_135 = arith.constant 0 : i32
    %dma_start3A_136 = tpu.memref_slice %arg3[%add3A_108, %dma_start3A_135] : memref<8192x1024xf32, #tpu.memory_space<hbm>> -> memref<8x1024xf32, #tpu.memory_space<hbm>>
    tpu.enqueue_dma source(%dma_start3A_136 : memref<8x1024xf32, #tpu.memory_space<hbm>>) target(%arg19 : memref<8x1024xf32, #tpu.memory_space<vmem>>) target_semaphore(%arg22 : memref<!tpu.dma_semaphore, #tpu.memory_space<semaphore_mem>>)
    %dma_wait3A_137 = arith.constant 0 : i32
    %dma_wait3A_138 = tpu.memref_slice %arg2[%add3A_35, %dma_wait3A_137] : memref<16384x1024xf32, #tpu.memory_space<hbm>> -> memref<8x1024xf32, #tpu.memory_space<hbm>>
    %dma_wait3A_139 = arith.constant 0 : i32
    %dma_wait3A_140 = tpu.memref_slice %arg2[%add3A_35, %dma_wait3A_139] : memref<16384x1024xf32, #tpu.memory_space<hbm>> -> memref<8x1024xf32, #tpu.memory_space<hbm>>
    tpu.wait_dma2 semaphore(%arg21 : memref<!tpu.dma_semaphore, #tpu.memory_space<semaphore_mem>>) src(%dma_wait3A_140 : memref<8x1024xf32, #tpu.memory_space<hbm>>) dst(%arg10 : memref<8x1024xf32, #tpu.memory_space<vmem>>)
    %dma_wait3A_141 = arith.constant 0 : i32
    %dma_wait3A_142 = tpu.memref_slice %arg2[%add3A_41, %dma_wait3A_141] : memref<16384x1024xf32, #tpu.memory_space<hbm>> -> memref<8x1024xf32, #tpu.memory_space<hbm>>
    %dma_wait3A_143 = arith.constant 0 : i32
    %dma_wait3A_144 = tpu.memref_slice %arg2[%add3A_41, %dma_wait3A_143] : memref<16384x1024xf32, #tpu.memory_space<hbm>> -> memref<8x1024xf32, #tpu.memory_space<hbm>>
    tpu.wait_dma2 semaphore(%arg21 : memref<!tpu.dma_semaphore, #tpu.memory_space<semaphore_mem>>) src(%dma_wait3A_144 : memref<8x1024xf32, #tpu.memory_space<hbm>>) dst(%arg11 : memref<8x1024xf32, #tpu.memory_space<vmem>>)
    %dma_wait3A_145 = arith.constant 0 : i32
    %dma_wait3A_146 = tpu.memref_slice %arg2[%add3A_47, %dma_wait3A_145] : memref<16384x1024xf32, #tpu.memory_space<hbm>> -> memref<8x1024xf32, #tpu.memory_space<hbm>>
    %dma_wait3A_147 = arith.constant 0 : i32
    %dma_wait3A_148 = tpu.memref_slice %arg2[%add3A_47, %dma_wait3A_147] : memref<16384x1024xf32, #tpu.memory_space<hbm>> -> memref<8x1024xf32, #tpu.memory_space<hbm>>
    tpu.wait_dma2 semaphore(%arg21 : memref<!tpu.dma_semaphore, #tpu.memory_space<semaphore_mem>>) src(%dma_wait3A_148 : memref<8x1024xf32, #tpu.memory_space<hbm>>) dst(%arg12 : memref<8x1024xf32, #tpu.memory_space<vmem>>)
    %dma_wait3A_149 = arith.constant 0 : i32
    %dma_wait3A_150 = tpu.memref_slice %arg2[%add3A_53, %dma_wait3A_149] : memref<16384x1024xf32, #tpu.memory_space<hbm>> -> memref<8x1024xf32, #tpu.memory_space<hbm>>
    %dma_wait3A_151 = arith.constant 0 : i32
    %dma_wait3A_152 = tpu.memref_slice %arg2[%add3A_53, %dma_wait3A_151] : memref<16384x1024xf32, #tpu.memory_space<hbm>> -> memref<8x1024xf32, #tpu.memory_space<hbm>>
    tpu.wait_dma2 semaphore(%arg21 : memref<!tpu.dma_semaphore, #tpu.memory_space<semaphore_mem>>) src(%dma_wait3A_152 : memref<8x1024xf32, #tpu.memory_space<hbm>>) dst(%arg13 : memref<8x1024xf32, #tpu.memory_space<vmem>>)
    %dma_wait3A_153 = arith.constant 0 : i32
    %dma_wait3A_154 = tpu.memref_slice %arg3[%add3A_33, %dma_wait3A_153] : memref<8192x1024xf32, #tpu.memory_space<hbm>> -> memref<8x1024xf32, #tpu.memory_space<hbm>>
    %dma_wait3A_155 = arith.constant 0 : i32
    %dma_wait3A_156 = tpu.memref_slice %arg3[%add3A_33, %dma_wait3A_155] : memref<8192x1024xf32, #tpu.memory_space<hbm>> -> memref<8x1024xf32, #tpu.memory_space<hbm>>
    tpu.wait_dma2 semaphore(%arg21 : memref<!tpu.dma_semaphore, #tpu.memory_space<semaphore_mem>>) src(%dma_wait3A_156 : memref<8x1024xf32, #tpu.memory_space<hbm>>) dst(%arg14 : memref<8x1024xf32, #tpu.memory_space<vmem>>)
    %add3A_157 = arith.constant 8 : i32
    %add3A_158 = arith.addi %mul3A_2, %add3A_157 : i32
    %add3A_159 = arith.constant 0 : i32
    %add3A_160 = arith.addi %add3A_159, %add3A_158 : i32
    %dma_start3A_161 = arith.constant 0 : i32
    %dma_start3A_162 = tpu.memref_slice %arg4[%add3A_160, %dma_start3A_161] : memref<16384x1024xf32, #tpu.memory_space<hbm>> -> memref<8x1024xf32, #tpu.memory_space<hbm>>
    %dma_start3A_163 = arith.constant 0 : i32
    %dma_start3A_164 = tpu.memref_slice %arg4[%add3A_160, %dma_start3A_163] : memref<16384x1024xf32, #tpu.memory_space<hbm>> -> memref<8x1024xf32, #tpu.memory_space<hbm>>
    tpu.enqueue_dma source(%arg10 : memref<8x1024xf32, #tpu.memory_space<vmem>>) target(%dma_start3A_164 : memref<8x1024xf32, #tpu.memory_space<hbm>>) target_semaphore(%arg24 : memref<!tpu.dma_semaphore, #tpu.memory_space<semaphore_mem>>)
    %add3A_165 = arith.constant 4096 : i32
    %add3A_166 = arith.addi %add3A_165, %add3A_158 : i32
    %dma_start3A_167 = arith.constant 0 : i32
    %dma_start3A_168 = tpu.memref_slice %arg4[%add3A_166, %dma_start3A_167] : memref<16384x1024xf32, #tpu.memory_space<hbm>> -> memref<8x1024xf32, #tpu.memory_space<hbm>>
    %dma_start3A_169 = arith.constant 0 : i32
    %dma_start3A_170 = tpu.memref_slice %arg4[%add3A_166, %dma_start3A_169] : memref<16384x1024xf32, #tpu.memory_space<hbm>> -> memref<8x1024xf32, #tpu.memory_space<hbm>>
    tpu.enqueue_dma source(%arg11 : memref<8x1024xf32, #tpu.memory_space<vmem>>) target(%dma_start3A_170 : memref<8x1024xf32, #tpu.memory_space<hbm>>) target_semaphore(%arg24 : memref<!tpu.dma_semaphore, #tpu.memory_space<semaphore_mem>>)
    %add3A_171 = arith.constant 8192 : i32
    %add3A_172 = arith.addi %add3A_171, %add3A_158 : i32
    %dma_start3A_173 = arith.constant 0 : i32
    %dma_start3A_174 = tpu.memref_slice %arg4[%add3A_172, %dma_start3A_173] : memref<16384x1024xf32, #tpu.memory_space<hbm>> -> memref<8x1024xf32, #tpu.memory_space<hbm>>
    %dma_start3A_175 = arith.constant 0 : i32
    %dma_start3A_176 = tpu.memref_slice %arg4[%add3A_172, %dma_start3A_175] : memref<16384x1024xf32, #tpu.memory_space<hbm>> -> memref<8x1024xf32, #tpu.memory_space<hbm>>
    tpu.enqueue_dma source(%arg12 : memref<8x1024xf32, #tpu.memory_space<vmem>>) target(%dma_start3A_176 : memref<8x1024xf32, #tpu.memory_space<hbm>>) target_semaphore(%arg24 : memref<!tpu.dma_semaphore, #tpu.memory_space<semaphore_mem>>)
    %add3A_177 = arith.constant 12288 : i32
    %add3A_178 = arith.addi %add3A_177, %add3A_158 : i32
    %dma_start3A_179 = arith.constant 0 : i32
    %dma_start3A_180 = tpu.memref_slice %arg4[%add3A_178, %dma_start3A_179] : memref<16384x1024xf32, #tpu.memory_space<hbm>> -> memref<8x1024xf32, #tpu.memory_space<hbm>>
    %dma_start3A_181 = arith.constant 0 : i32
    %dma_start3A_182 = tpu.memref_slice %arg4[%add3A_178, %dma_start3A_181] : memref<16384x1024xf32, #tpu.memory_space<hbm>> -> memref<8x1024xf32, #tpu.memory_space<hbm>>
    tpu.enqueue_dma source(%arg13 : memref<8x1024xf32, #tpu.memory_space<vmem>>) target(%dma_start3A_182 : memref<8x1024xf32, #tpu.memory_space<hbm>>) target_semaphore(%arg24 : memref<!tpu.dma_semaphore, #tpu.memory_space<semaphore_mem>>)
    %dma_wait3A_183 = arith.constant 0 : i32
    %dma_wait3A_184 = tpu.memref_slice %arg4[%add3A_84, %dma_wait3A_183] : memref<16384x1024xf32, #tpu.memory_space<hbm>> -> memref<8x1024xf32, #tpu.memory_space<hbm>>
    %dma_wait3A_185 = arith.constant 0 : i32
    %dma_wait3A_186 = tpu.memref_slice %arg4[%add3A_84, %dma_wait3A_185] : memref<16384x1024xf32, #tpu.memory_space<hbm>> -> memref<8x1024xf32, #tpu.memory_space<hbm>>
    tpu.wait_dma2 semaphore(%arg23 : memref<!tpu.dma_semaphore, #tpu.memory_space<semaphore_mem>>) src(%arg5 : memref<8x1024xf32, #tpu.memory_space<vmem>>) dst(%dma_wait3A_186 : memref<8x1024xf32, #tpu.memory_space<hbm>>)
    %dma_wait3A_187 = arith.constant 0 : i32
    %dma_wait3A_188 = tpu.memref_slice %arg4[%add3A_90, %dma_wait3A_187] : memref<16384x1024xf32, #tpu.memory_space<hbm>> -> memref<8x1024xf32, #tpu.memory_space<hbm>>
    %dma_wait3A_189 = arith.constant 0 : i32
    %dma_wait3A_190 = tpu.memref_slice %arg4[%add3A_90, %dma_wait3A_189] : memref<16384x1024xf32, #tpu.memory_space<hbm>> -> memref<8x1024xf32, #tpu.memory_space<hbm>>
    tpu.wait_dma2 semaphore(%arg23 : memref<!tpu.dma_semaphore, #tpu.memory_space<semaphore_mem>>) src(%arg6 : memref<8x1024xf32, #tpu.memory_space<vmem>>) dst(%dma_wait3A_190 : memref<8x1024xf32, #tpu.memory_space<hbm>>)
    %dma_wait3A_191 = arith.constant 0 : i32
    %dma_wait3A_192 = tpu.memref_slice %arg4[%add3A_96, %dma_wait3A_191] : memref<16384x1024xf32, #tpu.memory_space<hbm>> -> memref<8x1024xf32, #tpu.memory_space<hbm>>
    %dma_wait3A_193 = arith.constant 0 : i32
    %dma_wait3A_194 = tpu.memref_slice %arg4[%add3A_96, %dma_wait3A_193] : memref<16384x1024xf32, #tpu.memory_space<hbm>> -> memref<8x1024xf32, #tpu.memory_space<hbm>>
    tpu.wait_dma2 semaphore(%arg23 : memref<!tpu.dma_semaphore, #tpu.memory_space<semaphore_mem>>) src(%arg7 : memref<8x1024xf32, #tpu.memory_space<vmem>>) dst(%dma_wait3A_194 : memref<8x1024xf32, #tpu.memory_space<hbm>>)
    %dma_wait3A_195 = arith.constant 0 : i32
    %dma_wait3A_196 = tpu.memref_slice %arg4[%add3A_102, %dma_wait3A_195] : memref<16384x1024xf32, #tpu.memory_space<hbm>> -> memref<8x1024xf32, #tpu.memory_space<hbm>>
    %dma_wait3A_197 = arith.constant 0 : i32
    %dma_wait3A_198 = tpu.memref_slice %arg4[%add3A_102, %dma_wait3A_197] : memref<16384x1024xf32, #tpu.memory_space<hbm>> -> memref<8x1024xf32, #tpu.memory_space<hbm>>
    tpu.wait_dma2 semaphore(%arg23 : memref<!tpu.dma_semaphore, #tpu.memory_space<semaphore_mem>>) src(%arg8 : memref<8x1024xf32, #tpu.memory_space<vmem>>) dst(%dma_wait3A_198 : memref<8x1024xf32, #tpu.memory_space<hbm>>)
    %add3A_199 = arith.constant 24 : i32
    %add3A_200 = arith.addi %mul3A_2, %add3A_199 : i32
    %add3A_201 = arith.constant 0 : i32
    %add3A_202 = arith.addi %add3A_201, %add3A_200 : i32
    %dma_start3A_203 = arith.constant 0 : i32
    %dma_start3A_204 = tpu.memref_slice %arg2[%add3A_202, %dma_start3A_203] : memref<16384x1024xf32, #tpu.memory_space<hbm>> -> memref<8x1024xf32, #tpu.memory_space<hbm>>
    %dma_start3A_205 = arith.constant 0 : i32
    %dma_start3A_206 = tpu.memref_slice %arg2[%add3A_202, %dma_start3A_205] : memref<16384x1024xf32, #tpu.memory_space<hbm>> -> memref<8x1024xf32, #tpu.memory_space<hbm>>
    tpu.enqueue_dma source(%dma_start3A_206 : memref<8x1024xf32, #tpu.memory_space<hbm>>) target(%arg5 : memref<8x1024xf32, #tpu.memory_space<vmem>>) target_semaphore(%arg20 : memref<!tpu.dma_semaphore, #tpu.memory_space<semaphore_mem>>)
    %add3A_207 = arith.constant 4096 : i32
    %add3A_208 = arith.addi %add3A_207, %add3A_200 : i32
    %dma_start3A_209 = arith.constant 0 : i32
    %dma_start3A_210 = tpu.memref_slice %arg2[%add3A_208, %dma_start3A_209] : memref<16384x1024xf32, #tpu.memory_space<hbm>> -> memref<8x1024xf32, #tpu.memory_space<hbm>>
    %dma_start3A_211 = arith.constant 0 : i32
    %dma_start3A_212 = tpu.memref_slice %arg2[%add3A_208, %dma_start3A_211] : memref<16384x1024xf32, #tpu.memory_space<hbm>> -> memref<8x1024xf32, #tpu.memory_space<hbm>>
    tpu.enqueue_dma source(%dma_start3A_212 : memref<8x1024xf32, #tpu.memory_space<hbm>>) target(%arg6 : memref<8x1024xf32, #tpu.memory_space<vmem>>) target_semaphore(%arg20 : memref<!tpu.dma_semaphore, #tpu.memory_space<semaphore_mem>>)
    %add3A_213 = arith.constant 8192 : i32
    %add3A_214 = arith.addi %add3A_213, %add3A_200 : i32
    %dma_start3A_215 = arith.constant 0 : i32
    %dma_start3A_216 = tpu.memref_slice %arg2[%add3A_214, %dma_start3A_215] : memref<16384x1024xf32, #tpu.memory_space<hbm>> -> memref<8x1024xf32, #tpu.memory_space<hbm>>
    %dma_start3A_217 = arith.constant 0 : i32
    %dma_start3A_218 = tpu.memref_slice %arg2[%add3A_214, %dma_start3A_217] : memref<16384x1024xf32, #tpu.memory_space<hbm>> -> memref<8x1024xf32, #tpu.memory_space<hbm>>
    tpu.enqueue_dma source(%dma_start3A_218 : memref<8x1024xf32, #tpu.memory_space<hbm>>) target(%arg7 : memref<8x1024xf32, #tpu.memory_space<vmem>>) target_semaphore(%arg20 : memref<!tpu.dma_semaphore, #tpu.memory_space<semaphore_mem>>)
    %add3A_219 = arith.constant 12288 : i32
    %add3A_220 = arith.addi %add3A_219, %add3A_200 : i32
    %dma_start3A_221 = arith.constant 0 : i32
    %dma_start3A_222 = tpu.memref_slice %arg2[%add3A_220, %dma_start3A_221] : memref<16384x1024xf32, #tpu.memory_space<hbm>> -> memref<8x1024xf32, #tpu.memory_space<hbm>>
    %dma_start3A_223 = arith.constant 0 : i32
    %dma_start3A_224 = tpu.memref_slice %arg2[%add3A_220, %dma_start3A_223] : memref<16384x1024xf32, #tpu.memory_space<hbm>> -> memref<8x1024xf32, #tpu.memory_space<hbm>>
    tpu.enqueue_dma source(%dma_start3A_224 : memref<8x1024xf32, #tpu.memory_space<hbm>>) target(%arg8 : memref<8x1024xf32, #tpu.memory_space<vmem>>) target_semaphore(%arg20 : memref<!tpu.dma_semaphore, #tpu.memory_space<semaphore_mem>>)
    %dma_start3A_225 = arith.constant 0 : i32
    %dma_start3A_226 = tpu.memref_slice %arg3[%add3A_200, %dma_start3A_225] : memref<8192x1024xf32, #tpu.memory_space<hbm>> -> memref<8x1024xf32, #tpu.memory_space<hbm>>
    %dma_start3A_227 = arith.constant 0 : i32
    %dma_start3A_228 = tpu.memref_slice %arg3[%add3A_200, %dma_start3A_227] : memref<8192x1024xf32, #tpu.memory_space<hbm>> -> memref<8x1024xf32, #tpu.memory_space<hbm>>
    tpu.enqueue_dma source(%dma_start3A_228 : memref<8x1024xf32, #tpu.memory_space<hbm>>) target(%arg9 : memref<8x1024xf32, #tpu.memory_space<vmem>>) target_semaphore(%arg20 : memref<!tpu.dma_semaphore, #tpu.memory_space<semaphore_mem>>)
    %dma_wait3A_229 = arith.constant 0 : i32
    %dma_wait3A_230 = tpu.memref_slice %arg2[%add3A_110, %dma_wait3A_229] : memref<16384x1024xf32, #tpu.memory_space<hbm>> -> memref<8x1024xf32, #tpu.memory_space<hbm>>
    %dma_wait3A_231 = arith.constant 0 : i32
    %dma_wait3A_232 = tpu.memref_slice %arg2[%add3A_110, %dma_wait3A_231] : memref<16384x1024xf32, #tpu.memory_space<hbm>> -> memref<8x1024xf32, #tpu.memory_space<hbm>>
    tpu.wait_dma2 semaphore(%arg22 : memref<!tpu.dma_semaphore, #tpu.memory_space<semaphore_mem>>) src(%dma_wait3A_232 : memref<8x1024xf32, #tpu.memory_space<hbm>>) dst(%arg15 : memref<8x1024xf32, #tpu.memory_space<vmem>>)
    %dma_wait3A_233 = arith.constant 0 : i32
    %dma_wait3A_234 = tpu.memref_slice %arg2[%add3A_116, %dma_wait3A_233] : memref<16384x1024xf32, #tpu.memory_space<hbm>> -> memref<8x1024xf32, #tpu.memory_space<hbm>>
    %dma_wait3A_235 = arith.constant 0 : i32
    %dma_wait3A_236 = tpu.memref_slice %arg2[%add3A_116, %dma_wait3A_235] : memref<16384x1024xf32, #tpu.memory_space<hbm>> -> memref<8x1024xf32, #tpu.memory_space<hbm>>
    tpu.wait_dma2 semaphore(%arg22 : memref<!tpu.dma_semaphore, #tpu.memory_space<semaphore_mem>>) src(%dma_wait3A_236 : memref<8x1024xf32, #tpu.memory_space<hbm>>) dst(%arg16 : memref<8x1024xf32, #tpu.memory_space<vmem>>)
    %dma_wait3A_237 = arith.constant 0 : i32
    %dma_wait3A_238 = tpu.memref_slice %arg2[%add3A_122, %dma_wait3A_237] : memref<16384x1024xf32, #tpu.memory_space<hbm>> -> memref<8x1024xf32, #tpu.memory_space<hbm>>
    %dma_wait3A_239 = arith.constant 0 : i32
    %dma_wait3A_240 = tpu.memref_slice %arg2[%add3A_122, %dma_wait3A_239] : memref<16384x1024xf32, #tpu.memory_space<hbm>> -> memref<8x1024xf32, #tpu.memory_space<hbm>>
    tpu.wait_dma2 semaphore(%arg22 : memref<!tpu.dma_semaphore, #tpu.memory_space<semaphore_mem>>) src(%dma_wait3A_240 : memref<8x1024xf32, #tpu.memory_space<hbm>>) dst(%arg17 : memref<8x1024xf32, #tpu.memory_space<vmem>>)
    %dma_wait3A_241 = arith.constant 0 : i32
    %dma_wait3A_242 = tpu.memref_slice %arg2[%add3A_128, %dma_wait3A_241] : memref<16384x1024xf32, #tpu.memory_space<hbm>> -> memref<8x1024xf32, #tpu.memory_space<hbm>>
    %dma_wait3A_243 = arith.constant 0 : i32
    %dma_wait3A_244 = tpu.memref_slice %arg2[%add3A_128, %dma_wait3A_243] : memref<16384x1024xf32, #tpu.memory_space<hbm>> -> memref<8x1024xf32, #tpu.memory_space<hbm>>
    tpu.wait_dma2 semaphore(%arg22 : memref<!tpu.dma_semaphore, #tpu.memory_space<semaphore_mem>>) src(%dma_wait3A_244 : memref<8x1024xf32, #tpu.memory_space<hbm>>) dst(%arg18 : memref<8x1024xf32, #tpu.memory_space<vmem>>)
    %dma_wait3A_245 = arith.constant 0 : i32
    %dma_wait3A_246 = tpu.memref_slice %arg3[%add3A_108, %dma_wait3A_245] : memref<8192x1024xf32, #tpu.memory_space<hbm>> -> memref<8x1024xf32, #tpu.memory_space<hbm>>
    %dma_wait3A_247 = arith.constant 0 : i32
    %dma_wait3A_248 = tpu.memref_slice %arg3[%add3A_108, %dma_wait3A_247] : memref<8192x1024xf32, #tpu.memory_space<hbm>> -> memref<8x1024xf32, #tpu.memory_space<hbm>>
    tpu.wait_dma2 semaphore(%arg22 : memref<!tpu.dma_semaphore, #tpu.memory_space<semaphore_mem>>) src(%dma_wait3A_248 : memref<8x1024xf32, #tpu.memory_space<hbm>>) dst(%arg19 : memref<8x1024xf32, #tpu.memory_space<vmem>>)
    %add3A_249 = arith.constant 16 : i32
    %add3A_250 = arith.addi %mul3A_2, %add3A_249 : i32
    %add3A_251 = arith.constant 0 : i32
    %add3A_252 = arith.addi %add3A_251, %add3A_250 : i32
    %dma_start3A_253 = arith.constant 0 : i32
    %dma_start3A_254 = tpu.memref_slice %arg4[%add3A_252, %dma_start3A_253] : memref<16384x1024xf32, #tpu.memory_space<hbm>> -> memref<8x1024xf32, #tpu.memory_space<hbm>>
    %dma_start3A_255 = arith.constant 0 : i32
    %dma_start3A_256 = tpu.memref_slice %arg4[%add3A_252, %dma_start3A_255] : memref<16384x1024xf32, #tpu.memory_space<hbm>> -> memref<8x1024xf32, #tpu.memory_space<hbm>>
    tpu.enqueue_dma source(%arg15 : memref<8x1024xf32, #tpu.memory_space<vmem>>) target(%dma_start3A_256 : memref<8x1024xf32, #tpu.memory_space<hbm>>) target_semaphore(%arg25 : memref<!tpu.dma_semaphore, #tpu.memory_space<semaphore_mem>>)
    %add3A_257 = arith.constant 4096 : i32
    %add3A_258 = arith.addi %add3A_257, %add3A_250 : i32
    %dma_start3A_259 = arith.constant 0 : i32
    %dma_start3A_260 = tpu.memref_slice %arg4[%add3A_258, %dma_start3A_259] : memref<16384x1024xf32, #tpu.memory_space<hbm>> -> memref<8x1024xf32, #tpu.memory_space<hbm>>
    %dma_start3A_261 = arith.constant 0 : i32
    %dma_start3A_262 = tpu.memref_slice %arg4[%add3A_258, %dma_start3A_261] : memref<16384x1024xf32, #tpu.memory_space<hbm>> -> memref<8x1024xf32, #tpu.memory_space<hbm>>
    tpu.enqueue_dma source(%arg16 : memref<8x1024xf32, #tpu.memory_space<vmem>>) target(%dma_start3A_262 : memref<8x1024xf32, #tpu.memory_space<hbm>>) target_semaphore(%arg25 : memref<!tpu.dma_semaphore, #tpu.memory_space<semaphore_mem>>)
    %add3A_263 = arith.constant 8192 : i32
    %add3A_264 = arith.addi %add3A_263, %add3A_250 : i32
    %dma_start3A_265 = arith.constant 0 : i32
    %dma_start3A_266 = tpu.memref_slice %arg4[%add3A_264, %dma_start3A_265] : memref<16384x1024xf32, #tpu.memory_space<hbm>> -> memref<8x1024xf32, #tpu.memory_space<hbm>>
    %dma_start3A_267 = arith.constant 0 : i32
    %dma_start3A_268 = tpu.memref_slice %arg4[%add3A_264, %dma_start3A_267] : memref<16384x1024xf32, #tpu.memory_space<hbm>> -> memref<8x1024xf32, #tpu.memory_space<hbm>>
    tpu.enqueue_dma source(%arg17 : memref<8x1024xf32, #tpu.memory_space<vmem>>) target(%dma_start3A_268 : memref<8x1024xf32, #tpu.memory_space<hbm>>) target_semaphore(%arg25 : memref<!tpu.dma_semaphore, #tpu.memory_space<semaphore_mem>>)
    %add3A_269 = arith.constant 12288 : i32
    %add3A_270 = arith.addi %add3A_269, %add3A_250 : i32
    %dma_start3A_271 = arith.constant 0 : i32
    %dma_start3A_272 = tpu.memref_slice %arg4[%add3A_270, %dma_start3A_271] : memref<16384x1024xf32, #tpu.memory_space<hbm>> -> memref<8x1024xf32, #tpu.memory_space<hbm>>
    %dma_start3A_273 = arith.constant 0 : i32
    %dma_start3A_274 = tpu.memref_slice %arg4[%add3A_270, %dma_start3A_273] : memref<16384x1024xf32, #tpu.memory_space<hbm>> -> memref<8x1024xf32, #tpu.memory_space<hbm>>
    tpu.enqueue_dma source(%arg18 : memref<8x1024xf32, #tpu.memory_space<vmem>>) target(%dma_start3A_274 : memref<8x1024xf32, #tpu.memory_space<hbm>>) target_semaphore(%arg25 : memref<!tpu.dma_semaphore, #tpu.memory_space<semaphore_mem>>)
    %dma_wait3A_275 = arith.constant 0 : i32
    %dma_wait3A_276 = tpu.memref_slice %arg4[%add3A_160, %dma_wait3A_275] : memref<16384x1024xf32, #tpu.memory_space<hbm>> -> memref<8x1024xf32, #tpu.memory_space<hbm>>
    %dma_wait3A_277 = arith.constant 0 : i32
    %dma_wait3A_278 = tpu.memref_slice %arg4[%add3A_160, %dma_wait3A_277] : memref<16384x1024xf32, #tpu.memory_space<hbm>> -> memref<8x1024xf32, #tpu.memory_space<hbm>>
    tpu.wait_dma2 semaphore(%arg24 : memref<!tpu.dma_semaphore, #tpu.memory_space<semaphore_mem>>) src(%arg10 : memref<8x1024xf32, #tpu.memory_space<vmem>>) dst(%dma_wait3A_278 : memref<8x1024xf32, #tpu.memory_space<hbm>>)
    %dma_wait3A_279 = arith.constant 0 : i32
    %dma_wait3A_280 = tpu.memref_slice %arg4[%add3A_166, %dma_wait3A_279] : memref<16384x1024xf32, #tpu.memory_space<hbm>> -> memref<8x1024xf32, #tpu.memory_space<hbm>>
    %dma_wait3A_281 = arith.constant 0 : i32
    %dma_wait3A_282 = tpu.memref_slice %arg4[%add3A_166, %dma_wait3A_281] : memref<16384x1024xf32, #tpu.memory_space<hbm>> -> memref<8x1024xf32, #tpu.memory_space<hbm>>
    tpu.wait_dma2 semaphore(%arg24 : memref<!tpu.dma_semaphore, #tpu.memory_space<semaphore_mem>>) src(%arg11 : memref<8x1024xf32, #tpu.memory_space<vmem>>) dst(%dma_wait3A_282 : memref<8x1024xf32, #tpu.memory_space<hbm>>)
    %dma_wait3A_283 = arith.constant 0 : i32
    %dma_wait3A_284 = tpu.memref_slice %arg4[%add3A_172, %dma_wait3A_283] : memref<16384x1024xf32, #tpu.memory_space<hbm>> -> memref<8x1024xf32, #tpu.memory_space<hbm>>
    %dma_wait3A_285 = arith.constant 0 : i32
    %dma_wait3A_286 = tpu.memref_slice %arg4[%add3A_172, %dma_wait3A_285] : memref<16384x1024xf32, #tpu.memory_space<hbm>> -> memref<8x1024xf32, #tpu.memory_space<hbm>>
    tpu.wait_dma2 semaphore(%arg24 : memref<!tpu.dma_semaphore, #tpu.memory_space<semaphore_mem>>) src(%arg12 : memref<8x1024xf32, #tpu.memory_space<vmem>>) dst(%dma_wait3A_286 : memref<8x1024xf32, #tpu.memory_space<hbm>>)
    %dma_wait3A_287 = arith.constant 0 : i32
    %dma_wait3A_288 = tpu.memref_slice %arg4[%add3A_178, %dma_wait3A_287] : memref<16384x1024xf32, #tpu.memory_space<hbm>> -> memref<8x1024xf32, #tpu.memory_space<hbm>>
    %dma_wait3A_289 = arith.constant 0 : i32
    %dma_wait3A_290 = tpu.memref_slice %arg4[%add3A_178, %dma_wait3A_289] : memref<16384x1024xf32, #tpu.memory_space<hbm>> -> memref<8x1024xf32, #tpu.memory_space<hbm>>
    tpu.wait_dma2 semaphore(%arg24 : memref<!tpu.dma_semaphore, #tpu.memory_space<semaphore_mem>>) src(%arg13 : memref<8x1024xf32, #tpu.memory_space<vmem>>) dst(%dma_wait3A_290 : memref<8x1024xf32, #tpu.memory_space<hbm>>)
    %add3A_291 = arith.constant 32 : i32
    %add3A_292 = arith.addi %mul3A_2, %add3A_291 : i32
    %add3A_293 = arith.constant 0 : i32
    %add3A_294 = arith.addi %add3A_293, %add3A_292 : i32
    %dma_start3A_295 = arith.constant 0 : i32
    %dma_start3A_296 = tpu.memref_slice %arg2[%add3A_294, %dma_start3A_295] : memref<16384x1024xf32, #tpu.memory_space<hbm>> -> memref<8x1024xf32, #tpu.memory_space<hbm>>
    %dma_start3A_297 = arith.constant 0 : i32
    %dma_start3A_298 = tpu.memref_slice %arg2[%add3A_294, %dma_start3A_297] : memref<16384x1024xf32, #tpu.memory_space<hbm>> -> memref<8x1024xf32, #tpu.memory_space<hbm>>
    tpu.enqueue_dma source(%dma_start3A_298 : memref<8x1024xf32, #tpu.memory_space<hbm>>) target(%arg10 : memref<8x1024xf32, #tpu.memory_space<vmem>>) target_semaphore(%arg21 : memref<!tpu.dma_semaphore, #tpu.memory_space<semaphore_mem>>)
    %add3A_299 = arith.constant 4096 : i32
    %add3A_300 = arith.addi %add3A_299, %add3A_292 : i32
    %dma_start3A_301 = arith.constant 0 : i32
    %dma_start3A_302 = tpu.memref_slice %arg2[%add3A_300, %dma_start3A_301] : memref<16384x1024xf32, #tpu.memory_space<hbm>> -> memref<8x1024xf32, #tpu.memory_space<hbm>>
    %dma_start3A_303 = arith.constant 0 : i32
    %dma_start3A_304 = tpu.memref_slice %arg2[%add3A_300, %dma_start3A_303] : memref<16384x1024xf32, #tpu.memory_space<hbm>> -> memref<8x1024xf32, #tpu.memory_space<hbm>>
    tpu.enqueue_dma source(%dma_start3A_304 : memref<8x1024xf32, #tpu.memory_space<hbm>>) target(%arg11 : memref<8x1024xf32, #tpu.memory_space<vmem>>) target_semaphore(%arg21 : memref<!tpu.dma_semaphore, #tpu.memory_space<semaphore_mem>>)
    %add3A_305 = arith.constant 8192 : i32
    %add3A_306 = arith.addi %add3A_305, %add3A_292 : i32
    %dma_start3A_307 = arith.constant 0 : i32
    %dma_start3A_308 = tpu.memref_slice %arg2[%add3A_306, %dma_start3A_307] : memref<16384x1024xf32, #tpu.memory_space<hbm>> -> memref<8x1024xf32, #tpu.memory_space<hbm>>
    %dma_start3A_309 = arith.constant 0 : i32
    %dma_start3A_310 = tpu.memref_slice %arg2[%add3A_306, %dma_start3A_309] : memref<16384x1024xf32, #tpu.memory_space<hbm>> -> memref<8x1024xf32, #tpu.memory_space<hbm>>
    tpu.enqueue_dma source(%dma_start3A_310 : memref<8x1024xf32, #tpu.memory_space<hbm>>) target(%arg12 : memref<8x1024xf32, #tpu.memory_space<vmem>>) target_semaphore(%arg21 : memref<!tpu.dma_semaphore, #tpu.memory_space<semaphore_mem>>)
    %add3A_311 = arith.constant 12288 : i32
    %add3A_312 = arith.addi %add3A_311, %add3A_292 : i32
    %dma_start3A_313 = arith.constant 0 : i32
    %dma_start3A_314 = tpu.memref_slice %arg2[%add3A_312, %dma_start3A_313] : memref<16384x1024xf32, #tpu.memory_space<hbm>> -> memref<8x1024xf32, #tpu.memory_space<hbm>>
    %dma_start3A_315 = arith.constant 0 : i32
    %dma_start3A_316 = tpu.memref_slice %arg2[%add3A_312, %dma_start3A_315] : memref<16384x1024xf32, #tpu.memory_space<hbm>> -> memref<8x1024xf32, #tpu.memory_space<hbm>>
    tpu.enqueue_dma source(%dma_start3A_316 : memref<8x1024xf32, #tpu.memory_space<hbm>>) target(%arg13 : memref<8x1024xf32, #tpu.memory_space<vmem>>) target_semaphore(%arg21 : memref<!tpu.dma_semaphore, #tpu.memory_space<semaphore_mem>>)
    %dma_start3A_317 = arith.constant 0 : i32
    %dma_start3A_318 = tpu.memref_slice %arg3[%add3A_292, %dma_start3A_317] : memref<8192x1024xf32, #tpu.memory_space<hbm>> -> memref<8x1024xf32, #tpu.memory_space<hbm>>
    %dma_start3A_319 = arith.constant 0 : i32
    %dma_start3A_320 = tpu.memref_slice %arg3[%add3A_292, %dma_start3A_319] : memref<8192x1024xf32, #tpu.memory_space<hbm>> -> memref<8x1024xf32, #tpu.memory_space<hbm>>
    tpu.enqueue_dma source(%dma_start3A_320 : memref<8x1024xf32, #tpu.memory_space<hbm>>) target(%arg14 : memref<8x1024xf32, #tpu.memory_space<vmem>>) target_semaphore(%arg21 : memref<!tpu.dma_semaphore, #tpu.memory_space<semaphore_mem>>)
    %dma_wait3A_321 = arith.constant 0 : i32
    %dma_wait3A_322 = tpu.memref_slice %arg2[%add3A_202, %dma_wait3A_321] : memref<16384x1024xf32, #tpu.memory_space<hbm>> -> memref<8x1024xf32, #tpu.memory_space<hbm>>
    %dma_wait3A_323 = arith.constant 0 : i32
    %dma_wait3A_324 = tpu.memref_slice %arg2[%add3A_202, %dma_wait3A_323] : memref<16384x1024xf32, #tpu.memory_space<hbm>> -> memref<8x1024xf32, #tpu.memory_space<hbm>>
    tpu.wait_dma2 semaphore(%arg20 : memref<!tpu.dma_semaphore, #tpu.memory_space<semaphore_mem>>) src(%dma_wait3A_324 : memref<8x1024xf32, #tpu.memory_space<hbm>>) dst(%arg5 : memref<8x1024xf32, #tpu.memory_space<vmem>>)
    %dma_wait3A_325 = arith.constant 0 : i32
    %dma_wait3A_326 = tpu.memref_slice %arg2[%add3A_208, %dma_wait3A_325] : memref<16384x1024xf32, #tpu.memory_space<hbm>> -> memref<8x1024xf32, #tpu.memory_space<hbm>>
    %dma_wait3A_327 = arith.constant 0 : i32
    %dma_wait3A_328 = tpu.memref_slice %arg2[%add3A_208, %dma_wait3A_327] : memref<16384x1024xf32, #tpu.memory_space<hbm>> -> memref<8x1024xf32, #tpu.memory_space<hbm>>
    tpu.wait_dma2 semaphore(%arg20 : memref<!tpu.dma_semaphore, #tpu.memory_space<semaphore_mem>>) src(%dma_wait3A_328 : memref<8x1024xf32, #tpu.memory_space<hbm>>) dst(%arg6 : memref<8x1024xf32, #tpu.memory_space<vmem>>)
    %dma_wait3A_329 = arith.constant 0 : i32
    %dma_wait3A_330 = tpu.memref_slice %arg2[%add3A_214, %dma_wait3A_329] : memref<16384x1024xf32, #tpu.memory_space<hbm>> -> memref<8x1024xf32, #tpu.memory_space<hbm>>
    %dma_wait3A_331 = arith.constant 0 : i32
    %dma_wait3A_332 = tpu.memref_slice %arg2[%add3A_214, %dma_wait3A_331] : memref<16384x1024xf32, #tpu.memory_space<hbm>> -> memref<8x1024xf32, #tpu.memory_space<hbm>>
    tpu.wait_dma2 semaphore(%arg20 : memref<!tpu.dma_semaphore, #tpu.memory_space<semaphore_mem>>) src(%dma_wait3A_332 : memref<8x1024xf32, #tpu.memory_space<hbm>>) dst(%arg7 : memref<8x1024xf32, #tpu.memory_space<vmem>>)
    %dma_wait3A_333 = arith.constant 0 : i32
    %dma_wait3A_334 = tpu.memref_slice %arg2[%add3A_220, %dma_wait3A_333] : memref<16384x1024xf32, #tpu.memory_space<hbm>> -> memref<8x1024xf32, #tpu.memory_space<hbm>>
    %dma_wait3A_335 = arith.constant 0 : i32
    %dma_wait3A_336 = tpu.memref_slice %arg2[%add3A_220, %dma_wait3A_335] : memref<16384x1024xf32, #tpu.memory_space<hbm>> -> memref<8x1024xf32, #tpu.memory_space<hbm>>
    tpu.wait_dma2 semaphore(%arg20 : memref<!tpu.dma_semaphore, #tpu.memory_space<semaphore_mem>>) src(%dma_wait3A_336 : memref<8x1024xf32, #tpu.memory_space<hbm>>) dst(%arg8 : memref<8x1024xf32, #tpu.memory_space<vmem>>)
    %dma_wait3A_337 = arith.constant 0 : i32
    %dma_wait3A_338 = tpu.memref_slice %arg3[%add3A_200, %dma_wait3A_337] : memref<8192x1024xf32, #tpu.memory_space<hbm>> -> memref<8x1024xf32, #tpu.memory_space<hbm>>
    %dma_wait3A_339 = arith.constant 0 : i32
    %dma_wait3A_340 = tpu.memref_slice %arg3[%add3A_200, %dma_wait3A_339] : memref<8192x1024xf32, #tpu.memory_space<hbm>> -> memref<8x1024xf32, #tpu.memory_space<hbm>>
    tpu.wait_dma2 semaphore(%arg20 : memref<!tpu.dma_semaphore, #tpu.memory_space<semaphore_mem>>) src(%dma_wait3A_340 : memref<8x1024xf32, #tpu.memory_space<hbm>>) dst(%arg9 : memref<8x1024xf32, #tpu.memory_space<vmem>>)
    %add3A_341 = arith.constant 24 : i32
    %add3A_342 = arith.addi %mul3A_2, %add3A_341 : i32
    %add3A_343 = arith.constant 0 : i32
    %add3A_344 = arith.addi %add3A_343, %add3A_342 : i32
    %dma_start3A_345 = arith.constant 0 : i32
    %dma_start3A_346 = tpu.memref_slice %arg4[%add3A_344, %dma_start3A_345] : memref<16384x1024xf32, #tpu.memory_space<hbm>> -> memref<8x1024xf32, #tpu.memory_space<hbm>>
    %dma_start3A_347 = arith.constant 0 : i32
    %dma_start3A_348 = tpu.memref_slice %arg4[%add3A_344, %dma_start3A_347] : memref<16384x1024xf32, #tpu.memory_space<hbm>> -> memref<8x1024xf32, #tpu.memory_space<hbm>>
    tpu.enqueue_dma source(%arg5 : memref<8x1024xf32, #tpu.memory_space<vmem>>) target(%dma_start3A_348 : memref<8x1024xf32, #tpu.memory_space<hbm>>) target_semaphore(%arg23 : memref<!tpu.dma_semaphore, #tpu.memory_space<semaphore_mem>>)
    %add3A_349 = arith.constant 4096 : i32
    %add3A_350 = arith.addi %add3A_349, %add3A_342 : i32
    %dma_start3A_351 = arith.constant 0 : i32
    %dma_start3A_352 = tpu.memref_slice %arg4[%add3A_350, %dma_start3A_351] : memref<16384x1024xf32, #tpu.memory_space<hbm>> -> memref<8x1024xf32, #tpu.memory_space<hbm>>
    %dma_start3A_353 = arith.constant 0 : i32
    %dma_start3A_354 = tpu.memref_slice %arg4[%add3A_350, %dma_start3A_353] : memref<16384x1024xf32, #tpu.memory_space<hbm>> -> memref<8x1024xf32, #tpu.memory_space<hbm>>
    tpu.enqueue_dma source(%arg6 : memref<8x1024xf32, #tpu.memory_space<vmem>>) target(%dma_start3A_354 : memref<8x1024xf32, #tpu.memory_space<hbm>>) target_semaphore(%arg23 : memref<!tpu.dma_semaphore, #tpu.memory_space<semaphore_mem>>)
    %add3A_355 = arith.constant 8192 : i32
    %add3A_356 = arith.addi %add3A_355, %add3A_342 : i32
    %dma_start3A_357 = arith.constant 0 : i32
    %dma_start3A_358 = tpu.memref_slice %arg4[%add3A_356, %dma_start3A_357] : memref<16384x1024xf32, #tpu.memory_space<hbm>> -> memref<8x1024xf32, #tpu.memory_space<hbm>>
    %dma_start3A_359 = arith.constant 0 : i32
    %dma_start3A_360 = tpu.memref_slice %arg4[%add3A_356, %dma_start3A_359] : memref<16384x1024xf32, #tpu.memory_space<hbm>> -> memref<8x1024xf32, #tpu.memory_space<hbm>>
    tpu.enqueue_dma source(%arg7 : memref<8x1024xf32, #tpu.memory_space<vmem>>) target(%dma_start3A_360 : memref<8x1024xf32, #tpu.memory_space<hbm>>) target_semaphore(%arg23 : memref<!tpu.dma_semaphore, #tpu.memory_space<semaphore_mem>>)
    %add3A_361 = arith.constant 12288 : i32
    %add3A_362 = arith.addi %add3A_361, %add3A_342 : i32
    %dma_start3A_363 = arith.constant 0 : i32
    %dma_start3A_364 = tpu.memref_slice %arg4[%add3A_362, %dma_start3A_363] : memref<16384x1024xf32, #tpu.memory_space<hbm>> -> memref<8x1024xf32, #tpu.memory_space<hbm>>
    %dma_start3A_365 = arith.constant 0 : i32
    %dma_start3A_366 = tpu.memref_slice %arg4[%add3A_362, %dma_start3A_365] : memref<16384x1024xf32, #tpu.memory_space<hbm>> -> memref<8x1024xf32, #tpu.memory_space<hbm>>
    tpu.enqueue_dma source(%arg8 : memref<8x1024xf32, #tpu.memory_space<vmem>>) target(%dma_start3A_366 : memref<8x1024xf32, #tpu.memory_space<hbm>>) target_semaphore(%arg23 : memref<!tpu.dma_semaphore, #tpu.memory_space<semaphore_mem>>)
    %dma_wait3A_367 = arith.constant 0 : i32
    %dma_wait3A_368 = tpu.memref_slice %arg4[%add3A_252, %dma_wait3A_367] : memref<16384x1024xf32, #tpu.memory_space<hbm>> -> memref<8x1024xf32, #tpu.memory_space<hbm>>
    %dma_wait3A_369 = arith.constant 0 : i32
    %dma_wait3A_370 = tpu.memref_slice %arg4[%add3A_252, %dma_wait3A_369] : memref<16384x1024xf32, #tpu.memory_space<hbm>> -> memref<8x1024xf32, #tpu.memory_space<hbm>>
    tpu.wait_dma2 semaphore(%arg25 : memref<!tpu.dma_semaphore, #tpu.memory_space<semaphore_mem>>) src(%arg15 : memref<8x1024xf32, #tpu.memory_space<vmem>>) dst(%dma_wait3A_370 : memref<8x1024xf32, #tpu.memory_space<hbm>>)
    %dma_wait3A_371 = arith.constant 0 : i32
    %dma_wait3A_372 = tpu.memref_slice %arg4[%add3A_258, %dma_wait3A_371] : memref<16384x1024xf32, #tpu.memory_space<hbm>> -> memref<8x1024xf32, #tpu.memory_space<hbm>>
    %dma_wait3A_373 = arith.constant 0 : i32
    %dma_wait3A_374 = tpu.memref_slice %arg4[%add3A_258, %dma_wait3A_373] : memref<16384x1024xf32, #tpu.memory_space<hbm>> -> memref<8x1024xf32, #tpu.memory_space<hbm>>
    tpu.wait_dma2 semaphore(%arg25 : memref<!tpu.dma_semaphore, #tpu.memory_space<semaphore_mem>>) src(%arg16 : memref<8x1024xf32, #tpu.memory_space<vmem>>) dst(%dma_wait3A_374 : memref<8x1024xf32, #tpu.memory_space<hbm>>)
    %dma_wait3A_375 = arith.constant 0 : i32
    %dma_wait3A_376 = tpu.memref_slice %arg4[%add3A_264, %dma_wait3A_375] : memref<16384x1024xf32, #tpu.memory_space<hbm>> -> memref<8x1024xf32, #tpu.memory_space<hbm>>
    %dma_wait3A_377 = arith.constant 0 : i32
    %dma_wait3A_378 = tpu.memref_slice %arg4[%add3A_264, %dma_wait3A_377] : memref<16384x1024xf32, #tpu.memory_space<hbm>> -> memref<8x1024xf32, #tpu.memory_space<hbm>>
    tpu.wait_dma2 semaphore(%arg25 : memref<!tpu.dma_semaphore, #tpu.memory_space<semaphore_mem>>) src(%arg17 : memref<8x1024xf32, #tpu.memory_space<vmem>>) dst(%dma_wait3A_378 : memref<8x1024xf32, #tpu.memory_space<hbm>>)
    %dma_wait3A_379 = arith.constant 0 : i32
    %dma_wait3A_380 = tpu.memref_slice %arg4[%add3A_270, %dma_wait3A_379] : memref<16384x1024xf32, #tpu.memory_space<hbm>> -> memref<8x1024xf32, #tpu.memory_space<hbm>>
    %dma_wait3A_381 = arith.constant 0 : i32
    %dma_wait3A_382 = tpu.memref_slice %arg4[%add3A_270, %dma_wait3A_381] : memref<16384x1024xf32, #tpu.memory_space<hbm>> -> memref<8x1024xf32, #tpu.memory_space<hbm>>
    tpu.wait_dma2 semaphore(%arg25 : memref<!tpu.dma_semaphore, #tpu.memory_space<semaphore_mem>>) src(%arg18 : memref<8x1024xf32, #tpu.memory_space<vmem>>) dst(%dma_wait3A_382 : memref<8x1024xf32, #tpu.memory_space<hbm>>)
    %add3A_383 = arith.constant 40 : i32
    %add3A_384 = arith.addi %mul3A_2, %add3A_383 : i32
    %add3A_385 = arith.constant 0 : i32
    %add3A_386 = arith.addi %add3A_385, %add3A_384 : i32
    %dma_start3A_387 = arith.constant 0 : i32
    %dma_start3A_388 = tpu.memref_slice %arg2[%add3A_386, %dma_start3A_387] : memref<16384x1024xf32, #tpu.memory_space<hbm>> -> memref<8x1024xf32, #tpu.memory_space<hbm>>
    %dma_start3A_389 = arith.constant 0 : i32
    %dma_start3A_390 = tpu.memref_slice %arg2[%add3A_386, %dma_start3A_389] : memref<16384x1024xf32, #tpu.memory_space<hbm>> -> memref<8x1024xf32, #tpu.memory_space<hbm>>
    tpu.enqueue_dma source(%dma_start3A_390 : memref<8x1024xf32, #tpu.memory_space<hbm>>) target(%arg15 : memref<8x1024xf32, #tpu.memory_space<vmem>>) target_semaphore(%arg22 : memref<!tpu.dma_semaphore, #tpu.memory_space<semaphore_mem>>)
    %add3A_391 = arith.constant 4096 : i32
    %add3A_392 = arith.addi %add3A_391, %add3A_384 : i32
    %dma_start3A_393 = arith.constant 0 : i32
    %dma_start3A_394 = tpu.memref_slice %arg2[%add3A_392, %dma_start3A_393] : memref<16384x1024xf32, #tpu.memory_space<hbm>> -> memref<8x1024xf32, #tpu.memory_space<hbm>>
    %dma_start3A_395 = arith.constant 0 : i32
    %dma_start3A_396 = tpu.memref_slice %arg2[%add3A_392, %dma_start3A_395] : memref<16384x1024xf32, #tpu.memory_space<hbm>> -> memref<8x1024xf32, #tpu.memory_space<hbm>>
    tpu.enqueue_dma source(%dma_start3A_396 : memref<8x1024xf32, #tpu.memory_space<hbm>>) target(%arg16 : memref<8x1024xf32, #tpu.memory_space<vmem>>) target_semaphore(%arg22 : memref<!tpu.dma_semaphore, #tpu.memory_space<semaphore_mem>>)
    %add3A_397 = arith.constant 8192 : i32
    %add3A_398 = arith.addi %add3A_397, %add3A_384 : i32
    %dma_start3A_399 = arith.constant 0 : i32
    %dma_start3A_400 = tpu.memref_slice %arg2[%add3A_398, %dma_start3A_399] : memref<16384x1024xf32, #tpu.memory_space<hbm>> -> memref<8x1024xf32, #tpu.memory_space<hbm>>
    %dma_start3A_401 = arith.constant 0 : i32
    %dma_start3A_402 = tpu.memref_slice %arg2[%add3A_398, %dma_start3A_401] : memref<16384x1024xf32, #tpu.memory_space<hbm>> -> memref<8x1024xf32, #tpu.memory_space<hbm>>
    tpu.enqueue_dma source(%dma_start3A_402 : memref<8x1024xf32, #tpu.memory_space<hbm>>) target(%arg17 : memref<8x1024xf32, #tpu.memory_space<vmem>>) target_semaphore(%arg22 : memref<!tpu.dma_semaphore, #tpu.memory_space<semaphore_mem>>)
    %add3A_403 = arith.constant 12288 : i32
    %add3A_404 = arith.addi %add3A_403, %add3A_384 : i32
    %dma_start3A_405 = arith.constant 0 : i32
    %dma_start3A_406 = tpu.memref_slice %arg2[%add3A_404, %dma_start3A_405] : memref<16384x1024xf32, #tpu.memory_space<hbm>> -> memref<8x1024xf32, #tpu.memory_space<hbm>>
    %dma_start3A_407 = arith.constant 0 : i32
    %dma_start3A_408 = tpu.memref_slice %arg2[%add3A_404, %dma_start3A_407] : memref<16384x1024xf32, #tpu.memory_space<hbm>> -> memref<8x1024xf32, #tpu.memory_space<hbm>>
    tpu.enqueue_dma source(%dma_start3A_408 : memref<8x1024xf32, #tpu.memory_space<hbm>>) target(%arg18 : memref<8x1024xf32, #tpu.memory_space<vmem>>) target_semaphore(%arg22 : memref<!tpu.dma_semaphore, #tpu.memory_space<semaphore_mem>>)
    %dma_start3A_409 = arith.constant 0 : i32
    %dma_start3A_410 = tpu.memref_slice %arg3[%add3A_384, %dma_start3A_409] : memref<8192x1024xf32, #tpu.memory_space<hbm>> -> memref<8x1024xf32, #tpu.memory_space<hbm>>
    %dma_start3A_411 = arith.constant 0 : i32
    %dma_start3A_412 = tpu.memref_slice %arg3[%add3A_384, %dma_start3A_411] : memref<8192x1024xf32, #tpu.memory_space<hbm>> -> memref<8x1024xf32, #tpu.memory_space<hbm>>
    tpu.enqueue_dma source(%dma_start3A_412 : memref<8x1024xf32, #tpu.memory_space<hbm>>) target(%arg19 : memref<8x1024xf32, #tpu.memory_space<vmem>>) target_semaphore(%arg22 : memref<!tpu.dma_semaphore, #tpu.memory_space<semaphore_mem>>)
    %dma_wait3A_413 = arith.constant 0 : i32
    %dma_wait3A_414 = tpu.memref_slice %arg2[%add3A_294, %dma_wait3A_413] : memref<16384x1024xf32, #tpu.memory_space<hbm>> -> memref<8x1024xf32, #tpu.memory_space<hbm>>
    %dma_wait3A_415 = arith.constant 0 : i32
    %dma_wait3A_416 = tpu.memref_slice %arg2[%add3A_294, %dma_wait3A_415] : memref<16384x1024xf32, #tpu.memory_space<hbm>> -> memref<8x1024xf32, #tpu.memory_space<hbm>>
    tpu.wait_dma2 semaphore(%arg21 : memref<!tpu.dma_semaphore, #tpu.memory_space<semaphore_mem>>) src(%dma_wait3A_416 : memref<8x1024xf32, #tpu.memory_space<hbm>>) dst(%arg10 : memref<8x1024xf32, #tpu.memory_space<vmem>>)
    %dma_wait3A_417 = arith.constant 0 : i32
    %dma_wait3A_418 = tpu.memref_slice %arg2[%add3A_300, %dma_wait3A_417] : memref<16384x1024xf32, #tpu.memory_space<hbm>> -> memref<8x1024xf32, #tpu.memory_space<hbm>>
    %dma_wait3A_419 = arith.constant 0 : i32
    %dma_wait3A_420 = tpu.memref_slice %arg2[%add3A_300, %dma_wait3A_419] : memref<16384x1024xf32, #tpu.memory_space<hbm>> -> memref<8x1024xf32, #tpu.memory_space<hbm>>
    tpu.wait_dma2 semaphore(%arg21 : memref<!tpu.dma_semaphore, #tpu.memory_space<semaphore_mem>>) src(%dma_wait3A_420 : memref<8x1024xf32, #tpu.memory_space<hbm>>) dst(%arg11 : memref<8x1024xf32, #tpu.memory_space<vmem>>)
    %dma_wait3A_421 = arith.constant 0 : i32
    %dma_wait3A_422 = tpu.memref_slice %arg2[%add3A_306, %dma_wait3A_421] : memref<16384x1024xf32, #tpu.memory_space<hbm>> -> memref<8x1024xf32, #tpu.memory_space<hbm>>
    %dma_wait3A_423 = arith.constant 0 : i32
    %dma_wait3A_424 = tpu.memref_slice %arg2[%add3A_306, %dma_wait3A_423] : memref<16384x1024xf32, #tpu.memory_space<hbm>> -> memref<8x1024xf32, #tpu.memory_space<hbm>>
    tpu.wait_dma2 semaphore(%arg21 : memref<!tpu.dma_semaphore, #tpu.memory_space<semaphore_mem>>) src(%dma_wait3A_424 : memref<8x1024xf32, #tpu.memory_space<hbm>>) dst(%arg12 : memref<8x1024xf32, #tpu.memory_space<vmem>>)
    %dma_wait3A_425 = arith.constant 0 : i32
    %dma_wait3A_426 = tpu.memref_slice %arg2[%add3A_312, %dma_wait3A_425] : memref<16384x1024xf32, #tpu.memory_space<hbm>> -> memref<8x1024xf32, #tpu.memory_space<hbm>>
    %dma_wait3A_427 = arith.constant 0 : i32
    %dma_wait3A_428 = tpu.memref_slice %arg2[%add3A_312, %dma_wait3A_427] : memref<16384x1024xf32, #tpu.memory_space<hbm>> -> memref<8x1024xf32, #tpu.memory_space<hbm>>
    tpu.wait_dma2 semaphore(%arg21 : memref<!tpu.dma_semaphore, #tpu.memory_space<semaphore_mem>>) src(%dma_wait3A_428 : memref<8x1024xf32, #tpu.memory_space<hbm>>) dst(%arg13 : memref<8x1024xf32, #tpu.memory_space<vmem>>)
    %dma_wait3A_429 = arith.constant 0 : i32
    %dma_wait3A_430 = tpu.memref_slice %arg3[%add3A_292, %dma_wait3A_429] : memref<8192x1024xf32, #tpu.memory_space<hbm>> -> memref<8x1024xf32, #tpu.memory_space<hbm>>
    %dma_wait3A_431 = arith.constant 0 : i32
    %dma_wait3A_432 = tpu.memref_slice %arg3[%add3A_292, %dma_wait3A_431] : memref<8192x1024xf32, #tpu.memory_space<hbm>> -> memref<8x1024xf32, #tpu.memory_space<hbm>>
    tpu.wait_dma2 semaphore(%arg21 : memref<!tpu.dma_semaphore, #tpu.memory_space<semaphore_mem>>) src(%dma_wait3A_432 : memref<8x1024xf32, #tpu.memory_space<hbm>>) dst(%arg14 : memref<8x1024xf32, #tpu.memory_space<vmem>>)
    %add3A_433 = arith.constant 32 : i32
    %add3A_434 = arith.addi %mul3A_2, %add3A_433 : i32
    %add3A_435 = arith.constant 0 : i32
    %add3A_436 = arith.addi %add3A_435, %add3A_434 : i32
    %dma_start3A_437 = arith.constant 0 : i32
    %dma_start3A_438 = tpu.memref_slice %arg4[%add3A_436, %dma_start3A_437] : memref<16384x1024xf32, #tpu.memory_space<hbm>> -> memref<8x1024xf32, #tpu.memory_space<hbm>>
    %dma_start3A_439 = arith.constant 0 : i32
    %dma_start3A_440 = tpu.memref_slice %arg4[%add3A_436, %dma_start3A_439] : memref<16384x1024xf32, #tpu.memory_space<hbm>> -> memref<8x1024xf32, #tpu.memory_space<hbm>>
    tpu.enqueue_dma source(%arg10 : memref<8x1024xf32, #tpu.memory_space<vmem>>) target(%dma_start3A_440 : memref<8x1024xf32, #tpu.memory_space<hbm>>) target_semaphore(%arg24 : memref<!tpu.dma_semaphore, #tpu.memory_space<semaphore_mem>>)
    %add3A_441 = arith.constant 4096 : i32
    %add3A_442 = arith.addi %add3A_441, %add3A_434 : i32
    %dma_start3A_443 = arith.constant 0 : i32
    %dma_start3A_444 = tpu.memref_slice %arg4[%add3A_442, %dma_start3A_443] : memref<16384x1024xf32, #tpu.memory_space<hbm>> -> memref<8x1024xf32, #tpu.memory_space<hbm>>
    %dma_start3A_445 = arith.constant 0 : i32
    %dma_start3A_446 = tpu.memref_slice %arg4[%add3A_442, %dma_start3A_445] : memref<16384x1024xf32, #tpu.memory_space<hbm>> -> memref<8x1024xf32, #tpu.memory_space<hbm>>
    tpu.enqueue_dma source(%arg11 : memref<8x1024xf32, #tpu.memory_space<vmem>>) target(%dma_start3A_446 : memref<8x1024xf32, #tpu.memory_space<hbm>>) target_semaphore(%arg24 : memref<!tpu.dma_semaphore, #tpu.memory_space<semaphore_mem>>)
    %add3A_447 = arith.constant 8192 : i32
    %add3A_448 = arith.addi %add3A_447, %add3A_434 : i32
    %dma_start3A_449 = arith.constant 0 : i32
    %dma_start3A_450 = tpu.memref_slice %arg4[%add3A_448, %dma_start3A_449] : memref<16384x1024xf32, #tpu.memory_space<hbm>> -> memref<8x1024xf32, #tpu.memory_space<hbm>>
    %dma_start3A_451 = arith.constant 0 : i32
    %dma_start3A_452 = tpu.memref_slice %arg4[%add3A_448, %dma_start3A_451] : memref<16384x1024xf32, #tpu.memory_space<hbm>> -> memref<8x1024xf32, #tpu.memory_space<hbm>>
    tpu.enqueue_dma source(%arg12 : memref<8x1024xf32, #tpu.memory_space<vmem>>) target(%dma_start3A_452 : memref<8x1024xf32, #tpu.memory_space<hbm>>) target_semaphore(%arg24 : memref<!tpu.dma_semaphore, #tpu.memory_space<semaphore_mem>>)
    %add3A_453 = arith.constant 12288 : i32
    %add3A_454 = arith.addi %add3A_453, %add3A_434 : i32
    %dma_start3A_455 = arith.constant 0 : i32
    %dma_start3A_456 = tpu.memref_slice %arg4[%add3A_454, %dma_start3A_455] : memref<16384x1024xf32, #tpu.memory_space<hbm>> -> memref<8x1024xf32, #tpu.memory_space<hbm>>
    %dma_start3A_457 = arith.constant 0 : i32
    %dma_start3A_458 = tpu.memref_slice %arg4[%add3A_454, %dma_start3A_457] : memref<16384x1024xf32, #tpu.memory_space<hbm>> -> memref<8x1024xf32, #tpu.memory_space<hbm>>
    tpu.enqueue_dma source(%arg13 : memref<8x1024xf32, #tpu.memory_space<vmem>>) target(%dma_start3A_458 : memref<8x1024xf32, #tpu.memory_space<hbm>>) target_semaphore(%arg24 : memref<!tpu.dma_semaphore, #tpu.memory_space<semaphore_mem>>)
    %dma_wait3A_459 = arith.constant 0 : i32
    %dma_wait3A_460 = tpu.memref_slice %arg4[%add3A_344, %dma_wait3A_459] : memref<16384x1024xf32, #tpu.memory_space<hbm>> -> memref<8x1024xf32, #tpu.memory_space<hbm>>
    %dma_wait3A_461 = arith.constant 0 : i32
    %dma_wait3A_462 = tpu.memref_slice %arg4[%add3A_344, %dma_wait3A_461] : memref<16384x1024xf32, #tpu.memory_space<hbm>> -> memref<8x1024xf32, #tpu.memory_space<hbm>>
    tpu.wait_dma2 semaphore(%arg23 : memref<!tpu.dma_semaphore, #tpu.memory_space<semaphore_mem>>) src(%arg5 : memref<8x1024xf32, #tpu.memory_space<vmem>>) dst(%dma_wait3A_462 : memref<8x1024xf32, #tpu.memory_space<hbm>>)
    %dma_wait3A_463 = arith.constant 0 : i32
    %dma_wait3A_464 = tpu.memref_slice %arg4[%add3A_350, %dma_wait3A_463] : memref<16384x1024xf32, #tpu.memory_space<hbm>> -> memref<8x1024xf32, #tpu.memory_space<hbm>>
    %dma_wait3A_465 = arith.constant 0 : i32
    %dma_wait3A_466 = tpu.memref_slice %arg4[%add3A_350, %dma_wait3A_465] : memref<16384x1024xf32, #tpu.memory_space<hbm>> -> memref<8x1024xf32, #tpu.memory_space<hbm>>
    tpu.wait_dma2 semaphore(%arg23 : memref<!tpu.dma_semaphore, #tpu.memory_space<semaphore_mem>>) src(%arg6 : memref<8x1024xf32, #tpu.memory_space<vmem>>) dst(%dma_wait3A_466 : memref<8x1024xf32, #tpu.memory_space<hbm>>)
    %dma_wait3A_467 = arith.constant 0 : i32
    %dma_wait3A_468 = tpu.memref_slice %arg4[%add3A_356, %dma_wait3A_467] : memref<16384x1024xf32, #tpu.memory_space<hbm>> -> memref<8x1024xf32, #tpu.memory_space<hbm>>
    %dma_wait3A_469 = arith.constant 0 : i32
    %dma_wait3A_470 = tpu.memref_slice %arg4[%add3A_356, %dma_wait3A_469] : memref<16384x1024xf32, #tpu.memory_space<hbm>> -> memref<8x1024xf32, #tpu.memory_space<hbm>>
    tpu.wait_dma2 semaphore(%arg23 : memref<!tpu.dma_semaphore, #tpu.memory_space<semaphore_mem>>) src(%arg7 : memref<8x1024xf32, #tpu.memory_space<vmem>>) dst(%dma_wait3A_470 : memref<8x1024xf32, #tpu.memory_space<hbm>>)
    %dma_wait3A_471 = arith.constant 0 : i32
    %dma_wait3A_472 = tpu.memref_slice %arg4[%add3A_362, %dma_wait3A_471] : memref<16384x1024xf32, #tpu.memory_space<hbm>> -> memref<8x1024xf32, #tpu.memory_space<hbm>>
    %dma_wait3A_473 = arith.constant 0 : i32
    %dma_wait3A_474 = tpu.memref_slice %arg4[%add3A_362, %dma_wait3A_473] : memref<16384x1024xf32, #tpu.memory_space<hbm>> -> memref<8x1024xf32, #tpu.memory_space<hbm>>
    tpu.wait_dma2 semaphore(%arg23 : memref<!tpu.dma_semaphore, #tpu.memory_space<semaphore_mem>>) src(%arg8 : memref<8x1024xf32, #tpu.memory_space<vmem>>) dst(%dma_wait3A_474 : memref<8x1024xf32, #tpu.memory_space<hbm>>)
    %add3A_475 = arith.constant 48 : i32
    %add3A_476 = arith.addi %mul3A_2, %add3A_475 : i32
    %add3A_477 = arith.constant 0 : i32
    %add3A_478 = arith.addi %add3A_477, %add3A_476 : i32
    %dma_start3A_479 = arith.constant 0 : i32
    %dma_start3A_480 = tpu.memref_slice %arg2[%add3A_478, %dma_start3A_479] : memref<16384x1024xf32, #tpu.memory_space<hbm>> -> memref<8x1024xf32, #tpu.memory_space<hbm>>
    %dma_start3A_481 = arith.constant 0 : i32
    %dma_start3A_482 = tpu.memref_slice %arg2[%add3A_478, %dma_start3A_481] : memref<16384x1024xf32, #tpu.memory_space<hbm>> -> memref<8x1024xf32, #tpu.memory_space<hbm>>
    tpu.enqueue_dma source(%dma_start3A_482 : memref<8x1024xf32, #tpu.memory_space<hbm>>) target(%arg5 : memref<8x1024xf32, #tpu.memory_space<vmem>>) target_semaphore(%arg20 : memref<!tpu.dma_semaphore, #tpu.memory_space<semaphore_mem>>)
    %add3A_483 = arith.constant 4096 : i32
    %add3A_484 = arith.addi %add3A_483, %add3A_476 : i32
    %dma_start3A_485 = arith.constant 0 : i32
    %dma_start3A_486 = tpu.memref_slice %arg2[%add3A_484, %dma_start3A_485] : memref<16384x1024xf32, #tpu.memory_space<hbm>> -> memref<8x1024xf32, #tpu.memory_space<hbm>>
    %dma_start3A_487 = arith.constant 0 : i32
    %dma_start3A_488 = tpu.memref_slice %arg2[%add3A_484, %dma_start3A_487] : memref<16384x1024xf32, #tpu.memory_space<hbm>> -> memref<8x1024xf32, #tpu.memory_space<hbm>>
    tpu.enqueue_dma source(%dma_start3A_488 : memref<8x1024xf32, #tpu.memory_space<hbm>>) target(%arg6 : memref<8x1024xf32, #tpu.memory_space<vmem>>) target_semaphore(%arg20 : memref<!tpu.dma_semaphore, #tpu.memory_space<semaphore_mem>>)
    %add3A_489 = arith.constant 8192 : i32
    %add3A_490 = arith.addi %add3A_489, %add3A_476 : i32
    %dma_start3A_491 = arith.constant 0 : i32
    %dma_start3A_492 = tpu.memref_slice %arg2[%add3A_490, %dma_start3A_491] : memref<16384x1024xf32, #tpu.memory_space<hbm>> -> memref<8x1024xf32, #tpu.memory_space<hbm>>
    %dma_start3A_493 = arith.constant 0 : i32
    %dma_start3A_494 = tpu.memref_slice %arg2[%add3A_490, %dma_start3A_493] : memref<16384x1024xf32, #tpu.memory_space<hbm>> -> memref<8x1024xf32, #tpu.memory_space<hbm>>
    tpu.enqueue_dma source(%dma_start3A_494 : memref<8x1024xf32, #tpu.memory_space<hbm>>) target(%arg7 : memref<8x1024xf32, #tpu.memory_space<vmem>>) target_semaphore(%arg20 : memref<!tpu.dma_semaphore, #tpu.memory_space<semaphore_mem>>)
    %add3A_495 = arith.constant 12288 : i32
    %add3A_496 = arith.addi %add3A_495, %add3A_476 : i32
    %dma_start3A_497 = arith.constant 0 : i32
    %dma_start3A_498 = tpu.memref_slice %arg2[%add3A_496, %dma_start3A_497] : memref<16384x1024xf32, #tpu.memory_space<hbm>> -> memref<8x1024xf32, #tpu.memory_space<hbm>>
    %dma_start3A_499 = arith.constant 0 : i32
    %dma_start3A_500 = tpu.memref_slice %arg2[%add3A_496, %dma_start3A_499] : memref<16384x1024xf32, #tpu.memory_space<hbm>> -> memref<8x1024xf32, #tpu.memory_space<hbm>>
    tpu.enqueue_dma source(%dma_start3A_500 : memref<8x1024xf32, #tpu.memory_space<hbm>>) target(%arg8 : memref<8x1024xf32, #tpu.memory_space<vmem>>) target_semaphore(%arg20 : memref<!tpu.dma_semaphore, #tpu.memory_space<semaphore_mem>>)
    %dma_start3A_501 = arith.constant 0 : i32
    %dma_start3A_502 = tpu.memref_slice %arg3[%add3A_476, %dma_start3A_501] : memref<8192x1024xf32, #tpu.memory_space<hbm>> -> memref<8x1024xf32, #tpu.memory_space<hbm>>
    %dma_start3A_503 = arith.constant 0 : i32
    %dma_start3A_504 = tpu.memref_slice %arg3[%add3A_476, %dma_start3A_503] : memref<8192x1024xf32, #tpu.memory_space<hbm>> -> memref<8x1024xf32, #tpu.memory_space<hbm>>
    tpu.enqueue_dma source(%dma_start3A_504 : memref<8x1024xf32, #tpu.memory_space<hbm>>) target(%arg9 : memref<8x1024xf32, #tpu.memory_space<vmem>>) target_semaphore(%arg20 : memref<!tpu.dma_semaphore, #tpu.memory_space<semaphore_mem>>)
    %dma_wait3A_505 = arith.constant 0 : i32
    %dma_wait3A_506 = tpu.memref_slice %arg2[%add3A_386, %dma_wait3A_505] : memref<16384x1024xf32, #tpu.memory_space<hbm>> -> memref<8x1024xf32, #tpu.memory_space<hbm>>
    %dma_wait3A_507 = arith.constant 0 : i32
    %dma_wait3A_508 = tpu.memref_slice %arg2[%add3A_386, %dma_wait3A_507] : memref<16384x1024xf32, #tpu.memory_space<hbm>> -> memref<8x1024xf32, #tpu.memory_space<hbm>>
    tpu.wait_dma2 semaphore(%arg22 : memref<!tpu.dma_semaphore, #tpu.memory_space<semaphore_mem>>) src(%dma_wait3A_508 : memref<8x1024xf32, #tpu.memory_space<hbm>>) dst(%arg15 : memref<8x1024xf32, #tpu.memory_space<vmem>>)
    %dma_wait3A_509 = arith.constant 0 : i32
    %dma_wait3A_510 = tpu.memref_slice %arg2[%add3A_392, %dma_wait3A_509] : memref<16384x1024xf32, #tpu.memory_space<hbm>> -> memref<8x1024xf32, #tpu.memory_space<hbm>>
    %dma_wait3A_511 = arith.constant 0 : i32
    %dma_wait3A_512 = tpu.memref_slice %arg2[%add3A_392, %dma_wait3A_511] : memref<16384x1024xf32, #tpu.memory_space<hbm>> -> memref<8x1024xf32, #tpu.memory_space<hbm>>
    tpu.wait_dma2 semaphore(%arg22 : memref<!tpu.dma_semaphore, #tpu.memory_space<semaphore_mem>>) src(%dma_wait3A_512 : memref<8x1024xf32, #tpu.memory_space<hbm>>) dst(%arg16 : memref<8x1024xf32, #tpu.memory_space<vmem>>)
    %dma_wait3A_513 = arith.constant 0 : i32
    %dma_wait3A_514 = tpu.memref_slice %arg2[%add3A_398, %dma_wait3A_513] : memref<16384x1024xf32, #tpu.memory_space<hbm>> -> memref<8x1024xf32, #tpu.memory_space<hbm>>
    %dma_wait3A_515 = arith.constant 0 : i32
    %dma_wait3A_516 = tpu.memref_slice %arg2[%add3A_398, %dma_wait3A_515] : memref<16384x1024xf32, #tpu.memory_space<hbm>> -> memref<8x1024xf32, #tpu.memory_space<hbm>>
    tpu.wait_dma2 semaphore(%arg22 : memref<!tpu.dma_semaphore, #tpu.memory_space<semaphore_mem>>) src(%dma_wait3A_516 : memref<8x1024xf32, #tpu.memory_space<hbm>>) dst(%arg17 : memref<8x1024xf32, #tpu.memory_space<vmem>>)
    %dma_wait3A_517 = arith.constant 0 : i32
    %dma_wait3A_518 = tpu.memref_slice %arg2[%add3A_404, %dma_wait3A_517] : memref<16384x1024xf32, #tpu.memory_space<hbm>> -> memref<8x1024xf32, #tpu.memory_space<hbm>>
    %dma_wait3A_519 = arith.constant 0 : i32
    %dma_wait3A_520 = tpu.memref_slice %arg2[%add3A_404, %dma_wait3A_519] : memref<16384x1024xf32, #tpu.memory_space<hbm>> -> memref<8x1024xf32, #tpu.memory_space<hbm>>
    tpu.wait_dma2 semaphore(%arg22 : memref<!tpu.dma_semaphore, #tpu.memory_space<semaphore_mem>>) src(%dma_wait3A_520 : memref<8x1024xf32, #tpu.memory_space<hbm>>) dst(%arg18 : memref<8x1024xf32, #tpu.memory_space<vmem>>)
    %dma_wait3A_521 = arith.constant 0 : i32
    %dma_wait3A_522 = tpu.memref_slice %arg3[%add3A_384, %dma_wait3A_521] : memref<8192x1024xf32, #tpu.memory_space<hbm>> -> memref<8x1024xf32, #tpu.memory_space<hbm>>
    %dma_wait3A_523 = arith.constant 0 : i32
    %dma_wait3A_524 = tpu.memref_slice %arg3[%add3A_384, %dma_wait3A_523] : memref<8192x1024xf32, #tpu.memory_space<hbm>> -> memref<8x1024xf32, #tpu.memory_space<hbm>>
    tpu.wait_dma2 semaphore(%arg22 : memref<!tpu.dma_semaphore, #tpu.memory_space<semaphore_mem>>) src(%dma_wait3A_524 : memref<8x1024xf32, #tpu.memory_space<hbm>>) dst(%arg19 : memref<8x1024xf32, #tpu.memory_space<vmem>>)
    %add3A_525 = arith.constant 40 : i32
    %add3A_526 = arith.addi %mul3A_2, %add3A_525 : i32
    %add3A_527 = arith.constant 0 : i32
    %add3A_528 = arith.addi %add3A_527, %add3A_526 : i32
    %dma_start3A_529 = arith.constant 0 : i32
    %dma_start3A_530 = tpu.memref_slice %arg4[%add3A_528, %dma_start3A_529] : memref<16384x1024xf32, #tpu.memory_space<hbm>> -> memref<8x1024xf32, #tpu.memory_space<hbm>>
    %dma_start3A_531 = arith.constant 0 : i32
    %dma_start3A_532 = tpu.memref_slice %arg4[%add3A_528, %dma_start3A_531] : memref<16384x1024xf32, #tpu.memory_space<hbm>> -> memref<8x1024xf32, #tpu.memory_space<hbm>>
    tpu.enqueue_dma source(%arg15 : memref<8x1024xf32, #tpu.memory_space<vmem>>) target(%dma_start3A_532 : memref<8x1024xf32, #tpu.memory_space<hbm>>) target_semaphore(%arg25 : memref<!tpu.dma_semaphore, #tpu.memory_space<semaphore_mem>>)
    %add3A_533 = arith.constant 4096 : i32
    %add3A_534 = arith.addi %add3A_533, %add3A_526 : i32
    %dma_start3A_535 = arith.constant 0 : i32
    %dma_start3A_536 = tpu.memref_slice %arg4[%add3A_534, %dma_start3A_535] : memref<16384x1024xf32, #tpu.memory_space<hbm>> -> memref<8x1024xf32, #tpu.memory_space<hbm>>
    %dma_start3A_537 = arith.constant 0 : i32
    %dma_start3A_538 = tpu.memref_slice %arg4[%add3A_534, %dma_start3A_537] : memref<16384x1024xf32, #tpu.memory_space<hbm>> -> memref<8x1024xf32, #tpu.memory_space<hbm>>
    tpu.enqueue_dma source(%arg16 : memref<8x1024xf32, #tpu.memory_space<vmem>>) target(%dma_start3A_538 : memref<8x1024xf32, #tpu.memory_space<hbm>>) target_semaphore(%arg25 : memref<!tpu.dma_semaphore, #tpu.memory_space<semaphore_mem>>)
    %add3A_539 = arith.constant 8192 : i32
    %add3A_540 = arith.addi %add3A_539, %add3A_526 : i32
    %dma_start3A_541 = arith.constant 0 : i32
    %dma_start3A_542 = tpu.memref_slice %arg4[%add3A_540, %dma_start3A_541] : memref<16384x1024xf32, #tpu.memory_space<hbm>> -> memref<8x1024xf32, #tpu.memory_space<hbm>>
    %dma_start3A_543 = arith.constant 0 : i32
    %dma_start3A_544 = tpu.memref_slice %arg4[%add3A_540, %dma_start3A_543] : memref<16384x1024xf32, #tpu.memory_space<hbm>> -> memref<8x1024xf32, #tpu.memory_space<hbm>>
    tpu.enqueue_dma source(%arg17 : memref<8x1024xf32, #tpu.memory_space<vmem>>) target(%dma_start3A_544 : memref<8x1024xf32, #tpu.memory_space<hbm>>) target_semaphore(%arg25 : memref<!tpu.dma_semaphore, #tpu.memory_space<semaphore_mem>>)
    %add3A_545 = arith.constant 12288 : i32
    %add3A_546 = arith.addi %add3A_545, %add3A_526 : i32
    %dma_start3A_547 = arith.constant 0 : i32
    %dma_start3A_548 = tpu.memref_slice %arg4[%add3A_546, %dma_start3A_547] : memref<16384x1024xf32, #tpu.memory_space<hbm>> -> memref<8x1024xf32, #tpu.memory_space<hbm>>
    %dma_start3A_549 = arith.constant 0 : i32
    %dma_start3A_550 = tpu.memref_slice %arg4[%add3A_546, %dma_start3A_549] : memref<16384x1024xf32, #tpu.memory_space<hbm>> -> memref<8x1024xf32, #tpu.memory_space<hbm>>
    tpu.enqueue_dma source(%arg18 : memref<8x1024xf32, #tpu.memory_space<vmem>>) target(%dma_start3A_550 : memref<8x1024xf32, #tpu.memory_space<hbm>>) target_semaphore(%arg25 : memref<!tpu.dma_semaphore, #tpu.memory_space<semaphore_mem>>)
    %dma_wait3A_551 = arith.constant 0 : i32
    %dma_wait3A_552 = tpu.memref_slice %arg4[%add3A_436, %dma_wait3A_551] : memref<16384x1024xf32, #tpu.memory_space<hbm>> -> memref<8x1024xf32, #tpu.memory_space<hbm>>
    %dma_wait3A_553 = arith.constant 0 : i32
    %dma_wait3A_554 = tpu.memref_slice %arg4[%add3A_436, %dma_wait3A_553] : memref<16384x1024xf32, #tpu.memory_space<hbm>> -> memref<8x1024xf32, #tpu.memory_space<hbm>>
    tpu.wait_dma2 semaphore(%arg24 : memref<!tpu.dma_semaphore, #tpu.memory_space<semaphore_mem>>) src(%arg10 : memref<8x1024xf32, #tpu.memory_space<vmem>>) dst(%dma_wait3A_554 : memref<8x1024xf32, #tpu.memory_space<hbm>>)
    %dma_wait3A_555 = arith.constant 0 : i32
    %dma_wait3A_556 = tpu.memref_slice %arg4[%add3A_442, %dma_wait3A_555] : memref<16384x1024xf32, #tpu.memory_space<hbm>> -> memref<8x1024xf32, #tpu.memory_space<hbm>>
    %dma_wait3A_557 = arith.constant 0 : i32
    %dma_wait3A_558 = tpu.memref_slice %arg4[%add3A_442, %dma_wait3A_557] : memref<16384x1024xf32, #tpu.memory_space<hbm>> -> memref<8x1024xf32, #tpu.memory_space<hbm>>
    tpu.wait_dma2 semaphore(%arg24 : memref<!tpu.dma_semaphore, #tpu.memory_space<semaphore_mem>>) src(%arg11 : memref<8x1024xf32, #tpu.memory_space<vmem>>) dst(%dma_wait3A_558 : memref<8x1024xf32, #tpu.memory_space<hbm>>)
    %dma_wait3A_559 = arith.constant 0 : i32
    %dma_wait3A_560 = tpu.memref_slice %arg4[%add3A_448, %dma_wait3A_559] : memref<16384x1024xf32, #tpu.memory_space<hbm>> -> memref<8x1024xf32, #tpu.memory_space<hbm>>
    %dma_wait3A_561 = arith.constant 0 : i32
    %dma_wait3A_562 = tpu.memref_slice %arg4[%add3A_448, %dma_wait3A_561] : memref<16384x1024xf32, #tpu.memory_space<hbm>> -> memref<8x1024xf32, #tpu.memory_space<hbm>>
    tpu.wait_dma2 semaphore(%arg24 : memref<!tpu.dma_semaphore, #tpu.memory_space<semaphore_mem>>) src(%arg12 : memref<8x1024xf32, #tpu.memory_space<vmem>>) dst(%dma_wait3A_562 : memref<8x1024xf32, #tpu.memory_space<hbm>>)
    %dma_wait3A_563 = arith.constant 0 : i32
    %dma_wait3A_564 = tpu.memref_slice %arg4[%add3A_454, %dma_wait3A_563] : memref<16384x1024xf32, #tpu.memory_space<hbm>> -> memref<8x1024xf32, #tpu.memory_space<hbm>>
    %dma_wait3A_565 = arith.constant 0 : i32
    %dma_wait3A_566 = tpu.memref_slice %arg4[%add3A_454, %dma_wait3A_565] : memref<16384x1024xf32, #tpu.memory_space<hbm>> -> memref<8x1024xf32, #tpu.memory_space<hbm>>
    tpu.wait_dma2 semaphore(%arg24 : memref<!tpu.dma_semaphore, #tpu.memory_space<semaphore_mem>>) src(%arg13 : memref<8x1024xf32, #tpu.memory_space<vmem>>) dst(%dma_wait3A_566 : memref<8x1024xf32, #tpu.memory_space<hbm>>)
    %add3A_567 = arith.constant 56 : i32
    %add3A_568 = arith.addi %mul3A_2, %add3A_567 : i32
    %add3A_569 = arith.constant 0 : i32
    %add3A_570 = arith.addi %add3A_569, %add3A_568 : i32
    %dma_start3A_571 = arith.constant 0 : i32
    %dma_start3A_572 = tpu.memref_slice %arg2[%add3A_570, %dma_start3A_571] : memref<16384x1024xf32, #tpu.memory_space<hbm>> -> memref<8x1024xf32, #tpu.memory_space<hbm>>
    %dma_start3A_573 = arith.constant 0 : i32
    %dma_start3A_574 = tpu.memref_slice %arg2[%add3A_570, %dma_start3A_573] : memref<16384x1024xf32, #tpu.memory_space<hbm>> -> memref<8x1024xf32, #tpu.memory_space<hbm>>
    tpu.enqueue_dma source(%dma_start3A_574 : memref<8x1024xf32, #tpu.memory_space<hbm>>) target(%arg10 : memref<8x1024xf32, #tpu.memory_space<vmem>>) target_semaphore(%arg21 : memref<!tpu.dma_semaphore, #tpu.memory_space<semaphore_mem>>)
    %add3A_575 = arith.constant 4096 : i32
    %add3A_576 = arith.addi %add3A_575, %add3A_568 : i32
    %dma_start3A_577 = arith.constant 0 : i32
    %dma_start3A_578 = tpu.memref_slice %arg2[%add3A_576, %dma_start3A_577] : memref<16384x1024xf32, #tpu.memory_space<hbm>> -> memref<8x1024xf32, #tpu.memory_space<hbm>>
    %dma_start3A_579 = arith.constant 0 : i32
    %dma_start3A_580 = tpu.memref_slice %arg2[%add3A_576, %dma_start3A_579] : memref<16384x1024xf32, #tpu.memory_space<hbm>> -> memref<8x1024xf32, #tpu.memory_space<hbm>>
    tpu.enqueue_dma source(%dma_start3A_580 : memref<8x1024xf32, #tpu.memory_space<hbm>>) target(%arg11 : memref<8x1024xf32, #tpu.memory_space<vmem>>) target_semaphore(%arg21 : memref<!tpu.dma_semaphore, #tpu.memory_space<semaphore_mem>>)
    %add3A_581 = arith.constant 8192 : i32
    %add3A_582 = arith.addi %add3A_581, %add3A_568 : i32
    %dma_start3A_583 = arith.constant 0 : i32
    %dma_start3A_584 = tpu.memref_slice %arg2[%add3A_582, %dma_start3A_583] : memref<16384x1024xf32, #tpu.memory_space<hbm>> -> memref<8x1024xf32, #tpu.memory_space<hbm>>
    %dma_start3A_585 = arith.constant 0 : i32
    %dma_start3A_586 = tpu.memref_slice %arg2[%add3A_582, %dma_start3A_585] : memref<16384x1024xf32, #tpu.memory_space<hbm>> -> memref<8x1024xf32, #tpu.memory_space<hbm>>
    tpu.enqueue_dma source(%dma_start3A_586 : memref<8x1024xf32, #tpu.memory_space<hbm>>) target(%arg12 : memref<8x1024xf32, #tpu.memory_space<vmem>>) target_semaphore(%arg21 : memref<!tpu.dma_semaphore, #tpu.memory_space<semaphore_mem>>)
    %add3A_587 = arith.constant 12288 : i32
    %add3A_588 = arith.addi %add3A_587, %add3A_568 : i32
    %dma_start3A_589 = arith.constant 0 : i32
    %dma_start3A_590 = tpu.memref_slice %arg2[%add3A_588, %dma_start3A_589] : memref<16384x1024xf32, #tpu.memory_space<hbm>> -> memref<8x1024xf32, #tpu.memory_space<hbm>>
    %dma_start3A_591 = arith.constant 0 : i32
    %dma_start3A_592 = tpu.memref_slice %arg2[%add3A_588, %dma_start3A_591] : memref<16384x1024xf32, #tpu.memory_space<hbm>> -> memref<8x1024xf32, #tpu.memory_space<hbm>>
    tpu.enqueue_dma source(%dma_start3A_592 : memref<8x1024xf32, #tpu.memory_space<hbm>>) target(%arg13 : memref<8x1024xf32, #tpu.memory_space<vmem>>) target_semaphore(%arg21 : memref<!tpu.dma_semaphore, #tpu.memory_space<semaphore_mem>>)
    %dma_start3A_593 = arith.constant 0 : i32
    %dma_start3A_594 = tpu.memref_slice %arg3[%add3A_568, %dma_start3A_593] : memref<8192x1024xf32, #tpu.memory_space<hbm>> -> memref<8x1024xf32, #tpu.memory_space<hbm>>
    %dma_start3A_595 = arith.constant 0 : i32
    %dma_start3A_596 = tpu.memref_slice %arg3[%add3A_568, %dma_start3A_595] : memref<8192x1024xf32, #tpu.memory_space<hbm>> -> memref<8x1024xf32, #tpu.memory_space<hbm>>
    tpu.enqueue_dma source(%dma_start3A_596 : memref<8x1024xf32, #tpu.memory_space<hbm>>) target(%arg14 : memref<8x1024xf32, #tpu.memory_space<vmem>>) target_semaphore(%arg21 : memref<!tpu.dma_semaphore, #tpu.memory_space<semaphore_mem>>)
    %dma_wait3A_597 = arith.constant 0 : i32
    %dma_wait3A_598 = tpu.memref_slice %arg2[%add3A_478, %dma_wait3A_597] : memref<16384x1024xf32, #tpu.memory_space<hbm>> -> memref<8x1024xf32, #tpu.memory_space<hbm>>
    %dma_wait3A_599 = arith.constant 0 : i32
    %dma_wait3A_600 = tpu.memref_slice %arg2[%add3A_478, %dma_wait3A_599] : memref<16384x1024xf32, #tpu.memory_space<hbm>> -> memref<8x1024xf32, #tpu.memory_space<hbm>>
    tpu.wait_dma2 semaphore(%arg20 : memref<!tpu.dma_semaphore, #tpu.memory_space<semaphore_mem>>) src(%dma_wait3A_600 : memref<8x1024xf32, #tpu.memory_space<hbm>>) dst(%arg5 : memref<8x1024xf32, #tpu.memory_space<vmem>>)
    %dma_wait3A_601 = arith.constant 0 : i32
    %dma_wait3A_602 = tpu.memref_slice %arg2[%add3A_484, %dma_wait3A_601] : memref<16384x1024xf32, #tpu.memory_space<hbm>> -> memref<8x1024xf32, #tpu.memory_space<hbm>>
    %dma_wait3A_603 = arith.constant 0 : i32
    %dma_wait3A_604 = tpu.memref_slice %arg2[%add3A_484, %dma_wait3A_603] : memref<16384x1024xf32, #tpu.memory_space<hbm>> -> memref<8x1024xf32, #tpu.memory_space<hbm>>
    tpu.wait_dma2 semaphore(%arg20 : memref<!tpu.dma_semaphore, #tpu.memory_space<semaphore_mem>>) src(%dma_wait3A_604 : memref<8x1024xf32, #tpu.memory_space<hbm>>) dst(%arg6 : memref<8x1024xf32, #tpu.memory_space<vmem>>)
    %dma_wait3A_605 = arith.constant 0 : i32
    %dma_wait3A_606 = tpu.memref_slice %arg2[%add3A_490, %dma_wait3A_605] : memref<16384x1024xf32, #tpu.memory_space<hbm>> -> memref<8x1024xf32, #tpu.memory_space<hbm>>
    %dma_wait3A_607 = arith.constant 0 : i32
    %dma_wait3A_608 = tpu.memref_slice %arg2[%add3A_490, %dma_wait3A_607] : memref<16384x1024xf32, #tpu.memory_space<hbm>> -> memref<8x1024xf32, #tpu.memory_space<hbm>>
    tpu.wait_dma2 semaphore(%arg20 : memref<!tpu.dma_semaphore, #tpu.memory_space<semaphore_mem>>) src(%dma_wait3A_608 : memref<8x1024xf32, #tpu.memory_space<hbm>>) dst(%arg7 : memref<8x1024xf32, #tpu.memory_space<vmem>>)
    %dma_wait3A_609 = arith.constant 0 : i32
    %dma_wait3A_610 = tpu.memref_slice %arg2[%add3A_496, %dma_wait3A_609] : memref<16384x1024xf32, #tpu.memory_space<hbm>> -> memref<8x1024xf32, #tpu.memory_space<hbm>>
    %dma_wait3A_611 = arith.constant 0 : i32
    %dma_wait3A_612 = tpu.memref_slice %arg2[%add3A_496, %dma_wait3A_611] : memref<16384x1024xf32, #tpu.memory_space<hbm>> -> memref<8x1024xf32, #tpu.memory_space<hbm>>
    tpu.wait_dma2 semaphore(%arg20 : memref<!tpu.dma_semaphore, #tpu.memory_space<semaphore_mem>>) src(%dma_wait3A_612 : memref<8x1024xf32, #tpu.memory_space<hbm>>) dst(%arg8 : memref<8x1024xf32, #tpu.memory_space<vmem>>)
    %dma_wait3A_613 = arith.constant 0 : i32
    %dma_wait3A_614 = tpu.memref_slice %arg3[%add3A_476, %dma_wait3A_613] : memref<8192x1024xf32, #tpu.memory_space<hbm>> -> memref<8x1024xf32, #tpu.memory_space<hbm>>
    %dma_wait3A_615 = arith.constant 0 : i32
    %dma_wait3A_616 = tpu.memref_slice %arg3[%add3A_476, %dma_wait3A_615] : memref<8192x1024xf32, #tpu.memory_space<hbm>> -> memref<8x1024xf32, #tpu.memory_space<hbm>>
    tpu.wait_dma2 semaphore(%arg20 : memref<!tpu.dma_semaphore, #tpu.memory_space<semaphore_mem>>) src(%dma_wait3A_616 : memref<8x1024xf32, #tpu.memory_space<hbm>>) dst(%arg9 : memref<8x1024xf32, #tpu.memory_space<vmem>>)
    %add3A_617 = arith.constant 48 : i32
    %add3A_618 = arith.addi %mul3A_2, %add3A_617 : i32
    %add3A_619 = arith.constant 0 : i32
    %add3A_620 = arith.addi %add3A_619, %add3A_618 : i32
    %dma_start3A_621 = arith.constant 0 : i32
    %dma_start3A_622 = tpu.memref_slice %arg4[%add3A_620, %dma_start3A_621] : memref<16384x1024xf32, #tpu.memory_space<hbm>> -> memref<8x1024xf32, #tpu.memory_space<hbm>>
    %dma_start3A_623 = arith.constant 0 : i32
    %dma_start3A_624 = tpu.memref_slice %arg4[%add3A_620, %dma_start3A_623] : memref<16384x1024xf32, #tpu.memory_space<hbm>> -> memref<8x1024xf32, #tpu.memory_space<hbm>>
    tpu.enqueue_dma source(%arg5 : memref<8x1024xf32, #tpu.memory_space<vmem>>) target(%dma_start3A_624 : memref<8x1024xf32, #tpu.memory_space<hbm>>) target_semaphore(%arg23 : memref<!tpu.dma_semaphore, #tpu.memory_space<semaphore_mem>>)
    %add3A_625 = arith.constant 4096 : i32
    %add3A_626 = arith.addi %add3A_625, %add3A_618 : i32
    %dma_start3A_627 = arith.constant 0 : i32
    %dma_start3A_628 = tpu.memref_slice %arg4[%add3A_626, %dma_start3A_627] : memref<16384x1024xf32, #tpu.memory_space<hbm>> -> memref<8x1024xf32, #tpu.memory_space<hbm>>
    %dma_start3A_629 = arith.constant 0 : i32
    %dma_start3A_630 = tpu.memref_slice %arg4[%add3A_626, %dma_start3A_629] : memref<16384x1024xf32, #tpu.memory_space<hbm>> -> memref<8x1024xf32, #tpu.memory_space<hbm>>
    tpu.enqueue_dma source(%arg6 : memref<8x1024xf32, #tpu.memory_space<vmem>>) target(%dma_start3A_630 : memref<8x1024xf32, #tpu.memory_space<hbm>>) target_semaphore(%arg23 : memref<!tpu.dma_semaphore, #tpu.memory_space<semaphore_mem>>)
    %add3A_631 = arith.constant 8192 : i32
    %add3A_632 = arith.addi %add3A_631, %add3A_618 : i32
    %dma_start3A_633 = arith.constant 0 : i32
    %dma_start3A_634 = tpu.memref_slice %arg4[%add3A_632, %dma_start3A_633] : memref<16384x1024xf32, #tpu.memory_space<hbm>> -> memref<8x1024xf32, #tpu.memory_space<hbm>>
    %dma_start3A_635 = arith.constant 0 : i32
    %dma_start3A_636 = tpu.memref_slice %arg4[%add3A_632, %dma_start3A_635] : memref<16384x1024xf32, #tpu.memory_space<hbm>> -> memref<8x1024xf32, #tpu.memory_space<hbm>>
    tpu.enqueue_dma source(%arg7 : memref<8x1024xf32, #tpu.memory_space<vmem>>) target(%dma_start3A_636 : memref<8x1024xf32, #tpu.memory_space<hbm>>) target_semaphore(%arg23 : memref<!tpu.dma_semaphore, #tpu.memory_space<semaphore_mem>>)
    %add3A_637 = arith.constant 12288 : i32
    %add3A_638 = arith.addi %add3A_637, %add3A_618 : i32
    %dma_start3A_639 = arith.constant 0 : i32
    %dma_start3A_640 = tpu.memref_slice %arg4[%add3A_638, %dma_start3A_639] : memref<16384x1024xf32, #tpu.memory_space<hbm>> -> memref<8x1024xf32, #tpu.memory_space<hbm>>
    %dma_start3A_641 = arith.constant 0 : i32
    %dma_start3A_642 = tpu.memref_slice %arg4[%add3A_638, %dma_start3A_641] : memref<16384x1024xf32, #tpu.memory_space<hbm>> -> memref<8x1024xf32, #tpu.memory_space<hbm>>
    tpu.enqueue_dma source(%arg8 : memref<8x1024xf32, #tpu.memory_space<vmem>>) target(%dma_start3A_642 : memref<8x1024xf32, #tpu.memory_space<hbm>>) target_semaphore(%arg23 : memref<!tpu.dma_semaphore, #tpu.memory_space<semaphore_mem>>)
    %dma_wait3A_643 = arith.constant 0 : i32
    %dma_wait3A_644 = tpu.memref_slice %arg4[%add3A_528, %dma_wait3A_643] : memref<16384x1024xf32, #tpu.memory_space<hbm>> -> memref<8x1024xf32, #tpu.memory_space<hbm>>
    %dma_wait3A_645 = arith.constant 0 : i32
    %dma_wait3A_646 = tpu.memref_slice %arg4[%add3A_528, %dma_wait3A_645] : memref<16384x1024xf32, #tpu.memory_space<hbm>> -> memref<8x1024xf32, #tpu.memory_space<hbm>>
    tpu.wait_dma2 semaphore(%arg25 : memref<!tpu.dma_semaphore, #tpu.memory_space<semaphore_mem>>) src(%arg15 : memref<8x1024xf32, #tpu.memory_space<vmem>>) dst(%dma_wait3A_646 : memref<8x1024xf32, #tpu.memory_space<hbm>>)
    %dma_wait3A_647 = arith.constant 0 : i32
    %dma_wait3A_648 = tpu.memref_slice %arg4[%add3A_534, %dma_wait3A_647] : memref<16384x1024xf32, #tpu.memory_space<hbm>> -> memref<8x1024xf32, #tpu.memory_space<hbm>>
    %dma_wait3A_649 = arith.constant 0 : i32
    %dma_wait3A_650 = tpu.memref_slice %arg4[%add3A_534, %dma_wait3A_649] : memref<16384x1024xf32, #tpu.memory_space<hbm>> -> memref<8x1024xf32, #tpu.memory_space<hbm>>
    tpu.wait_dma2 semaphore(%arg25 : memref<!tpu.dma_semaphore, #tpu.memory_space<semaphore_mem>>) src(%arg16 : memref<8x1024xf32, #tpu.memory_space<vmem>>) dst(%dma_wait3A_650 : memref<8x1024xf32, #tpu.memory_space<hbm>>)
    %dma_wait3A_651 = arith.constant 0 : i32
    %dma_wait3A_652 = tpu.memref_slice %arg4[%add3A_540, %dma_wait3A_651] : memref<16384x1024xf32, #tpu.memory_space<hbm>> -> memref<8x1024xf32, #tpu.memory_space<hbm>>
    %dma_wait3A_653 = arith.constant 0 : i32
    %dma_wait3A_654 = tpu.memref_slice %arg4[%add3A_540, %dma_wait3A_653] : memref<16384x1024xf32, #tpu.memory_space<hbm>> -> memref<8x1024xf32, #tpu.memory_space<hbm>>
    tpu.wait_dma2 semaphore(%arg25 : memref<!tpu.dma_semaphore, #tpu.memory_space<semaphore_mem>>) src(%arg17 : memref<8x1024xf32, #tpu.memory_space<vmem>>) dst(%dma_wait3A_654 : memref<8x1024xf32, #tpu.memory_space<hbm>>)
    %dma_wait3A_655 = arith.constant 0 : i32
    %dma_wait3A_656 = tpu.memref_slice %arg4[%add3A_546, %dma_wait3A_655] : memref<16384x1024xf32, #tpu.memory_space<hbm>> -> memref<8x1024xf32, #tpu.memory_space<hbm>>
    %dma_wait3A_657 = arith.constant 0 : i32
    %dma_wait3A_658 = tpu.memref_slice %arg4[%add3A_546, %dma_wait3A_657] : memref<16384x1024xf32, #tpu.memory_space<hbm>> -> memref<8x1024xf32, #tpu.memory_space<hbm>>
    tpu.wait_dma2 semaphore(%arg25 : memref<!tpu.dma_semaphore, #tpu.memory_space<semaphore_mem>>) src(%arg18 : memref<8x1024xf32, #tpu.memory_space<vmem>>) dst(%dma_wait3A_658 : memref<8x1024xf32, #tpu.memory_space<hbm>>)
    %add3A_659 = arith.constant 64 : i32
    %add3A_660 = arith.addi %mul3A_2, %add3A_659 : i32
    %add3A_661 = arith.constant 0 : i32
    %add3A_662 = arith.addi %add3A_661, %add3A_660 : i32
    %dma_start3A_663 = arith.constant 0 : i32
    %dma_start3A_664 = tpu.memref_slice %arg2[%add3A_662, %dma_start3A_663] : memref<16384x1024xf32, #tpu.memory_space<hbm>> -> memref<8x1024xf32, #tpu.memory_space<hbm>>
    %dma_start3A_665 = arith.constant 0 : i32
    %dma_start3A_666 = tpu.memref_slice %arg2[%add3A_662, %dma_start3A_665] : memref<16384x1024xf32, #tpu.memory_space<hbm>> -> memref<8x1024xf32, #tpu.memory_space<hbm>>
    tpu.enqueue_dma source(%dma_start3A_666 : memref<8x1024xf32, #tpu.memory_space<hbm>>) target(%arg15 : memref<8x1024xf32, #tpu.memory_space<vmem>>) target_semaphore(%arg22 : memref<!tpu.dma_semaphore, #tpu.memory_space<semaphore_mem>>)
    %add3A_667 = arith.constant 4096 : i32
    %add3A_668 = arith.addi %add3A_667, %add3A_660 : i32
    %dma_start3A_669 = arith.constant 0 : i32
    %dma_start3A_670 = tpu.memref_slice %arg2[%add3A_668, %dma_start3A_669] : memref<16384x1024xf32, #tpu.memory_space<hbm>> -> memref<8x1024xf32, #tpu.memory_space<hbm>>
    %dma_start3A_671 = arith.constant 0 : i32
    %dma_start3A_672 = tpu.memref_slice %arg2[%add3A_668, %dma_start3A_671] : memref<16384x1024xf32, #tpu.memory_space<hbm>> -> memref<8x1024xf32, #tpu.memory_space<hbm>>
    tpu.enqueue_dma source(%dma_start3A_672 : memref<8x1024xf32, #tpu.memory_space<hbm>>) target(%arg16 : memref<8x1024xf32, #tpu.memory_space<vmem>>) target_semaphore(%arg22 : memref<!tpu.dma_semaphore, #tpu.memory_space<semaphore_mem>>)
    %add3A_673 = arith.constant 8192 : i32
    %add3A_674 = arith.addi %add3A_673, %add3A_660 : i32
    %dma_start3A_675 = arith.constant 0 : i32
    %dma_start3A_676 = tpu.memref_slice %arg2[%add3A_674, %dma_start3A_675] : memref<16384x1024xf32, #tpu.memory_space<hbm>> -> memref<8x1024xf32, #tpu.memory_space<hbm>>
    %dma_start3A_677 = arith.constant 0 : i32
    %dma_start3A_678 = tpu.memref_slice %arg2[%add3A_674, %dma_start3A_677] : memref<16384x1024xf32, #tpu.memory_space<hbm>> -> memref<8x1024xf32, #tpu.memory_space<hbm>>
    tpu.enqueue_dma source(%dma_start3A_678 : memref<8x1024xf32, #tpu.memory_space<hbm>>) target(%arg17 : memref<8x1024xf32, #tpu.memory_space<vmem>>) target_semaphore(%arg22 : memref<!tpu.dma_semaphore, #tpu.memory_space<semaphore_mem>>)
    %add3A_679 = arith.constant 12288 : i32
    %add3A_680 = arith.addi %add3A_679, %add3A_660 : i32
    %dma_start3A_681 = arith.constant 0 : i32
    %dma_start3A_682 = tpu.memref_slice %arg2[%add3A_680, %dma_start3A_681] : memref<16384x1024xf32, #tpu.memory_space<hbm>> -> memref<8x1024xf32, #tpu.memory_space<hbm>>
    %dma_start3A_683 = arith.constant 0 : i32
    %dma_start3A_684 = tpu.memref_slice %arg2[%add3A_680, %dma_start3A_683] : memref<16384x1024xf32, #tpu.memory_space<hbm>> -> memref<8x1024xf32, #tpu.memory_space<hbm>>
    tpu.enqueue_dma source(%dma_start3A_684 : memref<8x1024xf32, #tpu.memory_space<hbm>>) target(%arg18 : memref<8x1024xf32, #tpu.memory_space<vmem>>) target_semaphore(%arg22 : memref<!tpu.dma_semaphore, #tpu.memory_space<semaphore_mem>>)
    %dma_start3A_685 = arith.constant 0 : i32
    %dma_start3A_686 = tpu.memref_slice %arg3[%add3A_660, %dma_start3A_685] : memref<8192x1024xf32, #tpu.memory_space<hbm>> -> memref<8x1024xf32, #tpu.memory_space<hbm>>
    %dma_start3A_687 = arith.constant 0 : i32
    %dma_start3A_688 = tpu.memref_slice %arg3[%add3A_660, %dma_start3A_687] : memref<8192x1024xf32, #tpu.memory_space<hbm>> -> memref<8x1024xf32, #tpu.memory_space<hbm>>
    tpu.enqueue_dma source(%dma_start3A_688 : memref<8x1024xf32, #tpu.memory_space<hbm>>) target(%arg19 : memref<8x1024xf32, #tpu.memory_space<vmem>>) target_semaphore(%arg22 : memref<!tpu.dma_semaphore, #tpu.memory_space<semaphore_mem>>)
    %dma_wait3A_689 = arith.constant 0 : i32
    %dma_wait3A_690 = tpu.memref_slice %arg2[%add3A_570, %dma_wait3A_689] : memref<16384x1024xf32, #tpu.memory_space<hbm>> -> memref<8x1024xf32, #tpu.memory_space<hbm>>
    %dma_wait3A_691 = arith.constant 0 : i32
    %dma_wait3A_692 = tpu.memref_slice %arg2[%add3A_570, %dma_wait3A_691] : memref<16384x1024xf32, #tpu.memory_space<hbm>> -> memref<8x1024xf32, #tpu.memory_space<hbm>>
    tpu.wait_dma2 semaphore(%arg21 : memref<!tpu.dma_semaphore, #tpu.memory_space<semaphore_mem>>) src(%dma_wait3A_692 : memref<8x1024xf32, #tpu.memory_space<hbm>>) dst(%arg10 : memref<8x1024xf32, #tpu.memory_space<vmem>>)
    %dma_wait3A_693 = arith.constant 0 : i32
    %dma_wait3A_694 = tpu.memref_slice %arg2[%add3A_576, %dma_wait3A_693] : memref<16384x1024xf32, #tpu.memory_space<hbm>> -> memref<8x1024xf32, #tpu.memory_space<hbm>>
    %dma_wait3A_695 = arith.constant 0 : i32
    %dma_wait3A_696 = tpu.memref_slice %arg2[%add3A_576, %dma_wait3A_695] : memref<16384x1024xf32, #tpu.memory_space<hbm>> -> memref<8x1024xf32, #tpu.memory_space<hbm>>
    tpu.wait_dma2 semaphore(%arg21 : memref<!tpu.dma_semaphore, #tpu.memory_space<semaphore_mem>>) src(%dma_wait3A_696 : memref<8x1024xf32, #tpu.memory_space<hbm>>) dst(%arg11 : memref<8x1024xf32, #tpu.memory_space<vmem>>)
    %dma_wait3A_697 = arith.constant 0 : i32
    %dma_wait3A_698 = tpu.memref_slice %arg2[%add3A_582, %dma_wait3A_697] : memref<16384x1024xf32, #tpu.memory_space<hbm>> -> memref<8x1024xf32, #tpu.memory_space<hbm>>
    %dma_wait3A_699 = arith.constant 0 : i32
    %dma_wait3A_700 = tpu.memref_slice %arg2[%add3A_582, %dma_wait3A_699] : memref<16384x1024xf32, #tpu.memory_space<hbm>> -> memref<8x1024xf32, #tpu.memory_space<hbm>>
    tpu.wait_dma2 semaphore(%arg21 : memref<!tpu.dma_semaphore, #tpu.memory_space<semaphore_mem>>) src(%dma_wait3A_700 : memref<8x1024xf32, #tpu.memory_space<hbm>>) dst(%arg12 : memref<8x1024xf32, #tpu.memory_space<vmem>>)
    %dma_wait3A_701 = arith.constant 0 : i32
    %dma_wait3A_702 = tpu.memref_slice %arg2[%add3A_588, %dma_wait3A_701] : memref<16384x1024xf32, #tpu.memory_space<hbm>> -> memref<8x1024xf32, #tpu.memory_space<hbm>>
    %dma_wait3A_703 = arith.constant 0 : i32
    %dma_wait3A_704 = tpu.memref_slice %arg2[%add3A_588, %dma_wait3A_703] : memref<16384x1024xf32, #tpu.memory_space<hbm>> -> memref<8x1024xf32, #tpu.memory_space<hbm>>
    tpu.wait_dma2 semaphore(%arg21 : memref<!tpu.dma_semaphore, #tpu.memory_space<semaphore_mem>>) src(%dma_wait3A_704 : memref<8x1024xf32, #tpu.memory_space<hbm>>) dst(%arg13 : memref<8x1024xf32, #tpu.memory_space<vmem>>)
    %dma_wait3A_705 = arith.constant 0 : i32
    %dma_wait3A_706 = tpu.memref_slice %arg3[%add3A_568, %dma_wait3A_705] : memref<8192x1024xf32, #tpu.memory_space<hbm>> -> memref<8x1024xf32, #tpu.memory_space<hbm>>
    %dma_wait3A_707 = arith.constant 0 : i32
    %dma_wait3A_708 = tpu.memref_slice %arg3[%add3A_568, %dma_wait3A_707] : memref<8192x1024xf32, #tpu.memory_space<hbm>> -> memref<8x1024xf32, #tpu.memory_space<hbm>>
    tpu.wait_dma2 semaphore(%arg21 : memref<!tpu.dma_semaphore, #tpu.memory_space<semaphore_mem>>) src(%dma_wait3A_708 : memref<8x1024xf32, #tpu.memory_space<hbm>>) dst(%arg14 : memref<8x1024xf32, #tpu.memory_space<vmem>>)
    %add3A_709 = arith.constant 56 : i32
    %add3A_710 = arith.addi %mul3A_2, %add3A_709 : i32
    %add3A_711 = arith.constant 0 : i32
    %add3A_712 = arith.addi %add3A_711, %add3A_710 : i32
    %dma_start3A_713 = arith.constant 0 : i32
    %dma_start3A_714 = tpu.memref_slice %arg4[%add3A_712, %dma_start3A_713] : memref<16384x1024xf32, #tpu.memory_space<hbm>> -> memref<8x1024xf32, #tpu.memory_space<hbm>>
    %dma_start3A_715 = arith.constant 0 : i32
    %dma_start3A_716 = tpu.memref_slice %arg4[%add3A_712, %dma_start3A_715] : memref<16384x1024xf32, #tpu.memory_space<hbm>> -> memref<8x1024xf32, #tpu.memory_space<hbm>>
    tpu.enqueue_dma source(%arg10 : memref<8x1024xf32, #tpu.memory_space<vmem>>) target(%dma_start3A_716 : memref<8x1024xf32, #tpu.memory_space<hbm>>) target_semaphore(%arg24 : memref<!tpu.dma_semaphore, #tpu.memory_space<semaphore_mem>>)
    %add3A_717 = arith.constant 4096 : i32
    %add3A_718 = arith.addi %add3A_717, %add3A_710 : i32
    %dma_start3A_719 = arith.constant 0 : i32
    %dma_start3A_720 = tpu.memref_slice %arg4[%add3A_718, %dma_start3A_719] : memref<16384x1024xf32, #tpu.memory_space<hbm>> -> memref<8x1024xf32, #tpu.memory_space<hbm>>
    %dma_start3A_721 = arith.constant 0 : i32
    %dma_start3A_722 = tpu.memref_slice %arg4[%add3A_718, %dma_start3A_721] : memref<16384x1024xf32, #tpu.memory_space<hbm>> -> memref<8x1024xf32, #tpu.memory_space<hbm>>
    tpu.enqueue_dma source(%arg11 : memref<8x1024xf32, #tpu.memory_space<vmem>>) target(%dma_start3A_722 : memref<8x1024xf32, #tpu.memory_space<hbm>>) target_semaphore(%arg24 : memref<!tpu.dma_semaphore, #tpu.memory_space<semaphore_mem>>)
    %add3A_723 = arith.constant 8192 : i32
    %add3A_724 = arith.addi %add3A_723, %add3A_710 : i32
    %dma_start3A_725 = arith.constant 0 : i32
    %dma_start3A_726 = tpu.memref_slice %arg4[%add3A_724, %dma_start3A_725] : memref<16384x1024xf32, #tpu.memory_space<hbm>> -> memref<8x1024xf32, #tpu.memory_space<hbm>>
    %dma_start3A_727 = arith.constant 0 : i32
    %dma_start3A_728 = tpu.memref_slice %arg4[%add3A_724, %dma_start3A_727] : memref<16384x1024xf32, #tpu.memory_space<hbm>> -> memref<8x1024xf32, #tpu.memory_space<hbm>>
    tpu.enqueue_dma source(%arg12 : memref<8x1024xf32, #tpu.memory_space<vmem>>) target(%dma_start3A_728 : memref<8x1024xf32, #tpu.memory_space<hbm>>) target_semaphore(%arg24 : memref<!tpu.dma_semaphore, #tpu.memory_space<semaphore_mem>>)
    %add3A_729 = arith.constant 12288 : i32
    %add3A_730 = arith.addi %add3A_729, %add3A_710 : i32
    %dma_start3A_731 = arith.constant 0 : i32
    %dma_start3A_732 = tpu.memref_slice %arg4[%add3A_730, %dma_start3A_731] : memref<16384x1024xf32, #tpu.memory_space<hbm>> -> memref<8x1024xf32, #tpu.memory_space<hbm>>
    %dma_start3A_733 = arith.constant 0 : i32
    %dma_start3A_734 = tpu.memref_slice %arg4[%add3A_730, %dma_start3A_733] : memref<16384x1024xf32, #tpu.memory_space<hbm>> -> memref<8x1024xf32, #tpu.memory_space<hbm>>
    tpu.enqueue_dma source(%arg13 : memref<8x1024xf32, #tpu.memory_space<vmem>>) target(%dma_start3A_734 : memref<8x1024xf32, #tpu.memory_space<hbm>>) target_semaphore(%arg24 : memref<!tpu.dma_semaphore, #tpu.memory_space<semaphore_mem>>)
    %dma_wait3A_735 = arith.constant 0 : i32
    %dma_wait3A_736 = tpu.memref_slice %arg4[%add3A_620, %dma_wait3A_735] : memref<16384x1024xf32, #tpu.memory_space<hbm>> -> memref<8x1024xf32, #tpu.memory_space<hbm>>
    %dma_wait3A_737 = arith.constant 0 : i32
    %dma_wait3A_738 = tpu.memref_slice %arg4[%add3A_620, %dma_wait3A_737] : memref<16384x1024xf32, #tpu.memory_space<hbm>> -> memref<8x1024xf32, #tpu.memory_space<hbm>>
    tpu.wait_dma2 semaphore(%arg23 : memref<!tpu.dma_semaphore, #tpu.memory_space<semaphore_mem>>) src(%arg5 : memref<8x1024xf32, #tpu.memory_space<vmem>>) dst(%dma_wait3A_738 : memref<8x1024xf32, #tpu.memory_space<hbm>>)
    %dma_wait3A_739 = arith.constant 0 : i32
    %dma_wait3A_740 = tpu.memref_slice %arg4[%add3A_626, %dma_wait3A_739] : memref<16384x1024xf32, #tpu.memory_space<hbm>> -> memref<8x1024xf32, #tpu.memory_space<hbm>>
    %dma_wait3A_741 = arith.constant 0 : i32
    %dma_wait3A_742 = tpu.memref_slice %arg4[%add3A_626, %dma_wait3A_741] : memref<16384x1024xf32, #tpu.memory_space<hbm>> -> memref<8x1024xf32, #tpu.memory_space<hbm>>
    tpu.wait_dma2 semaphore(%arg23 : memref<!tpu.dma_semaphore, #tpu.memory_space<semaphore_mem>>) src(%arg6 : memref<8x1024xf32, #tpu.memory_space<vmem>>) dst(%dma_wait3A_742 : memref<8x1024xf32, #tpu.memory_space<hbm>>)
    %dma_wait3A_743 = arith.constant 0 : i32
    %dma_wait3A_744 = tpu.memref_slice %arg4[%add3A_632, %dma_wait3A_743] : memref<16384x1024xf32, #tpu.memory_space<hbm>> -> memref<8x1024xf32, #tpu.memory_space<hbm>>
    %dma_wait3A_745 = arith.constant 0 : i32
    %dma_wait3A_746 = tpu.memref_slice %arg4[%add3A_632, %dma_wait3A_745] : memref<16384x1024xf32, #tpu.memory_space<hbm>> -> memref<8x1024xf32, #tpu.memory_space<hbm>>
    tpu.wait_dma2 semaphore(%arg23 : memref<!tpu.dma_semaphore, #tpu.memory_space<semaphore_mem>>) src(%arg7 : memref<8x1024xf32, #tpu.memory_space<vmem>>) dst(%dma_wait3A_746 : memref<8x1024xf32, #tpu.memory_space<hbm>>)
    %dma_wait3A_747 = arith.constant 0 : i32
    %dma_wait3A_748 = tpu.memref_slice %arg4[%add3A_638, %dma_wait3A_747] : memref<16384x1024xf32, #tpu.memory_space<hbm>> -> memref<8x1024xf32, #tpu.memory_space<hbm>>
    %dma_wait3A_749 = arith.constant 0 : i32
    %dma_wait3A_750 = tpu.memref_slice %arg4[%add3A_638, %dma_wait3A_749] : memref<16384x1024xf32, #tpu.memory_space<hbm>> -> memref<8x1024xf32, #tpu.memory_space<hbm>>
    tpu.wait_dma2 semaphore(%arg23 : memref<!tpu.dma_semaphore, #tpu.memory_space<semaphore_mem>>) src(%arg8 : memref<8x1024xf32, #tpu.memory_space<vmem>>) dst(%dma_wait3A_750 : memref<8x1024xf32, #tpu.memory_space<hbm>>)
    %add3A_751 = arith.constant 72 : i32
    %add3A_752 = arith.addi %mul3A_2, %add3A_751 : i32
    %add3A_753 = arith.constant 0 : i32
    %add3A_754 = arith.addi %add3A_753, %add3A_752 : i32
    %dma_start3A_755 = arith.constant 0 : i32
    %dma_start3A_756 = tpu.memref_slice %arg2[%add3A_754, %dma_start3A_755] : memref<16384x1024xf32, #tpu.memory_space<hbm>> -> memref<8x1024xf32, #tpu.memory_space<hbm>>
    %dma_start3A_757 = arith.constant 0 : i32
    %dma_start3A_758 = tpu.memref_slice %arg2[%add3A_754, %dma_start3A_757] : memref<16384x1024xf32, #tpu.memory_space<hbm>> -> memref<8x1024xf32, #tpu.memory_space<hbm>>
    tpu.enqueue_dma source(%dma_start3A_758 : memref<8x1024xf32, #tpu.memory_space<hbm>>) target(%arg5 : memref<8x1024xf32, #tpu.memory_space<vmem>>) target_semaphore(%arg20 : memref<!tpu.dma_semaphore, #tpu.memory_space<semaphore_mem>>)
    %add3A_759 = arith.constant 4096 : i32
    %add3A_760 = arith.addi %add3A_759, %add3A_752 : i32
    %dma_start3A_761 = arith.constant 0 : i32
    %dma_start3A_762 = tpu.memref_slice %arg2[%add3A_760, %dma_start3A_761] : memref<16384x1024xf32, #tpu.memory_space<hbm>> -> memref<8x1024xf32, #tpu.memory_space<hbm>>
    %dma_start3A_763 = arith.constant 0 : i32
    %dma_start3A_764 = tpu.memref_slice %arg2[%add3A_760, %dma_start3A_763] : memref<16384x1024xf32, #tpu.memory_space<hbm>> -> memref<8x1024xf32, #tpu.memory_space<hbm>>
    tpu.enqueue_dma source(%dma_start3A_764 : memref<8x1024xf32, #tpu.memory_space<hbm>>) target(%arg6 : memref<8x1024xf32, #tpu.memory_space<vmem>>) target_semaphore(%arg20 : memref<!tpu.dma_semaphore, #tpu.memory_space<semaphore_mem>>)
    %add3A_765 = arith.constant 8192 : i32
    %add3A_766 = arith.addi %add3A_765, %add3A_752 : i32
    %dma_start3A_767 = arith.constant 0 : i32
    %dma_start3A_768 = tpu.memref_slice %arg2[%add3A_766, %dma_start3A_767] : memref<16384x1024xf32, #tpu.memory_space<hbm>> -> memref<8x1024xf32, #tpu.memory_space<hbm>>
    %dma_start3A_769 = arith.constant 0 : i32
    %dma_start3A_770 = tpu.memref_slice %arg2[%add3A_766, %dma_start3A_769] : memref<16384x1024xf32, #tpu.memory_space<hbm>> -> memref<8x1024xf32, #tpu.memory_space<hbm>>
    tpu.enqueue_dma source(%dma_start3A_770 : memref<8x1024xf32, #tpu.memory_space<hbm>>) target(%arg7 : memref<8x1024xf32, #tpu.memory_space<vmem>>) target_semaphore(%arg20 : memref<!tpu.dma_semaphore, #tpu.memory_space<semaphore_mem>>)
    %add3A_771 = arith.constant 12288 : i32
    %add3A_772 = arith.addi %add3A_771, %add3A_752 : i32
    %dma_start3A_773 = arith.constant 0 : i32
    %dma_start3A_774 = tpu.memref_slice %arg2[%add3A_772, %dma_start3A_773] : memref<16384x1024xf32, #tpu.memory_space<hbm>> -> memref<8x1024xf32, #tpu.memory_space<hbm>>
    %dma_start3A_775 = arith.constant 0 : i32
    %dma_start3A_776 = tpu.memref_slice %arg2[%add3A_772, %dma_start3A_775] : memref<16384x1024xf32, #tpu.memory_space<hbm>> -> memref<8x1024xf32, #tpu.memory_space<hbm>>
    tpu.enqueue_dma source(%dma_start3A_776 : memref<8x1024xf32, #tpu.memory_space<hbm>>) target(%arg8 : memref<8x1024xf32, #tpu.memory_space<vmem>>) target_semaphore(%arg20 : memref<!tpu.dma_semaphore, #tpu.memory_space<semaphore_mem>>)
    %dma_start3A_777 = arith.constant 0 : i32
    %dma_start3A_778 = tpu.memref_slice %arg3[%add3A_752, %dma_start3A_777] : memref<8192x1024xf32, #tpu.memory_space<hbm>> -> memref<8x1024xf32, #tpu.memory_space<hbm>>
    %dma_start3A_779 = arith.constant 0 : i32
    %dma_start3A_780 = tpu.memref_slice %arg3[%add3A_752, %dma_start3A_779] : memref<8192x1024xf32, #tpu.memory_space<hbm>> -> memref<8x1024xf32, #tpu.memory_space<hbm>>
    tpu.enqueue_dma source(%dma_start3A_780 : memref<8x1024xf32, #tpu.memory_space<hbm>>) target(%arg9 : memref<8x1024xf32, #tpu.memory_space<vmem>>) target_semaphore(%arg20 : memref<!tpu.dma_semaphore, #tpu.memory_space<semaphore_mem>>)
    %dma_wait3A_781 = arith.constant 0 : i32
    %dma_wait3A_782 = tpu.memref_slice %arg2[%add3A_662, %dma_wait3A_781] : memref<16384x1024xf32, #tpu.memory_space<hbm>> -> memref<8x1024xf32, #tpu.memory_space<hbm>>
    %dma_wait3A_783 = arith.constant 0 : i32
    %dma_wait3A_784 = tpu.memref_slice %arg2[%add3A_662, %dma_wait3A_783] : memref<16384x1024xf32, #tpu.memory_space<hbm>> -> memref<8x1024xf32, #tpu.memory_space<hbm>>
    tpu.wait_dma2 semaphore(%arg22 : memref<!tpu.dma_semaphore, #tpu.memory_space<semaphore_mem>>) src(%dma_wait3A_784 : memref<8x1024xf32, #tpu.memory_space<hbm>>) dst(%arg15 : memref<8x1024xf32, #tpu.memory_space<vmem>>)
    %dma_wait3A_785 = arith.constant 0 : i32
    %dma_wait3A_786 = tpu.memref_slice %arg2[%add3A_668, %dma_wait3A_785] : memref<16384x1024xf32, #tpu.memory_space<hbm>> -> memref<8x1024xf32, #tpu.memory_space<hbm>>
    %dma_wait3A_787 = arith.constant 0 : i32
    %dma_wait3A_788 = tpu.memref_slice %arg2[%add3A_668, %dma_wait3A_787] : memref<16384x1024xf32, #tpu.memory_space<hbm>> -> memref<8x1024xf32, #tpu.memory_space<hbm>>
    tpu.wait_dma2 semaphore(%arg22 : memref<!tpu.dma_semaphore, #tpu.memory_space<semaphore_mem>>) src(%dma_wait3A_788 : memref<8x1024xf32, #tpu.memory_space<hbm>>) dst(%arg16 : memref<8x1024xf32, #tpu.memory_space<vmem>>)
    %dma_wait3A_789 = arith.constant 0 : i32
    %dma_wait3A_790 = tpu.memref_slice %arg2[%add3A_674, %dma_wait3A_789] : memref<16384x1024xf32, #tpu.memory_space<hbm>> -> memref<8x1024xf32, #tpu.memory_space<hbm>>
    %dma_wait3A_791 = arith.constant 0 : i32
    %dma_wait3A_792 = tpu.memref_slice %arg2[%add3A_674, %dma_wait3A_791] : memref<16384x1024xf32, #tpu.memory_space<hbm>> -> memref<8x1024xf32, #tpu.memory_space<hbm>>
    tpu.wait_dma2 semaphore(%arg22 : memref<!tpu.dma_semaphore, #tpu.memory_space<semaphore_mem>>) src(%dma_wait3A_792 : memref<8x1024xf32, #tpu.memory_space<hbm>>) dst(%arg17 : memref<8x1024xf32, #tpu.memory_space<vmem>>)
    %dma_wait3A_793 = arith.constant 0 : i32
    %dma_wait3A_794 = tpu.memref_slice %arg2[%add3A_680, %dma_wait3A_793] : memref<16384x1024xf32, #tpu.memory_space<hbm>> -> memref<8x1024xf32, #tpu.memory_space<hbm>>
    %dma_wait3A_795 = arith.constant 0 : i32
    %dma_wait3A_796 = tpu.memref_slice %arg2[%add3A_680, %dma_wait3A_795] : memref<16384x1024xf32, #tpu.memory_space<hbm>> -> memref<8x1024xf32, #tpu.memory_space<hbm>>
    tpu.wait_dma2 semaphore(%arg22 : memref<!tpu.dma_semaphore, #tpu.memory_space<semaphore_mem>>) src(%dma_wait3A_796 : memref<8x1024xf32, #tpu.memory_space<hbm>>) dst(%arg18 : memref<8x1024xf32, #tpu.memory_space<vmem>>)
    %dma_wait3A_797 = arith.constant 0 : i32
    %dma_wait3A_798 = tpu.memref_slice %arg3[%add3A_660, %dma_wait3A_797] : memref<8192x1024xf32, #tpu.memory_space<hbm>> -> memref<8x1024xf32, #tpu.memory_space<hbm>>
    %dma_wait3A_799 = arith.constant 0 : i32
    %dma_wait3A_800 = tpu.memref_slice %arg3[%add3A_660, %dma_wait3A_799] : memref<8192x1024xf32, #tpu.memory_space<hbm>> -> memref<8x1024xf32, #tpu.memory_space<hbm>>
    tpu.wait_dma2 semaphore(%arg22 : memref<!tpu.dma_semaphore, #tpu.memory_space<semaphore_mem>>) src(%dma_wait3A_800 : memref<8x1024xf32, #tpu.memory_space<hbm>>) dst(%arg19 : memref<8x1024xf32, #tpu.memory_space<vmem>>)
    %add3A_801 = arith.constant 64 : i32
    %add3A_802 = arith.addi %mul3A_2, %add3A_801 : i32
    %add3A_803 = arith.constant 0 : i32
    %add3A_804 = arith.addi %add3A_803, %add3A_802 : i32
    %dma_start3A_805 = arith.constant 0 : i32
    %dma_start3A_806 = tpu.memref_slice %arg4[%add3A_804, %dma_start3A_805] : memref<16384x1024xf32, #tpu.memory_space<hbm>> -> memref<8x1024xf32, #tpu.memory_space<hbm>>
    %dma_start3A_807 = arith.constant 0 : i32
    %dma_start3A_808 = tpu.memref_slice %arg4[%add3A_804, %dma_start3A_807] : memref<16384x1024xf32, #tpu.memory_space<hbm>> -> memref<8x1024xf32, #tpu.memory_space<hbm>>
    tpu.enqueue_dma source(%arg15 : memref<8x1024xf32, #tpu.memory_space<vmem>>) target(%dma_start3A_808 : memref<8x1024xf32, #tpu.memory_space<hbm>>) target_semaphore(%arg25 : memref<!tpu.dma_semaphore, #tpu.memory_space<semaphore_mem>>)
    %add3A_809 = arith.constant 4096 : i32
    %add3A_810 = arith.addi %add3A_809, %add3A_802 : i32
    %dma_start3A_811 = arith.constant 0 : i32
    %dma_start3A_812 = tpu.memref_slice %arg4[%add3A_810, %dma_start3A_811] : memref<16384x1024xf32, #tpu.memory_space<hbm>> -> memref<8x1024xf32, #tpu.memory_space<hbm>>
    %dma_start3A_813 = arith.constant 0 : i32
    %dma_start3A_814 = tpu.memref_slice %arg4[%add3A_810, %dma_start3A_813] : memref<16384x1024xf32, #tpu.memory_space<hbm>> -> memref<8x1024xf32, #tpu.memory_space<hbm>>
    tpu.enqueue_dma source(%arg16 : memref<8x1024xf32, #tpu.memory_space<vmem>>) target(%dma_start3A_814 : memref<8x1024xf32, #tpu.memory_space<hbm>>) target_semaphore(%arg25 : memref<!tpu.dma_semaphore, #tpu.memory_space<semaphore_mem>>)
    %add3A_815 = arith.constant 8192 : i32
    %add3A_816 = arith.addi %add3A_815, %add3A_802 : i32
    %dma_start3A_817 = arith.constant 0 : i32
    %dma_start3A_818 = tpu.memref_slice %arg4[%add3A_816, %dma_start3A_817] : memref<16384x1024xf32, #tpu.memory_space<hbm>> -> memref<8x1024xf32, #tpu.memory_space<hbm>>
    %dma_start3A_819 = arith.constant 0 : i32
    %dma_start3A_820 = tpu.memref_slice %arg4[%add3A_816, %dma_start3A_819] : memref<16384x1024xf32, #tpu.memory_space<hbm>> -> memref<8x1024xf32, #tpu.memory_space<hbm>>
    tpu.enqueue_dma source(%arg17 : memref<8x1024xf32, #tpu.memory_space<vmem>>) target(%dma_start3A_820 : memref<8x1024xf32, #tpu.memory_space<hbm>>) target_semaphore(%arg25 : memref<!tpu.dma_semaphore, #tpu.memory_space<semaphore_mem>>)
    %add3A_821 = arith.constant 12288 : i32
    %add3A_822 = arith.addi %add3A_821, %add3A_802 : i32
    %dma_start3A_823 = arith.constant 0 : i32
    %dma_start3A_824 = tpu.memref_slice %arg4[%add3A_822, %dma_start3A_823] : memref<16384x1024xf32, #tpu.memory_space<hbm>> -> memref<8x1024xf32, #tpu.memory_space<hbm>>
    %dma_start3A_825 = arith.constant 0 : i32
    %dma_start3A_826 = tpu.memref_slice %arg4[%add3A_822, %dma_start3A_825] : memref<16384x1024xf32, #tpu.memory_space<hbm>> -> memref<8x1024xf32, #tpu.memory_space<hbm>>
    tpu.enqueue_dma source(%arg18 : memref<8x1024xf32, #tpu.memory_space<vmem>>) target(%dma_start3A_826 : memref<8x1024xf32, #tpu.memory_space<hbm>>) target_semaphore(%arg25 : memref<!tpu.dma_semaphore, #tpu.memory_space<semaphore_mem>>)
    %dma_wait3A_827 = arith.constant 0 : i32
    %dma_wait3A_828 = tpu.memref_slice %arg4[%add3A_712, %dma_wait3A_827] : memref<16384x1024xf32, #tpu.memory_space<hbm>> -> memref<8x1024xf32, #tpu.memory_space<hbm>>
    %dma_wait3A_829 = arith.constant 0 : i32
    %dma_wait3A_830 = tpu.memref_slice %arg4[%add3A_712, %dma_wait3A_829] : memref<16384x1024xf32, #tpu.memory_space<hbm>> -> memref<8x1024xf32, #tpu.memory_space<hbm>>
    tpu.wait_dma2 semaphore(%arg24 : memref<!tpu.dma_semaphore, #tpu.memory_space<semaphore_mem>>) src(%arg10 : memref<8x1024xf32, #tpu.memory_space<vmem>>) dst(%dma_wait3A_830 : memref<8x1024xf32, #tpu.memory_space<hbm>>)
    %dma_wait3A_831 = arith.constant 0 : i32
    %dma_wait3A_832 = tpu.memref_slice %arg4[%add3A_718, %dma_wait3A_831] : memref<16384x1024xf32, #tpu.memory_space<hbm>> -> memref<8x1024xf32, #tpu.memory_space<hbm>>
    %dma_wait3A_833 = arith.constant 0 : i32
    %dma_wait3A_834 = tpu.memref_slice %arg4[%add3A_718, %dma_wait3A_833] : memref<16384x1024xf32, #tpu.memory_space<hbm>> -> memref<8x1024xf32, #tpu.memory_space<hbm>>
    tpu.wait_dma2 semaphore(%arg24 : memref<!tpu.dma_semaphore, #tpu.memory_space<semaphore_mem>>) src(%arg11 : memref<8x1024xf32, #tpu.memory_space<vmem>>) dst(%dma_wait3A_834 : memref<8x1024xf32, #tpu.memory_space<hbm>>)
    %dma_wait3A_835 = arith.constant 0 : i32
    %dma_wait3A_836 = tpu.memref_slice %arg4[%add3A_724, %dma_wait3A_835] : memref<16384x1024xf32, #tpu.memory_space<hbm>> -> memref<8x1024xf32, #tpu.memory_space<hbm>>
    %dma_wait3A_837 = arith.constant 0 : i32
    %dma_wait3A_838 = tpu.memref_slice %arg4[%add3A_724, %dma_wait3A_837] : memref<16384x1024xf32, #tpu.memory_space<hbm>> -> memref<8x1024xf32, #tpu.memory_space<hbm>>
    tpu.wait_dma2 semaphore(%arg24 : memref<!tpu.dma_semaphore, #tpu.memory_space<semaphore_mem>>) src(%arg12 : memref<8x1024xf32, #tpu.memory_space<vmem>>) dst(%dma_wait3A_838 : memref<8x1024xf32, #tpu.memory_space<hbm>>)
    %dma_wait3A_839 = arith.constant 0 : i32
    %dma_wait3A_840 = tpu.memref_slice %arg4[%add3A_730, %dma_wait3A_839] : memref<16384x1024xf32, #tpu.memory_space<hbm>> -> memref<8x1024xf32, #tpu.memory_space<hbm>>
    %dma_wait3A_841 = arith.constant 0 : i32
    %dma_wait3A_842 = tpu.memref_slice %arg4[%add3A_730, %dma_wait3A_841] : memref<16384x1024xf32, #tpu.memory_space<hbm>> -> memref<8x1024xf32, #tpu.memory_space<hbm>>
    tpu.wait_dma2 semaphore(%arg24 : memref<!tpu.dma_semaphore, #tpu.memory_space<semaphore_mem>>) src(%arg13 : memref<8x1024xf32, #tpu.memory_space<vmem>>) dst(%dma_wait3A_842 : memref<8x1024xf32, #tpu.memory_space<hbm>>)
    %add3A_843 = arith.constant 80 : i32
    %add3A_844 = arith.addi %mul3A_2, %add3A_843 : i32
    %add3A_845 = arith.constant 0 : i32
    %add3A_846 = arith.addi %add3A_845, %add3A_844 : i32
    %dma_start3A_847 = arith.constant 0 : i32
    %dma_start3A_848 = tpu.memref_slice %arg2[%add3A_846, %dma_start3A_847] : memref<16384x1024xf32, #tpu.memory_space<hbm>> -> memref<8x1024xf32, #tpu.memory_space<hbm>>
    %dma_start3A_849 = arith.constant 0 : i32
    %dma_start3A_850 = tpu.memref_slice %arg2[%add3A_846, %dma_start3A_849] : memref<16384x1024xf32, #tpu.memory_space<hbm>> -> memref<8x1024xf32, #tpu.memory_space<hbm>>
    tpu.enqueue_dma source(%dma_start3A_850 : memref<8x1024xf32, #tpu.memory_space<hbm>>) target(%arg10 : memref<8x1024xf32, #tpu.memory_space<vmem>>) target_semaphore(%arg21 : memref<!tpu.dma_semaphore, #tpu.memory_space<semaphore_mem>>)
    %add3A_851 = arith.constant 4096 : i32
    %add3A_852 = arith.addi %add3A_851, %add3A_844 : i32
    %dma_start3A_853 = arith.constant 0 : i32
    %dma_start3A_854 = tpu.memref_slice %arg2[%add3A_852, %dma_start3A_853] : memref<16384x1024xf32, #tpu.memory_space<hbm>> -> memref<8x1024xf32, #tpu.memory_space<hbm>>
    %dma_start3A_855 = arith.constant 0 : i32
    %dma_start3A_856 = tpu.memref_slice %arg2[%add3A_852, %dma_start3A_855] : memref<16384x1024xf32, #tpu.memory_space<hbm>> -> memref<8x1024xf32, #tpu.memory_space<hbm>>
    tpu.enqueue_dma source(%dma_start3A_856 : memref<8x1024xf32, #tpu.memory_space<hbm>>) target(%arg11 : memref<8x1024xf32, #tpu.memory_space<vmem>>) target_semaphore(%arg21 : memref<!tpu.dma_semaphore, #tpu.memory_space<semaphore_mem>>)
    %add3A_857 = arith.constant 8192 : i32
    %add3A_858 = arith.addi %add3A_857, %add3A_844 : i32
    %dma_start3A_859 = arith.constant 0 : i32
    %dma_start3A_860 = tpu.memref_slice %arg2[%add3A_858, %dma_start3A_859] : memref<16384x1024xf32, #tpu.memory_space<hbm>> -> memref<8x1024xf32, #tpu.memory_space<hbm>>
    %dma_start3A_861 = arith.constant 0 : i32
    %dma_start3A_862 = tpu.memref_slice %arg2[%add3A_858, %dma_start3A_861] : memref<16384x1024xf32, #tpu.memory_space<hbm>> -> memref<8x1024xf32, #tpu.memory_space<hbm>>
    tpu.enqueue_dma source(%dma_start3A_862 : memref<8x1024xf32, #tpu.memory_space<hbm>>) target(%arg12 : memref<8x1024xf32, #tpu.memory_space<vmem>>) target_semaphore(%arg21 : memref<!tpu.dma_semaphore, #tpu.memory_space<semaphore_mem>>)
    %add3A_863 = arith.constant 12288 : i32
    %add3A_864 = arith.addi %add3A_863, %add3A_844 : i32
    %dma_start3A_865 = arith.constant 0 : i32
    %dma_start3A_866 = tpu.memref_slice %arg2[%add3A_864, %dma_start3A_865] : memref<16384x1024xf32, #tpu.memory_space<hbm>> -> memref<8x1024xf32, #tpu.memory_space<hbm>>
    %dma_start3A_867 = arith.constant 0 : i32
    %dma_start3A_868 = tpu.memref_slice %arg2[%add3A_864, %dma_start3A_867] : memref<16384x1024xf32, #tpu.memory_space<hbm>> -> memref<8x1024xf32, #tpu.memory_space<hbm>>
    tpu.enqueue_dma source(%dma_start3A_868 : memref<8x1024xf32, #tpu.memory_space<hbm>>) target(%arg13 : memref<8x1024xf32, #tpu.memory_space<vmem>>) target_semaphore(%arg21 : memref<!tpu.dma_semaphore, #tpu.memory_space<semaphore_mem>>)
    %dma_start3A_869 = arith.constant 0 : i32
    %dma_start3A_870 = tpu.memref_slice %arg3[%add3A_844, %dma_start3A_869] : memref<8192x1024xf32, #tpu.memory_space<hbm>> -> memref<8x1024xf32, #tpu.memory_space<hbm>>
    %dma_start3A_871 = arith.constant 0 : i32
    %dma_start3A_872 = tpu.memref_slice %arg3[%add3A_844, %dma_start3A_871] : memref<8192x1024xf32, #tpu.memory_space<hbm>> -> memref<8x1024xf32, #tpu.memory_space<hbm>>
    tpu.enqueue_dma source(%dma_start3A_872 : memref<8x1024xf32, #tpu.memory_space<hbm>>) target(%arg14 : memref<8x1024xf32, #tpu.memory_space<vmem>>) target_semaphore(%arg21 : memref<!tpu.dma_semaphore, #tpu.memory_space<semaphore_mem>>)
    %dma_wait3A_873 = arith.constant 0 : i32
    %dma_wait3A_874 = tpu.memref_slice %arg2[%add3A_754, %dma_wait3A_873] : memref<16384x1024xf32, #tpu.memory_space<hbm>> -> memref<8x1024xf32, #tpu.memory_space<hbm>>
    %dma_wait3A_875 = arith.constant 0 : i32
    %dma_wait3A_876 = tpu.memref_slice %arg2[%add3A_754, %dma_wait3A_875] : memref<16384x1024xf32, #tpu.memory_space<hbm>> -> memref<8x1024xf32, #tpu.memory_space<hbm>>
    tpu.wait_dma2 semaphore(%arg20 : memref<!tpu.dma_semaphore, #tpu.memory_space<semaphore_mem>>) src(%dma_wait3A_876 : memref<8x1024xf32, #tpu.memory_space<hbm>>) dst(%arg5 : memref<8x1024xf32, #tpu.memory_space<vmem>>)
    %dma_wait3A_877 = arith.constant 0 : i32
    %dma_wait3A_878 = tpu.memref_slice %arg2[%add3A_760, %dma_wait3A_877] : memref<16384x1024xf32, #tpu.memory_space<hbm>> -> memref<8x1024xf32, #tpu.memory_space<hbm>>
    %dma_wait3A_879 = arith.constant 0 : i32
    %dma_wait3A_880 = tpu.memref_slice %arg2[%add3A_760, %dma_wait3A_879] : memref<16384x1024xf32, #tpu.memory_space<hbm>> -> memref<8x1024xf32, #tpu.memory_space<hbm>>
    tpu.wait_dma2 semaphore(%arg20 : memref<!tpu.dma_semaphore, #tpu.memory_space<semaphore_mem>>) src(%dma_wait3A_880 : memref<8x1024xf32, #tpu.memory_space<hbm>>) dst(%arg6 : memref<8x1024xf32, #tpu.memory_space<vmem>>)
    %dma_wait3A_881 = arith.constant 0 : i32
    %dma_wait3A_882 = tpu.memref_slice %arg2[%add3A_766, %dma_wait3A_881] : memref<16384x1024xf32, #tpu.memory_space<hbm>> -> memref<8x1024xf32, #tpu.memory_space<hbm>>
    %dma_wait3A_883 = arith.constant 0 : i32
    %dma_wait3A_884 = tpu.memref_slice %arg2[%add3A_766, %dma_wait3A_883] : memref<16384x1024xf32, #tpu.memory_space<hbm>> -> memref<8x1024xf32, #tpu.memory_space<hbm>>
    tpu.wait_dma2 semaphore(%arg20 : memref<!tpu.dma_semaphore, #tpu.memory_space<semaphore_mem>>) src(%dma_wait3A_884 : memref<8x1024xf32, #tpu.memory_space<hbm>>) dst(%arg7 : memref<8x1024xf32, #tpu.memory_space<vmem>>)
    %dma_wait3A_885 = arith.constant 0 : i32
    %dma_wait3A_886 = tpu.memref_slice %arg2[%add3A_772, %dma_wait3A_885] : memref<16384x1024xf32, #tpu.memory_space<hbm>> -> memref<8x1024xf32, #tpu.memory_space<hbm>>
    %dma_wait3A_887 = arith.constant 0 : i32
    %dma_wait3A_888 = tpu.memref_slice %arg2[%add3A_772, %dma_wait3A_887] : memref<16384x1024xf32, #tpu.memory_space<hbm>> -> memref<8x1024xf32, #tpu.memory_space<hbm>>
    tpu.wait_dma2 semaphore(%arg20 : memref<!tpu.dma_semaphore, #tpu.memory_space<semaphore_mem>>) src(%dma_wait3A_888 : memref<8x1024xf32, #tpu.memory_space<hbm>>) dst(%arg8 : memref<8x1024xf32, #tpu.memory_space<vmem>>)
    %dma_wait3A_889 = arith.constant 0 : i32
    %dma_wait3A_890 = tpu.memref_slice %arg3[%add3A_752, %dma_wait3A_889] : memref<8192x1024xf32, #tpu.memory_space<hbm>> -> memref<8x1024xf32, #tpu.memory_space<hbm>>
    %dma_wait3A_891 = arith.constant 0 : i32
    %dma_wait3A_892 = tpu.memref_slice %arg3[%add3A_752, %dma_wait3A_891] : memref<8192x1024xf32, #tpu.memory_space<hbm>> -> memref<8x1024xf32, #tpu.memory_space<hbm>>
    tpu.wait_dma2 semaphore(%arg20 : memref<!tpu.dma_semaphore, #tpu.memory_space<semaphore_mem>>) src(%dma_wait3A_892 : memref<8x1024xf32, #tpu.memory_space<hbm>>) dst(%arg9 : memref<8x1024xf32, #tpu.memory_space<vmem>>)
    %add3A_893 = arith.constant 72 : i32
    %add3A_894 = arith.addi %mul3A_2, %add3A_893 : i32
    %add3A_895 = arith.constant 0 : i32
    %add3A_896 = arith.addi %add3A_895, %add3A_894 : i32
    %dma_start3A_897 = arith.constant 0 : i32
    %dma_start3A_898 = tpu.memref_slice %arg4[%add3A_896, %dma_start3A_897] : memref<16384x1024xf32, #tpu.memory_space<hbm>> -> memref<8x1024xf32, #tpu.memory_space<hbm>>
    %dma_start3A_899 = arith.constant 0 : i32
    %dma_start3A_900 = tpu.memref_slice %arg4[%add3A_896, %dma_start3A_899] : memref<16384x1024xf32, #tpu.memory_space<hbm>> -> memref<8x1024xf32, #tpu.memory_space<hbm>>
    tpu.enqueue_dma source(%arg5 : memref<8x1024xf32, #tpu.memory_space<vmem>>) target(%dma_start3A_900 : memref<8x1024xf32, #tpu.memory_space<hbm>>) target_semaphore(%arg23 : memref<!tpu.dma_semaphore, #tpu.memory_space<semaphore_mem>>)
    %add3A_901 = arith.constant 4096 : i32
    %add3A_902 = arith.addi %add3A_901, %add3A_894 : i32
    %dma_start3A_903 = arith.constant 0 : i32
    %dma_start3A_904 = tpu.memref_slice %arg4[%add3A_902, %dma_start3A_903] : memref<16384x1024xf32, #tpu.memory_space<hbm>> -> memref<8x1024xf32, #tpu.memory_space<hbm>>
    %dma_start3A_905 = arith.constant 0 : i32
    %dma_start3A_906 = tpu.memref_slice %arg4[%add3A_902, %dma_start3A_905] : memref<16384x1024xf32, #tpu.memory_space<hbm>> -> memref<8x1024xf32, #tpu.memory_space<hbm>>
    tpu.enqueue_dma source(%arg6 : memref<8x1024xf32, #tpu.memory_space<vmem>>) target(%dma_start3A_906 : memref<8x1024xf32, #tpu.memory_space<hbm>>) target_semaphore(%arg23 : memref<!tpu.dma_semaphore, #tpu.memory_space<semaphore_mem>>)
    %add3A_907 = arith.constant 8192 : i32
    %add3A_908 = arith.addi %add3A_907, %add3A_894 : i32
    %dma_start3A_909 = arith.constant 0 : i32
    %dma_start3A_910 = tpu.memref_slice %arg4[%add3A_908, %dma_start3A_909] : memref<16384x1024xf32, #tpu.memory_space<hbm>> -> memref<8x1024xf32, #tpu.memory_space<hbm>>
    %dma_start3A_911 = arith.constant 0 : i32
    %dma_start3A_912 = tpu.memref_slice %arg4[%add3A_908, %dma_start3A_911] : memref<16384x1024xf32, #tpu.memory_space<hbm>> -> memref<8x1024xf32, #tpu.memory_space<hbm>>
    tpu.enqueue_dma source(%arg7 : memref<8x1024xf32, #tpu.memory_space<vmem>>) target(%dma_start3A_912 : memref<8x1024xf32, #tpu.memory_space<hbm>>) target_semaphore(%arg23 : memref<!tpu.dma_semaphore, #tpu.memory_space<semaphore_mem>>)
    %add3A_913 = arith.constant 12288 : i32
    %add3A_914 = arith.addi %add3A_913, %add3A_894 : i32
    %dma_start3A_915 = arith.constant 0 : i32
    %dma_start3A_916 = tpu.memref_slice %arg4[%add3A_914, %dma_start3A_915] : memref<16384x1024xf32, #tpu.memory_space<hbm>> -> memref<8x1024xf32, #tpu.memory_space<hbm>>
    %dma_start3A_917 = arith.constant 0 : i32
    %dma_start3A_918 = tpu.memref_slice %arg4[%add3A_914, %dma_start3A_917] : memref<16384x1024xf32, #tpu.memory_space<hbm>> -> memref<8x1024xf32, #tpu.memory_space<hbm>>
    tpu.enqueue_dma source(%arg8 : memref<8x1024xf32, #tpu.memory_space<vmem>>) target(%dma_start3A_918 : memref<8x1024xf32, #tpu.memory_space<hbm>>) target_semaphore(%arg23 : memref<!tpu.dma_semaphore, #tpu.memory_space<semaphore_mem>>)
    %dma_wait3A_919 = arith.constant 0 : i32
    %dma_wait3A_920 = tpu.memref_slice %arg4[%add3A_804, %dma_wait3A_919] : memref<16384x1024xf32, #tpu.memory_space<hbm>> -> memref<8x1024xf32, #tpu.memory_space<hbm>>
    %dma_wait3A_921 = arith.constant 0 : i32
    %dma_wait3A_922 = tpu.memref_slice %arg4[%add3A_804, %dma_wait3A_921] : memref<16384x1024xf32, #tpu.memory_space<hbm>> -> memref<8x1024xf32, #tpu.memory_space<hbm>>
    tpu.wait_dma2 semaphore(%arg25 : memref<!tpu.dma_semaphore, #tpu.memory_space<semaphore_mem>>) src(%arg15 : memref<8x1024xf32, #tpu.memory_space<vmem>>) dst(%dma_wait3A_922 : memref<8x1024xf32, #tpu.memory_space<hbm>>)
    %dma_wait3A_923 = arith.constant 0 : i32
    %dma_wait3A_924 = tpu.memref_slice %arg4[%add3A_810, %dma_wait3A_923] : memref<16384x1024xf32, #tpu.memory_space<hbm>> -> memref<8x1024xf32, #tpu.memory_space<hbm>>
    %dma_wait3A_925 = arith.constant 0 : i32
    %dma_wait3A_926 = tpu.memref_slice %arg4[%add3A_810, %dma_wait3A_925] : memref<16384x1024xf32, #tpu.memory_space<hbm>> -> memref<8x1024xf32, #tpu.memory_space<hbm>>
    tpu.wait_dma2 semaphore(%arg25 : memref<!tpu.dma_semaphore, #tpu.memory_space<semaphore_mem>>) src(%arg16 : memref<8x1024xf32, #tpu.memory_space<vmem>>) dst(%dma_wait3A_926 : memref<8x1024xf32, #tpu.memory_space<hbm>>)
    %dma_wait3A_927 = arith.constant 0 : i32
    %dma_wait3A_928 = tpu.memref_slice %arg4[%add3A_816, %dma_wait3A_927] : memref<16384x1024xf32, #tpu.memory_space<hbm>> -> memref<8x1024xf32, #tpu.memory_space<hbm>>
    %dma_wait3A_929 = arith.constant 0 : i32
    %dma_wait3A_930 = tpu.memref_slice %arg4[%add3A_816, %dma_wait3A_929] : memref<16384x1024xf32, #tpu.memory_space<hbm>> -> memref<8x1024xf32, #tpu.memory_space<hbm>>
    tpu.wait_dma2 semaphore(%arg25 : memref<!tpu.dma_semaphore, #tpu.memory_space<semaphore_mem>>) src(%arg17 : memref<8x1024xf32, #tpu.memory_space<vmem>>) dst(%dma_wait3A_930 : memref<8x1024xf32, #tpu.memory_space<hbm>>)
    %dma_wait3A_931 = arith.constant 0 : i32
    %dma_wait3A_932 = tpu.memref_slice %arg4[%add3A_822, %dma_wait3A_931] : memref<16384x1024xf32, #tpu.memory_space<hbm>> -> memref<8x1024xf32, #tpu.memory_space<hbm>>
    %dma_wait3A_933 = arith.constant 0 : i32
    %dma_wait3A_934 = tpu.memref_slice %arg4[%add3A_822, %dma_wait3A_933] : memref<16384x1024xf32, #tpu.memory_space<hbm>> -> memref<8x1024xf32, #tpu.memory_space<hbm>>
    tpu.wait_dma2 semaphore(%arg25 : memref<!tpu.dma_semaphore, #tpu.memory_space<semaphore_mem>>) src(%arg18 : memref<8x1024xf32, #tpu.memory_space<vmem>>) dst(%dma_wait3A_934 : memref<8x1024xf32, #tpu.memory_space<hbm>>)
    %add3A_935 = arith.constant 88 : i32
    %add3A_936 = arith.addi %mul3A_2, %add3A_935 : i32
    %add3A_937 = arith.constant 0 : i32
    %add3A_938 = arith.addi %add3A_937, %add3A_936 : i32
    %dma_start3A_939 = arith.constant 0 : i32
    %dma_start3A_940 = tpu.memref_slice %arg2[%add3A_938, %dma_start3A_939] : memref<16384x1024xf32, #tpu.memory_space<hbm>> -> memref<8x1024xf32, #tpu.memory_space<hbm>>
    %dma_start3A_941 = arith.constant 0 : i32
    %dma_start3A_942 = tpu.memref_slice %arg2[%add3A_938, %dma_start3A_941] : memref<16384x1024xf32, #tpu.memory_space<hbm>> -> memref<8x1024xf32, #tpu.memory_space<hbm>>
    tpu.enqueue_dma source(%dma_start3A_942 : memref<8x1024xf32, #tpu.memory_space<hbm>>) target(%arg15 : memref<8x1024xf32, #tpu.memory_space<vmem>>) target_semaphore(%arg22 : memref<!tpu.dma_semaphore, #tpu.memory_space<semaphore_mem>>)
    %add3A_943 = arith.constant 4096 : i32
    %add3A_944 = arith.addi %add3A_943, %add3A_936 : i32
    %dma_start3A_945 = arith.constant 0 : i32
    %dma_start3A_946 = tpu.memref_slice %arg2[%add3A_944, %dma_start3A_945] : memref<16384x1024xf32, #tpu.memory_space<hbm>> -> memref<8x1024xf32, #tpu.memory_space<hbm>>
    %dma_start3A_947 = arith.constant 0 : i32
    %dma_start3A_948 = tpu.memref_slice %arg2[%add3A_944, %dma_start3A_947] : memref<16384x1024xf32, #tpu.memory_space<hbm>> -> memref<8x1024xf32, #tpu.memory_space<hbm>>
    tpu.enqueue_dma source(%dma_start3A_948 : memref<8x1024xf32, #tpu.memory_space<hbm>>) target(%arg16 : memref<8x1024xf32, #tpu.memory_space<vmem>>) target_semaphore(%arg22 : memref<!tpu.dma_semaphore, #tpu.memory_space<semaphore_mem>>)
    %add3A_949 = arith.constant 8192 : i32
    %add3A_950 = arith.addi %add3A_949, %add3A_936 : i32
    %dma_start3A_951 = arith.constant 0 : i32
    %dma_start3A_952 = tpu.memref_slice %arg2[%add3A_950, %dma_start3A_951] : memref<16384x1024xf32, #tpu.memory_space<hbm>> -> memref<8x1024xf32, #tpu.memory_space<hbm>>
    %dma_start3A_953 = arith.constant 0 : i32
    %dma_start3A_954 = tpu.memref_slice %arg2[%add3A_950, %dma_start3A_953] : memref<16384x1024xf32, #tpu.memory_space<hbm>> -> memref<8x1024xf32, #tpu.memory_space<hbm>>
    tpu.enqueue_dma source(%dma_start3A_954 : memref<8x1024xf32, #tpu.memory_space<hbm>>) target(%arg17 : memref<8x1024xf32, #tpu.memory_space<vmem>>) target_semaphore(%arg22 : memref<!tpu.dma_semaphore, #tpu.memory_space<semaphore_mem>>)
    %add3A_955 = arith.constant 12288 : i32
    %add3A_956 = arith.addi %add3A_955, %add3A_936 : i32
    %dma_start3A_957 = arith.constant 0 : i32
    %dma_start3A_958 = tpu.memref_slice %arg2[%add3A_956, %dma_start3A_957] : memref<16384x1024xf32, #tpu.memory_space<hbm>> -> memref<8x1024xf32, #tpu.memory_space<hbm>>
    %dma_start3A_959 = arith.constant 0 : i32
    %dma_start3A_960 = tpu.memref_slice %arg2[%add3A_956, %dma_start3A_959] : memref<16384x1024xf32, #tpu.memory_space<hbm>> -> memref<8x1024xf32, #tpu.memory_space<hbm>>
    tpu.enqueue_dma source(%dma_start3A_960 : memref<8x1024xf32, #tpu.memory_space<hbm>>) target(%arg18 : memref<8x1024xf32, #tpu.memory_space<vmem>>) target_semaphore(%arg22 : memref<!tpu.dma_semaphore, #tpu.memory_space<semaphore_mem>>)
    %dma_start3A_961 = arith.constant 0 : i32
    %dma_start3A_962 = tpu.memref_slice %arg3[%add3A_936, %dma_start3A_961] : memref<8192x1024xf32, #tpu.memory_space<hbm>> -> memref<8x1024xf32, #tpu.memory_space<hbm>>
    %dma_start3A_963 = arith.constant 0 : i32
    %dma_start3A_964 = tpu.memref_slice %arg3[%add3A_936, %dma_start3A_963] : memref<8192x1024xf32, #tpu.memory_space<hbm>> -> memref<8x1024xf32, #tpu.memory_space<hbm>>
    tpu.enqueue_dma source(%dma_start3A_964 : memref<8x1024xf32, #tpu.memory_space<hbm>>) target(%arg19 : memref<8x1024xf32, #tpu.memory_space<vmem>>) target_semaphore(%arg22 : memref<!tpu.dma_semaphore, #tpu.memory_space<semaphore_mem>>)
    %dma_wait3A_965 = arith.constant 0 : i32
    %dma_wait3A_966 = tpu.memref_slice %arg2[%add3A_846, %dma_wait3A_965] : memref<16384x1024xf32, #tpu.memory_space<hbm>> -> memref<8x1024xf32, #tpu.memory_space<hbm>>
    %dma_wait3A_967 = arith.constant 0 : i32
    %dma_wait3A_968 = tpu.memref_slice %arg2[%add3A_846, %dma_wait3A_967] : memref<16384x1024xf32, #tpu.memory_space<hbm>> -> memref<8x1024xf32, #tpu.memory_space<hbm>>
    tpu.wait_dma2 semaphore(%arg21 : memref<!tpu.dma_semaphore, #tpu.memory_space<semaphore_mem>>) src(%dma_wait3A_968 : memref<8x1024xf32, #tpu.memory_space<hbm>>) dst(%arg10 : memref<8x1024xf32, #tpu.memory_space<vmem>>)
    %dma_wait3A_969 = arith.constant 0 : i32
    %dma_wait3A_970 = tpu.memref_slice %arg2[%add3A_852, %dma_wait3A_969] : memref<16384x1024xf32, #tpu.memory_space<hbm>> -> memref<8x1024xf32, #tpu.memory_space<hbm>>
    %dma_wait3A_971 = arith.constant 0 : i32
    %dma_wait3A_972 = tpu.memref_slice %arg2[%add3A_852, %dma_wait3A_971] : memref<16384x1024xf32, #tpu.memory_space<hbm>> -> memref<8x1024xf32, #tpu.memory_space<hbm>>
    tpu.wait_dma2 semaphore(%arg21 : memref<!tpu.dma_semaphore, #tpu.memory_space<semaphore_mem>>) src(%dma_wait3A_972 : memref<8x1024xf32, #tpu.memory_space<hbm>>) dst(%arg11 : memref<8x1024xf32, #tpu.memory_space<vmem>>)
    %dma_wait3A_973 = arith.constant 0 : i32
    %dma_wait3A_974 = tpu.memref_slice %arg2[%add3A_858, %dma_wait3A_973] : memref<16384x1024xf32, #tpu.memory_space<hbm>> -> memref<8x1024xf32, #tpu.memory_space<hbm>>
    %dma_wait3A_975 = arith.constant 0 : i32
    %dma_wait3A_976 = tpu.memref_slice %arg2[%add3A_858, %dma_wait3A_975] : memref<16384x1024xf32, #tpu.memory_space<hbm>> -> memref<8x1024xf32, #tpu.memory_space<hbm>>
    tpu.wait_dma2 semaphore(%arg21 : memref<!tpu.dma_semaphore, #tpu.memory_space<semaphore_mem>>) src(%dma_wait3A_976 : memref<8x1024xf32, #tpu.memory_space<hbm>>) dst(%arg12 : memref<8x1024xf32, #tpu.memory_space<vmem>>)
    %dma_wait3A_977 = arith.constant 0 : i32
    %dma_wait3A_978 = tpu.memref_slice %arg2[%add3A_864, %dma_wait3A_977] : memref<16384x1024xf32, #tpu.memory_space<hbm>> -> memref<8x1024xf32, #tpu.memory_space<hbm>>
    %dma_wait3A_979 = arith.constant 0 : i32
    %dma_wait3A_980 = tpu.memref_slice %arg2[%add3A_864, %dma_wait3A_979] : memref<16384x1024xf32, #tpu.memory_space<hbm>> -> memref<8x1024xf32, #tpu.memory_space<hbm>>
    tpu.wait_dma2 semaphore(%arg21 : memref<!tpu.dma_semaphore, #tpu.memory_space<semaphore_mem>>) src(%dma_wait3A_980 : memref<8x1024xf32, #tpu.memory_space<hbm>>) dst(%arg13 : memref<8x1024xf32, #tpu.memory_space<vmem>>)
    %dma_wait3A_981 = arith.constant 0 : i32
    %dma_wait3A_982 = tpu.memref_slice %arg3[%add3A_844, %dma_wait3A_981] : memref<8192x1024xf32, #tpu.memory_space<hbm>> -> memref<8x1024xf32, #tpu.memory_space<hbm>>
    %dma_wait3A_983 = arith.constant 0 : i32
    %dma_wait3A_984 = tpu.memref_slice %arg3[%add3A_844, %dma_wait3A_983] : memref<8192x1024xf32, #tpu.memory_space<hbm>> -> memref<8x1024xf32, #tpu.memory_space<hbm>>
    tpu.wait_dma2 semaphore(%arg21 : memref<!tpu.dma_semaphore, #tpu.memory_space<semaphore_mem>>) src(%dma_wait3A_984 : memref<8x1024xf32, #tpu.memory_space<hbm>>) dst(%arg14 : memref<8x1024xf32, #tpu.memory_space<vmem>>)
    %add3A_985 = arith.constant 80 : i32
    %add3A_986 = arith.addi %mul3A_2, %add3A_985 : i32
    %add3A_987 = arith.constant 0 : i32
    %add3A_988 = arith.addi %add3A_987, %add3A_986 : i32
    %dma_start3A_989 = arith.constant 0 : i32
    %dma_start3A_990 = tpu.memref_slice %arg4[%add3A_988, %dma_start3A_989] : memref<16384x1024xf32, #tpu.memory_space<hbm>> -> memref<8x1024xf32, #tpu.memory_space<hbm>>
    %dma_start3A_991 = arith.constant 0 : i32
    %dma_start3A_992 = tpu.memref_slice %arg4[%add3A_988, %dma_start3A_991] : memref<16384x1024xf32, #tpu.memory_space<hbm>> -> memref<8x1024xf32, #tpu.memory_space<hbm>>
    tpu.enqueue_dma source(%arg10 : memref<8x1024xf32, #tpu.memory_space<vmem>>) target(%dma_start3A_992 : memref<8x1024xf32, #tpu.memory_space<hbm>>) target_semaphore(%arg24 : memref<!tpu.dma_semaphore, #tpu.memory_space<semaphore_mem>>)
    %add3A_993 = arith.constant 4096 : i32
    %add3A_994 = arith.addi %add3A_993, %add3A_986 : i32
    %dma_start3A_995 = arith.constant 0 : i32
    %dma_start3A_996 = tpu.memref_slice %arg4[%add3A_994, %dma_start3A_995] : memref<16384x1024xf32, #tpu.memory_space<hbm>> -> memref<8x1024xf32, #tpu.memory_space<hbm>>
    %dma_start3A_997 = arith.constant 0 : i32
    %dma_start3A_998 = tpu.memref_slice %arg4[%add3A_994, %dma_start3A_997] : memref<16384x1024xf32, #tpu.memory_space<hbm>> -> memref<8x1024xf32, #tpu.memory_space<hbm>>
    tpu.enqueue_dma source(%arg11 : memref<8x1024xf32, #tpu.memory_space<vmem>>) target(%dma_start3A_998 : memref<8x1024xf32, #tpu.memory_space<hbm>>) target_semaphore(%arg24 : memref<!tpu.dma_semaphore, #tpu.memory_space<semaphore_mem>>)
    %add3A_999 = arith.constant 8192 : i32
    %add3A_1000 = arith.addi %add3A_999, %add3A_986 : i32
    %dma_start3A_1001 = arith.constant 0 : i32
    %dma_start3A_1002 = tpu.memref_slice %arg4[%add3A_1000, %dma_start3A_1001] : memref<16384x1024xf32, #tpu.memory_space<hbm>> -> memref<8x1024xf32, #tpu.memory_space<hbm>>
    %dma_start3A_1003 = arith.constant 0 : i32
    %dma_start3A_1004 = tpu.memref_slice %arg4[%add3A_1000, %dma_start3A_1003] : memref<16384x1024xf32, #tpu.memory_space<hbm>> -> memref<8x1024xf32, #tpu.memory_space<hbm>>
    tpu.enqueue_dma source(%arg12 : memref<8x1024xf32, #tpu.memory_space<vmem>>) target(%dma_start3A_1004 : memref<8x1024xf32, #tpu.memory_space<hbm>>) target_semaphore(%arg24 : memref<!tpu.dma_semaphore, #tpu.memory_space<semaphore_mem>>)
    %add3A_1005 = arith.constant 12288 : i32
    %add3A_1006 = arith.addi %add3A_1005, %add3A_986 : i32
    %dma_start3A_1007 = arith.constant 0 : i32
    %dma_start3A_1008 = tpu.memref_slice %arg4[%add3A_1006, %dma_start3A_1007] : memref<16384x1024xf32, #tpu.memory_space<hbm>> -> memref<8x1024xf32, #tpu.memory_space<hbm>>
    %dma_start3A_1009 = arith.constant 0 : i32
    %dma_start3A_1010 = tpu.memref_slice %arg4[%add3A_1006, %dma_start3A_1009] : memref<16384x1024xf32, #tpu.memory_space<hbm>> -> memref<8x1024xf32, #tpu.memory_space<hbm>>
    tpu.enqueue_dma source(%arg13 : memref<8x1024xf32, #tpu.memory_space<vmem>>) target(%dma_start3A_1010 : memref<8x1024xf32, #tpu.memory_space<hbm>>) target_semaphore(%arg24 : memref<!tpu.dma_semaphore, #tpu.memory_space<semaphore_mem>>)
    %dma_wait3A_1011 = arith.constant 0 : i32
    %dma_wait3A_1012 = tpu.memref_slice %arg4[%add3A_896, %dma_wait3A_1011] : memref<16384x1024xf32, #tpu.memory_space<hbm>> -> memref<8x1024xf32, #tpu.memory_space<hbm>>
    %dma_wait3A_1013 = arith.constant 0 : i32
    %dma_wait3A_1014 = tpu.memref_slice %arg4[%add3A_896, %dma_wait3A_1013] : memref<16384x1024xf32, #tpu.memory_space<hbm>> -> memref<8x1024xf32, #tpu.memory_space<hbm>>
    tpu.wait_dma2 semaphore(%arg23 : memref<!tpu.dma_semaphore, #tpu.memory_space<semaphore_mem>>) src(%arg5 : memref<8x1024xf32, #tpu.memory_space<vmem>>) dst(%dma_wait3A_1014 : memref<8x1024xf32, #tpu.memory_space<hbm>>)
    %dma_wait3A_1015 = arith.constant 0 : i32
    %dma_wait3A_1016 = tpu.memref_slice %arg4[%add3A_902, %dma_wait3A_1015] : memref<16384x1024xf32, #tpu.memory_space<hbm>> -> memref<8x1024xf32, #tpu.memory_space<hbm>>
    %dma_wait3A_1017 = arith.constant 0 : i32
    %dma_wait3A_1018 = tpu.memref_slice %arg4[%add3A_902, %dma_wait3A_1017] : memref<16384x1024xf32, #tpu.memory_space<hbm>> -> memref<8x1024xf32, #tpu.memory_space<hbm>>
    tpu.wait_dma2 semaphore(%arg23 : memref<!tpu.dma_semaphore, #tpu.memory_space<semaphore_mem>>) src(%arg6 : memref<8x1024xf32, #tpu.memory_space<vmem>>) dst(%dma_wait3A_1018 : memref<8x1024xf32, #tpu.memory_space<hbm>>)
    %dma_wait3A_1019 = arith.constant 0 : i32
    %dma_wait3A_1020 = tpu.memref_slice %arg4[%add3A_908, %dma_wait3A_1019] : memref<16384x1024xf32, #tpu.memory_space<hbm>> -> memref<8x1024xf32, #tpu.memory_space<hbm>>
    %dma_wait3A_1021 = arith.constant 0 : i32
    %dma_wait3A_1022 = tpu.memref_slice %arg4[%add3A_908, %dma_wait3A_1021] : memref<16384x1024xf32, #tpu.memory_space<hbm>> -> memref<8x1024xf32, #tpu.memory_space<hbm>>
    tpu.wait_dma2 semaphore(%arg23 : memref<!tpu.dma_semaphore, #tpu.memory_space<semaphore_mem>>) src(%arg7 : memref<8x1024xf32, #tpu.memory_space<vmem>>) dst(%dma_wait3A_1022 : memref<8x1024xf32, #tpu.memory_space<hbm>>)
    %dma_wait3A_1023 = arith.constant 0 : i32
    %dma_wait3A_1024 = tpu.memref_slice %arg4[%add3A_914, %dma_wait3A_1023] : memref<16384x1024xf32, #tpu.memory_space<hbm>> -> memref<8x1024xf32, #tpu.memory_space<hbm>>
    %dma_wait3A_1025 = arith.constant 0 : i32
    %dma_wait3A_1026 = tpu.memref_slice %arg4[%add3A_914, %dma_wait3A_1025] : memref<16384x1024xf32, #tpu.memory_space<hbm>> -> memref<8x1024xf32, #tpu.memory_space<hbm>>
    tpu.wait_dma2 semaphore(%arg23 : memref<!tpu.dma_semaphore, #tpu.memory_space<semaphore_mem>>) src(%arg8 : memref<8x1024xf32, #tpu.memory_space<vmem>>) dst(%dma_wait3A_1026 : memref<8x1024xf32, #tpu.memory_space<hbm>>)
    %add3A_1027 = arith.constant 96 : i32
    %add3A_1028 = arith.addi %mul3A_2, %add3A_1027 : i32
    %add3A_1029 = arith.constant 0 : i32
    %add3A_1030 = arith.addi %add3A_1029, %add3A_1028 : i32
    %dma_start3A_1031 = arith.constant 0 : i32
    %dma_start3A_1032 = tpu.memref_slice %arg2[%add3A_1030, %dma_start3A_1031] : memref<16384x1024xf32, #tpu.memory_space<hbm>> -> memref<8x1024xf32, #tpu.memory_space<hbm>>
    %dma_start3A_1033 = arith.constant 0 : i32
    %dma_start3A_1034 = tpu.memref_slice %arg2[%add3A_1030, %dma_start3A_1033] : memref<16384x1024xf32, #tpu.memory_space<hbm>> -> memref<8x1024xf32, #tpu.memory_space<hbm>>
    tpu.enqueue_dma source(%dma_start3A_1034 : memref<8x1024xf32, #tpu.memory_space<hbm>>) target(%arg5 : memref<8x1024xf32, #tpu.memory_space<vmem>>) target_semaphore(%arg20 : memref<!tpu.dma_semaphore, #tpu.memory_space<semaphore_mem>>)
    %add3A_1035 = arith.constant 4096 : i32
    %add3A_1036 = arith.addi %add3A_1035, %add3A_1028 : i32
    %dma_start3A_1037 = arith.constant 0 : i32
    %dma_start3A_1038 = tpu.memref_slice %arg2[%add3A_1036, %dma_start3A_1037] : memref<16384x1024xf32, #tpu.memory_space<hbm>> -> memref<8x1024xf32, #tpu.memory_space<hbm>>
    %dma_start3A_1039 = arith.constant 0 : i32
    %dma_start3A_1040 = tpu.memref_slice %arg2[%add3A_1036, %dma_start3A_1039] : memref<16384x1024xf32, #tpu.memory_space<hbm>> -> memref<8x1024xf32, #tpu.memory_space<hbm>>
    tpu.enqueue_dma source(%dma_start3A_1040 : memref<8x1024xf32, #tpu.memory_space<hbm>>) target(%arg6 : memref<8x1024xf32, #tpu.memory_space<vmem>>) target_semaphore(%arg20 : memref<!tpu.dma_semaphore, #tpu.memory_space<semaphore_mem>>)
    %add3A_1041 = arith.constant 8192 : i32
    %add3A_1042 = arith.addi %add3A_1041, %add3A_1028 : i32
    %dma_start3A_1043 = arith.constant 0 : i32
    %dma_start3A_1044 = tpu.memref_slice %arg2[%add3A_1042, %dma_start3A_1043] : memref<16384x1024xf32, #tpu.memory_space<hbm>> -> memref<8x1024xf32, #tpu.memory_space<hbm>>
    %dma_start3A_1045 = arith.constant 0 : i32
    %dma_start3A_1046 = tpu.memref_slice %arg2[%add3A_1042, %dma_start3A_1045] : memref<16384x1024xf32, #tpu.memory_space<hbm>> -> memref<8x1024xf32, #tpu.memory_space<hbm>>
    tpu.enqueue_dma source(%dma_start3A_1046 : memref<8x1024xf32, #tpu.memory_space<hbm>>) target(%arg7 : memref<8x1024xf32, #tpu.memory_space<vmem>>) target_semaphore(%arg20 : memref<!tpu.dma_semaphore, #tpu.memory_space<semaphore_mem>>)
    %add3A_1047 = arith.constant 12288 : i32
    %add3A_1048 = arith.addi %add3A_1047, %add3A_1028 : i32
    %dma_start3A_1049 = arith.constant 0 : i32
    %dma_start3A_1050 = tpu.memref_slice %arg2[%add3A_1048, %dma_start3A_1049] : memref<16384x1024xf32, #tpu.memory_space<hbm>> -> memref<8x1024xf32, #tpu.memory_space<hbm>>
    %dma_start3A_1051 = arith.constant 0 : i32
    %dma_start3A_1052 = tpu.memref_slice %arg2[%add3A_1048, %dma_start3A_1051] : memref<16384x1024xf32, #tpu.memory_space<hbm>> -> memref<8x1024xf32, #tpu.memory_space<hbm>>
    tpu.enqueue_dma source(%dma_start3A_1052 : memref<8x1024xf32, #tpu.memory_space<hbm>>) target(%arg8 : memref<8x1024xf32, #tpu.memory_space<vmem>>) target_semaphore(%arg20 : memref<!tpu.dma_semaphore, #tpu.memory_space<semaphore_mem>>)
    %dma_start3A_1053 = arith.constant 0 : i32
    %dma_start3A_1054 = tpu.memref_slice %arg3[%add3A_1028, %dma_start3A_1053] : memref<8192x1024xf32, #tpu.memory_space<hbm>> -> memref<8x1024xf32, #tpu.memory_space<hbm>>
    %dma_start3A_1055 = arith.constant 0 : i32
    %dma_start3A_1056 = tpu.memref_slice %arg3[%add3A_1028, %dma_start3A_1055] : memref<8192x1024xf32, #tpu.memory_space<hbm>> -> memref<8x1024xf32, #tpu.memory_space<hbm>>
    tpu.enqueue_dma source(%dma_start3A_1056 : memref<8x1024xf32, #tpu.memory_space<hbm>>) target(%arg9 : memref<8x1024xf32, #tpu.memory_space<vmem>>) target_semaphore(%arg20 : memref<!tpu.dma_semaphore, #tpu.memory_space<semaphore_mem>>)
    %dma_wait3A_1057 = arith.constant 0 : i32
    %dma_wait3A_1058 = tpu.memref_slice %arg2[%add3A_938, %dma_wait3A_1057] : memref<16384x1024xf32, #tpu.memory_space<hbm>> -> memref<8x1024xf32, #tpu.memory_space<hbm>>
    %dma_wait3A_1059 = arith.constant 0 : i32
    %dma_wait3A_1060 = tpu.memref_slice %arg2[%add3A_938, %dma_wait3A_1059] : memref<16384x1024xf32, #tpu.memory_space<hbm>> -> memref<8x1024xf32, #tpu.memory_space<hbm>>
    tpu.wait_dma2 semaphore(%arg22 : memref<!tpu.dma_semaphore, #tpu.memory_space<semaphore_mem>>) src(%dma_wait3A_1060 : memref<8x1024xf32, #tpu.memory_space<hbm>>) dst(%arg15 : memref<8x1024xf32, #tpu.memory_space<vmem>>)
    %dma_wait3A_1061 = arith.constant 0 : i32
    %dma_wait3A_1062 = tpu.memref_slice %arg2[%add3A_944, %dma_wait3A_1061] : memref<16384x1024xf32, #tpu.memory_space<hbm>> -> memref<8x1024xf32, #tpu.memory_space<hbm>>
    %dma_wait3A_1063 = arith.constant 0 : i32
    %dma_wait3A_1064 = tpu.memref_slice %arg2[%add3A_944, %dma_wait3A_1063] : memref<16384x1024xf32, #tpu.memory_space<hbm>> -> memref<8x1024xf32, #tpu.memory_space<hbm>>
    tpu.wait_dma2 semaphore(%arg22 : memref<!tpu.dma_semaphore, #tpu.memory_space<semaphore_mem>>) src(%dma_wait3A_1064 : memref<8x1024xf32, #tpu.memory_space<hbm>>) dst(%arg16 : memref<8x1024xf32, #tpu.memory_space<vmem>>)
    %dma_wait3A_1065 = arith.constant 0 : i32
    %dma_wait3A_1066 = tpu.memref_slice %arg2[%add3A_950, %dma_wait3A_1065] : memref<16384x1024xf32, #tpu.memory_space<hbm>> -> memref<8x1024xf32, #tpu.memory_space<hbm>>
    %dma_wait3A_1067 = arith.constant 0 : i32
    %dma_wait3A_1068 = tpu.memref_slice %arg2[%add3A_950, %dma_wait3A_1067] : memref<16384x1024xf32, #tpu.memory_space<hbm>> -> memref<8x1024xf32, #tpu.memory_space<hbm>>
    tpu.wait_dma2 semaphore(%arg22 : memref<!tpu.dma_semaphore, #tpu.memory_space<semaphore_mem>>) src(%dma_wait3A_1068 : memref<8x1024xf32, #tpu.memory_space<hbm>>) dst(%arg17 : memref<8x1024xf32, #tpu.memory_space<vmem>>)
    %dma_wait3A_1069 = arith.constant 0 : i32
    %dma_wait3A_1070 = tpu.memref_slice %arg2[%add3A_956, %dma_wait3A_1069] : memref<16384x1024xf32, #tpu.memory_space<hbm>> -> memref<8x1024xf32, #tpu.memory_space<hbm>>
    %dma_wait3A_1071 = arith.constant 0 : i32
    %dma_wait3A_1072 = tpu.memref_slice %arg2[%add3A_956, %dma_wait3A_1071] : memref<16384x1024xf32, #tpu.memory_space<hbm>> -> memref<8x1024xf32, #tpu.memory_space<hbm>>
    tpu.wait_dma2 semaphore(%arg22 : memref<!tpu.dma_semaphore, #tpu.memory_space<semaphore_mem>>) src(%dma_wait3A_1072 : memref<8x1024xf32, #tpu.memory_space<hbm>>) dst(%arg18 : memref<8x1024xf32, #tpu.memory_space<vmem>>)
    %dma_wait3A_1073 = arith.constant 0 : i32
    %dma_wait3A_1074 = tpu.memref_slice %arg3[%add3A_936, %dma_wait3A_1073] : memref<8192x1024xf32, #tpu.memory_space<hbm>> -> memref<8x1024xf32, #tpu.memory_space<hbm>>
    %dma_wait3A_1075 = arith.constant 0 : i32
    %dma_wait3A_1076 = tpu.memref_slice %arg3[%add3A_936, %dma_wait3A_1075] : memref<8192x1024xf32, #tpu.memory_space<hbm>> -> memref<8x1024xf32, #tpu.memory_space<hbm>>
    tpu.wait_dma2 semaphore(%arg22 : memref<!tpu.dma_semaphore, #tpu.memory_space<semaphore_mem>>) src(%dma_wait3A_1076 : memref<8x1024xf32, #tpu.memory_space<hbm>>) dst(%arg19 : memref<8x1024xf32, #tpu.memory_space<vmem>>)
    %add3A_1077 = arith.constant 88 : i32
    %add3A_1078 = arith.addi %mul3A_2, %add3A_1077 : i32
    %add3A_1079 = arith.constant 0 : i32
    %add3A_1080 = arith.addi %add3A_1079, %add3A_1078 : i32
    %dma_start3A_1081 = arith.constant 0 : i32
    %dma_start3A_1082 = tpu.memref_slice %arg4[%add3A_1080, %dma_start3A_1081] : memref<16384x1024xf32, #tpu.memory_space<hbm>> -> memref<8x1024xf32, #tpu.memory_space<hbm>>
    %dma_start3A_1083 = arith.constant 0 : i32
    %dma_start3A_1084 = tpu.memref_slice %arg4[%add3A_1080, %dma_start3A_1083] : memref<16384x1024xf32, #tpu.memory_space<hbm>> -> memref<8x1024xf32, #tpu.memory_space<hbm>>
    tpu.enqueue_dma source(%arg15 : memref<8x1024xf32, #tpu.memory_space<vmem>>) target(%dma_start3A_1084 : memref<8x1024xf32, #tpu.memory_space<hbm>>) target_semaphore(%arg25 : memref<!tpu.dma_semaphore, #tpu.memory_space<semaphore_mem>>)
    %add3A_1085 = arith.constant 4096 : i32
    %add3A_1086 = arith.addi %add3A_1085, %add3A_1078 : i32
    %dma_start3A_1087 = arith.constant 0 : i32
    %dma_start3A_1088 = tpu.memref_slice %arg4[%add3A_1086, %dma_start3A_1087] : memref<16384x1024xf32, #tpu.memory_space<hbm>> -> memref<8x1024xf32, #tpu.memory_space<hbm>>
    %dma_start3A_1089 = arith.constant 0 : i32
    %dma_start3A_1090 = tpu.memref_slice %arg4[%add3A_1086, %dma_start3A_1089] : memref<16384x1024xf32, #tpu.memory_space<hbm>> -> memref<8x1024xf32, #tpu.memory_space<hbm>>
    tpu.enqueue_dma source(%arg16 : memref<8x1024xf32, #tpu.memory_space<vmem>>) target(%dma_start3A_1090 : memref<8x1024xf32, #tpu.memory_space<hbm>>) target_semaphore(%arg25 : memref<!tpu.dma_semaphore, #tpu.memory_space<semaphore_mem>>)
    %add3A_1091 = arith.constant 8192 : i32
    %add3A_1092 = arith.addi %add3A_1091, %add3A_1078 : i32
    %dma_start3A_1093 = arith.constant 0 : i32
    %dma_start3A_1094 = tpu.memref_slice %arg4[%add3A_1092, %dma_start3A_1093] : memref<16384x1024xf32, #tpu.memory_space<hbm>> -> memref<8x1024xf32, #tpu.memory_space<hbm>>
    %dma_start3A_1095 = arith.constant 0 : i32
    %dma_start3A_1096 = tpu.memref_slice %arg4[%add3A_1092, %dma_start3A_1095] : memref<16384x1024xf32, #tpu.memory_space<hbm>> -> memref<8x1024xf32, #tpu.memory_space<hbm>>
    tpu.enqueue_dma source(%arg17 : memref<8x1024xf32, #tpu.memory_space<vmem>>) target(%dma_start3A_1096 : memref<8x1024xf32, #tpu.memory_space<hbm>>) target_semaphore(%arg25 : memref<!tpu.dma_semaphore, #tpu.memory_space<semaphore_mem>>)
    %add3A_1097 = arith.constant 12288 : i32
    %add3A_1098 = arith.addi %add3A_1097, %add3A_1078 : i32
    %dma_start3A_1099 = arith.constant 0 : i32
    %dma_start3A_1100 = tpu.memref_slice %arg4[%add3A_1098, %dma_start3A_1099] : memref<16384x1024xf32, #tpu.memory_space<hbm>> -> memref<8x1024xf32, #tpu.memory_space<hbm>>
    %dma_start3A_1101 = arith.constant 0 : i32
    %dma_start3A_1102 = tpu.memref_slice %arg4[%add3A_1098, %dma_start3A_1101] : memref<16384x1024xf32, #tpu.memory_space<hbm>> -> memref<8x1024xf32, #tpu.memory_space<hbm>>
    tpu.enqueue_dma source(%arg18 : memref<8x1024xf32, #tpu.memory_space<vmem>>) target(%dma_start3A_1102 : memref<8x1024xf32, #tpu.memory_space<hbm>>) target_semaphore(%arg25 : memref<!tpu.dma_semaphore, #tpu.memory_space<semaphore_mem>>)
    %dma_wait3A_1103 = arith.constant 0 : i32
    %dma_wait3A_1104 = tpu.memref_slice %arg4[%add3A_988, %dma_wait3A_1103] : memref<16384x1024xf32, #tpu.memory_space<hbm>> -> memref<8x1024xf32, #tpu.memory_space<hbm>>
    %dma_wait3A_1105 = arith.constant 0 : i32
    %dma_wait3A_1106 = tpu.memref_slice %arg4[%add3A_988, %dma_wait3A_1105] : memref<16384x1024xf32, #tpu.memory_space<hbm>> -> memref<8x1024xf32, #tpu.memory_space<hbm>>
    tpu.wait_dma2 semaphore(%arg24 : memref<!tpu.dma_semaphore, #tpu.memory_space<semaphore_mem>>) src(%arg10 : memref<8x1024xf32, #tpu.memory_space<vmem>>) dst(%dma_wait3A_1106 : memref<8x1024xf32, #tpu.memory_space<hbm>>)
    %dma_wait3A_1107 = arith.constant 0 : i32
    %dma_wait3A_1108 = tpu.memref_slice %arg4[%add3A_994, %dma_wait3A_1107] : memref<16384x1024xf32, #tpu.memory_space<hbm>> -> memref<8x1024xf32, #tpu.memory_space<hbm>>
    %dma_wait3A_1109 = arith.constant 0 : i32
    %dma_wait3A_1110 = tpu.memref_slice %arg4[%add3A_994, %dma_wait3A_1109] : memref<16384x1024xf32, #tpu.memory_space<hbm>> -> memref<8x1024xf32, #tpu.memory_space<hbm>>
    tpu.wait_dma2 semaphore(%arg24 : memref<!tpu.dma_semaphore, #tpu.memory_space<semaphore_mem>>) src(%arg11 : memref<8x1024xf32, #tpu.memory_space<vmem>>) dst(%dma_wait3A_1110 : memref<8x1024xf32, #tpu.memory_space<hbm>>)
    %dma_wait3A_1111 = arith.constant 0 : i32
    %dma_wait3A_1112 = tpu.memref_slice %arg4[%add3A_1000, %dma_wait3A_1111] : memref<16384x1024xf32, #tpu.memory_space<hbm>> -> memref<8x1024xf32, #tpu.memory_space<hbm>>
    %dma_wait3A_1113 = arith.constant 0 : i32
    %dma_wait3A_1114 = tpu.memref_slice %arg4[%add3A_1000, %dma_wait3A_1113] : memref<16384x1024xf32, #tpu.memory_space<hbm>> -> memref<8x1024xf32, #tpu.memory_space<hbm>>
    tpu.wait_dma2 semaphore(%arg24 : memref<!tpu.dma_semaphore, #tpu.memory_space<semaphore_mem>>) src(%arg12 : memref<8x1024xf32, #tpu.memory_space<vmem>>) dst(%dma_wait3A_1114 : memref<8x1024xf32, #tpu.memory_space<hbm>>)
    %dma_wait3A_1115 = arith.constant 0 : i32
    %dma_wait3A_1116 = tpu.memref_slice %arg4[%add3A_1006, %dma_wait3A_1115] : memref<16384x1024xf32, #tpu.memory_space<hbm>> -> memref<8x1024xf32, #tpu.memory_space<hbm>>
    %dma_wait3A_1117 = arith.constant 0 : i32
    %dma_wait3A_1118 = tpu.memref_slice %arg4[%add3A_1006, %dma_wait3A_1117] : memref<16384x1024xf32, #tpu.memory_space<hbm>> -> memref<8x1024xf32, #tpu.memory_space<hbm>>
    tpu.wait_dma2 semaphore(%arg24 : memref<!tpu.dma_semaphore, #tpu.memory_space<semaphore_mem>>) src(%arg13 : memref<8x1024xf32, #tpu.memory_space<vmem>>) dst(%dma_wait3A_1118 : memref<8x1024xf32, #tpu.memory_space<hbm>>)
    %add3A_1119 = arith.constant 104 : i32
    %add3A_1120 = arith.addi %mul3A_2, %add3A_1119 : i32
    %add3A_1121 = arith.constant 0 : i32
    %add3A_1122 = arith.addi %add3A_1121, %add3A_1120 : i32
    %dma_start3A_1123 = arith.constant 0 : i32
    %dma_start3A_1124 = tpu.memref_slice %arg2[%add3A_1122, %dma_start3A_1123] : memref<16384x1024xf32, #tpu.memory_space<hbm>> -> memref<8x1024xf32, #tpu.memory_space<hbm>>
    %dma_start3A_1125 = arith.constant 0 : i32
    %dma_start3A_1126 = tpu.memref_slice %arg2[%add3A_1122, %dma_start3A_1125] : memref<16384x1024xf32, #tpu.memory_space<hbm>> -> memref<8x1024xf32, #tpu.memory_space<hbm>>
    tpu.enqueue_dma source(%dma_start3A_1126 : memref<8x1024xf32, #tpu.memory_space<hbm>>) target(%arg10 : memref<8x1024xf32, #tpu.memory_space<vmem>>) target_semaphore(%arg21 : memref<!tpu.dma_semaphore, #tpu.memory_space<semaphore_mem>>)
    %add3A_1127 = arith.constant 4096 : i32
    %add3A_1128 = arith.addi %add3A_1127, %add3A_1120 : i32
    %dma_start3A_1129 = arith.constant 0 : i32
    %dma_start3A_1130 = tpu.memref_slice %arg2[%add3A_1128, %dma_start3A_1129] : memref<16384x1024xf32, #tpu.memory_space<hbm>> -> memref<8x1024xf32, #tpu.memory_space<hbm>>
    %dma_start3A_1131 = arith.constant 0 : i32
    %dma_start3A_1132 = tpu.memref_slice %arg2[%add3A_1128, %dma_start3A_1131] : memref<16384x1024xf32, #tpu.memory_space<hbm>> -> memref<8x1024xf32, #tpu.memory_space<hbm>>
    tpu.enqueue_dma source(%dma_start3A_1132 : memref<8x1024xf32, #tpu.memory_space<hbm>>) target(%arg11 : memref<8x1024xf32, #tpu.memory_space<vmem>>) target_semaphore(%arg21 : memref<!tpu.dma_semaphore, #tpu.memory_space<semaphore_mem>>)
    %add3A_1133 = arith.constant 8192 : i32
    %add3A_1134 = arith.addi %add3A_1133, %add3A_1120 : i32
    %dma_start3A_1135 = arith.constant 0 : i32
    %dma_start3A_1136 = tpu.memref_slice %arg2[%add3A_1134, %dma_start3A_1135] : memref<16384x1024xf32, #tpu.memory_space<hbm>> -> memref<8x1024xf32, #tpu.memory_space<hbm>>
    %dma_start3A_1137 = arith.constant 0 : i32
    %dma_start3A_1138 = tpu.memref_slice %arg2[%add3A_1134, %dma_start3A_1137] : memref<16384x1024xf32, #tpu.memory_space<hbm>> -> memref<8x1024xf32, #tpu.memory_space<hbm>>
    tpu.enqueue_dma source(%dma_start3A_1138 : memref<8x1024xf32, #tpu.memory_space<hbm>>) target(%arg12 : memref<8x1024xf32, #tpu.memory_space<vmem>>) target_semaphore(%arg21 : memref<!tpu.dma_semaphore, #tpu.memory_space<semaphore_mem>>)
    %add3A_1139 = arith.constant 12288 : i32
    %add3A_1140 = arith.addi %add3A_1139, %add3A_1120 : i32
    %dma_start3A_1141 = arith.constant 0 : i32
    %dma_start3A_1142 = tpu.memref_slice %arg2[%add3A_1140, %dma_start3A_1141] : memref<16384x1024xf32, #tpu.memory_space<hbm>> -> memref<8x1024xf32, #tpu.memory_space<hbm>>
    %dma_start3A_1143 = arith.constant 0 : i32
    %dma_start3A_1144 = tpu.memref_slice %arg2[%add3A_1140, %dma_start3A_1143] : memref<16384x1024xf32, #tpu.memory_space<hbm>> -> memref<8x1024xf32, #tpu.memory_space<hbm>>
    tpu.enqueue_dma source(%dma_start3A_1144 : memref<8x1024xf32, #tpu.memory_space<hbm>>) target(%arg13 : memref<8x1024xf32, #tpu.memory_space<vmem>>) target_semaphore(%arg21 : memref<!tpu.dma_semaphore, #tpu.memory_space<semaphore_mem>>)
    %dma_start3A_1145 = arith.constant 0 : i32
    %dma_start3A_1146 = tpu.memref_slice %arg3[%add3A_1120, %dma_start3A_1145] : memref<8192x1024xf32, #tpu.memory_space<hbm>> -> memref<8x1024xf32, #tpu.memory_space<hbm>>
    %dma_start3A_1147 = arith.constant 0 : i32
    %dma_start3A_1148 = tpu.memref_slice %arg3[%add3A_1120, %dma_start3A_1147] : memref<8192x1024xf32, #tpu.memory_space<hbm>> -> memref<8x1024xf32, #tpu.memory_space<hbm>>
    tpu.enqueue_dma source(%dma_start3A_1148 : memref<8x1024xf32, #tpu.memory_space<hbm>>) target(%arg14 : memref<8x1024xf32, #tpu.memory_space<vmem>>) target_semaphore(%arg21 : memref<!tpu.dma_semaphore, #tpu.memory_space<semaphore_mem>>)
    %dma_wait3A_1149 = arith.constant 0 : i32
    %dma_wait3A_1150 = tpu.memref_slice %arg2[%add3A_1030, %dma_wait3A_1149] : memref<16384x1024xf32, #tpu.memory_space<hbm>> -> memref<8x1024xf32, #tpu.memory_space<hbm>>
    %dma_wait3A_1151 = arith.constant 0 : i32
    %dma_wait3A_1152 = tpu.memref_slice %arg2[%add3A_1030, %dma_wait3A_1151] : memref<16384x1024xf32, #tpu.memory_space<hbm>> -> memref<8x1024xf32, #tpu.memory_space<hbm>>
    tpu.wait_dma2 semaphore(%arg20 : memref<!tpu.dma_semaphore, #tpu.memory_space<semaphore_mem>>) src(%dma_wait3A_1152 : memref<8x1024xf32, #tpu.memory_space<hbm>>) dst(%arg5 : memref<8x1024xf32, #tpu.memory_space<vmem>>)
    %dma_wait3A_1153 = arith.constant 0 : i32
    %dma_wait3A_1154 = tpu.memref_slice %arg2[%add3A_1036, %dma_wait3A_1153] : memref<16384x1024xf32, #tpu.memory_space<hbm>> -> memref<8x1024xf32, #tpu.memory_space<hbm>>
    %dma_wait3A_1155 = arith.constant 0 : i32
    %dma_wait3A_1156 = tpu.memref_slice %arg2[%add3A_1036, %dma_wait3A_1155] : memref<16384x1024xf32, #tpu.memory_space<hbm>> -> memref<8x1024xf32, #tpu.memory_space<hbm>>
    tpu.wait_dma2 semaphore(%arg20 : memref<!tpu.dma_semaphore, #tpu.memory_space<semaphore_mem>>) src(%dma_wait3A_1156 : memref<8x1024xf32, #tpu.memory_space<hbm>>) dst(%arg6 : memref<8x1024xf32, #tpu.memory_space<vmem>>)
    %dma_wait3A_1157 = arith.constant 0 : i32
    %dma_wait3A_1158 = tpu.memref_slice %arg2[%add3A_1042, %dma_wait3A_1157] : memref<16384x1024xf32, #tpu.memory_space<hbm>> -> memref<8x1024xf32, #tpu.memory_space<hbm>>
    %dma_wait3A_1159 = arith.constant 0 : i32
    %dma_wait3A_1160 = tpu.memref_slice %arg2[%add3A_1042, %dma_wait3A_1159] : memref<16384x1024xf32, #tpu.memory_space<hbm>> -> memref<8x1024xf32, #tpu.memory_space<hbm>>
    tpu.wait_dma2 semaphore(%arg20 : memref<!tpu.dma_semaphore, #tpu.memory_space<semaphore_mem>>) src(%dma_wait3A_1160 : memref<8x1024xf32, #tpu.memory_space<hbm>>) dst(%arg7 : memref<8x1024xf32, #tpu.memory_space<vmem>>)
    %dma_wait3A_1161 = arith.constant 0 : i32
    %dma_wait3A_1162 = tpu.memref_slice %arg2[%add3A_1048, %dma_wait3A_1161] : memref<16384x1024xf32, #tpu.memory_space<hbm>> -> memref<8x1024xf32, #tpu.memory_space<hbm>>
    %dma_wait3A_1163 = arith.constant 0 : i32
    %dma_wait3A_1164 = tpu.memref_slice %arg2[%add3A_1048, %dma_wait3A_1163] : memref<16384x1024xf32, #tpu.memory_space<hbm>> -> memref<8x1024xf32, #tpu.memory_space<hbm>>
    tpu.wait_dma2 semaphore(%arg20 : memref<!tpu.dma_semaphore, #tpu.memory_space<semaphore_mem>>) src(%dma_wait3A_1164 : memref<8x1024xf32, #tpu.memory_space<hbm>>) dst(%arg8 : memref<8x1024xf32, #tpu.memory_space<vmem>>)
    %dma_wait3A_1165 = arith.constant 0 : i32
    %dma_wait3A_1166 = tpu.memref_slice %arg3[%add3A_1028, %dma_wait3A_1165] : memref<8192x1024xf32, #tpu.memory_space<hbm>> -> memref<8x1024xf32, #tpu.memory_space<hbm>>
    %dma_wait3A_1167 = arith.constant 0 : i32
    %dma_wait3A_1168 = tpu.memref_slice %arg3[%add3A_1028, %dma_wait3A_1167] : memref<8192x1024xf32, #tpu.memory_space<hbm>> -> memref<8x1024xf32, #tpu.memory_space<hbm>>
    tpu.wait_dma2 semaphore(%arg20 : memref<!tpu.dma_semaphore, #tpu.memory_space<semaphore_mem>>) src(%dma_wait3A_1168 : memref<8x1024xf32, #tpu.memory_space<hbm>>) dst(%arg9 : memref<8x1024xf32, #tpu.memory_space<vmem>>)
    %add3A_1169 = arith.constant 96 : i32
    %add3A_1170 = arith.addi %mul3A_2, %add3A_1169 : i32
    %add3A_1171 = arith.constant 0 : i32
    %add3A_1172 = arith.addi %add3A_1171, %add3A_1170 : i32
    %dma_start3A_1173 = arith.constant 0 : i32
    %dma_start3A_1174 = tpu.memref_slice %arg4[%add3A_1172, %dma_start3A_1173] : memref<16384x1024xf32, #tpu.memory_space<hbm>> -> memref<8x1024xf32, #tpu.memory_space<hbm>>
    %dma_start3A_1175 = arith.constant 0 : i32
    %dma_start3A_1176 = tpu.memref_slice %arg4[%add3A_1172, %dma_start3A_1175] : memref<16384x1024xf32, #tpu.memory_space<hbm>> -> memref<8x1024xf32, #tpu.memory_space<hbm>>
    tpu.enqueue_dma source(%arg5 : memref<8x1024xf32, #tpu.memory_space<vmem>>) target(%dma_start3A_1176 : memref<8x1024xf32, #tpu.memory_space<hbm>>) target_semaphore(%arg23 : memref<!tpu.dma_semaphore, #tpu.memory_space<semaphore_mem>>)
    %add3A_1177 = arith.constant 4096 : i32
    %add3A_1178 = arith.addi %add3A_1177, %add3A_1170 : i32
    %dma_start3A_1179 = arith.constant 0 : i32
    %dma_start3A_1180 = tpu.memref_slice %arg4[%add3A_1178, %dma_start3A_1179] : memref<16384x1024xf32, #tpu.memory_space<hbm>> -> memref<8x1024xf32, #tpu.memory_space<hbm>>
    %dma_start3A_1181 = arith.constant 0 : i32
    %dma_start3A_1182 = tpu.memref_slice %arg4[%add3A_1178, %dma_start3A_1181] : memref<16384x1024xf32, #tpu.memory_space<hbm>> -> memref<8x1024xf32, #tpu.memory_space<hbm>>
    tpu.enqueue_dma source(%arg6 : memref<8x1024xf32, #tpu.memory_space<vmem>>) target(%dma_start3A_1182 : memref<8x1024xf32, #tpu.memory_space<hbm>>) target_semaphore(%arg23 : memref<!tpu.dma_semaphore, #tpu.memory_space<semaphore_mem>>)
    %add3A_1183 = arith.constant 8192 : i32
    %add3A_1184 = arith.addi %add3A_1183, %add3A_1170 : i32
    %dma_start3A_1185 = arith.constant 0 : i32
    %dma_start3A_1186 = tpu.memref_slice %arg4[%add3A_1184, %dma_start3A_1185] : memref<16384x1024xf32, #tpu.memory_space<hbm>> -> memref<8x1024xf32, #tpu.memory_space<hbm>>
    %dma_start3A_1187 = arith.constant 0 : i32
    %dma_start3A_1188 = tpu.memref_slice %arg4[%add3A_1184, %dma_start3A_1187] : memref<16384x1024xf32, #tpu.memory_space<hbm>> -> memref<8x1024xf32, #tpu.memory_space<hbm>>
    tpu.enqueue_dma source(%arg7 : memref<8x1024xf32, #tpu.memory_space<vmem>>) target(%dma_start3A_1188 : memref<8x1024xf32, #tpu.memory_space<hbm>>) target_semaphore(%arg23 : memref<!tpu.dma_semaphore, #tpu.memory_space<semaphore_mem>>)
    %add3A_1189 = arith.constant 12288 : i32
    %add3A_1190 = arith.addi %add3A_1189, %add3A_1170 : i32
    %dma_start3A_1191 = arith.constant 0 : i32
    %dma_start3A_1192 = tpu.memref_slice %arg4[%add3A_1190, %dma_start3A_1191] : memref<16384x1024xf32, #tpu.memory_space<hbm>> -> memref<8x1024xf32, #tpu.memory_space<hbm>>
    %dma_start3A_1193 = arith.constant 0 : i32
    %dma_start3A_1194 = tpu.memref_slice %arg4[%add3A_1190, %dma_start3A_1193] : memref<16384x1024xf32, #tpu.memory_space<hbm>> -> memref<8x1024xf32, #tpu.memory_space<hbm>>
    tpu.enqueue_dma source(%arg8 : memref<8x1024xf32, #tpu.memory_space<vmem>>) target(%dma_start3A_1194 : memref<8x1024xf32, #tpu.memory_space<hbm>>) target_semaphore(%arg23 : memref<!tpu.dma_semaphore, #tpu.memory_space<semaphore_mem>>)
    %dma_wait3A_1195 = arith.constant 0 : i32
    %dma_wait3A_1196 = tpu.memref_slice %arg4[%add3A_1080, %dma_wait3A_1195] : memref<16384x1024xf32, #tpu.memory_space<hbm>> -> memref<8x1024xf32, #tpu.memory_space<hbm>>
    %dma_wait3A_1197 = arith.constant 0 : i32
    %dma_wait3A_1198 = tpu.memref_slice %arg4[%add3A_1080, %dma_wait3A_1197] : memref<16384x1024xf32, #tpu.memory_space<hbm>> -> memref<8x1024xf32, #tpu.memory_space<hbm>>
    tpu.wait_dma2 semaphore(%arg25 : memref<!tpu.dma_semaphore, #tpu.memory_space<semaphore_mem>>) src(%arg15 : memref<8x1024xf32, #tpu.memory_space<vmem>>) dst(%dma_wait3A_1198 : memref<8x1024xf32, #tpu.memory_space<hbm>>)
    %dma_wait3A_1199 = arith.constant 0 : i32
    %dma_wait3A_1200 = tpu.memref_slice %arg4[%add3A_1086, %dma_wait3A_1199] : memref<16384x1024xf32, #tpu.memory_space<hbm>> -> memref<8x1024xf32, #tpu.memory_space<hbm>>
    %dma_wait3A_1201 = arith.constant 0 : i32
    %dma_wait3A_1202 = tpu.memref_slice %arg4[%add3A_1086, %dma_wait3A_1201] : memref<16384x1024xf32, #tpu.memory_space<hbm>> -> memref<8x1024xf32, #tpu.memory_space<hbm>>
    tpu.wait_dma2 semaphore(%arg25 : memref<!tpu.dma_semaphore, #tpu.memory_space<semaphore_mem>>) src(%arg16 : memref<8x1024xf32, #tpu.memory_space<vmem>>) dst(%dma_wait3A_1202 : memref<8x1024xf32, #tpu.memory_space<hbm>>)
    %dma_wait3A_1203 = arith.constant 0 : i32
    %dma_wait3A_1204 = tpu.memref_slice %arg4[%add3A_1092, %dma_wait3A_1203] : memref<16384x1024xf32, #tpu.memory_space<hbm>> -> memref<8x1024xf32, #tpu.memory_space<hbm>>
    %dma_wait3A_1205 = arith.constant 0 : i32
    %dma_wait3A_1206 = tpu.memref_slice %arg4[%add3A_1092, %dma_wait3A_1205] : memref<16384x1024xf32, #tpu.memory_space<hbm>> -> memref<8x1024xf32, #tpu.memory_space<hbm>>
    tpu.wait_dma2 semaphore(%arg25 : memref<!tpu.dma_semaphore, #tpu.memory_space<semaphore_mem>>) src(%arg17 : memref<8x1024xf32, #tpu.memory_space<vmem>>) dst(%dma_wait3A_1206 : memref<8x1024xf32, #tpu.memory_space<hbm>>)
    %dma_wait3A_1207 = arith.constant 0 : i32
    %dma_wait3A_1208 = tpu.memref_slice %arg4[%add3A_1098, %dma_wait3A_1207] : memref<16384x1024xf32, #tpu.memory_space<hbm>> -> memref<8x1024xf32, #tpu.memory_space<hbm>>
    %dma_wait3A_1209 = arith.constant 0 : i32
    %dma_wait3A_1210 = tpu.memref_slice %arg4[%add3A_1098, %dma_wait3A_1209] : memref<16384x1024xf32, #tpu.memory_space<hbm>> -> memref<8x1024xf32, #tpu.memory_space<hbm>>
    tpu.wait_dma2 semaphore(%arg25 : memref<!tpu.dma_semaphore, #tpu.memory_space<semaphore_mem>>) src(%arg18 : memref<8x1024xf32, #tpu.memory_space<vmem>>) dst(%dma_wait3A_1210 : memref<8x1024xf32, #tpu.memory_space<hbm>>)
    %add3A_1211 = arith.constant 112 : i32
    %add3A_1212 = arith.addi %mul3A_2, %add3A_1211 : i32
    %add3A_1213 = arith.constant 0 : i32
    %add3A_1214 = arith.addi %add3A_1213, %add3A_1212 : i32
    %dma_start3A_1215 = arith.constant 0 : i32
    %dma_start3A_1216 = tpu.memref_slice %arg2[%add3A_1214, %dma_start3A_1215] : memref<16384x1024xf32, #tpu.memory_space<hbm>> -> memref<8x1024xf32, #tpu.memory_space<hbm>>
    %dma_start3A_1217 = arith.constant 0 : i32
    %dma_start3A_1218 = tpu.memref_slice %arg2[%add3A_1214, %dma_start3A_1217] : memref<16384x1024xf32, #tpu.memory_space<hbm>> -> memref<8x1024xf32, #tpu.memory_space<hbm>>
    tpu.enqueue_dma source(%dma_start3A_1218 : memref<8x1024xf32, #tpu.memory_space<hbm>>) target(%arg15 : memref<8x1024xf32, #tpu.memory_space<vmem>>) target_semaphore(%arg22 : memref<!tpu.dma_semaphore, #tpu.memory_space<semaphore_mem>>)
    %add3A_1219 = arith.constant 4096 : i32
    %add3A_1220 = arith.addi %add3A_1219, %add3A_1212 : i32
    %dma_start3A_1221 = arith.constant 0 : i32
    %dma_start3A_1222 = tpu.memref_slice %arg2[%add3A_1220, %dma_start3A_1221] : memref<16384x1024xf32, #tpu.memory_space<hbm>> -> memref<8x1024xf32, #tpu.memory_space<hbm>>
    %dma_start3A_1223 = arith.constant 0 : i32
    %dma_start3A_1224 = tpu.memref_slice %arg2[%add3A_1220, %dma_start3A_1223] : memref<16384x1024xf32, #tpu.memory_space<hbm>> -> memref<8x1024xf32, #tpu.memory_space<hbm>>
    tpu.enqueue_dma source(%dma_start3A_1224 : memref<8x1024xf32, #tpu.memory_space<hbm>>) target(%arg16 : memref<8x1024xf32, #tpu.memory_space<vmem>>) target_semaphore(%arg22 : memref<!tpu.dma_semaphore, #tpu.memory_space<semaphore_mem>>)
    %add3A_1225 = arith.constant 8192 : i32
    %add3A_1226 = arith.addi %add3A_1225, %add3A_1212 : i32
    %dma_start3A_1227 = arith.constant 0 : i32
    %dma_start3A_1228 = tpu.memref_slice %arg2[%add3A_1226, %dma_start3A_1227] : memref<16384x1024xf32, #tpu.memory_space<hbm>> -> memref<8x1024xf32, #tpu.memory_space<hbm>>
    %dma_start3A_1229 = arith.constant 0 : i32
    %dma_start3A_1230 = tpu.memref_slice %arg2[%add3A_1226, %dma_start3A_1229] : memref<16384x1024xf32, #tpu.memory_space<hbm>> -> memref<8x1024xf32, #tpu.memory_space<hbm>>
    tpu.enqueue_dma source(%dma_start3A_1230 : memref<8x1024xf32, #tpu.memory_space<hbm>>) target(%arg17 : memref<8x1024xf32, #tpu.memory_space<vmem>>) target_semaphore(%arg22 : memref<!tpu.dma_semaphore, #tpu.memory_space<semaphore_mem>>)
    %add3A_1231 = arith.constant 12288 : i32
    %add3A_1232 = arith.addi %add3A_1231, %add3A_1212 : i32
    %dma_start3A_1233 = arith.constant 0 : i32
    %dma_start3A_1234 = tpu.memref_slice %arg2[%add3A_1232, %dma_start3A_1233] : memref<16384x1024xf32, #tpu.memory_space<hbm>> -> memref<8x1024xf32, #tpu.memory_space<hbm>>
    %dma_start3A_1235 = arith.constant 0 : i32
    %dma_start3A_1236 = tpu.memref_slice %arg2[%add3A_1232, %dma_start3A_1235] : memref<16384x1024xf32, #tpu.memory_space<hbm>> -> memref<8x1024xf32, #tpu.memory_space<hbm>>
    tpu.enqueue_dma source(%dma_start3A_1236 : memref<8x1024xf32, #tpu.memory_space<hbm>>) target(%arg18 : memref<8x1024xf32, #tpu.memory_space<vmem>>) target_semaphore(%arg22 : memref<!tpu.dma_semaphore, #tpu.memory_space<semaphore_mem>>)
    %dma_start3A_1237 = arith.constant 0 : i32
    %dma_start3A_1238 = tpu.memref_slice %arg3[%add3A_1212, %dma_start3A_1237] : memref<8192x1024xf32, #tpu.memory_space<hbm>> -> memref<8x1024xf32, #tpu.memory_space<hbm>>
    %dma_start3A_1239 = arith.constant 0 : i32
    %dma_start3A_1240 = tpu.memref_slice %arg3[%add3A_1212, %dma_start3A_1239] : memref<8192x1024xf32, #tpu.memory_space<hbm>> -> memref<8x1024xf32, #tpu.memory_space<hbm>>
    tpu.enqueue_dma source(%dma_start3A_1240 : memref<8x1024xf32, #tpu.memory_space<hbm>>) target(%arg19 : memref<8x1024xf32, #tpu.memory_space<vmem>>) target_semaphore(%arg22 : memref<!tpu.dma_semaphore, #tpu.memory_space<semaphore_mem>>)
    %dma_wait3A_1241 = arith.constant 0 : i32
    %dma_wait3A_1242 = tpu.memref_slice %arg2[%add3A_1122, %dma_wait3A_1241] : memref<16384x1024xf32, #tpu.memory_space<hbm>> -> memref<8x1024xf32, #tpu.memory_space<hbm>>
    %dma_wait3A_1243 = arith.constant 0 : i32
    %dma_wait3A_1244 = tpu.memref_slice %arg2[%add3A_1122, %dma_wait3A_1243] : memref<16384x1024xf32, #tpu.memory_space<hbm>> -> memref<8x1024xf32, #tpu.memory_space<hbm>>
    tpu.wait_dma2 semaphore(%arg21 : memref<!tpu.dma_semaphore, #tpu.memory_space<semaphore_mem>>) src(%dma_wait3A_1244 : memref<8x1024xf32, #tpu.memory_space<hbm>>) dst(%arg10 : memref<8x1024xf32, #tpu.memory_space<vmem>>)
    %dma_wait3A_1245 = arith.constant 0 : i32
    %dma_wait3A_1246 = tpu.memref_slice %arg2[%add3A_1128, %dma_wait3A_1245] : memref<16384x1024xf32, #tpu.memory_space<hbm>> -> memref<8x1024xf32, #tpu.memory_space<hbm>>
    %dma_wait3A_1247 = arith.constant 0 : i32
    %dma_wait3A_1248 = tpu.memref_slice %arg2[%add3A_1128, %dma_wait3A_1247] : memref<16384x1024xf32, #tpu.memory_space<hbm>> -> memref<8x1024xf32, #tpu.memory_space<hbm>>
    tpu.wait_dma2 semaphore(%arg21 : memref<!tpu.dma_semaphore, #tpu.memory_space<semaphore_mem>>) src(%dma_wait3A_1248 : memref<8x1024xf32, #tpu.memory_space<hbm>>) dst(%arg11 : memref<8x1024xf32, #tpu.memory_space<vmem>>)
    %dma_wait3A_1249 = arith.constant 0 : i32
    %dma_wait3A_1250 = tpu.memref_slice %arg2[%add3A_1134, %dma_wait3A_1249] : memref<16384x1024xf32, #tpu.memory_space<hbm>> -> memref<8x1024xf32, #tpu.memory_space<hbm>>
    %dma_wait3A_1251 = arith.constant 0 : i32
    %dma_wait3A_1252 = tpu.memref_slice %arg2[%add3A_1134, %dma_wait3A_1251] : memref<16384x1024xf32, #tpu.memory_space<hbm>> -> memref<8x1024xf32, #tpu.memory_space<hbm>>
    tpu.wait_dma2 semaphore(%arg21 : memref<!tpu.dma_semaphore, #tpu.memory_space<semaphore_mem>>) src(%dma_wait3A_1252 : memref<8x1024xf32, #tpu.memory_space<hbm>>) dst(%arg12 : memref<8x1024xf32, #tpu.memory_space<vmem>>)
    %dma_wait3A_1253 = arith.constant 0 : i32
    %dma_wait3A_1254 = tpu.memref_slice %arg2[%add3A_1140, %dma_wait3A_1253] : memref<16384x1024xf32, #tpu.memory_space<hbm>> -> memref<8x1024xf32, #tpu.memory_space<hbm>>
    %dma_wait3A_1255 = arith.constant 0 : i32
    %dma_wait3A_1256 = tpu.memref_slice %arg2[%add3A_1140, %dma_wait3A_1255] : memref<16384x1024xf32, #tpu.memory_space<hbm>> -> memref<8x1024xf32, #tpu.memory_space<hbm>>
    tpu.wait_dma2 semaphore(%arg21 : memref<!tpu.dma_semaphore, #tpu.memory_space<semaphore_mem>>) src(%dma_wait3A_1256 : memref<8x1024xf32, #tpu.memory_space<hbm>>) dst(%arg13 : memref<8x1024xf32, #tpu.memory_space<vmem>>)
    %dma_wait3A_1257 = arith.constant 0 : i32
    %dma_wait3A_1258 = tpu.memref_slice %arg3[%add3A_1120, %dma_wait3A_1257] : memref<8192x1024xf32, #tpu.memory_space<hbm>> -> memref<8x1024xf32, #tpu.memory_space<hbm>>
    %dma_wait3A_1259 = arith.constant 0 : i32
    %dma_wait3A_1260 = tpu.memref_slice %arg3[%add3A_1120, %dma_wait3A_1259] : memref<8192x1024xf32, #tpu.memory_space<hbm>> -> memref<8x1024xf32, #tpu.memory_space<hbm>>
    tpu.wait_dma2 semaphore(%arg21 : memref<!tpu.dma_semaphore, #tpu.memory_space<semaphore_mem>>) src(%dma_wait3A_1260 : memref<8x1024xf32, #tpu.memory_space<hbm>>) dst(%arg14 : memref<8x1024xf32, #tpu.memory_space<vmem>>)
    %add3A_1261 = arith.constant 104 : i32
    %add3A_1262 = arith.addi %mul3A_2, %add3A_1261 : i32
    %add3A_1263 = arith.constant 0 : i32
    %add3A_1264 = arith.addi %add3A_1263, %add3A_1262 : i32
    %dma_start3A_1265 = arith.constant 0 : i32
    %dma_start3A_1266 = tpu.memref_slice %arg4[%add3A_1264, %dma_start3A_1265] : memref<16384x1024xf32, #tpu.memory_space<hbm>> -> memref<8x1024xf32, #tpu.memory_space<hbm>>
    %dma_start3A_1267 = arith.constant 0 : i32
    %dma_start3A_1268 = tpu.memref_slice %arg4[%add3A_1264, %dma_start3A_1267] : memref<16384x1024xf32, #tpu.memory_space<hbm>> -> memref<8x1024xf32, #tpu.memory_space<hbm>>
    tpu.enqueue_dma source(%arg10 : memref<8x1024xf32, #tpu.memory_space<vmem>>) target(%dma_start3A_1268 : memref<8x1024xf32, #tpu.memory_space<hbm>>) target_semaphore(%arg24 : memref<!tpu.dma_semaphore, #tpu.memory_space<semaphore_mem>>)
    %add3A_1269 = arith.constant 4096 : i32
    %add3A_1270 = arith.addi %add3A_1269, %add3A_1262 : i32
    %dma_start3A_1271 = arith.constant 0 : i32
    %dma_start3A_1272 = tpu.memref_slice %arg4[%add3A_1270, %dma_start3A_1271] : memref<16384x1024xf32, #tpu.memory_space<hbm>> -> memref<8x1024xf32, #tpu.memory_space<hbm>>
    %dma_start3A_1273 = arith.constant 0 : i32
    %dma_start3A_1274 = tpu.memref_slice %arg4[%add3A_1270, %dma_start3A_1273] : memref<16384x1024xf32, #tpu.memory_space<hbm>> -> memref<8x1024xf32, #tpu.memory_space<hbm>>
    tpu.enqueue_dma source(%arg11 : memref<8x1024xf32, #tpu.memory_space<vmem>>) target(%dma_start3A_1274 : memref<8x1024xf32, #tpu.memory_space<hbm>>) target_semaphore(%arg24 : memref<!tpu.dma_semaphore, #tpu.memory_space<semaphore_mem>>)
    %add3A_1275 = arith.constant 8192 : i32
    %add3A_1276 = arith.addi %add3A_1275, %add3A_1262 : i32
    %dma_start3A_1277 = arith.constant 0 : i32
    %dma_start3A_1278 = tpu.memref_slice %arg4[%add3A_1276, %dma_start3A_1277] : memref<16384x1024xf32, #tpu.memory_space<hbm>> -> memref<8x1024xf32, #tpu.memory_space<hbm>>
    %dma_start3A_1279 = arith.constant 0 : i32
    %dma_start3A_1280 = tpu.memref_slice %arg4[%add3A_1276, %dma_start3A_1279] : memref<16384x1024xf32, #tpu.memory_space<hbm>> -> memref<8x1024xf32, #tpu.memory_space<hbm>>
    tpu.enqueue_dma source(%arg12 : memref<8x1024xf32, #tpu.memory_space<vmem>>) target(%dma_start3A_1280 : memref<8x1024xf32, #tpu.memory_space<hbm>>) target_semaphore(%arg24 : memref<!tpu.dma_semaphore, #tpu.memory_space<semaphore_mem>>)
    %add3A_1281 = arith.constant 12288 : i32
    %add3A_1282 = arith.addi %add3A_1281, %add3A_1262 : i32
    %dma_start3A_1283 = arith.constant 0 : i32
    %dma_start3A_1284 = tpu.memref_slice %arg4[%add3A_1282, %dma_start3A_1283] : memref<16384x1024xf32, #tpu.memory_space<hbm>> -> memref<8x1024xf32, #tpu.memory_space<hbm>>
    %dma_start3A_1285 = arith.constant 0 : i32
    %dma_start3A_1286 = tpu.memref_slice %arg4[%add3A_1282, %dma_start3A_1285] : memref<16384x1024xf32, #tpu.memory_space<hbm>> -> memref<8x1024xf32, #tpu.memory_space<hbm>>
    tpu.enqueue_dma source(%arg13 : memref<8x1024xf32, #tpu.memory_space<vmem>>) target(%dma_start3A_1286 : memref<8x1024xf32, #tpu.memory_space<hbm>>) target_semaphore(%arg24 : memref<!tpu.dma_semaphore, #tpu.memory_space<semaphore_mem>>)
    %dma_wait3A_1287 = arith.constant 0 : i32
    %dma_wait3A_1288 = tpu.memref_slice %arg4[%add3A_1172, %dma_wait3A_1287] : memref<16384x1024xf32, #tpu.memory_space<hbm>> -> memref<8x1024xf32, #tpu.memory_space<hbm>>
    %dma_wait3A_1289 = arith.constant 0 : i32
    %dma_wait3A_1290 = tpu.memref_slice %arg4[%add3A_1172, %dma_wait3A_1289] : memref<16384x1024xf32, #tpu.memory_space<hbm>> -> memref<8x1024xf32, #tpu.memory_space<hbm>>
    tpu.wait_dma2 semaphore(%arg23 : memref<!tpu.dma_semaphore, #tpu.memory_space<semaphore_mem>>) src(%arg5 : memref<8x1024xf32, #tpu.memory_space<vmem>>) dst(%dma_wait3A_1290 : memref<8x1024xf32, #tpu.memory_space<hbm>>)
    %dma_wait3A_1291 = arith.constant 0 : i32
    %dma_wait3A_1292 = tpu.memref_slice %arg4[%add3A_1178, %dma_wait3A_1291] : memref<16384x1024xf32, #tpu.memory_space<hbm>> -> memref<8x1024xf32, #tpu.memory_space<hbm>>
    %dma_wait3A_1293 = arith.constant 0 : i32
    %dma_wait3A_1294 = tpu.memref_slice %arg4[%add3A_1178, %dma_wait3A_1293] : memref<16384x1024xf32, #tpu.memory_space<hbm>> -> memref<8x1024xf32, #tpu.memory_space<hbm>>
    tpu.wait_dma2 semaphore(%arg23 : memref<!tpu.dma_semaphore, #tpu.memory_space<semaphore_mem>>) src(%arg6 : memref<8x1024xf32, #tpu.memory_space<vmem>>) dst(%dma_wait3A_1294 : memref<8x1024xf32, #tpu.memory_space<hbm>>)
    %dma_wait3A_1295 = arith.constant 0 : i32
    %dma_wait3A_1296 = tpu.memref_slice %arg4[%add3A_1184, %dma_wait3A_1295] : memref<16384x1024xf32, #tpu.memory_space<hbm>> -> memref<8x1024xf32, #tpu.memory_space<hbm>>
    %dma_wait3A_1297 = arith.constant 0 : i32
    %dma_wait3A_1298 = tpu.memref_slice %arg4[%add3A_1184, %dma_wait3A_1297] : memref<16384x1024xf32, #tpu.memory_space<hbm>> -> memref<8x1024xf32, #tpu.memory_space<hbm>>
    tpu.wait_dma2 semaphore(%arg23 : memref<!tpu.dma_semaphore, #tpu.memory_space<semaphore_mem>>) src(%arg7 : memref<8x1024xf32, #tpu.memory_space<vmem>>) dst(%dma_wait3A_1298 : memref<8x1024xf32, #tpu.memory_space<hbm>>)
    %dma_wait3A_1299 = arith.constant 0 : i32
    %dma_wait3A_1300 = tpu.memref_slice %arg4[%add3A_1190, %dma_wait3A_1299] : memref<16384x1024xf32, #tpu.memory_space<hbm>> -> memref<8x1024xf32, #tpu.memory_space<hbm>>
    %dma_wait3A_1301 = arith.constant 0 : i32
    %dma_wait3A_1302 = tpu.memref_slice %arg4[%add3A_1190, %dma_wait3A_1301] : memref<16384x1024xf32, #tpu.memory_space<hbm>> -> memref<8x1024xf32, #tpu.memory_space<hbm>>
    tpu.wait_dma2 semaphore(%arg23 : memref<!tpu.dma_semaphore, #tpu.memory_space<semaphore_mem>>) src(%arg8 : memref<8x1024xf32, #tpu.memory_space<vmem>>) dst(%dma_wait3A_1302 : memref<8x1024xf32, #tpu.memory_space<hbm>>)
    %add3A_1303 = arith.constant 120 : i32
    %add3A_1304 = arith.addi %mul3A_2, %add3A_1303 : i32
    %add3A_1305 = arith.constant 0 : i32
    %add3A_1306 = arith.addi %add3A_1305, %add3A_1304 : i32
    %dma_start3A_1307 = arith.constant 0 : i32
    %dma_start3A_1308 = tpu.memref_slice %arg2[%add3A_1306, %dma_start3A_1307] : memref<16384x1024xf32, #tpu.memory_space<hbm>> -> memref<8x1024xf32, #tpu.memory_space<hbm>>
    %dma_start3A_1309 = arith.constant 0 : i32
    %dma_start3A_1310 = tpu.memref_slice %arg2[%add3A_1306, %dma_start3A_1309] : memref<16384x1024xf32, #tpu.memory_space<hbm>> -> memref<8x1024xf32, #tpu.memory_space<hbm>>
    tpu.enqueue_dma source(%dma_start3A_1310 : memref<8x1024xf32, #tpu.memory_space<hbm>>) target(%arg5 : memref<8x1024xf32, #tpu.memory_space<vmem>>) target_semaphore(%arg20 : memref<!tpu.dma_semaphore, #tpu.memory_space<semaphore_mem>>)
    %add3A_1311 = arith.constant 4096 : i32
    %add3A_1312 = arith.addi %add3A_1311, %add3A_1304 : i32
    %dma_start3A_1313 = arith.constant 0 : i32
    %dma_start3A_1314 = tpu.memref_slice %arg2[%add3A_1312, %dma_start3A_1313] : memref<16384x1024xf32, #tpu.memory_space<hbm>> -> memref<8x1024xf32, #tpu.memory_space<hbm>>
    %dma_start3A_1315 = arith.constant 0 : i32
    %dma_start3A_1316 = tpu.memref_slice %arg2[%add3A_1312, %dma_start3A_1315] : memref<16384x1024xf32, #tpu.memory_space<hbm>> -> memref<8x1024xf32, #tpu.memory_space<hbm>>
    tpu.enqueue_dma source(%dma_start3A_1316 : memref<8x1024xf32, #tpu.memory_space<hbm>>) target(%arg6 : memref<8x1024xf32, #tpu.memory_space<vmem>>) target_semaphore(%arg20 : memref<!tpu.dma_semaphore, #tpu.memory_space<semaphore_mem>>)
    %add3A_1317 = arith.constant 8192 : i32
    %add3A_1318 = arith.addi %add3A_1317, %add3A_1304 : i32
    %dma_start3A_1319 = arith.constant 0 : i32
    %dma_start3A_1320 = tpu.memref_slice %arg2[%add3A_1318, %dma_start3A_1319] : memref<16384x1024xf32, #tpu.memory_space<hbm>> -> memref<8x1024xf32, #tpu.memory_space<hbm>>
    %dma_start3A_1321 = arith.constant 0 : i32
    %dma_start3A_1322 = tpu.memref_slice %arg2[%add3A_1318, %dma_start3A_1321] : memref<16384x1024xf32, #tpu.memory_space<hbm>> -> memref<8x1024xf32, #tpu.memory_space<hbm>>
    tpu.enqueue_dma source(%dma_start3A_1322 : memref<8x1024xf32, #tpu.memory_space<hbm>>) target(%arg7 : memref<8x1024xf32, #tpu.memory_space<vmem>>) target_semaphore(%arg20 : memref<!tpu.dma_semaphore, #tpu.memory_space<semaphore_mem>>)
    %add3A_1323 = arith.constant 12288 : i32
    %add3A_1324 = arith.addi %add3A_1323, %add3A_1304 : i32
    %dma_start3A_1325 = arith.constant 0 : i32
    %dma_start3A_1326 = tpu.memref_slice %arg2[%add3A_1324, %dma_start3A_1325] : memref<16384x1024xf32, #tpu.memory_space<hbm>> -> memref<8x1024xf32, #tpu.memory_space<hbm>>
    %dma_start3A_1327 = arith.constant 0 : i32
    %dma_start3A_1328 = tpu.memref_slice %arg2[%add3A_1324, %dma_start3A_1327] : memref<16384x1024xf32, #tpu.memory_space<hbm>> -> memref<8x1024xf32, #tpu.memory_space<hbm>>
    tpu.enqueue_dma source(%dma_start3A_1328 : memref<8x1024xf32, #tpu.memory_space<hbm>>) target(%arg8 : memref<8x1024xf32, #tpu.memory_space<vmem>>) target_semaphore(%arg20 : memref<!tpu.dma_semaphore, #tpu.memory_space<semaphore_mem>>)
    %dma_start3A_1329 = arith.constant 0 : i32
    %dma_start3A_1330 = tpu.memref_slice %arg3[%add3A_1304, %dma_start3A_1329] : memref<8192x1024xf32, #tpu.memory_space<hbm>> -> memref<8x1024xf32, #tpu.memory_space<hbm>>
    %dma_start3A_1331 = arith.constant 0 : i32
    %dma_start3A_1332 = tpu.memref_slice %arg3[%add3A_1304, %dma_start3A_1331] : memref<8192x1024xf32, #tpu.memory_space<hbm>> -> memref<8x1024xf32, #tpu.memory_space<hbm>>
    tpu.enqueue_dma source(%dma_start3A_1332 : memref<8x1024xf32, #tpu.memory_space<hbm>>) target(%arg9 : memref<8x1024xf32, #tpu.memory_space<vmem>>) target_semaphore(%arg20 : memref<!tpu.dma_semaphore, #tpu.memory_space<semaphore_mem>>)
    %dma_wait3A_1333 = arith.constant 0 : i32
    %dma_wait3A_1334 = tpu.memref_slice %arg2[%add3A_1214, %dma_wait3A_1333] : memref<16384x1024xf32, #tpu.memory_space<hbm>> -> memref<8x1024xf32, #tpu.memory_space<hbm>>
    %dma_wait3A_1335 = arith.constant 0 : i32
    %dma_wait3A_1336 = tpu.memref_slice %arg2[%add3A_1214, %dma_wait3A_1335] : memref<16384x1024xf32, #tpu.memory_space<hbm>> -> memref<8x1024xf32, #tpu.memory_space<hbm>>
    tpu.wait_dma2 semaphore(%arg22 : memref<!tpu.dma_semaphore, #tpu.memory_space<semaphore_mem>>) src(%dma_wait3A_1336 : memref<8x1024xf32, #tpu.memory_space<hbm>>) dst(%arg15 : memref<8x1024xf32, #tpu.memory_space<vmem>>)
    %dma_wait3A_1337 = arith.constant 0 : i32
    %dma_wait3A_1338 = tpu.memref_slice %arg2[%add3A_1220, %dma_wait3A_1337] : memref<16384x1024xf32, #tpu.memory_space<hbm>> -> memref<8x1024xf32, #tpu.memory_space<hbm>>
    %dma_wait3A_1339 = arith.constant 0 : i32
    %dma_wait3A_1340 = tpu.memref_slice %arg2[%add3A_1220, %dma_wait3A_1339] : memref<16384x1024xf32, #tpu.memory_space<hbm>> -> memref<8x1024xf32, #tpu.memory_space<hbm>>
    tpu.wait_dma2 semaphore(%arg22 : memref<!tpu.dma_semaphore, #tpu.memory_space<semaphore_mem>>) src(%dma_wait3A_1340 : memref<8x1024xf32, #tpu.memory_space<hbm>>) dst(%arg16 : memref<8x1024xf32, #tpu.memory_space<vmem>>)
    %dma_wait3A_1341 = arith.constant 0 : i32
    %dma_wait3A_1342 = tpu.memref_slice %arg2[%add3A_1226, %dma_wait3A_1341] : memref<16384x1024xf32, #tpu.memory_space<hbm>> -> memref<8x1024xf32, #tpu.memory_space<hbm>>
    %dma_wait3A_1343 = arith.constant 0 : i32
    %dma_wait3A_1344 = tpu.memref_slice %arg2[%add3A_1226, %dma_wait3A_1343] : memref<16384x1024xf32, #tpu.memory_space<hbm>> -> memref<8x1024xf32, #tpu.memory_space<hbm>>
    tpu.wait_dma2 semaphore(%arg22 : memref<!tpu.dma_semaphore, #tpu.memory_space<semaphore_mem>>) src(%dma_wait3A_1344 : memref<8x1024xf32, #tpu.memory_space<hbm>>) dst(%arg17 : memref<8x1024xf32, #tpu.memory_space<vmem>>)
    %dma_wait3A_1345 = arith.constant 0 : i32
    %dma_wait3A_1346 = tpu.memref_slice %arg2[%add3A_1232, %dma_wait3A_1345] : memref<16384x1024xf32, #tpu.memory_space<hbm>> -> memref<8x1024xf32, #tpu.memory_space<hbm>>
    %dma_wait3A_1347 = arith.constant 0 : i32
    %dma_wait3A_1348 = tpu.memref_slice %arg2[%add3A_1232, %dma_wait3A_1347] : memref<16384x1024xf32, #tpu.memory_space<hbm>> -> memref<8x1024xf32, #tpu.memory_space<hbm>>
    tpu.wait_dma2 semaphore(%arg22 : memref<!tpu.dma_semaphore, #tpu.memory_space<semaphore_mem>>) src(%dma_wait3A_1348 : memref<8x1024xf32, #tpu.memory_space<hbm>>) dst(%arg18 : memref<8x1024xf32, #tpu.memory_space<vmem>>)
    %dma_wait3A_1349 = arith.constant 0 : i32
    %dma_wait3A_1350 = tpu.memref_slice %arg3[%add3A_1212, %dma_wait3A_1349] : memref<8192x1024xf32, #tpu.memory_space<hbm>> -> memref<8x1024xf32, #tpu.memory_space<hbm>>
    %dma_wait3A_1351 = arith.constant 0 : i32
    %dma_wait3A_1352 = tpu.memref_slice %arg3[%add3A_1212, %dma_wait3A_1351] : memref<8192x1024xf32, #tpu.memory_space<hbm>> -> memref<8x1024xf32, #tpu.memory_space<hbm>>
    tpu.wait_dma2 semaphore(%arg22 : memref<!tpu.dma_semaphore, #tpu.memory_space<semaphore_mem>>) src(%dma_wait3A_1352 : memref<8x1024xf32, #tpu.memory_space<hbm>>) dst(%arg19 : memref<8x1024xf32, #tpu.memory_space<vmem>>)
    %add3A_1353 = arith.constant 112 : i32
    %add3A_1354 = arith.addi %mul3A_2, %add3A_1353 : i32
    %add3A_1355 = arith.constant 0 : i32
    %add3A_1356 = arith.addi %add3A_1355, %add3A_1354 : i32
    %dma_start3A_1357 = arith.constant 0 : i32
    %dma_start3A_1358 = tpu.memref_slice %arg4[%add3A_1356, %dma_start3A_1357] : memref<16384x1024xf32, #tpu.memory_space<hbm>> -> memref<8x1024xf32, #tpu.memory_space<hbm>>
    %dma_start3A_1359 = arith.constant 0 : i32
    %dma_start3A_1360 = tpu.memref_slice %arg4[%add3A_1356, %dma_start3A_1359] : memref<16384x1024xf32, #tpu.memory_space<hbm>> -> memref<8x1024xf32, #tpu.memory_space<hbm>>
    tpu.enqueue_dma source(%arg15 : memref<8x1024xf32, #tpu.memory_space<vmem>>) target(%dma_start3A_1360 : memref<8x1024xf32, #tpu.memory_space<hbm>>) target_semaphore(%arg25 : memref<!tpu.dma_semaphore, #tpu.memory_space<semaphore_mem>>)
    %add3A_1361 = arith.constant 4096 : i32
    %add3A_1362 = arith.addi %add3A_1361, %add3A_1354 : i32
    %dma_start3A_1363 = arith.constant 0 : i32
    %dma_start3A_1364 = tpu.memref_slice %arg4[%add3A_1362, %dma_start3A_1363] : memref<16384x1024xf32, #tpu.memory_space<hbm>> -> memref<8x1024xf32, #tpu.memory_space<hbm>>
    %dma_start3A_1365 = arith.constant 0 : i32
    %dma_start3A_1366 = tpu.memref_slice %arg4[%add3A_1362, %dma_start3A_1365] : memref<16384x1024xf32, #tpu.memory_space<hbm>> -> memref<8x1024xf32, #tpu.memory_space<hbm>>
    tpu.enqueue_dma source(%arg16 : memref<8x1024xf32, #tpu.memory_space<vmem>>) target(%dma_start3A_1366 : memref<8x1024xf32, #tpu.memory_space<hbm>>) target_semaphore(%arg25 : memref<!tpu.dma_semaphore, #tpu.memory_space<semaphore_mem>>)
    %add3A_1367 = arith.constant 8192 : i32
    %add3A_1368 = arith.addi %add3A_1367, %add3A_1354 : i32
    %dma_start3A_1369 = arith.constant 0 : i32
    %dma_start3A_1370 = tpu.memref_slice %arg4[%add3A_1368, %dma_start3A_1369] : memref<16384x1024xf32, #tpu.memory_space<hbm>> -> memref<8x1024xf32, #tpu.memory_space<hbm>>
    %dma_start3A_1371 = arith.constant 0 : i32
    %dma_start3A_1372 = tpu.memref_slice %arg4[%add3A_1368, %dma_start3A_1371] : memref<16384x1024xf32, #tpu.memory_space<hbm>> -> memref<8x1024xf32, #tpu.memory_space<hbm>>
    tpu.enqueue_dma source(%arg17 : memref<8x1024xf32, #tpu.memory_space<vmem>>) target(%dma_start3A_1372 : memref<8x1024xf32, #tpu.memory_space<hbm>>) target_semaphore(%arg25 : memref<!tpu.dma_semaphore, #tpu.memory_space<semaphore_mem>>)
    %add3A_1373 = arith.constant 12288 : i32
    %add3A_1374 = arith.addi %add3A_1373, %add3A_1354 : i32
    %dma_start3A_1375 = arith.constant 0 : i32
    %dma_start3A_1376 = tpu.memref_slice %arg4[%add3A_1374, %dma_start3A_1375] : memref<16384x1024xf32, #tpu.memory_space<hbm>> -> memref<8x1024xf32, #tpu.memory_space<hbm>>
    %dma_start3A_1377 = arith.constant 0 : i32
    %dma_start3A_1378 = tpu.memref_slice %arg4[%add3A_1374, %dma_start3A_1377] : memref<16384x1024xf32, #tpu.memory_space<hbm>> -> memref<8x1024xf32, #tpu.memory_space<hbm>>
    tpu.enqueue_dma source(%arg18 : memref<8x1024xf32, #tpu.memory_space<vmem>>) target(%dma_start3A_1378 : memref<8x1024xf32, #tpu.memory_space<hbm>>) target_semaphore(%arg25 : memref<!tpu.dma_semaphore, #tpu.memory_space<semaphore_mem>>)
    %dma_wait3A_1379 = arith.constant 0 : i32
    %dma_wait3A_1380 = tpu.memref_slice %arg2[%add3A_1306, %dma_wait3A_1379] : memref<16384x1024xf32, #tpu.memory_space<hbm>> -> memref<8x1024xf32, #tpu.memory_space<hbm>>
    %dma_wait3A_1381 = arith.constant 0 : i32
    %dma_wait3A_1382 = tpu.memref_slice %arg2[%add3A_1306, %dma_wait3A_1381] : memref<16384x1024xf32, #tpu.memory_space<hbm>> -> memref<8x1024xf32, #tpu.memory_space<hbm>>
    tpu.wait_dma2 semaphore(%arg20 : memref<!tpu.dma_semaphore, #tpu.memory_space<semaphore_mem>>) src(%dma_wait3A_1382 : memref<8x1024xf32, #tpu.memory_space<hbm>>) dst(%arg5 : memref<8x1024xf32, #tpu.memory_space<vmem>>)
    %dma_wait3A_1383 = arith.constant 0 : i32
    %dma_wait3A_1384 = tpu.memref_slice %arg2[%add3A_1312, %dma_wait3A_1383] : memref<16384x1024xf32, #tpu.memory_space<hbm>> -> memref<8x1024xf32, #tpu.memory_space<hbm>>
    %dma_wait3A_1385 = arith.constant 0 : i32
    %dma_wait3A_1386 = tpu.memref_slice %arg2[%add3A_1312, %dma_wait3A_1385] : memref<16384x1024xf32, #tpu.memory_space<hbm>> -> memref<8x1024xf32, #tpu.memory_space<hbm>>
    tpu.wait_dma2 semaphore(%arg20 : memref<!tpu.dma_semaphore, #tpu.memory_space<semaphore_mem>>) src(%dma_wait3A_1386 : memref<8x1024xf32, #tpu.memory_space<hbm>>) dst(%arg6 : memref<8x1024xf32, #tpu.memory_space<vmem>>)
    %dma_wait3A_1387 = arith.constant 0 : i32
    %dma_wait3A_1388 = tpu.memref_slice %arg2[%add3A_1318, %dma_wait3A_1387] : memref<16384x1024xf32, #tpu.memory_space<hbm>> -> memref<8x1024xf32, #tpu.memory_space<hbm>>
    %dma_wait3A_1389 = arith.constant 0 : i32
    %dma_wait3A_1390 = tpu.memref_slice %arg2[%add3A_1318, %dma_wait3A_1389] : memref<16384x1024xf32, #tpu.memory_space<hbm>> -> memref<8x1024xf32, #tpu.memory_space<hbm>>
    tpu.wait_dma2 semaphore(%arg20 : memref<!tpu.dma_semaphore, #tpu.memory_space<semaphore_mem>>) src(%dma_wait3A_1390 : memref<8x1024xf32, #tpu.memory_space<hbm>>) dst(%arg7 : memref<8x1024xf32, #tpu.memory_space<vmem>>)
    %dma_wait3A_1391 = arith.constant 0 : i32
    %dma_wait3A_1392 = tpu.memref_slice %arg2[%add3A_1324, %dma_wait3A_1391] : memref<16384x1024xf32, #tpu.memory_space<hbm>> -> memref<8x1024xf32, #tpu.memory_space<hbm>>
    %dma_wait3A_1393 = arith.constant 0 : i32
    %dma_wait3A_1394 = tpu.memref_slice %arg2[%add3A_1324, %dma_wait3A_1393] : memref<16384x1024xf32, #tpu.memory_space<hbm>> -> memref<8x1024xf32, #tpu.memory_space<hbm>>
    tpu.wait_dma2 semaphore(%arg20 : memref<!tpu.dma_semaphore, #tpu.memory_space<semaphore_mem>>) src(%dma_wait3A_1394 : memref<8x1024xf32, #tpu.memory_space<hbm>>) dst(%arg8 : memref<8x1024xf32, #tpu.memory_space<vmem>>)
    %dma_wait3A_1395 = arith.constant 0 : i32
    %dma_wait3A_1396 = tpu.memref_slice %arg3[%add3A_1304, %dma_wait3A_1395] : memref<8192x1024xf32, #tpu.memory_space<hbm>> -> memref<8x1024xf32, #tpu.memory_space<hbm>>
    %dma_wait3A_1397 = arith.constant 0 : i32
    %dma_wait3A_1398 = tpu.memref_slice %arg3[%add3A_1304, %dma_wait3A_1397] : memref<8192x1024xf32, #tpu.memory_space<hbm>> -> memref<8x1024xf32, #tpu.memory_space<hbm>>
    tpu.wait_dma2 semaphore(%arg20 : memref<!tpu.dma_semaphore, #tpu.memory_space<semaphore_mem>>) src(%dma_wait3A_1398 : memref<8x1024xf32, #tpu.memory_space<hbm>>) dst(%arg9 : memref<8x1024xf32, #tpu.memory_space<vmem>>)
    %add3A_1399 = arith.constant 120 : i32
    %add3A_1400 = arith.addi %mul3A_2, %add3A_1399 : i32
    %add3A_1401 = arith.constant 0 : i32
    %add3A_1402 = arith.addi %add3A_1401, %add3A_1400 : i32
    %dma_start3A_1403 = arith.constant 0 : i32
    %dma_start3A_1404 = tpu.memref_slice %arg4[%add3A_1402, %dma_start3A_1403] : memref<16384x1024xf32, #tpu.memory_space<hbm>> -> memref<8x1024xf32, #tpu.memory_space<hbm>>
    %dma_start3A_1405 = arith.constant 0 : i32
    %dma_start3A_1406 = tpu.memref_slice %arg4[%add3A_1402, %dma_start3A_1405] : memref<16384x1024xf32, #tpu.memory_space<hbm>> -> memref<8x1024xf32, #tpu.memory_space<hbm>>
    tpu.enqueue_dma source(%arg5 : memref<8x1024xf32, #tpu.memory_space<vmem>>) target(%dma_start3A_1406 : memref<8x1024xf32, #tpu.memory_space<hbm>>) target_semaphore(%arg23 : memref<!tpu.dma_semaphore, #tpu.memory_space<semaphore_mem>>)
    %add3A_1407 = arith.constant 4096 : i32
    %add3A_1408 = arith.addi %add3A_1407, %add3A_1400 : i32
    %dma_start3A_1409 = arith.constant 0 : i32
    %dma_start3A_1410 = tpu.memref_slice %arg4[%add3A_1408, %dma_start3A_1409] : memref<16384x1024xf32, #tpu.memory_space<hbm>> -> memref<8x1024xf32, #tpu.memory_space<hbm>>
    %dma_start3A_1411 = arith.constant 0 : i32
    %dma_start3A_1412 = tpu.memref_slice %arg4[%add3A_1408, %dma_start3A_1411] : memref<16384x1024xf32, #tpu.memory_space<hbm>> -> memref<8x1024xf32, #tpu.memory_space<hbm>>
    tpu.enqueue_dma source(%arg6 : memref<8x1024xf32, #tpu.memory_space<vmem>>) target(%dma_start3A_1412 : memref<8x1024xf32, #tpu.memory_space<hbm>>) target_semaphore(%arg23 : memref<!tpu.dma_semaphore, #tpu.memory_space<semaphore_mem>>)
    %add3A_1413 = arith.constant 8192 : i32
    %add3A_1414 = arith.addi %add3A_1413, %add3A_1400 : i32
    %dma_start3A_1415 = arith.constant 0 : i32
    %dma_start3A_1416 = tpu.memref_slice %arg4[%add3A_1414, %dma_start3A_1415] : memref<16384x1024xf32, #tpu.memory_space<hbm>> -> memref<8x1024xf32, #tpu.memory_space<hbm>>
    %dma_start3A_1417 = arith.constant 0 : i32
    %dma_start3A_1418 = tpu.memref_slice %arg4[%add3A_1414, %dma_start3A_1417] : memref<16384x1024xf32, #tpu.memory_space<hbm>> -> memref<8x1024xf32, #tpu.memory_space<hbm>>
    tpu.enqueue_dma source(%arg7 : memref<8x1024xf32, #tpu.memory_space<vmem>>) target(%dma_start3A_1418 : memref<8x1024xf32, #tpu.memory_space<hbm>>) target_semaphore(%arg23 : memref<!tpu.dma_semaphore, #tpu.memory_space<semaphore_mem>>)
    %add3A_1419 = arith.constant 12288 : i32
    %add3A_1420 = arith.addi %add3A_1419, %add3A_1400 : i32
    %dma_start3A_1421 = arith.constant 0 : i32
    %dma_start3A_1422 = tpu.memref_slice %arg4[%add3A_1420, %dma_start3A_1421] : memref<16384x1024xf32, #tpu.memory_space<hbm>> -> memref<8x1024xf32, #tpu.memory_space<hbm>>
    %dma_start3A_1423 = arith.constant 0 : i32
    %dma_start3A_1424 = tpu.memref_slice %arg4[%add3A_1420, %dma_start3A_1423] : memref<16384x1024xf32, #tpu.memory_space<hbm>> -> memref<8x1024xf32, #tpu.memory_space<hbm>>
    tpu.enqueue_dma source(%arg8 : memref<8x1024xf32, #tpu.memory_space<vmem>>) target(%dma_start3A_1424 : memref<8x1024xf32, #tpu.memory_space<hbm>>) target_semaphore(%arg23 : memref<!tpu.dma_semaphore, #tpu.memory_space<semaphore_mem>>)
    %dma_wait3A_1425 = arith.constant 0 : i32
    %dma_wait3A_1426 = tpu.memref_slice %arg4[%add3A_1402, %dma_wait3A_1425] : memref<16384x1024xf32, #tpu.memory_space<hbm>> -> memref<8x1024xf32, #tpu.memory_space<hbm>>
    %dma_wait3A_1427 = arith.constant 0 : i32
    %dma_wait3A_1428 = tpu.memref_slice %arg4[%add3A_1402, %dma_wait3A_1427] : memref<16384x1024xf32, #tpu.memory_space<hbm>> -> memref<8x1024xf32, #tpu.memory_space<hbm>>
    tpu.wait_dma2 semaphore(%arg23 : memref<!tpu.dma_semaphore, #tpu.memory_space<semaphore_mem>>) src(%arg5 : memref<8x1024xf32, #tpu.memory_space<vmem>>) dst(%dma_wait3A_1428 : memref<8x1024xf32, #tpu.memory_space<hbm>>)
    %dma_wait3A_1429 = arith.constant 0 : i32
    %dma_wait3A_1430 = tpu.memref_slice %arg4[%add3A_1408, %dma_wait3A_1429] : memref<16384x1024xf32, #tpu.memory_space<hbm>> -> memref<8x1024xf32, #tpu.memory_space<hbm>>
    %dma_wait3A_1431 = arith.constant 0 : i32
    %dma_wait3A_1432 = tpu.memref_slice %arg4[%add3A_1408, %dma_wait3A_1431] : memref<16384x1024xf32, #tpu.memory_space<hbm>> -> memref<8x1024xf32, #tpu.memory_space<hbm>>
    tpu.wait_dma2 semaphore(%arg23 : memref<!tpu.dma_semaphore, #tpu.memory_space<semaphore_mem>>) src(%arg6 : memref<8x1024xf32, #tpu.memory_space<vmem>>) dst(%dma_wait3A_1432 : memref<8x1024xf32, #tpu.memory_space<hbm>>)
    %dma_wait3A_1433 = arith.constant 0 : i32
    %dma_wait3A_1434 = tpu.memref_slice %arg4[%add3A_1414, %dma_wait3A_1433] : memref<16384x1024xf32, #tpu.memory_space<hbm>> -> memref<8x1024xf32, #tpu.memory_space<hbm>>
    %dma_wait3A_1435 = arith.constant 0 : i32
    %dma_wait3A_1436 = tpu.memref_slice %arg4[%add3A_1414, %dma_wait3A_1435] : memref<16384x1024xf32, #tpu.memory_space<hbm>> -> memref<8x1024xf32, #tpu.memory_space<hbm>>
    tpu.wait_dma2 semaphore(%arg23 : memref<!tpu.dma_semaphore, #tpu.memory_space<semaphore_mem>>) src(%arg7 : memref<8x1024xf32, #tpu.memory_space<vmem>>) dst(%dma_wait3A_1436 : memref<8x1024xf32, #tpu.memory_space<hbm>>)
    %dma_wait3A_1437 = arith.constant 0 : i32
    %dma_wait3A_1438 = tpu.memref_slice %arg4[%add3A_1420, %dma_wait3A_1437] : memref<16384x1024xf32, #tpu.memory_space<hbm>> -> memref<8x1024xf32, #tpu.memory_space<hbm>>
    %dma_wait3A_1439 = arith.constant 0 : i32
    %dma_wait3A_1440 = tpu.memref_slice %arg4[%add3A_1420, %dma_wait3A_1439] : memref<16384x1024xf32, #tpu.memory_space<hbm>> -> memref<8x1024xf32, #tpu.memory_space<hbm>>
    tpu.wait_dma2 semaphore(%arg23 : memref<!tpu.dma_semaphore, #tpu.memory_space<semaphore_mem>>) src(%arg8 : memref<8x1024xf32, #tpu.memory_space<vmem>>) dst(%dma_wait3A_1440 : memref<8x1024xf32, #tpu.memory_space<hbm>>)
    %dma_wait3A_1441 = arith.constant 0 : i32
    %dma_wait3A_1442 = tpu.memref_slice %arg4[%add3A_1264, %dma_wait3A_1441] : memref<16384x1024xf32, #tpu.memory_space<hbm>> -> memref<8x1024xf32, #tpu.memory_space<hbm>>
    %dma_wait3A_1443 = arith.constant 0 : i32
    %dma_wait3A_1444 = tpu.memref_slice %arg4[%add3A_1264, %dma_wait3A_1443] : memref<16384x1024xf32, #tpu.memory_space<hbm>> -> memref<8x1024xf32, #tpu.memory_space<hbm>>
    tpu.wait_dma2 semaphore(%arg24 : memref<!tpu.dma_semaphore, #tpu.memory_space<semaphore_mem>>) src(%arg10 : memref<8x1024xf32, #tpu.memory_space<vmem>>) dst(%dma_wait3A_1444 : memref<8x1024xf32, #tpu.memory_space<hbm>>)
    %dma_wait3A_1445 = arith.constant 0 : i32
    %dma_wait3A_1446 = tpu.memref_slice %arg4[%add3A_1270, %dma_wait3A_1445] : memref<16384x1024xf32, #tpu.memory_space<hbm>> -> memref<8x1024xf32, #tpu.memory_space<hbm>>
    %dma_wait3A_1447 = arith.constant 0 : i32
    %dma_wait3A_1448 = tpu.memref_slice %arg4[%add3A_1270, %dma_wait3A_1447] : memref<16384x1024xf32, #tpu.memory_space<hbm>> -> memref<8x1024xf32, #tpu.memory_space<hbm>>
    tpu.wait_dma2 semaphore(%arg24 : memref<!tpu.dma_semaphore, #tpu.memory_space<semaphore_mem>>) src(%arg11 : memref<8x1024xf32, #tpu.memory_space<vmem>>) dst(%dma_wait3A_1448 : memref<8x1024xf32, #tpu.memory_space<hbm>>)
    %dma_wait3A_1449 = arith.constant 0 : i32
    %dma_wait3A_1450 = tpu.memref_slice %arg4[%add3A_1276, %dma_wait3A_1449] : memref<16384x1024xf32, #tpu.memory_space<hbm>> -> memref<8x1024xf32, #tpu.memory_space<hbm>>
    %dma_wait3A_1451 = arith.constant 0 : i32
    %dma_wait3A_1452 = tpu.memref_slice %arg4[%add3A_1276, %dma_wait3A_1451] : memref<16384x1024xf32, #tpu.memory_space<hbm>> -> memref<8x1024xf32, #tpu.memory_space<hbm>>
    tpu.wait_dma2 semaphore(%arg24 : memref<!tpu.dma_semaphore, #tpu.memory_space<semaphore_mem>>) src(%arg12 : memref<8x1024xf32, #tpu.memory_space<vmem>>) dst(%dma_wait3A_1452 : memref<8x1024xf32, #tpu.memory_space<hbm>>)
    %dma_wait3A_1453 = arith.constant 0 : i32
    %dma_wait3A_1454 = tpu.memref_slice %arg4[%add3A_1282, %dma_wait3A_1453] : memref<16384x1024xf32, #tpu.memory_space<hbm>> -> memref<8x1024xf32, #tpu.memory_space<hbm>>
    %dma_wait3A_1455 = arith.constant 0 : i32
    %dma_wait3A_1456 = tpu.memref_slice %arg4[%add3A_1282, %dma_wait3A_1455] : memref<16384x1024xf32, #tpu.memory_space<hbm>> -> memref<8x1024xf32, #tpu.memory_space<hbm>>
    tpu.wait_dma2 semaphore(%arg24 : memref<!tpu.dma_semaphore, #tpu.memory_space<semaphore_mem>>) src(%arg13 : memref<8x1024xf32, #tpu.memory_space<vmem>>) dst(%dma_wait3A_1456 : memref<8x1024xf32, #tpu.memory_space<hbm>>)
    %dma_wait3A_1457 = arith.constant 0 : i32
    %dma_wait3A_1458 = tpu.memref_slice %arg4[%add3A_1356, %dma_wait3A_1457] : memref<16384x1024xf32, #tpu.memory_space<hbm>> -> memref<8x1024xf32, #tpu.memory_space<hbm>>
    %dma_wait3A_1459 = arith.constant 0 : i32
    %dma_wait3A_1460 = tpu.memref_slice %arg4[%add3A_1356, %dma_wait3A_1459] : memref<16384x1024xf32, #tpu.memory_space<hbm>> -> memref<8x1024xf32, #tpu.memory_space<hbm>>
    tpu.wait_dma2 semaphore(%arg25 : memref<!tpu.dma_semaphore, #tpu.memory_space<semaphore_mem>>) src(%arg15 : memref<8x1024xf32, #tpu.memory_space<vmem>>) dst(%dma_wait3A_1460 : memref<8x1024xf32, #tpu.memory_space<hbm>>)
    %dma_wait3A_1461 = arith.constant 0 : i32
    %dma_wait3A_1462 = tpu.memref_slice %arg4[%add3A_1362, %dma_wait3A_1461] : memref<16384x1024xf32, #tpu.memory_space<hbm>> -> memref<8x1024xf32, #tpu.memory_space<hbm>>
    %dma_wait3A_1463 = arith.constant 0 : i32
    %dma_wait3A_1464 = tpu.memref_slice %arg4[%add3A_1362, %dma_wait3A_1463] : memref<16384x1024xf32, #tpu.memory_space<hbm>> -> memref<8x1024xf32, #tpu.memory_space<hbm>>
    tpu.wait_dma2 semaphore(%arg25 : memref<!tpu.dma_semaphore, #tpu.memory_space<semaphore_mem>>) src(%arg16 : memref<8x1024xf32, #tpu.memory_space<vmem>>) dst(%dma_wait3A_1464 : memref<8x1024xf32, #tpu.memory_space<hbm>>)
    %dma_wait3A_1465 = arith.constant 0 : i32
    %dma_wait3A_1466 = tpu.memref_slice %arg4[%add3A_1368, %dma_wait3A_1465] : memref<16384x1024xf32, #tpu.memory_space<hbm>> -> memref<8x1024xf32, #tpu.memory_space<hbm>>
    %dma_wait3A_1467 = arith.constant 0 : i32
    %dma_wait3A_1468 = tpu.memref_slice %arg4[%add3A_1368, %dma_wait3A_1467] : memref<16384x1024xf32, #tpu.memory_space<hbm>> -> memref<8x1024xf32, #tpu.memory_space<hbm>>
    tpu.wait_dma2 semaphore(%arg25 : memref<!tpu.dma_semaphore, #tpu.memory_space<semaphore_mem>>) src(%arg17 : memref<8x1024xf32, #tpu.memory_space<vmem>>) dst(%dma_wait3A_1468 : memref<8x1024xf32, #tpu.memory_space<hbm>>)
    %dma_wait3A_1469 = arith.constant 0 : i32
    %dma_wait3A_1470 = tpu.memref_slice %arg4[%add3A_1374, %dma_wait3A_1469] : memref<16384x1024xf32, #tpu.memory_space<hbm>> -> memref<8x1024xf32, #tpu.memory_space<hbm>>
    %dma_wait3A_1471 = arith.constant 0 : i32
    %dma_wait3A_1472 = tpu.memref_slice %arg4[%add3A_1374, %dma_wait3A_1471] : memref<16384x1024xf32, #tpu.memory_space<hbm>> -> memref<8x1024xf32, #tpu.memory_space<hbm>>
    tpu.wait_dma2 semaphore(%arg25 : memref<!tpu.dma_semaphore, #tpu.memory_space<semaphore_mem>>) src(%arg18 : memref<8x1024xf32, #tpu.memory_space<vmem>>) dst(%dma_wait3A_1472 : memref<8x1024xf32, #tpu.memory_space<hbm>>)
    return
  }
}

</mosaic_0001>

<sc_bundles>
// kernel: kernel.3.cloned.1.call-start
scs
__scs_entry_jumppad:
0x0: {  	(pc) =	sbr.rel $0x88, $3  }
0x1: {  	(tag) =	ssettag $0x0;
	lr =	simm.s32 $0x1  }
0x2: {  	[smem:$0x3F9F] =	sst lr;
	_ =	strace $0xD0000000  }
0x3: {  	_ = 	snop  }
0x4: {  	_ = 	snop  }
0x5: {  	_ = 	snop  }
0x6: {  	_ = 	snop  }
0x7: {  	_ = 	snop  }
__scs_overlays_trampoline_lowered:
0x8: {  	[smem:$0x3FAE] =	sst s0  }
0x9: {  	[smem:$0x3FAF] =	sst s1  }
0xa: {  	[smem:$0x3FB0] =	sst s2  }
0xb: {  	[smem:$0x3FB1] =	sst s3  }
0xc: {  	[smem:$0x3FB2] =	sst s4  }
0xd: {  	[smem:$0x3FB3] =	sst s5  }
0xe: {  	[smem:$0x3FB4] =	sst s6  }
0xf: {  	[smem:$0x3FB5] =	sst s7  }
0x10: {  	[smem:$0x3FB6] =	sst s8  }
0x11: {  	[smem:$0x3FB7] =	sst s9;
	s0 =	simm.s32 @!p0 $0x0  }
0x12: {  	s1 =	sld [smem:$0x3F9D];
	s0 =	simm.s32 @p0 $0x1  }
0x13: {  	[smem:$0x3FB8] =	sst s0;
	s0 =	simm.s32 @!p1 $0x0  }
0x14: {  	s2 =	sld [smem:$0x3F9C];
	s0 =	simm.s32 @p1 $0x1  }
0x15: {  	[smem:$0x3FB9] =	sst s0;
	s0 =	simm.s32 @!p2 $0x0  }
0x16: {  	s3 =	sld [smem:$0x3FDB];
	s0 =	simm.s32 @p2 $0x1  }
0x17: {  	s4 =	simm.s32 $0x1BF5;
	[smem:$0x3FBB] =	sst s0  }
0x18: {  	s0 =	sld [smem:$0x3F9E];
	_ =	swait.ge [sflag:s4], $0x0  }
0x19: {  	s7 =	sld [smem:$0x3F9F]  }
0x1a: {  	s8 =	sadd.s32 $0xFFFFE003, lr  }
0x1b: {  	s9 =	sadd.s32 $0xFFFFFEF7, lr;
	s5 =	simm.s32 $0xFFFFFFFF;
	p2 =	slt.u32 s8, $0xFFFFF086  }
0x1c: {  	p1 =	slt.u32 s9, $0xF7A;
	s5 =	simm.s32 @!p2 $0x0  }
0x1d: {  	s5 =	simm.s32 @p1 $0x1;
	p0 =	seq.s32 s7, s2  }
0x1e: {  	s7 =	smul.u32 @!p0 $0xF7A, s2;
	p2 =	seq.s32 @!p0 s5, $0x0  }
0x1f: {  	s9 =	smul.u32 $0xF7A, s1;
	s8 =	simm.s32 @!p0 $0x1BF5;
	p2 =	por !p2, p0  }
0x20: {  	[sflag:s8] =	ssyncset.s32 @!p0 $0xFFFFF086;
	s6 =	sadd.s32 @!p0 s3, s7;
	s7 =	simm.s32 @!p0 $0x108  }
0x21: {  	s3 =	sadd.s32 s3, s9;
	s6 =	sadd.s32 @!p0 $0x88, s6;
	s7 =	simm.s32 @p2 $0x1082  }
0x22: {  	[simem:s7], [sflag:s8] =	dma.local @!p0 [hbm:s6], $0xF7A  }
0x23: {  	s9 =	sor.u32 $0xD0000000, s2;
	s6 =	simm.s32 $0x108;
	_ =	swait.ge @!p0 [sflag:s8], $0x0  }
0x24: {  	s3 =	sadd.s32 $0x88, s3;
	s6 =	simm.s32 @!p1 $0x1082;
	[sflag:s4] =	ssyncset.s32 $0xFFFFF086  }
0x25: {  	[simem:s6], [sflag:s4] =	dma.local [hbm:s3], $0xF7A  }
0x26: {  	[smem:$0x3F9F] =	sst s1;
	(tag) =	ssettag s2;
	_ =	strace s9  }
0x27: {  	s1 =	sld [smem:$0x3FAF]  }
0x28: {  	s2 =	sld [smem:$0x3FB0]  }
0x29: {  	s4 =	sld [smem:$0x3FB2]  }
0x2a: {  	p0 =	seq.s32 s5, $0x0;
	s5 =	sld [smem:$0x3FB3]  }
0x2b: {  	s6 =	sld [smem:$0x3FB4]  }
0x2c: {  	s7 =	sld [smem:$0x3FB5]  }
0x2d: {  	s3 =	simm.s32 $0x108;
	s8 =	sld [smem:$0x3FB6]  }
0x2e: {  	s3 =	simm.s32 @!p0 $0x1082;
	s9 =	sld [smem:$0x3FB7]  }
0x2f: {  	lr =	sadd.s32 s0, s3;
	s0 =	sld [smem:$0x3FAE]  }
0x30: {  	s3 =	sld [smem:$0x3FB1]  }
0x31: {  	[smem:$0x3FBA] =	sst s10  }
0x32: {  	s10 =	sld [smem:$0x3FB8];
	_ =	sdelay $0x3  }
0x33: {  	p0 =	seq.s32 s10, $0x1;
	s10 =	sld [smem:$0x3FBA];
	_ =	sdelay $0x3  }
0x34: {  	[smem:$0x3FBA] =	sst s10  }
0x35: {  	s10 =	sld [smem:$0x3FB9];
	_ =	sdelay $0x3  }
0x36: {  	p1 =	seq.s32 s10, $0x1;
	s10 =	sld [smem:$0x3FBA];
	_ =	sdelay $0x3  }
0x37: {  	[smem:$0x3FBA] =	sst s10  }
0x38: {  	s10 =	sld [smem:$0x3FBB]  }
0x39: {  	_ = 	snop;
	(pc) =	sbr.ind lr, $3  }
0x3a: {  	_ = 	snop  }
0x3b: {  	_ = 	snop  }
0x3c: {  	p2 =	seq.s32 s10, $0x1;
	s10 =	sld [smem:$0x3FBA]  }
0x3d: {  	_ =	shalt  }
0x3e: {  	_ =	shalt  }
0x3f: {  	_ =	shalt  }
0x40: {  	_ =	shalt  }
0x41: {  	_ =	shalt  }
0x42: {  	_ =	shalt  }
0x43: {  	_ =	shalt  }
0x44: {  	_ =	shalt  }
0x45: {  	_ =	shalt  }
0x46: {  	_ =	shalt  }
0x47: {  	_ =	shalt  }
0x48: {  	_ =	shalt  }
0x49: {  	_ =	shalt  }
0x4a: {  	_ =	shalt  }
0x4b: {  	_ =	shalt  }
0x4c: {  	_ =	shalt  }
0x4d: {  	_ =	shalt  }
0x4e: {  	_ =	shalt  }
0x4f: {  	_ =	shalt  }
0x50: {  	_ =	shalt  }
0x51: {  	_ =	shalt  }
0x52: {  	_ =	shalt  }
0x53: {  	_ =	shalt  }
0x54: {  	_ =	shalt  }
0x55: {  	_ =	shalt  }
0x56: {  	_ =	shalt  }
0x57: {  	_ =	shalt  }
0x58: {  	_ =	shalt  }
0x59: {  	_ =	shalt  }
0x5a: {  	_ =	shalt  }
0x5b: {  	_ =	shalt  }
0x5c: {  	_ =	shalt  }
0x5d: {  	_ =	shalt  }
0x5e: {  	_ =	shalt  }
0x5f: {  	_ =	shalt  }
0x60: {  	_ =	shalt  }
0x61: {  	_ =	shalt  }
0x62: {  	_ =	shalt  }
0x63: {  	_ =	shalt  }
0x64: {  	_ =	shalt  }
0x65: {  	_ =	shalt  }
0x66: {  	_ =	shalt  }
0x67: {  	_ =	shalt  }
0x68: {  	_ =	shalt  }
0x69: {  	_ =	shalt  }
0x6a: {  	_ =	shalt  }
0x6b: {  	_ =	shalt  }
0x6c: {  	_ =	shalt  }
0x6d: {  	_ =	shalt  }
0x6e: {  	_ =	shalt  }
0x6f: {  	_ =	shalt  }
0x70: {  	_ =	shalt  }
0x71: {  	_ =	shalt  }
0x72: {  	_ =	shalt  }
0x73: {  	_ =	shalt  }
0x74: {  	_ =	shalt  }
0x75: {  	_ =	shalt  }
0x76: {  	_ =	shalt  }
0x77: {  	_ =	shalt  }
0x78: {  	_ =	shalt  }
0x79: {  	_ =	shalt  }
0x7a: {  	_ =	shalt  }
0x7b: {  	_ =	shalt  }
0x7c: {  	_ =	shalt  }
0x7d: {  	_ =	shalt  }
0x7e: {  	_ =	shalt  }
0x7f: {  	_ =	shalt  }
0x80: {  	_ =	shalt  }
0x81: {  	_ =	shalt  }
0x82: {  	_ =	shalt  }
0x83: {  	_ =	shalt  }
0x84: {  	_ =	shalt  }
0x85: {  	_ =	shalt  }
0x86: {  	_ =	shalt  }
0x87: {  	_ =	shalt  }
.Lfunc_end0:
.L_simem_size_0:
called_computation_lowered:
.L_overlay_start_0:
0x88: {  	s2 =	sld [smem:$0x3FD9]  }
0x89: {  	s3 =	sld [smem:$0x3FFE];
	_ =	sdelay $0x1  }
0x8a: {  	s1 =	srdreg.scid  }
0x8b: {  	s0 =	sand.u32 $0x1, s1  }
0x8c: {  	s18 =	sshll.u32 s0, $0xA;
	s2 =	sadd.s32 s3, s2  }
0x8d: {  	s2 =	sadd.s32 s2, s18  }
0x8e: {  	[smem:$0x3FC6] =	sst s2  }
0x8f: {  	_ = 	snop  }
0x90: {  	s2 =	sld [smem:$0x3FC9]  }
0x91: {  	s19 =	sld [smem:$0x3FC8]  }
0x92: {  	s4 =	sld [smem:$0x3FD0];
	(tm) =	ssettm $0x1  }
0x93: {  	s5 =	sld [smem:$0x3FFB];
	_ =	sdelay $0x3  }
0x94: {  	_ =	strace s5  }
0x95: {  	s5 =	sld [smem:$0x3FFC];
	_ =	sdelay $0x3  }
0x96: {  	_ =	strace s5  }
0x97: {  	s5 =	sld [smem:$0x3FFD];
	_ =	sdelay $0x3  }
0x98: {  	_ =	strace s5  }
0x99: {  	_ =	strace $0x8FFFFFFF  }
0x9a: {  	s20 =	sld [smem:$0x3FDB];
	_ =	sdelay $0x1  }
0x9b: {  	s6 =	simm.s32 $_scs_section_size  }
0x9c: {  	s7 =	simm.s32 $_size__tile_overlayer_lowered;
	s8 =	simm.s32 $_tile_overlayer_lowered  }
0x9d: {  	s23 =	simm.s32 $0x1BFF;
	s22 =	sshll.u32 s8, $0x1;
	s5 =	sadd.s32 s6, s20  }
0x9e: {  	s9 =	simm.s32 $0x0;
	s21 =	sshll.u32 s7, $0x1;
	s7 =	sadd.s32 s22, s5  }
0x9f: {  	[timem:s9], [sflag:s23] =	dma.local [hbm:s7], s21  }
0xa0: {  	_ =	swait.ge [sflag:s23], s21  }
0xa1: {  	s6 =	ssub.s32 $0x0, s21;
	[sflag:s23] =	ssyncset.done $0x0  }
0xa2: {  	[sflag:s23] =	ssyncadd.s32 s6;
	_ =	sdelay $0x1  }
0xa3: {  	s24 =	simm.s32 $0x1B8B  }
0xa4: {  	_ =	swait.ge [sflag:s24], $0x1  }
0xa5: {  	[sflag:s24] =	ssyncset.done $0x0  }
0xa6: {  	s25 =	simm.s32 $0x1B8E;
	[sflag:s24] =	ssyncadd.s32 $0xFFFFFFFF  }
0xa7: {  	s26 =	simm.s32 $execute0_lowered;
	[smem:$0x3FD2] =	sst s25  }
0xa8: {  	s6 =	sshll.u32 s26, $0x1;
	_ =	strace $0x80000046;
	[dreg:$0x1] =	wrdreg $0xFFFFFFFF  }
0xa9: {  	s28 =	simm.s32 $_size_execute0_lowered;
	s5 =	sadd.s32 s5, s6;
	[dreg:$0x0] =	wrdreg $0x0  }
0xaa: {  	s6 =	sshll.u32 s28, $0x1;
	[dreg:$0x2] =	wrdreg s5  }
0xab: {  	[dreg:$0x3] =	wrdreg s6  }
0xac: {  	[dreg:$0x4] =	wrdreg $0xC0  }
0xad: {  	_ =	task [dreg:s9], $0x5FFFF  }
0xae: {  	[dreg:$0x1] =	wrdreg $0xFFFFFFFF  }
0xaf: {  	[dreg:$0x0] =	wrdreg $0x60  }
0xb0: {  	[dreg:$0x2] =	wrdreg s2  }
0xb1: {  	[dreg:$0x3] =	wrdreg s19  }
0xb2: {  	[dreg:$0x4] =	wrdreg s4  }
0xb3: {  	[dreg:$0x5] =	wrdreg $0x9  }
0xb4: {  	_ =	task.clear_ibuf [dreg:s9], $0x6FFFF;
	_ =	strace $0x90000046  }
0xb5: {  	s29 =	simm.s32 $0x9;
	_ =	strace $0x80000048  }
0xb6: {  	_ =	swait.ge [sflag:s29], $0x1  }
0xb7: {  	[sflag:s29] =	ssyncadd.s32 $0xFFFFFFFF  }
0xb8: {  	_ =	strace $0x90000048  }
0xb9: {  	_ =	sfence  }
0xba: {  	s30 =	sld [smem:$0x0];
	_ =	sdelay $0x2  }
0xbb: {  	s31 =	sshll.u32 s1, $0xD;
	s1 =	sshrl.u32 s1, $0x2  }
0xbc: {  	s3 =	sand.u32 $0x4000, s31;
	s1 =	sadd.s32 s1, s30  }
0xbd: {  	s0 =	sor.u32 s3, s0;
	s1 =	sshll.u32 s1, $0x11  }
0xbe: {  	s0 =	sor.u32 s1, s0  }
0xbf: {  	s0 =	sadd.s32 $0x8F2B, s0  }
0xc0: {  	[sflag:s0] =	ssyncadd.remote.s32 $0x1  }
0xc1: {  	_ =	sfence.sel $0xFFFF  }
0xc2: {  	[dreg:$0x0] =	wrdreg $0xFFFFFFFF;
	(pc) =	sbr.abs _section_cstart, $3  }
0xc3: {  	[dreg:$0x1] =	wrdreg $0xFFFFFFFF  }
0xc4: {  	_ =	task.clear_ibuf [dreg:s9], $0x2FFFF;
	_ =	strace $0x9FFFFFFF  }
0xc5: {  	(tm) =	ssettm $0x7FFFFFFF  }
tec
execute0_lowered:
.L_overlay_start_1:
0x0: {  	(tag) =	ssettag $0x1  }
0x1: {  	s1 =	srdreg.scid  }
0x2: {  	s4 =	rddreg [dreg:$0x0];
	s6 =	stileid.u32;
	s5 =	sand.u32 $0x1, s1  }
0x3: {  	s3 =	rddreg [dreg:$0x1];
	s14 =	sshll.u32 s6, $0xF;
	s15 =	sshll.u32 s5, $0xE  }
0x4: {  	s0 =	rddreg [dreg:$0x2];
	s2 =	simm.s32 $0x0;
	s6 =	sor.u32 s15, s14  }
0x5: {  	[smem:$0x7FF] =	sst s2;
	s1 =	sadd.s32 s4, s6  }
0x6: {  	_ =	strace $0x80000047;
	s19 =	sadd.s32 s3, s6;
	[dreg:$0x4] =	wrdreg s1  }
0x7: {  	s7 =	sor.u32 $0x80000, s6;
	s25 =	sadd.s32 s0, s6;
	[dreg:$0x8] =	wrdreg s19  }
0x8: {  	s8 =	sor.u32 $0x100000, s6;
	s16 =	sadd.s32 s4, s7;
	[dreg:$0xe] =	wrdreg s25  }
0x9: {  	s9 =	sor.u32 $0x180000, s6;
	s17 =	sadd.s32 s4, s8;
	[dreg:$0x5] =	wrdreg s16  }
0xa: {  	s10 =	sor.u32 $0x400, s6;
	s18 =	sadd.s32 s4, s9;
	[dreg:$0x6] =	wrdreg s17  }
0xb: {  	s11 =	sor.u32 $0x80400, s6;
	s20 =	sadd.s32 s4, s10;
	[dreg:$0x7] =	wrdreg s18  }
0xc: {  	s12 =	sor.u32 $0x100400, s6;
	s21 =	sadd.s32 s4, s11;
	[dreg:$0x9] =	wrdreg s20  }
0xd: {  	s13 =	sor.u32 $0x180400, s6;
	s22 =	sadd.s32 s4, s12;
	[dreg:$0xa] =	wrdreg s21  }
0xe: {  	s23 =	sadd.s32 s4, s13;
	[dreg:$0xb] =	wrdreg s22  }
0xf: {  	s24 =	sadd.s32 s3, s10;
	[dreg:$0xc] =	wrdreg s23  }
0x10: {  	s26 =	sadd.s32 s0, s7;
	[dreg:$0xd] =	wrdreg s24  }
0x11: {  	s7 =	sadd.s32 s0, s8;
	[dreg:$0xf] =	wrdreg s26  }
0x12: {  	s8 =	sadd.s32 s0, s9;
	[dreg:$0x10] =	wrdreg s7  }
0x13: {  	s25 =	sadd.s32 s0, s11;
	[dreg:$0x11] =	wrdreg s8  }
0x14: {  	s9 =	sor.u32 $0x800, s6;
	[dreg:$0x18] =	wrdreg s25  }
0x15: {  	s15 =	sor.u32 $0x80800, s6;
	s14 =	sadd.s32 s4, s9;
	s1 =	rddreg [dreg:$0x4]  }
0x16: {  	s16 =	sadd.s32 s4, s15;
	[dreg:$0x12] =	wrdreg s14  }
0x17: {  	s23 =	sadd.s32 s3, s9;
	[dreg:$0x13] =	wrdreg s16  }
0x18: {  	s24 =	sadd.s32 s0, s10;
	[dreg:$0x16] =	wrdreg s23  }
0x19: {  	s26 =	sadd.s32 s0, s12;
	[dreg:$0x17] =	wrdreg s24  }
0x1a: {  	s11 =	sor.u32 $0xC00, s6;
	s10 =	sadd.s32 s0, s13;
	[dreg:$0x19] =	wrdreg s26  }
0x1b: {  	s19 =	sor.u32 $0x100C00, s6;
	s12 =	sadd.s32 s4, s11;
	[dreg:$0x1a] =	wrdreg s10  }
0x1c: {  	s20 =	sadd.s32 s4, s19;
	[dreg:$0x1b] =	wrdreg s12  }
0x1d: {  	s17 =	sor.u32 $0x100800, s6;
	s25 =	sadd.s32 s0, s15;
	[dreg:$0x1d] =	wrdreg s20  }
0x1e: {  	s13 =	sor.u32 $0x80C00, s6;
	s21 =	sadd.s32 s4, s17;
	[smem:$0x793] =	sst s25  }
0x1f: {  	s18 =	sadd.s32 s4, s13;
	[dreg:$0x14] =	wrdreg s21  }
0x20: {  	s23 =	sadd.s32 s3, s11;
	[dreg:$0x1c] =	wrdreg s18  }
0x21: {  	s24 =	sadd.s32 s0, s9;
	[dreg:$0x1f] =	wrdreg s23  }
0x22: {  	s8 =	sor.u32 $0x1000, s6;
	s26 =	sadd.s32 s0, s17;
	[smem:$0x792] =	sst s24  }
0x23: {  	s9 =	sadd.s32 s4, s8;
	[smem:$0x794] =	sst s26  }
0x24: {  	s14 =	sor.u32 $0x180800, s6;
	s25 =	sadd.s32 s0, s13;
	[smem:$0x796] =	sst s9  }
0x25: {  	s22 =	sadd.s32 s4, s14;
	[smem:$0x79C] =	sst s25  }
0x26: {  	s16 =	sor.u32 $0x101000, s6;
	s7 =	sadd.s32 s0, s14;
	[dreg:$0x15] =	wrdreg s22  }
0x27: {  	s17 =	sadd.s32 s4, s16;
	[smem:$0x795] =	sst s7  }
0x28: {  	s23 =	sadd.s32 s3, s8;
	[smem:$0x798] =	sst s17  }
0x29: {  	s24 =	sadd.s32 s0, s11;
	[smem:$0x79A] =	sst s23  }
0x2a: {  	s13 =	sor.u32 $0x81400, s6;
	s26 =	sadd.s32 s0, s19;
	[smem:$0x79B] =	sst s24  }
0x2b: {  	s19 =	sadd.s32 s4, s13;
	[smem:$0x79D] =	sst s26  }
0x2c: {  	s21 =	sor.u32 $0x180C00, s6;
	s25 =	sadd.s32 s0, s8;
	[smem:$0x7A0] =	sst s19  }
0x2d: {  	s14 =	sor.u32 $0x81000, s6;
	s22 =	sadd.s32 s4, s21;
	[smem:$0x7A4] =	sst s25  }
0x2e: {  	s15 =	sadd.s32 s4, s14;
	[dreg:$0x1e] =	wrdreg s22  }
0x2f: {  	s11 =	sor.u32 $0x1400, s6;
	s10 =	sadd.s32 s0, s21;
	[smem:$0x797] =	sst s15  }
0x30: {  	s20 =	sor.u32 $0x101400, s6;
	s12 =	sadd.s32 s4, s11;
	[smem:$0x79E] =	sst s10  }
0x31: {  	s21 =	sadd.s32 s4, s20;
	[smem:$0x79F] =	sst s12  }
0x32: {  	s24 =	sadd.s32 s3, s11;
	[smem:$0x7A1] =	sst s21  }
0x33: {  	s26 =	sadd.s32 s0, s14;
	[smem:$0x7A3] =	sst s24  }
0x34: {  	s18 =	sor.u32 $0x181000, s6;
	s7 =	sadd.s32 s0, s16;
	[smem:$0x7A5] =	sst s26  }
0x35: {  	s8 =	sadd.s32 s0, s18;
	[smem:$0x7A6] =	sst s7  }
0x36: {  	s19 =	sadd.s32 s0, s13;
	[smem:$0x7A7] =	sst s8  }
0x37: {  	s20 =	sadd.s32 s0, s20;
	[smem:$0x7AE] =	sst s19  }
0x38: {  	s22 =	sadd.s32 s4, s18;
	[smem:$0x7AF] =	sst s20  }
0x39: {  	s13 =	sor.u32 $0x181C00, s6;
	s18 =	sadd.s32 s0, s11;
	[smem:$0x799] =	sst s22  }
0x3a: {  	s7 =	sor.u32 $0x1800, s6;
	s25 =	sadd.s32 s4, s13;
	[smem:$0x7AD] =	sst s18  }
0x3b: {  	s8 =	sor.u32 $0x81800, s6;
	s9 =	sadd.s32 s4, s7;
	[smem:$0x7B4] =	sst s25  }
0x3c: {  	s14 =	sadd.s32 s4, s8;
	[smem:$0x7A8] =	sst s9  }
0x3d: {  	s12 =	sor.u32 $0x101C00, s6;
	s17 =	sadd.s32 s3, s7;
	[smem:$0x7A9] =	sst s14  }
0x3e: {  	s10 =	sor.u32 $0x1C00, s6;
	s24 =	sadd.s32 s4, s12;
	[smem:$0x7AC] =	sst s17  }
0x3f: {  	s11 =	sor.u32 $0x81C00, s6;
	s26 =	sadd.s32 s3, s10;
	[smem:$0x7B3] =	sst s24  }
0x40: {  	s22 =	sor.u32 $0x181400, s6;
	s25 =	sadd.s32 s0, s11;
	[smem:$0x7B5] =	sst s26  }
0x41: {  	s23 =	sadd.s32 s4, s22;
	[smem:$0x7C0] =	sst s25  }
0x42: {  	s21 =	sadd.s32 s0, s22;
	[smem:$0x7A2] =	sst s23  }
0x43: {  	s22 =	sadd.s32 s4, s10;
	[smem:$0x7B0] =	sst s21  }
0x44: {  	s24 =	sadd.s32 s0, s10;
	[smem:$0x7B1] =	sst s22  }
0x45: {  	s26 =	sadd.s32 s0, s12;
	[smem:$0x7BF] =	sst s24  }
0x46: {  	s9 =	sor.u32 $0x101800, s6;
	s10 =	sadd.s32 s0, s13;
	[smem:$0x7C1] =	sst s26  }
0x47: {  	s14 =	sor.u32 $0x181800, s6;
	s15 =	sadd.s32 s4, s9;
	[smem:$0x7C2] =	sst s10  }
0x48: {  	s16 =	sadd.s32 s4, s14;
	[smem:$0x7AA] =	sst s15  }
0x49: {  	s23 =	sadd.s32 s4, s11;
	[smem:$0x7AB] =	sst s16  }
0x4a: {  	s17 =	sadd.s32 s0, s9;
	[smem:$0x7B2] =	sst s23  }
0x4b: {  	s18 =	sadd.s32 s0, s14;
	[smem:$0x7B8] =	sst s17  }
0x4c: {  	s15 =	sadd.s32 s0, s7;
	[smem:$0x7B9] =	sst s18  }
0x4d: {  	s9 =	sor.u32 $0x102000, s6;
	s16 =	sadd.s32 s0, s8;
	[smem:$0x7B6] =	sst s15  }
0x4e: {  	s14 =	sor.u32 $0x182000, s6;
	s21 =	sadd.s32 s4, s9;
	[smem:$0x7B7] =	sst s16  }
0x4f: {  	s11 =	sor.u32 $0x2400, s6;
	s22 =	sadd.s32 s4, s14;
	[smem:$0x7BC] =	sst s21  }
0x50: {  	s12 =	sadd.s32 s4, s11;
	[smem:$0x7BD] =	sst s22  }
0x51: {  	s7 =	sor.u32 $0x2000, s6;
	s24 =	sadd.s32 s0, s14;
	[smem:$0x7C3] =	sst s12  }
0x52: {  	s8 =	sor.u32 $0x82000, s6;
	s19 =	sadd.s32 s4, s7;
	[smem:$0x7CB] =	sst s24  }
0x53: {  	s20 =	sadd.s32 s4, s8;
	[smem:$0x7BA] =	sst s19  }
0x54: {  	s13 =	sor.u32 $0x82400, s6;
	s23 =	sadd.s32 s3, s7;
	[smem:$0x7BB] =	sst s20  }
0x55: {  	s15 =	sadd.s32 s4, s13;
	[smem:$0x7BE] =	sst s23  }
0x56: {  	s21 =	sadd.s32 s0, s7;
	[smem:$0x7C4] =	sst s15  }
0x57: {  	s22 =	sadd.s32 s0, s8;
	[smem:$0x7C8] =	sst s21  }
0x58: {  	s18 =	sor.u32 $0x182400, s6;
	s24 =	sadd.s32 s0, s11;
	[smem:$0x7C9] =	sst s22  }
0x59: {  	s16 =	sor.u32 $0x102400, s6;
	s10 =	sadd.s32 s0, s18;
	[smem:$0x7D1] =	sst s24  }
0x5a: {  	s17 =	sadd.s32 s4, s16;
	[smem:$0x7D4] =	sst s10  }
0x5b: {  	s19 =	sadd.s32 s4, s18;
	[smem:$0x7C5] =	sst s17  }
0x5c: {  	s20 =	sadd.s32 s3, s11;
	[smem:$0x7C6] =	sst s19  }
0x5d: {  	s7 =	sor.u32 $0x2800, s6;
	s23 =	sadd.s32 s0, s9;
	[smem:$0x7C7] =	sst s20  }
0x5e: {  	s8 =	sor.u32 $0x82800, s6;
	s25 =	sadd.s32 s4, s7;
	[smem:$0x7CA] =	sst s23  }
0x5f: {  	s26 =	sadd.s32 s4, s8;
	s9 =	sor.u32 $0x102800, s6;
	[smem:$0x7CC] =	sst s25  }
0x60: {  	s15 =	sor.u32 $0x182800, s6;
	[smem:$0x7CD] =	sst s26;
	s14 =	sadd.s32 s4, s9  }
0x61: {  	s22 =	sadd.s32 s4, s15;
	[smem:$0x7CE] =	sst s14  }
0x62: {  	s23 =	sadd.s32 s3, s7;
	[smem:$0x7CF] =	sst s22  }
0x63: {  	s25 =	sadd.s32 s0, s13;
	[smem:$0x7D0] =	sst s23  }
0x64: {  	s11 =	sor.u32 $0x2C00, s6;
	s26 =	sadd.s32 s0, s16;
	[smem:$0x7D2] =	sst s25  }
0x65: {  	s12 =	sadd.s32 s4, s11;
	[smem:$0x7D3] =	sst s26  }
0x66: {  	s21 =	sadd.s32 s3, s11;
	[smem:$0x7D5] =	sst s12  }
0x67: {  	s13 =	sor.u32 $0x82C00, s6;
	s24 =	sadd.s32 s0, s9;
	[smem:$0x7D9] =	sst s21  }
0x68: {  	s17 =	sor.u32 $0x102C00, s6;
	s16 =	sadd.s32 s4, s13;
	[smem:$0x7DC] =	sst s24  }
0x69: {  	s19 =	sor.u32 $0x182C00, s6;
	s18 =	sadd.s32 s4, s17;
	[smem:$0x7D6] =	sst s16  }
0x6a: {  	s20 =	sadd.s32 s4, s19;
	[smem:$0x7D7] =	sst s18  }
0x6b: {  	s31 =	simm.s32 $0x8000;
	s22 =	sadd.s32 s0, s7;
	[smem:$0x7D8] =	sst s20  }
0x6c: {  	s28 =	simm.s32 $0xA000;
	s23 =	sadd.s32 s0, s8;
	[smem:$0x7DA] =	sst s22  }
0x6d: {  	p0 =	por $0x0, $0x0;
	s25 =	sadd.s32 s0, s15;
	[smem:$0x7DB] =	sst s23  }
0x6e: {  	s30 =	simm.s32 $0x1C000;
	s24 =	sadd.s32 s0, s11;
	[smem:$0x7DD] =	sst s25  }
0x6f: {  	s7 =	sor.u32 $0x3000, s6;
	s10 =	sadd.s32 s0, s19;
	[smem:$0x7E3] =	sst s24  }
0x70: {  	s8 =	sor.u32 $0x83000, s6;
	s26 =	sadd.s32 s4, s7;
	[smem:$0x7E6] =	sst s10  }
0x71: {  	s14 =	sor.u32 $0x103000, s6;
	s9 =	sadd.s32 s4, s8;
	[smem:$0x7DE] =	sst s26  }
0x72: {  	s29 =	simm.s32 $0x2;
	s15 =	sadd.s32 s4, s14;
	[smem:$0x7DF] =	sst s9  }
0x73: {  	s5 =	ssub.s32 $0x2, s5;
	s23 =	sadd.s32 s3, s7;
	[smem:$0x7E0] =	sst s15  }
0x74: {  	s11 =	sor.u32 $0x3400, s6;
	s25 =	sadd.s32 s0, s13;
	[smem:$0x7E2] =	sst s23  }
0x75: {  	s16 =	sor.u32 $0x183000, s6;
	s12 =	sadd.s32 s4, s11;
	[smem:$0x7E4] =	sst s25  }
0x76: {  	s13 =	sor.u32 $0x83400, s6;
	s24 =	sadd.s32 s0, s8;
	[smem:$0x7E7] =	sst s12  }
0x77: {  	s18 =	sor.u32 $0x103400, s6;
	s22 =	sadd.s32 s4, s16;
	[smem:$0x7ED] =	sst s24  }
0x78: {  	s20 =	sor.u32 $0x183400, s6;
	s26 =	sadd.s32 s0, s17;
	[smem:$0x7E1] =	sst s22  }
0x79: {  	s17 =	sadd.s32 s4, s13;
	s19 =	sadd.s32 s4, s18;
	[smem:$0x7E5] =	sst s26  }
0x7a: {  	s21 =	sadd.s32 s4, s20;
	s23 =	sadd.s32 s0, s7;
	[smem:$0x7E8] =	sst s17  }
0x7b: {  	s25 =	sadd.s32 s0, s14;
	s7 =	sor.u32 $0x3800, s6;
	[smem:$0x7E9] =	sst s19  }
0x7c: {  	s9 =	sor.u32 $0x83800, s6;
	s15 =	sor.u32 $0x103800, s6;
	[smem:$0x7EA] =	sst s21  }
0x7d: {  	s10 =	sadd.s32 s0, s18;
	s12 =	sor.u32 $0x3C00, s6;
	[smem:$0x7EC] =	sst s23  }
0x7e: {  	s22 =	sadd.s32 s3, s11;
	[smem:$0x7EE] =	sst s25;
	s26 =	sadd.s32 s0, s16  }
0x7f: {  	s8 =	sadd.s32 s4, s7;
	s14 =	sadd.s32 s4, s9;
	[smem:$0x7F7] =	sst s10  }
0x80: {  	s16 =	sor.u32 $0x183800, s6;
	s24 =	sadd.s32 s3, s7;
	[smem:$0x7EB] =	sst s22  }
0x81: {  	s25 =	sadd.s32 s0, s11;
	s11 =	sadd.s32 s0, s20;
	[smem:$0x7EF] =	sst s26  }
0x82: {  	s17 =	sor.u32 $0x183C00, s6;
	s20 =	sshrl.u32 s5, $0x1;
	[smem:$0x7F0] =	sst s8  }
0x83: {  	s21 =	sadd.s32 s3, s12;
	s10 =	simm.s32 $0x4000;
	[smem:$0x7F1] =	sst s14  }
0x84: {  	s3 =	simm.s32 $0x6;
	s22 =	sadd.s32 s4, s15;
	[smem:$0x7F4] =	sst s24  }
0x85: {  	s23 =	sadd.s32 s4, s16;
	[smem:$0x7F5] =	sst s25;
	s26 =	sadd.s32 s0, s13  }
0x86: {  	[smem:$0x7F8] =	sst s11;
	s24 =	sor.u32 $0x83C00, s6;
	s19 =	sadd.s32 s4, s17  }
0x87: {  	[smem:$0x7FD] =	sst s21;
	s13 =	sadd.s32 s0, s7;
	s14 =	sadd.s32 s0, s9  }
0x88: {  	s15 =	sadd.s32 s0, s15;
	s16 =	sadd.s32 s0, s16;
	s8 =	sadd.s32 s0, s17  }
0x89: {  	s9 =	simm.s32 $0x2000;
	s11 =	simm.s32 $0x6000;
	[smem:$0x7F2] =	sst s22  }
0x8a: {  	s17 =	simm.s32 $0x1;
	s21 =	simm.s32 $0x1A000;
	[smem:$0x7F3] =	sst s23  }
0x8b: {  	[smem:$0x7F6] =	sst s26;
	s23 =	sadd.s32 s4, s12;
	s25 =	sadd.s32 s4, s24  }
0x8c: {  	s26 =	sor.u32 $0x103C00, s6;
	[smem:$0x7FC] =	sst s19;
	s22 =	ssub.s32 s5, s20  }
0x8d: {  	s5 =	sadd.s32 s0, s12;
	[smem:$0x7F9] =	sst s23;
	s23 =	smax.u32 s22, $0x1  }
0x8e: {  	s6 =	sadd.s32 s0, s24;
	s24 =	simm.s32 $0xE000;
	p1 =	sne.s32 s23, $0x1  }
.Ltmp0:
0x8f: {  	s19 =	simm.s32 $0x16000;
	s20 =	simm.s32 $0x18000;
	(pc) =	sbr.rel @!p1 .LBB2_5-.Ltmp0, $4  }
0x90: {  	s12 =	simm.s32 $0x4;
	[smem:$0x7FA] =	sst s25;
	s18 =	sadd.s32 s4, s26  }
0x91: {  	s7 =	sadd.s32 s0, s26;
	s26 =	simm.s32 $0xC000;
	s25 =	simm.s32 $0x10000  }
0x92: {  	s22 =	simm.s32 $0x12000;
	s4 =	simm.s32 $0x5;
	[smem:$0x7FB] =	sst s18  }
0x93: {  	s18 =	simm.s32 $0x14000;
	s0 =	sadd.s32 $0xFFFFFFFF, s23;
	s23 =	simm.s32 $0x3  }
0x94: {  	[smem:$0x790] =	sst s0  }
0x95: {  	[tilespmem:s2], [sflag:$0x1] =	stream.linear.gather [hbm4b:s1+s2], $0x2000, $0x38;
	[tilespmem:$0x1E000] =	vst v63  }
0x96: {  	s0 =	rddreg [dreg:$0x5]  }
0x97: {  	[tilespmem:s9], [sflag:$0x1] =	stream.linear.gather [hbm4b:s0+s2], $0x2000, $0x38;
	[tilespmem:$0x1E000] =	vst v63  }
0x98: {  	s1 =	rddreg [dreg:$0x6]  }
0x99: {  	[tilespmem:s10], [sflag:$0x1] =	stream.linear.gather [hbm4b:s1+s2], $0x2000, $0x38;
	[tilespmem:$0x1E000] =	vst v63  }
0x9a: {  	s0 =	rddreg [dreg:$0x7]  }
0x9b: {  	[tilespmem:s11], [sflag:$0x1] =	stream.linear.gather [hbm4b:s0+s2], $0x2000, $0x38;
	[tilespmem:$0x1E000] =	vst v63  }
0x9c: {  	s1 =	rddreg [dreg:$0x8]  }
0x9d: {  	[tilespmem:s31], [sflag:$0x1] =	stream.linear.gather [hbm4b:s1+s2], $0x2000, $0x38;
	[tilespmem:$0x1E000] =	vst v63  }
0x9e: {  	s0 =	rddreg [dreg:$0x9]  }
0x9f: {  	[tilespmem:s28], [sflag:$0x2] =	stream.linear.gather [hbm4b:s0+s2], $0x2000, $0x38;
	[tilespmem:$0x1E000] =	vst v63  }
0xa0: {  	s1 =	rddreg [dreg:$0xa]  }
0xa1: {  	[tilespmem:s26], [sflag:$0x2] =	stream.linear.gather [hbm4b:s1+s2], $0x2000, $0x38;
	[tilespmem:$0x1E000] =	vst v63  }
0xa2: {  	s0 =	rddreg [dreg:$0xb]  }
0xa3: {  	[tilespmem:s24], [sflag:$0x2] =	stream.linear.gather [hbm4b:s0+s2], $0x2000, $0x38;
	[tilespmem:$0x1E000] =	vst v63  }
0xa4: {  	s1 =	rddreg [dreg:$0xc]  }
0xa5: {  	[tilespmem:s25], [sflag:$0x2] =	stream.linear.gather [hbm4b:s1+s2], $0x2000, $0x38;
	[tilespmem:$0x1E000] =	vst v63  }
0xa6: {  	s0 =	rddreg [dreg:$0xd]  }
0xa7: {  	[tilespmem:s22], [sflag:$0x2] =	stream.linear.gather [hbm4b:s0+s2], $0x2000, $0x38;
	[tilespmem:$0x1E000] =	vst v63  }
0xa8: {  	_ =	swait.ge [sflag:s17], $0x2000  }
0xa9: {  	[sflag:s17] =	ssyncset.done $0x0  }
0xaa: {  	[sflag:s17] =	ssyncadd.s32 $0xFFFFE000  }
0xab: {  	_ =	swait.ge [sflag:s17], $0x2000  }
0xac: {  	[sflag:s17] =	ssyncset.done $0x0  }
0xad: {  	[sflag:s17] =	ssyncadd.s32 $0xFFFFE000  }
0xae: {  	_ =	swait.ge [sflag:s17], $0x2000  }
0xaf: {  	[sflag:s17] =	ssyncset.done $0x0  }
0xb0: {  	[sflag:s17] =	ssyncadd.s32 $0xFFFFE000  }
0xb1: {  	_ =	swait.ge [sflag:s17], $0x2000  }
0xb2: {  	[sflag:s17] =	ssyncset.done $0x0  }
0xb3: {  	[sflag:s17] =	ssyncadd.s32 $0xFFFFE000  }
0xb4: {  	_ =	swait.ge [sflag:s17], $0x2000  }
0xb5: {  	[sflag:s17] =	ssyncset.done $0x0  }
0xb6: {  	s0 =	rddreg [dreg:$0xe];
	[sflag:s17] =	ssyncadd.s32 $0xFFFFE000  }
0xb7: {  	[hbm4b:s0+s2] =	stream.linear.scatter [tilespmem:s2], [sflag:$0x4], $0x2000, $0x38;
	[tilespmem:$0x1E000] =	vst v63  }
0xb8: {  	s1 =	rddreg [dreg:$0xf]  }
0xb9: {  	[hbm4b:s1+s2] =	stream.linear.scatter [tilespmem:s9], [sflag:$0x4], $0x2000, $0x38;
	[tilespmem:$0x1E000] =	vst v63  }
0xba: {  	s0 =	rddreg [dreg:$0x10]  }
0xbb: {  	[hbm4b:s0+s2] =	stream.linear.scatter [tilespmem:s10], [sflag:$0x4], $0x2000, $0x38;
	[tilespmem:$0x1E000] =	vst v63  }
0xbc: {  	s1 =	rddreg [dreg:$0x11]  }
0xbd: {  	[hbm4b:s1+s2] =	stream.linear.scatter [tilespmem:s11], [sflag:$0x4], $0x2000, $0x38;
	[tilespmem:$0x1E000] =	vst v63  }
0xbe: {  	s0 =	rddreg [dreg:$0x12]  }
0xbf: {  	[tilespmem:s18], [sflag:$0x3] =	stream.linear.gather [hbm4b:s0+s2], $0x2000, $0x38;
	[tilespmem:$0x1E000] =	vst v63  }
0xc0: {  	s1 =	rddreg [dreg:$0x13]  }
0xc1: {  	[tilespmem:s19], [sflag:$0x3] =	stream.linear.gather [hbm4b:s1+s2], $0x2000, $0x38;
	[tilespmem:$0x1E000] =	vst v63  }
0xc2: {  	s0 =	rddreg [dreg:$0x14]  }
0xc3: {  	[tilespmem:s20], [sflag:$0x3] =	stream.linear.gather [hbm4b:s0+s2], $0x2000, $0x38;
	[tilespmem:$0x1E000] =	vst v63  }
0xc4: {  	s1 =	rddreg [dreg:$0x15]  }
0xc5: {  	[tilespmem:s21], [sflag:$0x3] =	stream.linear.gather [hbm4b:s1+s2], $0x2000, $0x38;
	[tilespmem:$0x1E000] =	vst v63  }
0xc6: {  	s0 =	rddreg [dreg:$0x16]  }
0xc7: {  	[tilespmem:s30], [sflag:$0x3] =	stream.linear.gather [hbm4b:s0+s2], $0x2000, $0x38;
	[tilespmem:$0x1E000] =	vst v63  }
0xc8: {  	_ =	swait.ge [sflag:s29], $0x2000  }
0xc9: {  	[sflag:s29] =	ssyncset.done $0x0  }
0xca: {  	[sflag:s29] =	ssyncadd.s32 $0xFFFFE000  }
0xcb: {  	_ =	swait.ge [sflag:s29], $0x2000  }
0xcc: {  	[sflag:s29] =	ssyncset.done $0x0  }
0xcd: {  	[sflag:s29] =	ssyncadd.s32 $0xFFFFE000  }
0xce: {  	_ =	swait.ge [sflag:s29], $0x2000  }
0xcf: {  	[sflag:s29] =	ssyncset.done $0x0  }
0xd0: {  	[sflag:s29] =	ssyncadd.s32 $0xFFFFE000  }
0xd1: {  	_ =	swait.ge [sflag:s29], $0x2000  }
0xd2: {  	[sflag:s29] =	ssyncset.done $0x0  }
0xd3: {  	[sflag:s29] =	ssyncadd.s32 $0xFFFFE000  }
0xd4: {  	_ =	swait.ge [sflag:s29], $0x2000  }
0xd5: {  	[sflag:s29] =	ssyncset.done $0x0  }
0xd6: {  	s0 =	rddreg [dreg:$0x17];
	[sflag:s29] =	ssyncadd.s32 $0xFFFFE000  }
0xd7: {  	[hbm4b:s0+s2] =	stream.linear.scatter [tilespmem:s28], [sflag:$0x5], $0x2000, $0x38;
	[tilespmem:$0x1E000] =	vst v63  }
0xd8: {  	s1 =	rddreg [dreg:$0x18]  }
0xd9: {  	[hbm4b:s1+s2] =	stream.linear.scatter [tilespmem:s26], [sflag:$0x5], $0x2000, $0x38;
	[tilespmem:$0x1E000] =	vst v63  }
0xda: {  	s0 =	rddreg [dreg:$0x19]  }
0xdb: {  	[hbm4b:s0+s2] =	stream.linear.scatter [tilespmem:s24], [sflag:$0x5], $0x2000, $0x38;
	[tilespmem:$0x1E000] =	vst v63  }
0xdc: {  	s1 =	rddreg [dreg:$0x1a]  }
0xdd: {  	[hbm4b:s1+s2] =	stream.linear.scatter [tilespmem:s25], [sflag:$0x5], $0x2000, $0x38;
	[tilespmem:$0x1E000] =	vst v63  }
0xde: {  	_ =	swait.ge [sflag:s12], $0x2000  }
0xdf: {  	[sflag:s12] =	ssyncset.done $0x0  }
0xe0: {  	[sflag:s12] =	ssyncadd.s32 $0xFFFFE000  }
0xe1: {  	_ =	swait.ge [sflag:s12], $0x2000  }
0xe2: {  	[sflag:s12] =	ssyncset.done $0x0  }
0xe3: {  	[sflag:s12] =	ssyncadd.s32 $0xFFFFE000  }
0xe4: {  	_ =	swait.ge [sflag:s12], $0x2000  }
0xe5: {  	[sflag:s12] =	ssyncset.done $0x0  }
0xe6: {  	[sflag:s12] =	ssyncadd.s32 $0xFFFFE000  }
0xe7: {  	_ =	swait.ge [sflag:s12], $0x2000  }
0xe8: {  	[sflag:s12] =	ssyncset.done $0x0  }
0xe9: {  	s0 =	rddreg [dreg:$0x1b];
	[sflag:s12] =	ssyncadd.s32 $0xFFFFE000  }
0xea: {  	[tilespmem:s2], [sflag:$0x1] =	stream.linear.gather [hbm4b:s0+s2], $0x2000, $0x38;
	[tilespmem:$0x1E000] =	vst v63  }
0xeb: {  	s1 =	rddreg [dreg:$0x1c]  }
0xec: {  	[tilespmem:s9], [sflag:$0x1] =	stream.linear.gather [hbm4b:s1+s2], $0x2000, $0x38;
	[tilespmem:$0x1E000] =	vst v63  }
0xed: {  	s0 =	rddreg [dreg:$0x1d]  }
0xee: {  	[tilespmem:s10], [sflag:$0x1] =	stream.linear.gather [hbm4b:s0+s2], $0x2000, $0x38;
	[tilespmem:$0x1E000] =	vst v63  }
0xef: {  	s1 =	rddreg [dreg:$0x1e]  }
0xf0: {  	[tilespmem:s11], [sflag:$0x1] =	stream.linear.gather [hbm4b:s1+s2], $0x2000, $0x38;
	[tilespmem:$0x1E000] =	vst v63  }
0xf1: {  	s0 =	rddreg [dreg:$0x1f]  }
0xf2: {  	[tilespmem:s31], [sflag:$0x1] =	stream.linear.gather [hbm4b:s0+s2], $0x2000, $0x38;
	[tilespmem:$0x1E000] =	vst v63  }
0xf3: {  	_ =	swait.ge [sflag:s23], $0x2000  }
0xf4: {  	[sflag:s23] =	ssyncset.done $0x0  }
0xf5: {  	[sflag:s23] =	ssyncadd.s32 $0xFFFFE000  }
0xf6: {  	_ =	swait.ge [sflag:s23], $0x2000  }
0xf7: {  	[sflag:s23] =	ssyncset.done $0x0  }
0xf8: {  	[sflag:s23] =	ssyncadd.s32 $0xFFFFE000  }
0xf9: {  	_ =	swait.ge [sflag:s23], $0x2000  }
0xfa: {  	[sflag:s23] =	ssyncset.done $0x0  }
0xfb: {  	[sflag:s23] =	ssyncadd.s32 $0xFFFFE000  }
0xfc: {  	_ =	swait.ge [sflag:s23], $0x2000  }
0xfd: {  	[sflag:s23] =	ssyncset.done $0x0  }
0xfe: {  	[sflag:s23] =	ssyncadd.s32 $0xFFFFE000  }
0xff: {  	_ =	swait.ge [sflag:s23], $0x2000  }
0x100: {  	s0 =	sld [smem:$0x792]  }
0x101: {  	[sflag:s23] =	ssyncset.done $0x0  }
0x102: {  	s1 =	sld [smem:$0x793];
	[sflag:s23] =	ssyncadd.s32 $0xFFFFE000  }
0x103: {  	[hbm4b:s0+s2] =	stream.linear.scatter [tilespmem:s18], [sflag:$0x6], $0x2000, $0x38;
	[tilespmem:$0x1E000] =	vst v63  }
0x104: {  	s0 =	sld [smem:$0x794]  }
0x105: {  	[hbm4b:s1+s2] =	stream.linear.scatter [tilespmem:s19], [sflag:$0x6], $0x2000, $0x38;
	[tilespmem:$0x1E000] =	vst v63  }
0x106: {  	s1 =	sld [smem:$0x795]  }
0x107: {  	[hbm4b:s0+s2] =	stream.linear.scatter [tilespmem:s20], [sflag:$0x6], $0x2000, $0x38;
	[tilespmem:$0x1E000] =	vst v63  }
0x108: {  	_ = 	snop  }
0x109: {  	[hbm4b:s1+s2] =	stream.linear.scatter [tilespmem:s21], [sflag:$0x6], $0x2000, $0x38;
	[tilespmem:$0x1E000] =	vst v63  }
0x10a: {  	_ =	swait.ge [sflag:s4], $0x2000  }
0x10b: {  	[sflag:s4] =	ssyncset.done $0x0  }
0x10c: {  	[sflag:s4] =	ssyncadd.s32 $0xFFFFE000  }
0x10d: {  	_ =	swait.ge [sflag:s4], $0x2000  }
0x10e: {  	[sflag:s4] =	ssyncset.done $0x0  }
0x10f: {  	[sflag:s4] =	ssyncadd.s32 $0xFFFFE000  }
0x110: {  	_ =	swait.ge [sflag:s4], $0x2000  }
0x111: {  	[sflag:s4] =	ssyncset.done $0x0  }
0x112: {  	[sflag:s4] =	ssyncadd.s32 $0xFFFFE000  }
0x113: {  	_ =	swait.ge [sflag:s4], $0x2000  }
0x114: {  	s0 =	sld [smem:$0x796]  }
0x115: {  	[sflag:s4] =	ssyncset.done $0x0  }
0x116: {  	s1 =	sld [smem:$0x797];
	[sflag:s4] =	ssyncadd.s32 $0xFFFFE000  }
0x117: {  	[tilespmem:s28], [sflag:$0x2] =	stream.linear.gather [hbm4b:s0+s2], $0x2000, $0x38;
	[tilespmem:$0x1E000] =	vst v63  }
0x118: {  	s0 =	sld [smem:$0x798]  }
0x119: {  	[tilespmem:s26], [sflag:$0x2] =	stream.linear.gather [hbm4b:s1+s2], $0x2000, $0x38;
	[tilespmem:$0x1E000] =	vst v63  }
0x11a: {  	s1 =	sld [smem:$0x799]  }
0x11b: {  	[tilespmem:s24], [sflag:$0x2] =	stream.linear.gather [hbm4b:s0+s2], $0x2000, $0x38;
	[tilespmem:$0x1E000] =	vst v63  }
0x11c: {  	s0 =	sld [smem:$0x79A]  }
0x11d: {  	[tilespmem:s25], [sflag:$0x2] =	stream.linear.gather [hbm4b:s1+s2], $0x2000, $0x38;
	[tilespmem:$0x1E000] =	vst v63  }
0x11e: {  	_ = 	snop  }
0x11f: {  	[tilespmem:s22], [sflag:$0x2] =	stream.linear.gather [hbm4b:s0+s2], $0x2000, $0x38;
	[tilespmem:$0x1E000] =	vst v63  }
0x120: {  	_ =	swait.ge [sflag:s17], $0x2000  }
0x121: {  	[sflag:s17] =	ssyncset.done $0x0  }
0x122: {  	[sflag:s17] =	ssyncadd.s32 $0xFFFFE000  }
0x123: {  	_ =	swait.ge [sflag:s17], $0x2000  }
0x124: {  	[sflag:s17] =	ssyncset.done $0x0  }
0x125: {  	[sflag:s17] =	ssyncadd.s32 $0xFFFFE000  }
0x126: {  	_ =	swait.ge [sflag:s17], $0x2000  }
0x127: {  	[sflag:s17] =	ssyncset.done $0x0  }
0x128: {  	[sflag:s17] =	ssyncadd.s32 $0xFFFFE000  }
0x129: {  	_ =	swait.ge [sflag:s17], $0x2000  }
0x12a: {  	[sflag:s17] =	ssyncset.done $0x0  }
0x12b: {  	[sflag:s17] =	ssyncadd.s32 $0xFFFFE000  }
0x12c: {  	_ =	swait.ge [sflag:s17], $0x2000  }
0x12d: {  	s0 =	sld [smem:$0x79B]  }
0x12e: {  	[sflag:s17] =	ssyncset.done $0x0  }
0x12f: {  	s1 =	sld [smem:$0x79C];
	[sflag:s17] =	ssyncadd.s32 $0xFFFFE000  }
0x130: {  	[hbm4b:s0+s2] =	stream.linear.scatter [tilespmem:s2], [sflag:$0x4], $0x2000, $0x38;
	[tilespmem:$0x1E000] =	vst v63  }
0x131: {  	s0 =	sld [smem:$0x79D]  }
0x132: {  	[hbm4b:s1+s2] =	stream.linear.scatter [tilespmem:s9], [sflag:$0x4], $0x2000, $0x38;
	[tilespmem:$0x1E000] =	vst v63  }
0x133: {  	s1 =	sld [smem:$0x79E]  }
0x134: {  	[hbm4b:s0+s2] =	stream.linear.scatter [tilespmem:s10], [sflag:$0x4], $0x2000, $0x38;
	[tilespmem:$0x1E000] =	vst v63  }
0x135: {  	_ = 	snop  }
0x136: {  	[hbm4b:s1+s2] =	stream.linear.scatter [tilespmem:s11], [sflag:$0x4], $0x2000, $0x38;
	[tilespmem:$0x1E000] =	vst v63  }
0x137: {  	_ =	swait.ge [sflag:s3], $0x2000  }
0x138: {  	[sflag:s3] =	ssyncset.done $0x0  }
0x139: {  	[sflag:s3] =	ssyncadd.s32 $0xFFFFE000  }
0x13a: {  	_ =	swait.ge [sflag:s3], $0x2000  }
0x13b: {  	[sflag:s3] =	ssyncset.done $0x0  }
0x13c: {  	[sflag:s3] =	ssyncadd.s32 $0xFFFFE000  }
0x13d: {  	_ =	swait.ge [sflag:s3], $0x2000  }
0x13e: {  	[sflag:s3] =	ssyncset.done $0x0  }
0x13f: {  	[sflag:s3] =	ssyncadd.s32 $0xFFFFE000  }
0x140: {  	_ =	swait.ge [sflag:s3], $0x2000  }
0x141: {  	s0 =	sld [smem:$0x79F]  }
0x142: {  	[sflag:s3] =	ssyncset.done $0x0  }
0x143: {  	s1 =	sld [smem:$0x7A0];
	[sflag:s3] =	ssyncadd.s32 $0xFFFFE000  }
0x144: {  	[tilespmem:s18], [sflag:$0x3] =	stream.linear.gather [hbm4b:s0+s2], $0x2000, $0x38;
	[tilespmem:$0x1E000] =	vst v63  }
0x145: {  	s0 =	sld [smem:$0x7A1]  }
0x146: {  	[tilespmem:s19], [sflag:$0x3] =	stream.linear.gather [hbm4b:s1+s2], $0x2000, $0x38;
	[tilespmem:$0x1E000] =	vst v63  }
0x147: {  	s1 =	sld [smem:$0x7A2]  }
0x148: {  	[tilespmem:s20], [sflag:$0x3] =	stream.linear.gather [hbm4b:s0+s2], $0x2000, $0x38;
	[tilespmem:$0x1E000] =	vst v63  }
0x149: {  	s0 =	sld [smem:$0x7A3]  }
0x14a: {  	[tilespmem:s21], [sflag:$0x3] =	stream.linear.gather [hbm4b:s1+s2], $0x2000, $0x38;
	[tilespmem:$0x1E000] =	vst v63  }
0x14b: {  	_ = 	snop  }
0x14c: {  	[tilespmem:s30], [sflag:$0x3] =	stream.linear.gather [hbm4b:s0+s2], $0x2000, $0x38;
	[tilespmem:$0x1E000] =	vst v63  }
0x14d: {  	_ =	swait.ge [sflag:s29], $0x2000  }
0x14e: {  	[sflag:s29] =	ssyncset.done $0x0  }
0x14f: {  	[sflag:s29] =	ssyncadd.s32 $0xFFFFE000  }
0x150: {  	_ =	swait.ge [sflag:s29], $0x2000  }
0x151: {  	[sflag:s29] =	ssyncset.done $0x0  }
0x152: {  	[sflag:s29] =	ssyncadd.s32 $0xFFFFE000  }
0x153: {  	_ =	swait.ge [sflag:s29], $0x2000  }
0x154: {  	[sflag:s29] =	ssyncset.done $0x0  }
0x155: {  	[sflag:s29] =	ssyncadd.s32 $0xFFFFE000  }
0x156: {  	_ =	swait.ge [sflag:s29], $0x2000  }
0x157: {  	[sflag:s29] =	ssyncset.done $0x0  }
0x158: {  	[sflag:s29] =	ssyncadd.s32 $0xFFFFE000  }
0x159: {  	_ =	swait.ge [sflag:s29], $0x2000  }
0x15a: {  	s0 =	sld [smem:$0x7A4]  }
0x15b: {  	[sflag:s29] =	ssyncset.done $0x0  }
0x15c: {  	s1 =	sld [smem:$0x7A5];
	[sflag:s29] =	ssyncadd.s32 $0xFFFFE000  }
0x15d: {  	[hbm4b:s0+s2] =	stream.linear.scatter [tilespmem:s28], [sflag:$0x5], $0x2000, $0x38;
	[tilespmem:$0x1E000] =	vst v63  }
0x15e: {  	s0 =	sld [smem:$0x7A6]  }
0x15f: {  	[hbm4b:s1+s2] =	stream.linear.scatter [tilespmem:s26], [sflag:$0x5], $0x2000, $0x38;
	[tilespmem:$0x1E000] =	vst v63  }
0x160: {  	s1 =	sld [smem:$0x7A7]  }
0x161: {  	[hbm4b:s0+s2] =	stream.linear.scatter [tilespmem:s24], [sflag:$0x5], $0x2000, $0x38;
	[tilespmem:$0x1E000] =	vst v63  }
0x162: {  	_ = 	snop  }
0x163: {  	[hbm4b:s1+s2] =	stream.linear.scatter [tilespmem:s25], [sflag:$0x5], $0x2000, $0x38;
	[tilespmem:$0x1E000] =	vst v63  }
0x164: {  	_ =	swait.ge [sflag:s12], $0x2000  }
0x165: {  	[sflag:s12] =	ssyncset.done $0x0  }
0x166: {  	[sflag:s12] =	ssyncadd.s32 $0xFFFFE000  }
0x167: {  	_ =	swait.ge [sflag:s12], $0x2000  }
0x168: {  	[sflag:s12] =	ssyncset.done $0x0  }
0x169: {  	[sflag:s12] =	ssyncadd.s32 $0xFFFFE000  }
0x16a: {  	_ =	swait.ge [sflag:s12], $0x2000  }
0x16b: {  	[sflag:s12] =	ssyncset.done $0x0  }
0x16c: {  	[sflag:s12] =	ssyncadd.s32 $0xFFFFE000  }
0x16d: {  	_ =	swait.ge [sflag:s12], $0x2000  }
0x16e: {  	s0 =	sld [smem:$0x7A8]  }
0x16f: {  	[sflag:s12] =	ssyncset.done $0x0  }
0x170: {  	s1 =	sld [smem:$0x7A9];
	[sflag:s12] =	ssyncadd.s32 $0xFFFFE000  }
0x171: {  	[tilespmem:s2], [sflag:$0x1] =	stream.linear.gather [hbm4b:s0+s2], $0x2000, $0x38;
	[tilespmem:$0x1E000] =	vst v63  }
0x172: {  	s0 =	sld [smem:$0x7AA]  }
0x173: {  	[tilespmem:s9], [sflag:$0x1] =	stream.linear.gather [hbm4b:s1+s2], $0x2000, $0x38;
	[tilespmem:$0x1E000] =	vst v63  }
0x174: {  	s1 =	sld [smem:$0x7AB]  }
0x175: {  	[tilespmem:s10], [sflag:$0x1] =	stream.linear.gather [hbm4b:s0+s2], $0x2000, $0x38;
	[tilespmem:$0x1E000] =	vst v63  }
0x176: {  	s0 =	sld [smem:$0x7AC]  }
0x177: {  	[tilespmem:s11], [sflag:$0x1] =	stream.linear.gather [hbm4b:s1+s2], $0x2000, $0x38;
	[tilespmem:$0x1E000] =	vst v63  }
0x178: {  	_ = 	snop  }
0x179: {  	[tilespmem:s31], [sflag:$0x1] =	stream.linear.gather [hbm4b:s0+s2], $0x2000, $0x38;
	[tilespmem:$0x1E000] =	vst v63  }
0x17a: {  	_ =	swait.ge [sflag:s23], $0x2000  }
0x17b: {  	[sflag:s23] =	ssyncset.done $0x0  }
0x17c: {  	[sflag:s23] =	ssyncadd.s32 $0xFFFFE000  }
0x17d: {  	_ =	swait.ge [sflag:s23], $0x2000  }
0x17e: {  	[sflag:s23] =	ssyncset.done $0x0  }
0x17f: {  	[sflag:s23] =	ssyncadd.s32 $0xFFFFE000  }
0x180: {  	_ =	swait.ge [sflag:s23], $0x2000  }
0x181: {  	[sflag:s23] =	ssyncset.done $0x0  }
0x182: {  	[sflag:s23] =	ssyncadd.s32 $0xFFFFE000  }
0x183: {  	_ =	swait.ge [sflag:s23], $0x2000  }
0x184: {  	[sflag:s23] =	ssyncset.done $0x0  }
0x185: {  	[sflag:s23] =	ssyncadd.s32 $0xFFFFE000  }
0x186: {  	_ =	swait.ge [sflag:s23], $0x2000  }
0x187: {  	s0 =	sld [smem:$0x7AD]  }
0x188: {  	[sflag:s23] =	ssyncset.done $0x0  }
0x189: {  	s1 =	sld [smem:$0x7AE];
	[sflag:s23] =	ssyncadd.s32 $0xFFFFE000  }
0x18a: {  	[hbm4b:s0+s2] =	stream.linear.scatter [tilespmem:s18], [sflag:$0x6], $0x2000, $0x38;
	[tilespmem:$0x1E000] =	vst v63  }
0x18b: {  	s0 =	sld [smem:$0x7AF]  }
0x18c: {  	[hbm4b:s1+s2] =	stream.linear.scatter [tilespmem:s19], [sflag:$0x6], $0x2000, $0x38;
	[tilespmem:$0x1E000] =	vst v63  }
0x18d: {  	s1 =	sld [smem:$0x7B0]  }
0x18e: {  	[hbm4b:s0+s2] =	stream.linear.scatter [tilespmem:s20], [sflag:$0x6], $0x2000, $0x38;
	[tilespmem:$0x1E000] =	vst v63  }
0x18f: {  	_ = 	snop  }
0x190: {  	[hbm4b:s1+s2] =	stream.linear.scatter [tilespmem:s21], [sflag:$0x6], $0x2000, $0x38;
	[tilespmem:$0x1E000] =	vst v63  }
0x191: {  	_ =	swait.ge [sflag:s4], $0x2000  }
0x192: {  	[sflag:s4] =	ssyncset.done $0x0  }
0x193: {  	[sflag:s4] =	ssyncadd.s32 $0xFFFFE000  }
0x194: {  	_ =	swait.ge [sflag:s4], $0x2000  }
0x195: {  	[sflag:s4] =	ssyncset.done $0x0  }
0x196: {  	[sflag:s4] =	ssyncadd.s32 $0xFFFFE000  }
0x197: {  	_ =	swait.ge [sflag:s4], $0x2000  }
0x198: {  	[sflag:s4] =	ssyncset.done $0x0  }
0x199: {  	[sflag:s4] =	ssyncadd.s32 $0xFFFFE000  }
0x19a: {  	_ =	swait.ge [sflag:s4], $0x2000  }
0x19b: {  	s0 =	sld [smem:$0x7B1]  }
0x19c: {  	[sflag:s4] =	ssyncset.done $0x0  }
0x19d: {  	s1 =	sld [smem:$0x7B2];
	[sflag:s4] =	ssyncadd.s32 $0xFFFFE000  }
0x19e: {  	[tilespmem:s28], [sflag:$0x2] =	stream.linear.gather [hbm4b:s0+s2], $0x2000, $0x38;
	[tilespmem:$0x1E000] =	vst v63  }
0x19f: {  	s0 =	sld [smem:$0x7B3]  }
0x1a0: {  	[tilespmem:s26], [sflag:$0x2] =	stream.linear.gather [hbm4b:s1+s2], $0x2000, $0x38;
	[tilespmem:$0x1E000] =	vst v63  }
0x1a1: {  	s1 =	sld [smem:$0x7B4]  }
0x1a2: {  	[tilespmem:s24], [sflag:$0x2] =	stream.linear.gather [hbm4b:s0+s2], $0x2000, $0x38;
	[tilespmem:$0x1E000] =	vst v63  }
0x1a3: {  	s0 =	sld [smem:$0x7B5]  }
0x1a4: {  	[tilespmem:s25], [sflag:$0x2] =	stream.linear.gather [hbm4b:s1+s2], $0x2000, $0x38;
	[tilespmem:$0x1E000] =	vst v63  }
0x1a5: {  	_ = 	snop  }
0x1a6: {  	[tilespmem:s22], [sflag:$0x2] =	stream.linear.gather [hbm4b:s0+s2], $0x2000, $0x38;
	[tilespmem:$0x1E000] =	vst v63  }
0x1a7: {  	_ =	swait.ge [sflag:s17], $0x2000  }
0x1a8: {  	[sflag:s17] =	ssyncset.done $0x0  }
0x1a9: {  	[sflag:s17] =	ssyncadd.s32 $0xFFFFE000  }
0x1aa: {  	_ =	swait.ge [sflag:s17], $0x2000  }
0x1ab: {  	[sflag:s17] =	ssyncset.done $0x0  }
0x1ac: {  	[sflag:s17] =	ssyncadd.s32 $0xFFFFE000  }
0x1ad: {  	_ =	swait.ge [sflag:s17], $0x2000  }
0x1ae: {  	[sflag:s17] =	ssyncset.done $0x0  }
0x1af: {  	[sflag:s17] =	ssyncadd.s32 $0xFFFFE000  }
0x1b0: {  	_ =	swait.ge [sflag:s17], $0x2000  }
0x1b1: {  	[sflag:s17] =	ssyncset.done $0x0  }
0x1b2: {  	[sflag:s17] =	ssyncadd.s32 $0xFFFFE000  }
0x1b3: {  	_ =	swait.ge [sflag:s17], $0x2000  }
0x1b4: {  	s0 =	sld [smem:$0x7B6]  }
0x1b5: {  	[sflag:s17] =	ssyncset.done $0x0  }
0x1b6: {  	s1 =	sld [smem:$0x7B7];
	[sflag:s17] =	ssyncadd.s32 $0xFFFFE000  }
0x1b7: {  	[hbm4b:s0+s2] =	stream.linear.scatter [tilespmem:s2], [sflag:$0x4], $0x2000, $0x38;
	[tilespmem:$0x1E000] =	vst v63  }
0x1b8: {  	s0 =	sld [smem:$0x7B8]  }
0x1b9: {  	[hbm4b:s1+s2] =	stream.linear.scatter [tilespmem:s9], [sflag:$0x4], $0x2000, $0x38;
	[tilespmem:$0x1E000] =	vst v63  }
0x1ba: {  	s1 =	sld [smem:$0x7B9]  }
0x1bb: {  	[hbm4b:s0+s2] =	stream.linear.scatter [tilespmem:s10], [sflag:$0x4], $0x2000, $0x38;
	[tilespmem:$0x1E000] =	vst v63  }
0x1bc: {  	_ = 	snop  }
0x1bd: {  	[hbm4b:s1+s2] =	stream.linear.scatter [tilespmem:s11], [sflag:$0x4], $0x2000, $0x38;
	[tilespmem:$0x1E000] =	vst v63  }
0x1be: {  	_ =	swait.ge [sflag:s3], $0x2000  }
0x1bf: {  	[sflag:s3] =	ssyncset.done $0x0  }
0x1c0: {  	[sflag:s3] =	ssyncadd.s32 $0xFFFFE000  }
0x1c1: {  	_ =	swait.ge [sflag:s3], $0x2000  }
0x1c2: {  	[sflag:s3] =	ssyncset.done $0x0  }
0x1c3: {  	[sflag:s3] =	ssyncadd.s32 $0xFFFFE000  }
0x1c4: {  	_ =	swait.ge [sflag:s3], $0x2000  }
0x1c5: {  	[sflag:s3] =	ssyncset.done $0x0  }
0x1c6: {  	[sflag:s3] =	ssyncadd.s32 $0xFFFFE000  }
0x1c7: {  	_ =	swait.ge [sflag:s3], $0x2000  }
0x1c8: {  	s0 =	sld [smem:$0x7BA]  }
0x1c9: {  	[sflag:s3] =	ssyncset.done $0x0  }
0x1ca: {  	s1 =	sld [smem:$0x7BB];
	[sflag:s3] =	ssyncadd.s32 $0xFFFFE000  }
0x1cb: {  	[tilespmem:s18], [sflag:$0x3] =	stream.linear.gather [hbm4b:s0+s2], $0x2000, $0x38;
	[tilespmem:$0x1E000] =	vst v63  }
0x1cc: {  	s0 =	sld [smem:$0x7BC]  }
0x1cd: {  	[tilespmem:s19], [sflag:$0x3] =	stream.linear.gather [hbm4b:s1+s2], $0x2000, $0x38;
	[tilespmem:$0x1E000] =	vst v63  }
0x1ce: {  	s1 =	sld [smem:$0x7BD]  }
0x1cf: {  	[tilespmem:s20], [sflag:$0x3] =	stream.linear.gather [hbm4b:s0+s2], $0x2000, $0x38;
	[tilespmem:$0x1E000] =	vst v63  }
0x1d0: {  	s0 =	sld [smem:$0x7BE]  }
0x1d1: {  	[tilespmem:s21], [sflag:$0x3] =	stream.linear.gather [hbm4b:s1+s2], $0x2000, $0x38;
	[tilespmem:$0x1E000] =	vst v63  }
0x1d2: {  	_ = 	snop  }
0x1d3: {  	[tilespmem:s30], [sflag:$0x3] =	stream.linear.gather [hbm4b:s0+s2], $0x2000, $0x38;
	[tilespmem:$0x1E000] =	vst v63  }
0x1d4: {  	_ =	swait.ge [sflag:s29], $0x2000  }
0x1d5: {  	[sflag:s29] =	ssyncset.done $0x0  }
0x1d6: {  	[sflag:s29] =	ssyncadd.s32 $0xFFFFE000  }
0x1d7: {  	_ =	swait.ge [sflag:s29], $0x2000  }
0x1d8: {  	[sflag:s29] =	ssyncset.done $0x0  }
0x1d9: {  	[sflag:s29] =	ssyncadd.s32 $0xFFFFE000  }
0x1da: {  	_ =	swait.ge [sflag:s29], $0x2000  }
0x1db: {  	[sflag:s29] =	ssyncset.done $0x0  }
0x1dc: {  	[sflag:s29] =	ssyncadd.s32 $0xFFFFE000  }
0x1dd: {  	_ =	swait.ge [sflag:s29], $0x2000  }
0x1de: {  	[sflag:s29] =	ssyncset.done $0x0  }
0x1df: {  	[sflag:s29] =	ssyncadd.s32 $0xFFFFE000  }
0x1e0: {  	_ =	swait.ge [sflag:s29], $0x2000  }
0x1e1: {  	s0 =	sld [smem:$0x7BF]  }
0x1e2: {  	[sflag:s29] =	ssyncset.done $0x0  }
0x1e3: {  	s1 =	sld [smem:$0x7C0];
	[sflag:s29] =	ssyncadd.s32 $0xFFFFE000  }
0x1e4: {  	[hbm4b:s0+s2] =	stream.linear.scatter [tilespmem:s28], [sflag:$0x5], $0x2000, $0x38;
	[tilespmem:$0x1E000] =	vst v63  }
0x1e5: {  	s0 =	sld [smem:$0x7C1]  }
0x1e6: {  	[hbm4b:s1+s2] =	stream.linear.scatter [tilespmem:s26], [sflag:$0x5], $0x2000, $0x38;
	[tilespmem:$0x1E000] =	vst v63  }
0x1e7: {  	s1 =	sld [smem:$0x7C2]  }
0x1e8: {  	[hbm4b:s0+s2] =	stream.linear.scatter [tilespmem:s24], [sflag:$0x5], $0x2000, $0x38;
	[tilespmem:$0x1E000] =	vst v63  }
0x1e9: {  	_ = 	snop  }
0x1ea: {  	[hbm4b:s1+s2] =	stream.linear.scatter [tilespmem:s25], [sflag:$0x5], $0x2000, $0x38;
	[tilespmem:$0x1E000] =	vst v63  }
0x1eb: {  	_ =	swait.ge [sflag:s12], $0x2000  }
0x1ec: {  	[sflag:s12] =	ssyncset.done $0x0  }
0x1ed: {  	[sflag:s12] =	ssyncadd.s32 $0xFFFFE000  }
0x1ee: {  	_ =	swait.ge [sflag:s12], $0x2000  }
0x1ef: {  	[sflag:s12] =	ssyncset.done $0x0  }
0x1f0: {  	[sflag:s12] =	ssyncadd.s32 $0xFFFFE000  }
0x1f1: {  	_ =	swait.ge [sflag:s12], $0x2000  }
0x1f2: {  	[sflag:s12] =	ssyncset.done $0x0  }
0x1f3: {  	[sflag:s12] =	ssyncadd.s32 $0xFFFFE000  }
0x1f4: {  	_ =	swait.ge [sflag:s12], $0x2000  }
0x1f5: {  	s0 =	sld [smem:$0x7C3]  }
0x1f6: {  	[sflag:s12] =	ssyncset.done $0x0  }
0x1f7: {  	s1 =	sld [smem:$0x7C4];
	[sflag:s12] =	ssyncadd.s32 $0xFFFFE000  }
0x1f8: {  	[tilespmem:s2], [sflag:$0x1] =	stream.linear.gather [hbm4b:s0+s2], $0x2000, $0x38;
	[tilespmem:$0x1E000] =	vst v63  }
0x1f9: {  	s0 =	sld [smem:$0x7C5]  }
0x1fa: {  	[tilespmem:s9], [sflag:$0x1] =	stream.linear.gather [hbm4b:s1+s2], $0x2000, $0x38;
	[tilespmem:$0x1E000] =	vst v63  }
0x1fb: {  	s1 =	sld [smem:$0x7C6]  }
0x1fc: {  	[tilespmem:s10], [sflag:$0x1] =	stream.linear.gather [hbm4b:s0+s2], $0x2000, $0x38;
	[tilespmem:$0x1E000] =	vst v63  }
0x1fd: {  	s0 =	sld [smem:$0x7C7]  }
0x1fe: {  	[tilespmem:s11], [sflag:$0x1] =	stream.linear.gather [hbm4b:s1+s2], $0x2000, $0x38;
	[tilespmem:$0x1E000] =	vst v63  }
0x1ff: {  	_ = 	snop  }
0x200: {  	[tilespmem:s31], [sflag:$0x1] =	stream.linear.gather [hbm4b:s0+s2], $0x2000, $0x38;
	[tilespmem:$0x1E000] =	vst v63  }
0x201: {  	_ =	swait.ge [sflag:s23], $0x2000  }
0x202: {  	[sflag:s23] =	ssyncset.done $0x0  }
0x203: {  	[sflag:s23] =	ssyncadd.s32 $0xFFFFE000  }
0x204: {  	_ =	swait.ge [sflag:s23], $0x2000  }
0x205: {  	[sflag:s23] =	ssyncset.done $0x0  }
0x206: {  	[sflag:s23] =	ssyncadd.s32 $0xFFFFE000  }
0x207: {  	_ =	swait.ge [sflag:s23], $0x2000  }
0x208: {  	[sflag:s23] =	ssyncset.done $0x0  }
0x209: {  	[sflag:s23] =	ssyncadd.s32 $0xFFFFE000  }
0x20a: {  	_ =	swait.ge [sflag:s23], $0x2000  }
0x20b: {  	[sflag:s23] =	ssyncset.done $0x0  }
0x20c: {  	[sflag:s23] =	ssyncadd.s32 $0xFFFFE000  }
0x20d: {  	_ =	swait.ge [sflag:s23], $0x2000  }
0x20e: {  	s0 =	sld [smem:$0x7C8]  }
0x20f: {  	[sflag:s23] =	ssyncset.done $0x0  }
0x210: {  	s1 =	sld [smem:$0x7C9];
	[sflag:s23] =	ssyncadd.s32 $0xFFFFE000  }
0x211: {  	[hbm4b:s0+s2] =	stream.linear.scatter [tilespmem:s18], [sflag:$0x6], $0x2000, $0x38;
	[tilespmem:$0x1E000] =	vst v63  }
0x212: {  	s0 =	sld [smem:$0x7CA]  }
0x213: {  	[hbm4b:s1+s2] =	stream.linear.scatter [tilespmem:s19], [sflag:$0x6], $0x2000, $0x38;
	[tilespmem:$0x1E000] =	vst v63  }
0x214: {  	s1 =	sld [smem:$0x7CB]  }
0x215: {  	[hbm4b:s0+s2] =	stream.linear.scatter [tilespmem:s20], [sflag:$0x6], $0x2000, $0x38;
	[tilespmem:$0x1E000] =	vst v63  }
0x216: {  	_ = 	snop  }
0x217: {  	[hbm4b:s1+s2] =	stream.linear.scatter [tilespmem:s21], [sflag:$0x6], $0x2000, $0x38;
	[tilespmem:$0x1E000] =	vst v63  }
0x218: {  	_ =	swait.ge [sflag:s4], $0x2000  }
0x219: {  	[sflag:s4] =	ssyncset.done $0x0  }
0x21a: {  	[sflag:s4] =	ssyncadd.s32 $0xFFFFE000  }
0x21b: {  	_ =	swait.ge [sflag:s4], $0x2000  }
0x21c: {  	[sflag:s4] =	ssyncset.done $0x0  }
0x21d: {  	[sflag:s4] =	ssyncadd.s32 $0xFFFFE000  }
0x21e: {  	_ =	swait.ge [sflag:s4], $0x2000  }
0x21f: {  	[sflag:s4] =	ssyncset.done $0x0  }
0x220: {  	[sflag:s4] =	ssyncadd.s32 $0xFFFFE000  }
0x221: {  	_ =	swait.ge [sflag:s4], $0x2000  }
0x222: {  	s0 =	sld [smem:$0x7CC]  }
0x223: {  	[sflag:s4] =	ssyncset.done $0x0  }
0x224: {  	s1 =	sld [smem:$0x7CD];
	[sflag:s4] =	ssyncadd.s32 $0xFFFFE000  }
0x225: {  	[tilespmem:s28], [sflag:$0x2] =	stream.linear.gather [hbm4b:s0+s2], $0x2000, $0x38;
	[tilespmem:$0x1E000] =	vst v63  }
0x226: {  	s0 =	sld [smem:$0x7CE]  }
0x227: {  	[tilespmem:s26], [sflag:$0x2] =	stream.linear.gather [hbm4b:s1+s2], $0x2000, $0x38;
	[tilespmem:$0x1E000] =	vst v63  }
0x228: {  	s1 =	sld [smem:$0x7CF]  }
0x229: {  	[tilespmem:s24], [sflag:$0x2] =	stream.linear.gather [hbm4b:s0+s2], $0x2000, $0x38;
	[tilespmem:$0x1E000] =	vst v63  }
0x22a: {  	s0 =	sld [smem:$0x7D0]  }
0x22b: {  	[tilespmem:s25], [sflag:$0x2] =	stream.linear.gather [hbm4b:s1+s2], $0x2000, $0x38;
	[tilespmem:$0x1E000] =	vst v63  }
0x22c: {  	_ = 	snop  }
0x22d: {  	[tilespmem:s22], [sflag:$0x2] =	stream.linear.gather [hbm4b:s0+s2], $0x2000, $0x38;
	[tilespmem:$0x1E000] =	vst v63  }
0x22e: {  	_ =	swait.ge [sflag:s17], $0x2000  }
0x22f: {  	[sflag:s17] =	ssyncset.done $0x0  }
0x230: {  	[sflag:s17] =	ssyncadd.s32 $0xFFFFE000  }
0x231: {  	_ =	swait.ge [sflag:s17], $0x2000  }
0x232: {  	[sflag:s17] =	ssyncset.done $0x0  }
0x233: {  	[sflag:s17] =	ssyncadd.s32 $0xFFFFE000  }
0x234: {  	_ =	swait.ge [sflag:s17], $0x2000  }
0x235: {  	[sflag:s17] =	ssyncset.done $0x0  }
0x236: {  	[sflag:s17] =	ssyncadd.s32 $0xFFFFE000  }
0x237: {  	_ =	swait.ge [sflag:s17], $0x2000  }
0x238: {  	[sflag:s17] =	ssyncset.done $0x0  }
0x239: {  	[sflag:s17] =	ssyncadd.s32 $0xFFFFE000  }
0x23a: {  	_ =	swait.ge [sflag:s17], $0x2000  }
0x23b: {  	s0 =	sld [smem:$0x7D1]  }
0x23c: {  	[sflag:s17] =	ssyncset.done $0x0  }
0x23d: {  	s1 =	sld [smem:$0x7D2];
	[sflag:s17] =	ssyncadd.s32 $0xFFFFE000  }
0x23e: {  	[hbm4b:s0+s2] =	stream.linear.scatter [tilespmem:s2], [sflag:$0x4], $0x2000, $0x38;
	[tilespmem:$0x1E000] =	vst v63  }
0x23f: {  	s0 =	sld [smem:$0x7D3]  }
0x240: {  	[hbm4b:s1+s2] =	stream.linear.scatter [tilespmem:s9], [sflag:$0x4], $0x2000, $0x38;
	[tilespmem:$0x1E000] =	vst v63  }
0x241: {  	s1 =	sld [smem:$0x7D4]  }
0x242: {  	[hbm4b:s0+s2] =	stream.linear.scatter [tilespmem:s10], [sflag:$0x4], $0x2000, $0x38;
	[tilespmem:$0x1E000] =	vst v63  }
0x243: {  	_ = 	snop  }
0x244: {  	[hbm4b:s1+s2] =	stream.linear.scatter [tilespmem:s11], [sflag:$0x4], $0x2000, $0x38;
	[tilespmem:$0x1E000] =	vst v63  }
0x245: {  	_ =	swait.ge [sflag:s3], $0x2000  }
0x246: {  	[sflag:s3] =	ssyncset.done $0x0  }
0x247: {  	[sflag:s3] =	ssyncadd.s32 $0xFFFFE000  }
0x248: {  	_ =	swait.ge [sflag:s3], $0x2000  }
0x249: {  	[sflag:s3] =	ssyncset.done $0x0  }
0x24a: {  	[sflag:s3] =	ssyncadd.s32 $0xFFFFE000  }
0x24b: {  	_ =	swait.ge [sflag:s3], $0x2000  }
0x24c: {  	[sflag:s3] =	ssyncset.done $0x0  }
0x24d: {  	[sflag:s3] =	ssyncadd.s32 $0xFFFFE000  }
0x24e: {  	_ =	swait.ge [sflag:s3], $0x2000  }
0x24f: {  	s0 =	sld [smem:$0x7D5]  }
0x250: {  	[sflag:s3] =	ssyncset.done $0x0  }
0x251: {  	s1 =	sld [smem:$0x7D6];
	[sflag:s3] =	ssyncadd.s32 $0xFFFFE000  }
0x252: {  	[tilespmem:s18], [sflag:$0x3] =	stream.linear.gather [hbm4b:s0+s2], $0x2000, $0x38;
	[tilespmem:$0x1E000] =	vst v63  }
0x253: {  	s0 =	sld [smem:$0x7D7]  }
0x254: {  	[tilespmem:s19], [sflag:$0x3] =	stream.linear.gather [hbm4b:s1+s2], $0x2000, $0x38;
	[tilespmem:$0x1E000] =	vst v63  }
0x255: {  	s1 =	sld [smem:$0x7D8]  }
0x256: {  	[tilespmem:s20], [sflag:$0x3] =	stream.linear.gather [hbm4b:s0+s2], $0x2000, $0x38;
	[tilespmem:$0x1E000] =	vst v63  }
0x257: {  	s0 =	sld [smem:$0x7D9]  }
0x258: {  	[tilespmem:s21], [sflag:$0x3] =	stream.linear.gather [hbm4b:s1+s2], $0x2000, $0x38;
	[tilespmem:$0x1E000] =	vst v63  }
0x259: {  	_ = 	snop  }
0x25a: {  	[tilespmem:s30], [sflag:$0x3] =	stream.linear.gather [hbm4b:s0+s2], $0x2000, $0x38;
	[tilespmem:$0x1E000] =	vst v63  }
0x25b: {  	_ =	swait.ge [sflag:s29], $0x2000  }
0x25c: {  	[sflag:s29] =	ssyncset.done $0x0  }
0x25d: {  	[sflag:s29] =	ssyncadd.s32 $0xFFFFE000  }
0x25e: {  	_ =	swait.ge [sflag:s29], $0x2000  }
0x25f: {  	[sflag:s29] =	ssyncset.done $0x0  }
0x260: {  	[sflag:s29] =	ssyncadd.s32 $0xFFFFE000  }
0x261: {  	_ =	swait.ge [sflag:s29], $0x2000  }
0x262: {  	[sflag:s29] =	ssyncset.done $0x0  }
0x263: {  	[sflag:s29] =	ssyncadd.s32 $0xFFFFE000  }
0x264: {  	_ =	swait.ge [sflag:s29], $0x2000  }
0x265: {  	[sflag:s29] =	ssyncset.done $0x0  }
0x266: {  	[sflag:s29] =	ssyncadd.s32 $0xFFFFE000  }
0x267: {  	_ =	swait.ge [sflag:s29], $0x2000  }
0x268: {  	s0 =	sld [smem:$0x7DA]  }
0x269: {  	[sflag:s29] =	ssyncset.done $0x0  }
0x26a: {  	s1 =	sld [smem:$0x7DB];
	[sflag:s29] =	ssyncadd.s32 $0xFFFFE000  }
0x26b: {  	[hbm4b:s0+s2] =	stream.linear.scatter [tilespmem:s28], [sflag:$0x5], $0x2000, $0x38;
	[tilespmem:$0x1E000] =	vst v63  }
0x26c: {  	s0 =	sld [smem:$0x7DC]  }
0x26d: {  	[hbm4b:s1+s2] =	stream.linear.scatter [tilespmem:s26], [sflag:$0x5], $0x2000, $0x38;
	[tilespmem:$0x1E000] =	vst v63  }
0x26e: {  	s1 =	sld [smem:$0x7DD]  }
0x26f: {  	[hbm4b:s0+s2] =	stream.linear.scatter [tilespmem:s24], [sflag:$0x5], $0x2000, $0x38;
	[tilespmem:$0x1E000] =	vst v63  }
0x270: {  	_ = 	snop  }
0x271: {  	[hbm4b:s1+s2] =	stream.linear.scatter [tilespmem:s25], [sflag:$0x5], $0x2000, $0x38;
	[tilespmem:$0x1E000] =	vst v63  }
0x272: {  	_ =	swait.ge [sflag:s12], $0x2000  }
0x273: {  	[sflag:s12] =	ssyncset.done $0x0  }
0x274: {  	[sflag:s12] =	ssyncadd.s32 $0xFFFFE000  }
0x275: {  	_ =	swait.ge [sflag:s12], $0x2000  }
0x276: {  	[sflag:s12] =	ssyncset.done $0x0  }
0x277: {  	[sflag:s12] =	ssyncadd.s32 $0xFFFFE000  }
0x278: {  	_ =	swait.ge [sflag:s12], $0x2000  }
0x279: {  	[sflag:s12] =	ssyncset.done $0x0  }
0x27a: {  	[sflag:s12] =	ssyncadd.s32 $0xFFFFE000  }
0x27b: {  	_ =	swait.ge [sflag:s12], $0x2000  }
0x27c: {  	s0 =	sld [smem:$0x7DE]  }
0x27d: {  	[sflag:s12] =	ssyncset.done $0x0  }
0x27e: {  	s1 =	sld [smem:$0x7DF];
	[sflag:s12] =	ssyncadd.s32 $0xFFFFE000  }
0x27f: {  	[tilespmem:s2], [sflag:$0x1] =	stream.linear.gather [hbm4b:s0+s2], $0x2000, $0x38;
	[tilespmem:$0x1E000] =	vst v63  }
0x280: {  	s0 =	sld [smem:$0x7E0]  }
0x281: {  	[tilespmem:s9], [sflag:$0x1] =	stream.linear.gather [hbm4b:s1+s2], $0x2000, $0x38;
	[tilespmem:$0x1E000] =	vst v63  }
0x282: {  	s1 =	sld [smem:$0x7E1]  }
0x283: {  	[tilespmem:s10], [sflag:$0x1] =	stream.linear.gather [hbm4b:s0+s2], $0x2000, $0x38;
	[tilespmem:$0x1E000] =	vst v63  }
0x284: {  	s0 =	sld [smem:$0x7E2]  }
0x285: {  	[tilespmem:s11], [sflag:$0x1] =	stream.linear.gather [hbm4b:s1+s2], $0x2000, $0x38;
	[tilespmem:$0x1E000] =	vst v63  }
0x286: {  	_ = 	snop  }
0x287: {  	[tilespmem:s31], [sflag:$0x1] =	stream.linear.gather [hbm4b:s0+s2], $0x2000, $0x38;
	[tilespmem:$0x1E000] =	vst v63  }
0x288: {  	_ =	swait.ge [sflag:s23], $0x2000  }
0x289: {  	[sflag:s23] =	ssyncset.done $0x0  }
0x28a: {  	[sflag:s23] =	ssyncadd.s32 $0xFFFFE000  }
0x28b: {  	_ =	swait.ge [sflag:s23], $0x2000  }
0x28c: {  	[sflag:s23] =	ssyncset.done $0x0  }
0x28d: {  	[sflag:s23] =	ssyncadd.s32 $0xFFFFE000  }
0x28e: {  	_ =	swait.ge [sflag:s23], $0x2000  }
0x28f: {  	[sflag:s23] =	ssyncset.done $0x0  }
0x290: {  	[sflag:s23] =	ssyncadd.s32 $0xFFFFE000  }
0x291: {  	_ =	swait.ge [sflag:s23], $0x2000  }
0x292: {  	[sflag:s23] =	ssyncset.done $0x0  }
0x293: {  	[sflag:s23] =	ssyncadd.s32 $0xFFFFE000  }
0x294: {  	_ =	swait.ge [sflag:s23], $0x2000  }
0x295: {  	s0 =	sld [smem:$0x7E3]  }
0x296: {  	[sflag:s23] =	ssyncset.done $0x0  }
0x297: {  	s1 =	sld [smem:$0x7E4];
	[sflag:s23] =	ssyncadd.s32 $0xFFFFE000  }
0x298: {  	[hbm4b:s0+s2] =	stream.linear.scatter [tilespmem:s18], [sflag:$0x6], $0x2000, $0x38;
	[tilespmem:$0x1E000] =	vst v63  }
0x299: {  	s0 =	sld [smem:$0x7E5]  }
0x29a: {  	[hbm4b:s1+s2] =	stream.linear.scatter [tilespmem:s19], [sflag:$0x6], $0x2000, $0x38;
	[tilespmem:$0x1E000] =	vst v63  }
0x29b: {  	s1 =	sld [smem:$0x7E6]  }
0x29c: {  	[hbm4b:s0+s2] =	stream.linear.scatter [tilespmem:s20], [sflag:$0x6], $0x2000, $0x38;
	[tilespmem:$0x1E000] =	vst v63  }
0x29d: {  	_ = 	snop  }
0x29e: {  	[hbm4b:s1+s2] =	stream.linear.scatter [tilespmem:s21], [sflag:$0x6], $0x2000, $0x38;
	[tilespmem:$0x1E000] =	vst v63  }
0x29f: {  	_ =	swait.ge [sflag:s4], $0x2000  }
0x2a0: {  	[sflag:s4] =	ssyncset.done $0x0  }
0x2a1: {  	[sflag:s4] =	ssyncadd.s32 $0xFFFFE000  }
0x2a2: {  	_ =	swait.ge [sflag:s4], $0x2000  }
0x2a3: {  	[sflag:s4] =	ssyncset.done $0x0  }
0x2a4: {  	[sflag:s4] =	ssyncadd.s32 $0xFFFFE000  }
0x2a5: {  	_ =	swait.ge [sflag:s4], $0x2000  }
0x2a6: {  	[sflag:s4] =	ssyncset.done $0x0  }
0x2a7: {  	[sflag:s4] =	ssyncadd.s32 $0xFFFFE000  }
0x2a8: {  	_ =	swait.ge [sflag:s4], $0x2000  }
0x2a9: {  	s0 =	sld [smem:$0x7E7]  }
0x2aa: {  	[sflag:s4] =	ssyncset.done $0x0  }
0x2ab: {  	s1 =	sld [smem:$0x7E8];
	[sflag:s4] =	ssyncadd.s32 $0xFFFFE000  }
0x2ac: {  	[tilespmem:s28], [sflag:$0x2] =	stream.linear.gather [hbm4b:s0+s2], $0x2000, $0x38;
	[tilespmem:$0x1E000] =	vst v63  }
0x2ad: {  	s0 =	sld [smem:$0x7E9]  }
0x2ae: {  	[tilespmem:s26], [sflag:$0x2] =	stream.linear.gather [hbm4b:s1+s2], $0x2000, $0x38;
	[tilespmem:$0x1E000] =	vst v63  }
0x2af: {  	s1 =	sld [smem:$0x7EA]  }
0x2b0: {  	[tilespmem:s24], [sflag:$0x2] =	stream.linear.gather [hbm4b:s0+s2], $0x2000, $0x38;
	[tilespmem:$0x1E000] =	vst v63  }
0x2b1: {  	s0 =	sld [smem:$0x7EB]  }
0x2b2: {  	[tilespmem:s25], [sflag:$0x2] =	stream.linear.gather [hbm4b:s1+s2], $0x2000, $0x38;
	[tilespmem:$0x1E000] =	vst v63  }
0x2b3: {  	_ = 	snop  }
0x2b4: {  	[tilespmem:s22], [sflag:$0x2] =	stream.linear.gather [hbm4b:s0+s2], $0x2000, $0x38;
	[tilespmem:$0x1E000] =	vst v63  }
0x2b5: {  	_ =	swait.ge [sflag:s17], $0x2000  }
0x2b6: {  	[sflag:s17] =	ssyncset.done $0x0  }
0x2b7: {  	[sflag:s17] =	ssyncadd.s32 $0xFFFFE000  }
0x2b8: {  	_ =	swait.ge [sflag:s17], $0x2000  }
0x2b9: {  	[sflag:s17] =	ssyncset.done $0x0  }
0x2ba: {  	[sflag:s17] =	ssyncadd.s32 $0xFFFFE000  }
0x2bb: {  	_ =	swait.ge [sflag:s17], $0x2000  }
0x2bc: {  	[sflag:s17] =	ssyncset.done $0x0  }
0x2bd: {  	[sflag:s17] =	ssyncadd.s32 $0xFFFFE000  }
0x2be: {  	_ =	swait.ge [sflag:s17], $0x2000  }
0x2bf: {  	[sflag:s17] =	ssyncset.done $0x0  }
0x2c0: {  	[sflag:s17] =	ssyncadd.s32 $0xFFFFE000  }
0x2c1: {  	_ =	swait.ge [sflag:s17], $0x2000  }
0x2c2: {  	s1 =	sld [smem:$0x7EC]  }
0x2c3: {  	[sflag:s17] =	ssyncset.done $0x0  }
0x2c4: {  	s22 =	sld [smem:$0x7ED];
	[sflag:s17] =	ssyncadd.s32 $0xFFFFE000  }
0x2c5: {  	[hbm4b:s1+s2] =	stream.linear.scatter [tilespmem:s2], [sflag:$0x4], $0x2000, $0x38;
	[tilespmem:$0x1E000] =	vst v63  }
0x2c6: {  	s0 =	sld [smem:$0x7EE]  }
0x2c7: {  	[hbm4b:s22+s2] =	stream.linear.scatter [tilespmem:s9], [sflag:$0x4], $0x2000, $0x38;
	[tilespmem:$0x1E000] =	vst v63  }
0x2c8: {  	s22 =	sld [smem:$0x7EF]  }
0x2c9: {  	[hbm4b:s0+s2] =	stream.linear.scatter [tilespmem:s10], [sflag:$0x4], $0x2000, $0x38;
	[tilespmem:$0x1E000] =	vst v63  }
0x2ca: {  	_ = 	snop  }
0x2cb: {  	[hbm4b:s22+s2] =	stream.linear.scatter [tilespmem:s11], [sflag:$0x4], $0x2000, $0x38;
	[tilespmem:$0x1E000] =	vst v63  }
0x2cc: {  	_ =	swait.ge [sflag:s3], $0x2000  }
0x2cd: {  	[sflag:s3] =	ssyncset.done $0x0  }
0x2ce: {  	[sflag:s3] =	ssyncadd.s32 $0xFFFFE000  }
0x2cf: {  	_ =	swait.ge [sflag:s3], $0x2000  }
0x2d0: {  	[sflag:s3] =	ssyncset.done $0x0  }
0x2d1: {  	[sflag:s3] =	ssyncadd.s32 $0xFFFFE000  }
0x2d2: {  	_ =	swait.ge [sflag:s3], $0x2000  }
0x2d3: {  	[sflag:s3] =	ssyncset.done $0x0  }
0x2d4: {  	[sflag:s3] =	ssyncadd.s32 $0xFFFFE000  }
0x2d5: {  	_ =	swait.ge [sflag:s3], $0x2000  }
0x2d6: {  	s22 =	sld [smem:$0x7F0]  }
0x2d7: {  	[sflag:s3] =	ssyncset.done $0x0  }
0x2d8: {  	s1 =	sld [smem:$0x7F1];
	[sflag:s3] =	ssyncadd.s32 $0xFFFFE000  }
0x2d9: {  	[tilespmem:s18], [sflag:$0x3] =	stream.linear.gather [hbm4b:s22+s2], $0x2000, $0x38;
	[tilespmem:$0x1E000] =	vst v63  }
0x2da: {  	s22 =	sld [smem:$0x7F2]  }
0x2db: {  	[tilespmem:s19], [sflag:$0x3] =	stream.linear.gather [hbm4b:s1+s2], $0x2000, $0x38;
	[tilespmem:$0x1E000] =	vst v63  }
0x2dc: {  	s1 =	sld [smem:$0x7F3]  }
0x2dd: {  	[tilespmem:s20], [sflag:$0x3] =	stream.linear.gather [hbm4b:s22+s2], $0x2000, $0x38;
	[tilespmem:$0x1E000] =	vst v63  }
0x2de: {  	s22 =	sld [smem:$0x7F4]  }
0x2df: {  	[tilespmem:s21], [sflag:$0x3] =	stream.linear.gather [hbm4b:s1+s2], $0x2000, $0x38;
	[tilespmem:$0x1E000] =	vst v63  }
0x2e0: {  	_ = 	snop  }
0x2e1: {  	[tilespmem:s30], [sflag:$0x3] =	stream.linear.gather [hbm4b:s22+s2], $0x2000, $0x38;
	[tilespmem:$0x1E000] =	vst v63  }
0x2e2: {  	_ =	swait.ge [sflag:s29], $0x2000  }
0x2e3: {  	[sflag:s29] =	ssyncset.done $0x0  }
0x2e4: {  	[sflag:s29] =	ssyncadd.s32 $0xFFFFE000  }
0x2e5: {  	_ =	swait.ge [sflag:s29], $0x2000  }
0x2e6: {  	[sflag:s29] =	ssyncset.done $0x0  }
0x2e7: {  	[sflag:s29] =	ssyncadd.s32 $0xFFFFE000  }
0x2e8: {  	_ =	swait.ge [sflag:s29], $0x2000  }
0x2e9: {  	[sflag:s29] =	ssyncset.done $0x0  }
0x2ea: {  	[sflag:s29] =	ssyncadd.s32 $0xFFFFE000  }
0x2eb: {  	_ =	swait.ge [sflag:s29], $0x2000  }
0x2ec: {  	[sflag:s29] =	ssyncset.done $0x0  }
0x2ed: {  	[sflag:s29] =	ssyncadd.s32 $0xFFFFE000  }
0x2ee: {  	_ =	swait.ge [sflag:s29], $0x2000  }
0x2ef: {  	s1 =	sld [smem:$0x7F5]  }
0x2f0: {  	[sflag:s29] =	ssyncset.done $0x0  }
0x2f1: {  	s22 =	sld [smem:$0x7F6];
	[sflag:s29] =	ssyncadd.s32 $0xFFFFE000  }
0x2f2: {  	[hbm4b:s1+s2] =	stream.linear.scatter [tilespmem:s28], [sflag:$0x5], $0x2000, $0x38;
	[tilespmem:$0x1E000] =	vst v63  }
0x2f3: {  	s0 =	sld [smem:$0x7F7]  }
0x2f4: {  	[hbm4b:s22+s2] =	stream.linear.scatter [tilespmem:s26], [sflag:$0x5], $0x2000, $0x38;
	[tilespmem:$0x1E000] =	vst v63  }
0x2f5: {  	s22 =	sld [smem:$0x7F8]  }
0x2f6: {  	[hbm4b:s0+s2] =	stream.linear.scatter [tilespmem:s24], [sflag:$0x5], $0x2000, $0x38;
	[tilespmem:$0x1E000] =	vst v63  }
0x2f7: {  	_ = 	snop  }
0x2f8: {  	[hbm4b:s22+s2] =	stream.linear.scatter [tilespmem:s25], [sflag:$0x5], $0x2000, $0x38;
	[tilespmem:$0x1E000] =	vst v63  }
0x2f9: {  	_ =	swait.ge [sflag:s12], $0x2000  }
0x2fa: {  	[sflag:s12] =	ssyncset.done $0x0  }
0x2fb: {  	[sflag:s12] =	ssyncadd.s32 $0xFFFFE000  }
0x2fc: {  	_ =	swait.ge [sflag:s12], $0x2000  }
0x2fd: {  	[sflag:s12] =	ssyncset.done $0x0  }
0x2fe: {  	[sflag:s12] =	ssyncadd.s32 $0xFFFFE000  }
0x2ff: {  	_ =	swait.ge [sflag:s12], $0x2000  }
0x300: {  	[sflag:s12] =	ssyncset.done $0x0  }
0x301: {  	[sflag:s12] =	ssyncadd.s32 $0xFFFFE000  }
0x302: {  	_ =	swait.ge [sflag:s12], $0x2000  }
0x303: {  	s22 =	sld [smem:$0x7F9]  }
0x304: {  	[sflag:s12] =	ssyncset.done $0x0  }
0x305: {  	s1 =	sld [smem:$0x7FA];
	[sflag:s12] =	ssyncadd.s32 $0xFFFFE000  }
0x306: {  	[tilespmem:s2], [sflag:$0x1] =	stream.linear.gather [hbm4b:s22+s2], $0x2000, $0x38;
	[tilespmem:$0x1E000] =	vst v63  }
0x307: {  	s22 =	sld [smem:$0x7FB]  }
0x308: {  	[tilespmem:s9], [sflag:$0x1] =	stream.linear.gather [hbm4b:s1+s2], $0x2000, $0x38;
	[tilespmem:$0x1E000] =	vst v63  }
0x309: {  	s1 =	sld [smem:$0x7FC]  }
0x30a: {  	[tilespmem:s10], [sflag:$0x1] =	stream.linear.gather [hbm4b:s22+s2], $0x2000, $0x38;
	[tilespmem:$0x1E000] =	vst v63  }
0x30b: {  	s22 =	sld [smem:$0x7FD]  }
0x30c: {  	[tilespmem:s11], [sflag:$0x1] =	stream.linear.gather [hbm4b:s1+s2], $0x2000, $0x38;
	[tilespmem:$0x1E000] =	vst v63  }
0x30d: {  	_ = 	snop  }
0x30e: {  	[tilespmem:s31], [sflag:$0x1] =	stream.linear.gather [hbm4b:s22+s2], $0x2000, $0x38;
	[tilespmem:$0x1E000] =	vst v63  }
0x30f: {  	_ =	swait.ge [sflag:s23], $0x2000  }
0x310: {  	[sflag:s23] =	ssyncset.done $0x0  }
0x311: {  	[sflag:s23] =	ssyncadd.s32 $0xFFFFE000  }
0x312: {  	_ =	swait.ge [sflag:s23], $0x2000  }
0x313: {  	[sflag:s23] =	ssyncset.done $0x0  }
0x314: {  	[sflag:s23] =	ssyncadd.s32 $0xFFFFE000  }
0x315: {  	_ =	swait.ge [sflag:s23], $0x2000  }
0x316: {  	[sflag:s23] =	ssyncset.done $0x0  }
0x317: {  	[sflag:s23] =	ssyncadd.s32 $0xFFFFE000  }
0x318: {  	_ =	swait.ge [sflag:s23], $0x2000  }
0x319: {  	[sflag:s23] =	ssyncset.done $0x0  }
0x31a: {  	[sflag:s23] =	ssyncadd.s32 $0xFFFFE000  }
0x31b: {  	_ =	swait.ge [sflag:s23], $0x2000  }
0x31c: {  	[sflag:s23] =	ssyncset.done $0x0  }
0x31d: {  	[sflag:s23] =	ssyncadd.s32 $0xFFFFE000  }
0x31e: {  	[hbm4b:s13+s2] =	stream.linear.scatter [tilespmem:s18], [sflag:$0x6], $0x2000, $0x38;
	[tilespmem:$0x1E000] =	vst v63  }
0x31f: {  	_ = 	snop  }
0x320: {  	[hbm4b:s14+s2] =	stream.linear.scatter [tilespmem:s19], [sflag:$0x6], $0x2000, $0x38;
	[tilespmem:$0x1E000] =	vst v63  }
0x321: {  	_ = 	snop  }
0x322: {  	[hbm4b:s15+s2] =	stream.linear.scatter [tilespmem:s20], [sflag:$0x6], $0x2000, $0x38;
	[tilespmem:$0x1E000] =	vst v63  }
0x323: {  	_ = 	snop  }
0x324: {  	[hbm4b:s16+s2] =	stream.linear.scatter [tilespmem:s21], [sflag:$0x6], $0x2000, $0x38;
	[tilespmem:$0x1E000] =	vst v63  }
0x325: {  	_ =	swait.ge [sflag:s17], $0x2000  }
0x326: {  	[sflag:s17] =	ssyncset.done $0x0  }
0x327: {  	[sflag:s17] =	ssyncadd.s32 $0xFFFFE000  }
0x328: {  	_ =	swait.ge [sflag:s17], $0x2000  }
0x329: {  	[sflag:s17] =	ssyncset.done $0x0  }
0x32a: {  	[sflag:s17] =	ssyncadd.s32 $0xFFFFE000  }
0x32b: {  	_ =	swait.ge [sflag:s17], $0x2000  }
0x32c: {  	[sflag:s17] =	ssyncset.done $0x0  }
0x32d: {  	[sflag:s17] =	ssyncadd.s32 $0xFFFFE000  }
0x32e: {  	_ =	swait.ge [sflag:s17], $0x2000  }
0x32f: {  	[sflag:s17] =	ssyncset.done $0x0  }
0x330: {  	[sflag:s17] =	ssyncadd.s32 $0xFFFFE000  }
0x331: {  	_ =	swait.ge [sflag:s17], $0x2000  }
0x332: {  	[sflag:s17] =	ssyncset.done $0x0  }
0x333: {  	[sflag:s17] =	ssyncadd.s32 $0xFFFFE000  }
0x334: {  	[hbm4b:s5+s2] =	stream.linear.scatter [tilespmem:s2], [sflag:$0x4], $0x2000, $0x38;
	[tilespmem:$0x1E000] =	vst v63  }
0x335: {  	_ = 	snop  }
0x336: {  	[hbm4b:s6+s2] =	stream.linear.scatter [tilespmem:s9], [sflag:$0x4], $0x2000, $0x38;
	[tilespmem:$0x1E000] =	vst v63  }
0x337: {  	_ = 	snop  }
0x338: {  	[hbm4b:s7+s2] =	stream.linear.scatter [tilespmem:s10], [sflag:$0x4], $0x2000, $0x38;
	[tilespmem:$0x1E000] =	vst v63  }
0x339: {  	_ = 	snop  }
0x33a: {  	[hbm4b:s8+s2] =	stream.linear.scatter [tilespmem:s11], [sflag:$0x4], $0x2000, $0x38;
	[tilespmem:$0x1E000] =	vst v63  }
0x33b: {  	_ =	swait.ge [sflag:s12], $0x2000  }
0x33c: {  	[sflag:s12] =	ssyncset.done $0x0  }
0x33d: {  	[sflag:s12] =	ssyncadd.s32 $0xFFFFE000  }
0x33e: {  	_ =	swait.ge [sflag:s12], $0x2000  }
0x33f: {  	[sflag:s12] =	ssyncset.done $0x0  }
0x340: {  	[sflag:s12] =	ssyncadd.s32 $0xFFFFE000  }
0x341: {  	_ =	swait.ge [sflag:s12], $0x2000  }
0x342: {  	[sflag:s12] =	ssyncset.done $0x0  }
0x343: {  	[sflag:s12] =	ssyncadd.s32 $0xFFFFE000  }
0x344: {  	_ =	swait.ge [sflag:s12], $0x2000  }
0x345: {  	[sflag:s12] =	ssyncset.done $0x0  }
0x346: {  	[sflag:s12] =	ssyncadd.s32 $0xFFFFE000  }
0x347: {  	_ =	swait.ge [sflag:s4], $0x2000  }
0x348: {  	[sflag:s4] =	ssyncset.done $0x0  }
0x349: {  	[sflag:s4] =	ssyncadd.s32 $0xFFFFE000  }
0x34a: {  	_ =	swait.ge [sflag:s4], $0x2000  }
0x34b: {  	[sflag:s4] =	ssyncset.done $0x0  }
0x34c: {  	[sflag:s4] =	ssyncadd.s32 $0xFFFFE000  }
0x34d: {  	_ =	swait.ge [sflag:s4], $0x2000  }
0x34e: {  	[sflag:s4] =	ssyncset.done $0x0  }
0x34f: {  	[sflag:s4] =	ssyncadd.s32 $0xFFFFE000  }
0x350: {  	_ =	swait.ge [sflag:s4], $0x2000  }
0x351: {  	[sflag:s4] =	ssyncset.done $0x0  }
0x352: {  	[sflag:s4] =	ssyncadd.s32 $0xFFFFE000  }
0x353: {  	_ =	swait.ge [sflag:s3], $0x2000  }
0x354: {  	[sflag:s3] =	ssyncset.done $0x0  }
0x355: {  	[sflag:s3] =	ssyncadd.s32 $0xFFFFE000  }
0x356: {  	_ =	swait.ge [sflag:s3], $0x2000  }
0x357: {  	[sflag:s3] =	ssyncset.done $0x0  }
0x358: {  	[sflag:s3] =	ssyncadd.s32 $0xFFFFE000  }
0x359: {  	_ =	swait.ge [sflag:s3], $0x2000  }
0x35a: {  	s22 =	sld [smem:$0x790];
	_ =	sdelay $0x2  }
0x35b: {  	p1 =	sne.s32 s22, $0x1  }
.Ltmp1:
0x35c: {  	[sflag:s3] =	ssyncset.done $0x0;
	(pc) =	sbr.rel @!p1 .LBB2_2-.Ltmp1, $4  }
0x35d: {  	[sflag:s3] =	ssyncadd.s32 $0xFFFFE000  }
0x35e: {  	p0 =	por $0x1, $0x1;
	s30 =	simm.s32 $0x8000;
	_ =	swait.ge [sflag:s3], $0x2000  }
0x35f: {  	s31 =	simm.s32 $0x1C000;
	s0 =	sadd.s32 $0xFFFFFFFF, s22;
	s1 =	rddreg [dreg:$0x4]  }
0x360: {  	[sflag:s3] =	ssyncset.done $0x0;
	s22 =	simm.s32 $0x12000;
	[smem:$0x791] =	sst s16  }
.LBB2_3:
0x361: {  	[sflag:s3] =	ssyncadd.s32 $0xFFFFE000;
	s16 =	smov.u32 s15;
	s15 =	smov.u32 s14  }
0x362: {  	s14 =	smov.u32 s13;
	s13 =	smov.u32 s8;
	s8 =	smov.u32 s7  }
0x363: {  	[tilespmem:s2], [sflag:$0x1] =	stream.linear.gather [hbm4b:s1+s2], $0x2000, $0x38;
	[tilespmem:$0x1E000] =	vst v63  }
0x364: {  	s7 =	smov.u32 s6;
	s6 =	smov.u32 s5;
	s5 =	rddreg [dreg:$0x5]  }
0x365: {  	[tilespmem:s9], [sflag:$0x1] =	stream.linear.gather [hbm4b:s5+s2], $0x2000, $0x38;
	[tilespmem:$0x1E000] =	vst v63  }
0x366: {  	s1 =	rddreg [dreg:$0x6]  }
0x367: {  	[tilespmem:s10], [sflag:$0x1] =	stream.linear.gather [hbm4b:s1+s2], $0x2000, $0x38;
	[tilespmem:$0x1E000] =	vst v63  }
0x368: {  	s5 =	rddreg [dreg:$0x7]  }
0x369: {  	[tilespmem:s11], [sflag:$0x1] =	stream.linear.gather [hbm4b:s5+s2], $0x2000, $0x38;
	[tilespmem:$0x1E000] =	vst v63  }
0x36a: {  	s1 =	rddreg [dreg:$0x8]  }
0x36b: {  	[tilespmem:s30], [sflag:$0x1] =	stream.linear.gather [hbm4b:s1+s2], $0x2000, $0x38;
	[tilespmem:$0x1E000] =	vst v63  }
0x36c: {  	s5 =	rddreg [dreg:$0x9]  }
0x36d: {  	[tilespmem:s28], [sflag:$0x2] =	stream.linear.gather [hbm4b:s5+s2], $0x2000, $0x38;
	[tilespmem:$0x1E000] =	vst v63  }
0x36e: {  	s1 =	rddreg [dreg:$0xa]  }
0x36f: {  	[tilespmem:s26], [sflag:$0x2] =	stream.linear.gather [hbm4b:s1+s2], $0x2000, $0x38;
	[tilespmem:$0x1E000] =	vst v63  }
0x370: {  	s5 =	rddreg [dreg:$0xb]  }
0x371: {  	[tilespmem:s24], [sflag:$0x2] =	stream.linear.gather [hbm4b:s5+s2], $0x2000, $0x38;
	[tilespmem:$0x1E000] =	vst v63  }
0x372: {  	s1 =	rddreg [dreg:$0xc]  }
0x373: {  	[tilespmem:s25], [sflag:$0x2] =	stream.linear.gather [hbm4b:s1+s2], $0x2000, $0x38;
	[tilespmem:$0x1E000] =	vst v63  }
0x374: {  	s5 =	rddreg [dreg:$0xd]  }
0x375: {  	[tilespmem:s22], [sflag:$0x2] =	stream.linear.gather [hbm4b:s5+s2], $0x2000, $0x38;
	[tilespmem:$0x1E000] =	vst v63  }
0x376: {  	_ =	swait.ge [sflag:s17], $0x2000  }
0x377: {  	[sflag:s17] =	ssyncset.done $0x0  }
0x378: {  	[sflag:s17] =	ssyncadd.s32 $0xFFFFE000  }
0x379: {  	_ =	swait.ge [sflag:s17], $0x2000  }
0x37a: {  	[sflag:s17] =	ssyncset.done $0x0  }
0x37b: {  	[sflag:s17] =	ssyncadd.s32 $0xFFFFE000  }
0x37c: {  	_ =	swait.ge [sflag:s17], $0x2000  }
0x37d: {  	[sflag:s17] =	ssyncset.done $0x0  }
0x37e: {  	[sflag:s17] =	ssyncadd.s32 $0xFFFFE000  }
0x37f: {  	_ =	swait.ge [sflag:s17], $0x2000  }
0x380: {  	[sflag:s17] =	ssyncset.done $0x0  }
0x381: {  	[sflag:s17] =	ssyncadd.s32 $0xFFFFE000  }
0x382: {  	_ =	swait.ge [sflag:s17], $0x2000  }
0x383: {  	[sflag:s17] =	ssyncset.done $0x0  }
0x384: {  	s1 =	rddreg [dreg:$0xe];
	[sflag:s17] =	ssyncadd.s32 $0xFFFFE000  }
0x385: {  	[hbm4b:s1+s2] =	stream.linear.scatter [tilespmem:s2], [sflag:$0x4], $0x2000, $0x38;
	[tilespmem:$0x1E000] =	vst v63  }
0x386: {  	s5 =	rddreg [dreg:$0xf]  }
0x387: {  	[hbm4b:s5+s2] =	stream.linear.scatter [tilespmem:s9], [sflag:$0x4], $0x2000, $0x38;
	[tilespmem:$0x1E000] =	vst v63  }
0x388: {  	s1 =	rddreg [dreg:$0x10]  }
0x389: {  	[hbm4b:s1+s2] =	stream.linear.scatter [tilespmem:s10], [sflag:$0x4], $0x2000, $0x38;
	[tilespmem:$0x1E000] =	vst v63  }
0x38a: {  	s5 =	rddreg [dreg:$0x11]  }
0x38b: {  	[hbm4b:s5+s2] =	stream.linear.scatter [tilespmem:s11], [sflag:$0x4], $0x2000, $0x38;
	[tilespmem:$0x1E000] =	vst v63  }
0x38c: {  	s1 =	rddreg [dreg:$0x12]  }
0x38d: {  	[tilespmem:s18], [sflag:$0x3] =	stream.linear.gather [hbm4b:s1+s2], $0x2000, $0x38;
	[tilespmem:$0x1E000] =	vst v63  }
0x38e: {  	s5 =	rddreg [dreg:$0x13]  }
0x38f: {  	[tilespmem:s19], [sflag:$0x3] =	stream.linear.gather [hbm4b:s5+s2], $0x2000, $0x38;
	[tilespmem:$0x1E000] =	vst v63  }
0x390: {  	s1 =	rddreg [dreg:$0x14]  }
0x391: {  	[tilespmem:s20], [sflag:$0x3] =	stream.linear.gather [hbm4b:s1+s2], $0x2000, $0x38;
	[tilespmem:$0x1E000] =	vst v63  }
0x392: {  	s5 =	rddreg [dreg:$0x15]  }
0x393: {  	[tilespmem:s21], [sflag:$0x3] =	stream.linear.gather [hbm4b:s5+s2], $0x2000, $0x38;
	[tilespmem:$0x1E000] =	vst v63  }
0x394: {  	s1 =	rddreg [dreg:$0x16]  }
0x395: {  	[tilespmem:s31], [sflag:$0x3] =	stream.linear.gather [hbm4b:s1+s2], $0x2000, $0x38;
	[tilespmem:$0x1E000] =	vst v63  }
0x396: {  	_ =	swait.ge [sflag:s29], $0x2000  }
0x397: {  	[sflag:s29] =	ssyncset.done $0x0  }
0x398: {  	[sflag:s29] =	ssyncadd.s32 $0xFFFFE000  }
0x399: {  	_ =	swait.ge [sflag:s29], $0x2000  }
0x39a: {  	[sflag:s29] =	ssyncset.done $0x0  }
0x39b: {  	[sflag:s29] =	ssyncadd.s32 $0xFFFFE000  }
0x39c: {  	_ =	swait.ge [sflag:s29], $0x2000  }
0x39d: {  	[sflag:s29] =	ssyncset.done $0x0  }
0x39e: {  	[sflag:s29] =	ssyncadd.s32 $0xFFFFE000  }
0x39f: {  	_ =	swait.ge [sflag:s29], $0x2000  }
0x3a0: {  	[sflag:s29] =	ssyncset.done $0x0  }
0x3a1: {  	[sflag:s29] =	ssyncadd.s32 $0xFFFFE000  }
0x3a2: {  	_ =	swait.ge [sflag:s29], $0x2000  }
0x3a3: {  	[sflag:s29] =	ssyncset.done $0x0  }
0x3a4: {  	s1 =	rddreg [dreg:$0x17];
	[sflag:s29] =	ssyncadd.s32 $0xFFFFE000  }
0x3a5: {  	[hbm4b:s1+s2] =	stream.linear.scatter [tilespmem:s28], [sflag:$0x5], $0x2000, $0x38;
	[tilespmem:$0x1E000] =	vst v63  }
0x3a6: {  	s5 =	rddreg [dreg:$0x18]  }
0x3a7: {  	[hbm4b:s5+s2] =	stream.linear.scatter [tilespmem:s26], [sflag:$0x5], $0x2000, $0x38;
	[tilespmem:$0x1E000] =	vst v63  }
0x3a8: {  	s1 =	rddreg [dreg:$0x19]  }
0x3a9: {  	[hbm4b:s1+s2] =	stream.linear.scatter [tilespmem:s24], [sflag:$0x5], $0x2000, $0x38;
	[tilespmem:$0x1E000] =	vst v63  }
0x3aa: {  	s5 =	rddreg [dreg:$0x1a]  }
0x3ab: {  	[hbm4b:s5+s2] =	stream.linear.scatter [tilespmem:s25], [sflag:$0x5], $0x2000, $0x38;
	[tilespmem:$0x1E000] =	vst v63  }
0x3ac: {  	_ =	swait.ge [sflag:s12], $0x2000  }
0x3ad: {  	[sflag:s12] =	ssyncset.done $0x0  }
0x3ae: {  	[sflag:s12] =	ssyncadd.s32 $0xFFFFE000  }
0x3af: {  	_ =	swait.ge [sflag:s12], $0x2000  }
0x3b0: {  	[sflag:s12] =	ssyncset.done $0x0  }
0x3b1: {  	[sflag:s12] =	ssyncadd.s32 $0xFFFFE000  }
0x3b2: {  	_ =	swait.ge [sflag:s12], $0x2000  }
0x3b3: {  	[sflag:s12] =	ssyncset.done $0x0  }
0x3b4: {  	[sflag:s12] =	ssyncadd.s32 $0xFFFFE000  }
0x3b5: {  	_ =	swait.ge [sflag:s12], $0x2000  }
0x3b6: {  	[sflag:s12] =	ssyncset.done $0x0  }
0x3b7: {  	s1 =	rddreg [dreg:$0x1b];
	[sflag:s12] =	ssyncadd.s32 $0xFFFFE000  }
0x3b8: {  	[tilespmem:s2], [sflag:$0x1] =	stream.linear.gather [hbm4b:s1+s2], $0x2000, $0x38;
	[tilespmem:$0x1E000] =	vst v63  }
0x3b9: {  	s5 =	rddreg [dreg:$0x1c]  }
0x3ba: {  	[tilespmem:s9], [sflag:$0x1] =	stream.linear.gather [hbm4b:s5+s2], $0x2000, $0x38;
	[tilespmem:$0x1E000] =	vst v63  }
0x3bb: {  	s1 =	rddreg [dreg:$0x1d]  }
0x3bc: {  	[tilespmem:s10], [sflag:$0x1] =	stream.linear.gather [hbm4b:s1+s2], $0x2000, $0x38;
	[tilespmem:$0x1E000] =	vst v63  }
0x3bd: {  	s5 =	rddreg [dreg:$0x1e]  }
0x3be: {  	[tilespmem:s11], [sflag:$0x1] =	stream.linear.gather [hbm4b:s5+s2], $0x2000, $0x38;
	[tilespmem:$0x1E000] =	vst v63  }
0x3bf: {  	s1 =	rddreg [dreg:$0x1f]  }
0x3c0: {  	[tilespmem:s30], [sflag:$0x1] =	stream.linear.gather [hbm4b:s1+s2], $0x2000, $0x38;
	[tilespmem:$0x1E000] =	vst v63  }
0x3c1: {  	_ =	swait.ge [sflag:s23], $0x2000  }
0x3c2: {  	[sflag:s23] =	ssyncset.done $0x0  }
0x3c3: {  	[sflag:s23] =	ssyncadd.s32 $0xFFFFE000  }
0x3c4: {  	_ =	swait.ge [sflag:s23], $0x2000  }
0x3c5: {  	[sflag:s23] =	ssyncset.done $0x0  }
0x3c6: {  	[sflag:s23] =	ssyncadd.s32 $0xFFFFE000  }
0x3c7: {  	_ =	swait.ge [sflag:s23], $0x2000  }
0x3c8: {  	[sflag:s23] =	ssyncset.done $0x0  }
0x3c9: {  	[sflag:s23] =	ssyncadd.s32 $0xFFFFE000  }
0x3ca: {  	_ =	swait.ge [sflag:s23], $0x2000  }
0x3cb: {  	[sflag:s23] =	ssyncset.done $0x0  }
0x3cc: {  	[sflag:s23] =	ssyncadd.s32 $0xFFFFE000  }
0x3cd: {  	_ =	swait.ge [sflag:s23], $0x2000  }
0x3ce: {  	s1 =	sld [smem:$0x792]  }
0x3cf: {  	[sflag:s23] =	ssyncset.done $0x0  }
0x3d0: {  	s5 =	sld [smem:$0x793];
	[sflag:s23] =	ssyncadd.s32 $0xFFFFE000  }
0x3d1: {  	[hbm4b:s1+s2] =	stream.linear.scatter [tilespmem:s18], [sflag:$0x6], $0x2000, $0x38;
	[tilespmem:$0x1E000] =	vst v63  }
0x3d2: {  	s1 =	sld [smem:$0x794]  }
0x3d3: {  	[hbm4b:s5+s2] =	stream.linear.scatter [tilespmem:s19], [sflag:$0x6], $0x2000, $0x38;
	[tilespmem:$0x1E000] =	vst v63  }
0x3d4: {  	s5 =	sld [smem:$0x795]  }
0x3d5: {  	[hbm4b:s1+s2] =	stream.linear.scatter [tilespmem:s20], [sflag:$0x6], $0x2000, $0x38;
	[tilespmem:$0x1E000] =	vst v63  }
0x3d6: {  	_ = 	snop  }
0x3d7: {  	[hbm4b:s5+s2] =	stream.linear.scatter [tilespmem:s21], [sflag:$0x6], $0x2000, $0x38;
	[tilespmem:$0x1E000] =	vst v63  }
0x3d8: {  	_ =	swait.ge [sflag:s4], $0x2000  }
0x3d9: {  	[sflag:s4] =	ssyncset.done $0x0  }
0x3da: {  	[sflag:s4] =	ssyncadd.s32 $0xFFFFE000  }
0x3db: {  	_ =	swait.ge [sflag:s4], $0x2000  }
0x3dc: {  	[sflag:s4] =	ssyncset.done $0x0  }
0x3dd: {  	[sflag:s4] =	ssyncadd.s32 $0xFFFFE000  }
0x3de: {  	_ =	swait.ge [sflag:s4], $0x2000  }
0x3df: {  	[sflag:s4] =	ssyncset.done $0x0  }
0x3e0: {  	[sflag:s4] =	ssyncadd.s32 $0xFFFFE000  }
0x3e1: {  	_ =	swait.ge [sflag:s4], $0x2000  }
0x3e2: {  	s1 =	sld [smem:$0x796]  }
0x3e3: {  	[sflag:s4] =	ssyncset.done $0x0  }
0x3e4: {  	s5 =	sld [smem:$0x797];
	[sflag:s4] =	ssyncadd.s32 $0xFFFFE000  }
0x3e5: {  	[tilespmem:s28], [sflag:$0x2] =	stream.linear.gather [hbm4b:s1+s2], $0x2000, $0x38;
	[tilespmem:$0x1E000] =	vst v63  }
0x3e6: {  	s1 =	sld [smem:$0x798]  }
0x3e7: {  	[tilespmem:s26], [sflag:$0x2] =	stream.linear.gather [hbm4b:s5+s2], $0x2000, $0x38;
	[tilespmem:$0x1E000] =	vst v63  }
0x3e8: {  	s5 =	sld [smem:$0x799]  }
0x3e9: {  	[tilespmem:s24], [sflag:$0x2] =	stream.linear.gather [hbm4b:s1+s2], $0x2000, $0x38;
	[tilespmem:$0x1E000] =	vst v63  }
0x3ea: {  	s1 =	sld [smem:$0x79A]  }
0x3eb: {  	[tilespmem:s25], [sflag:$0x2] =	stream.linear.gather [hbm4b:s5+s2], $0x2000, $0x38;
	[tilespmem:$0x1E000] =	vst v63  }
0x3ec: {  	_ = 	snop  }
0x3ed: {  	[tilespmem:s22], [sflag:$0x2] =	stream.linear.gather [hbm4b:s1+s2], $0x2000, $0x38;
	[tilespmem:$0x1E000] =	vst v63  }
0x3ee: {  	_ =	swait.ge [sflag:s17], $0x2000  }
0x3ef: {  	[sflag:s17] =	ssyncset.done $0x0  }
0x3f0: {  	[sflag:s17] =	ssyncadd.s32 $0xFFFFE000  }
0x3f1: {  	_ =	swait.ge [sflag:s17], $0x2000  }
0x3f2: {  	[sflag:s17] =	ssyncset.done $0x0  }
0x3f3: {  	[sflag:s17] =	ssyncadd.s32 $0xFFFFE000  }
0x3f4: {  	_ =	swait.ge [sflag:s17], $0x2000  }
0x3f5: {  	[sflag:s17] =	ssyncset.done $0x0  }
0x3f6: {  	[sflag:s17] =	ssyncadd.s32 $0xFFFFE000  }
0x3f7: {  	_ =	swait.ge [sflag:s17], $0x2000  }
0x3f8: {  	[sflag:s17] =	ssyncset.done $0x0  }
0x3f9: {  	[sflag:s17] =	ssyncadd.s32 $0xFFFFE000  }
0x3fa: {  	_ =	swait.ge [sflag:s17], $0x2000  }
0x3fb: {  	s1 =	sld [smem:$0x79B]  }
0x3fc: {  	[sflag:s17] =	ssyncset.done $0x0  }
0x3fd: {  	s5 =	sld [smem:$0x79C];
	[sflag:s17] =	ssyncadd.s32 $0xFFFFE000  }
0x3fe: {  	[hbm4b:s1+s2] =	stream.linear.scatter [tilespmem:s2], [sflag:$0x4], $0x2000, $0x38;
	[tilespmem:$0x1E000] =	vst v63  }
0x3ff: {  	s1 =	sld [smem:$0x79D]  }
0x400: {  	[hbm4b:s5+s2] =	stream.linear.scatter [tilespmem:s9], [sflag:$0x4], $0x2000, $0x38;
	[tilespmem:$0x1E000] =	vst v63  }
0x401: {  	s5 =	sld [smem:$0x79E]  }
0x402: {  	[hbm4b:s1+s2] =	stream.linear.scatter [tilespmem:s10], [sflag:$0x4], $0x2000, $0x38;
	[tilespmem:$0x1E000] =	vst v63  }
0x403: {  	_ = 	snop  }
0x404: {  	[hbm4b:s5+s2] =	stream.linear.scatter [tilespmem:s11], [sflag:$0x4], $0x2000, $0x38;
	[tilespmem:$0x1E000] =	vst v63  }
0x405: {  	_ =	swait.ge [sflag:s3], $0x2000  }
0x406: {  	[sflag:s3] =	ssyncset.done $0x0  }
0x407: {  	[sflag:s3] =	ssyncadd.s32 $0xFFFFE000  }
0x408: {  	_ =	swait.ge [sflag:s3], $0x2000  }
0x409: {  	[sflag:s3] =	ssyncset.done $0x0  }
0x40a: {  	[sflag:s3] =	ssyncadd.s32 $0xFFFFE000  }
0x40b: {  	_ =	swait.ge [sflag:s3], $0x2000  }
0x40c: {  	[sflag:s3] =	ssyncset.done $0x0  }
0x40d: {  	[sflag:s3] =	ssyncadd.s32 $0xFFFFE000  }
0x40e: {  	_ =	swait.ge [sflag:s3], $0x2000  }
0x40f: {  	s1 =	sld [smem:$0x79F]  }
0x410: {  	[sflag:s3] =	ssyncset.done $0x0  }
0x411: {  	s5 =	sld [smem:$0x7A0];
	[sflag:s3] =	ssyncadd.s32 $0xFFFFE000  }
0x412: {  	[tilespmem:s18], [sflag:$0x3] =	stream.linear.gather [hbm4b:s1+s2], $0x2000, $0x38;
	[tilespmem:$0x1E000] =	vst v63  }
0x413: {  	s1 =	sld [smem:$0x7A1]  }
0x414: {  	[tilespmem:s19], [sflag:$0x3] =	stream.linear.gather [hbm4b:s5+s2], $0x2000, $0x38;
	[tilespmem:$0x1E000] =	vst v63  }
0x415: {  	s5 =	sld [smem:$0x7A2]  }
0x416: {  	[tilespmem:s20], [sflag:$0x3] =	stream.linear.gather [hbm4b:s1+s2], $0x2000, $0x38;
	[tilespmem:$0x1E000] =	vst v63  }
0x417: {  	s1 =	sld [smem:$0x7A3]  }
0x418: {  	[tilespmem:s21], [sflag:$0x3] =	stream.linear.gather [hbm4b:s5+s2], $0x2000, $0x38;
	[tilespmem:$0x1E000] =	vst v63  }
0x419: {  	_ = 	snop  }
0x41a: {  	[tilespmem:s31], [sflag:$0x3] =	stream.linear.gather [hbm4b:s1+s2], $0x2000, $0x38;
	[tilespmem:$0x1E000] =	vst v63  }
0x41b: {  	_ =	swait.ge [sflag:s29], $0x2000  }
0x41c: {  	[sflag:s29] =	ssyncset.done $0x0  }
0x41d: {  	[sflag:s29] =	ssyncadd.s32 $0xFFFFE000  }
0x41e: {  	_ =	swait.ge [sflag:s29], $0x2000  }
0x41f: {  	[sflag:s29] =	ssyncset.done $0x0  }
0x420: {  	[sflag:s29] =	ssyncadd.s32 $0xFFFFE000  }
0x421: {  	_ =	swait.ge [sflag:s29], $0x2000  }
0x422: {  	[sflag:s29] =	ssyncset.done $0x0  }
0x423: {  	[sflag:s29] =	ssyncadd.s32 $0xFFFFE000  }
0x424: {  	_ =	swait.ge [sflag:s29], $0x2000  }
0x425: {  	[sflag:s29] =	ssyncset.done $0x0  }
0x426: {  	[sflag:s29] =	ssyncadd.s32 $0xFFFFE000  }
0x427: {  	_ =	swait.ge [sflag:s29], $0x2000  }
0x428: {  	s1 =	sld [smem:$0x7A4]  }
0x429: {  	[sflag:s29] =	ssyncset.done $0x0  }
0x42a: {  	s5 =	sld [smem:$0x7A5];
	[sflag:s29] =	ssyncadd.s32 $0xFFFFE000  }
0x42b: {  	[hbm4b:s1+s2] =	stream.linear.scatter [tilespmem:s28], [sflag:$0x5], $0x2000, $0x38;
	[tilespmem:$0x1E000] =	vst v63  }
0x42c: {  	s1 =	sld [smem:$0x7A6]  }
0x42d: {  	[hbm4b:s5+s2] =	stream.linear.scatter [tilespmem:s26], [sflag:$0x5], $0x2000, $0x38;
	[tilespmem:$0x1E000] =	vst v63  }
0x42e: {  	s5 =	sld [smem:$0x7A7]  }
0x42f: {  	[hbm4b:s1+s2] =	stream.linear.scatter [tilespmem:s24], [sflag:$0x5], $0x2000, $0x38;
	[tilespmem:$0x1E000] =	vst v63  }
0x430: {  	_ = 	snop  }
0x431: {  	[hbm4b:s5+s2] =	stream.linear.scatter [tilespmem:s25], [sflag:$0x5], $0x2000, $0x38;
	[tilespmem:$0x1E000] =	vst v63  }
0x432: {  	_ =	swait.ge [sflag:s12], $0x2000  }
0x433: {  	[sflag:s12] =	ssyncset.done $0x0  }
0x434: {  	[sflag:s12] =	ssyncadd.s32 $0xFFFFE000  }
0x435: {  	_ =	swait.ge [sflag:s12], $0x2000  }
0x436: {  	[sflag:s12] =	ssyncset.done $0x0  }
0x437: {  	[sflag:s12] =	ssyncadd.s32 $0xFFFFE000  }
0x438: {  	_ =	swait.ge [sflag:s12], $0x2000  }
0x439: {  	[sflag:s12] =	ssyncset.done $0x0  }
0x43a: {  	[sflag:s12] =	ssyncadd.s32 $0xFFFFE000  }
0x43b: {  	_ =	swait.ge [sflag:s12], $0x2000  }
0x43c: {  	s1 =	sld [smem:$0x7A8]  }
0x43d: {  	[sflag:s12] =	ssyncset.done $0x0  }
0x43e: {  	s5 =	sld [smem:$0x7A9];
	[sflag:s12] =	ssyncadd.s32 $0xFFFFE000  }
0x43f: {  	[tilespmem:s2], [sflag:$0x1] =	stream.linear.gather [hbm4b:s1+s2], $0x2000, $0x38;
	[tilespmem:$0x1E000] =	vst v63  }
0x440: {  	s1 =	sld [smem:$0x7AA]  }
0x441: {  	[tilespmem:s9], [sflag:$0x1] =	stream.linear.gather [hbm4b:s5+s2], $0x2000, $0x38;
	[tilespmem:$0x1E000] =	vst v63  }
0x442: {  	s5 =	sld [smem:$0x7AB]  }
0x443: {  	[tilespmem:s10], [sflag:$0x1] =	stream.linear.gather [hbm4b:s1+s2], $0x2000, $0x38;
	[tilespmem:$0x1E000] =	vst v63  }
0x444: {  	s1 =	sld [smem:$0x7AC]  }
0x445: {  	[tilespmem:s11], [sflag:$0x1] =	stream.linear.gather [hbm4b:s5+s2], $0x2000, $0x38;
	[tilespmem:$0x1E000] =	vst v63  }
0x446: {  	_ = 	snop  }
0x447: {  	[tilespmem:s30], [sflag:$0x1] =	stream.linear.gather [hbm4b:s1+s2], $0x2000, $0x38;
	[tilespmem:$0x1E000] =	vst v63  }
0x448: {  	_ =	swait.ge [sflag:s23], $0x2000  }
0x449: {  	[sflag:s23] =	ssyncset.done $0x0  }
0x44a: {  	[sflag:s23] =	ssyncadd.s32 $0xFFFFE000  }
0x44b: {  	_ =	swait.ge [sflag:s23], $0x2000  }
0x44c: {  	[sflag:s23] =	ssyncset.done $0x0  }
0x44d: {  	[sflag:s23] =	ssyncadd.s32 $0xFFFFE000  }
0x44e: {  	_ =	swait.ge [sflag:s23], $0x2000  }
0x44f: {  	[sflag:s23] =	ssyncset.done $0x0  }
0x450: {  	[sflag:s23] =	ssyncadd.s32 $0xFFFFE000  }
0x451: {  	_ =	swait.ge [sflag:s23], $0x2000  }
0x452: {  	[sflag:s23] =	ssyncset.done $0x0  }
0x453: {  	[sflag:s23] =	ssyncadd.s32 $0xFFFFE000  }
0x454: {  	_ =	swait.ge [sflag:s23], $0x2000  }
0x455: {  	s1 =	sld [smem:$0x7AD]  }
0x456: {  	[sflag:s23] =	ssyncset.done $0x0  }
0x457: {  	s5 =	sld [smem:$0x7AE];
	[sflag:s23] =	ssyncadd.s32 $0xFFFFE000  }
0x458: {  	[hbm4b:s1+s2] =	stream.linear.scatter [tilespmem:s18], [sflag:$0x6], $0x2000, $0x38;
	[tilespmem:$0x1E000] =	vst v63  }
0x459: {  	s1 =	sld [smem:$0x7AF]  }
0x45a: {  	[hbm4b:s5+s2] =	stream.linear.scatter [tilespmem:s19], [sflag:$0x6], $0x2000, $0x38;
	[tilespmem:$0x1E000] =	vst v63  }
0x45b: {  	s5 =	sld [smem:$0x7B0]  }
0x45c: {  	[hbm4b:s1+s2] =	stream.linear.scatter [tilespmem:s20], [sflag:$0x6], $0x2000, $0x38;
	[tilespmem:$0x1E000] =	vst v63  }
0x45d: {  	_ = 	snop  }
0x45e: {  	[hbm4b:s5+s2] =	stream.linear.scatter [tilespmem:s21], [sflag:$0x6], $0x2000, $0x38;
	[tilespmem:$0x1E000] =	vst v63  }
0x45f: {  	_ =	swait.ge [sflag:s4], $0x2000  }
0x460: {  	[sflag:s4] =	ssyncset.done $0x0  }
0x461: {  	[sflag:s4] =	ssyncadd.s32 $0xFFFFE000  }
0x462: {  	_ =	swait.ge [sflag:s4], $0x2000  }
0x463: {  	[sflag:s4] =	ssyncset.done $0x0  }
0x464: {  	[sflag:s4] =	ssyncadd.s32 $0xFFFFE000  }
0x465: {  	_ =	swait.ge [sflag:s4], $0x2000  }
0x466: {  	[sflag:s4] =	ssyncset.done $0x0  }
0x467: {  	[sflag:s4] =	ssyncadd.s32 $0xFFFFE000  }
0x468: {  	_ =	swait.ge [sflag:s4], $0x2000  }
0x469: {  	s1 =	sld [smem:$0x7B1]  }
0x46a: {  	[sflag:s4] =	ssyncset.done $0x0  }
0x46b: {  	s5 =	sld [smem:$0x7B2];
	[sflag:s4] =	ssyncadd.s32 $0xFFFFE000  }
0x46c: {  	[tilespmem:s28], [sflag:$0x2] =	stream.linear.gather [hbm4b:s1+s2], $0x2000, $0x38;
	[tilespmem:$0x1E000] =	vst v63  }
0x46d: {  	s1 =	sld [smem:$0x7B3]  }
0x46e: {  	[tilespmem:s26], [sflag:$0x2] =	stream.linear.gather [hbm4b:s5+s2], $0x2000, $0x38;
	[tilespmem:$0x1E000] =	vst v63  }
0x46f: {  	s5 =	sld [smem:$0x7B4]  }
0x470: {  	[tilespmem:s24], [sflag:$0x2] =	stream.linear.gather [hbm4b:s1+s2], $0x2000, $0x38;
	[tilespmem:$0x1E000] =	vst v63  }
0x471: {  	s1 =	sld [smem:$0x7B5]  }
0x472: {  	[tilespmem:s25], [sflag:$0x2] =	stream.linear.gather [hbm4b:s5+s2], $0x2000, $0x38;
	[tilespmem:$0x1E000] =	vst v63  }
0x473: {  	_ = 	snop  }
0x474: {  	[tilespmem:s22], [sflag:$0x2] =	stream.linear.gather [hbm4b:s1+s2], $0x2000, $0x38;
	[tilespmem:$0x1E000] =	vst v63  }
0x475: {  	_ =	swait.ge [sflag:s17], $0x2000  }
0x476: {  	[sflag:s17] =	ssyncset.done $0x0  }
0x477: {  	[sflag:s17] =	ssyncadd.s32 $0xFFFFE000  }
0x478: {  	_ =	swait.ge [sflag:s17], $0x2000  }
0x479: {  	[sflag:s17] =	ssyncset.done $0x0  }
0x47a: {  	[sflag:s17] =	ssyncadd.s32 $0xFFFFE000  }
0x47b: {  	_ =	swait.ge [sflag:s17], $0x2000  }
0x47c: {  	[sflag:s17] =	ssyncset.done $0x0  }
0x47d: {  	[sflag:s17] =	ssyncadd.s32 $0xFFFFE000  }
0x47e: {  	_ =	swait.ge [sflag:s17], $0x2000  }
0x47f: {  	[sflag:s17] =	ssyncset.done $0x0  }
0x480: {  	[sflag:s17] =	ssyncadd.s32 $0xFFFFE000  }
0x481: {  	_ =	swait.ge [sflag:s17], $0x2000  }
0x482: {  	s1 =	sld [smem:$0x7B6]  }
0x483: {  	[sflag:s17] =	ssyncset.done $0x0  }
0x484: {  	s5 =	sld [smem:$0x7B7];
	[sflag:s17] =	ssyncadd.s32 $0xFFFFE000  }
0x485: {  	[hbm4b:s1+s2] =	stream.linear.scatter [tilespmem:s2], [sflag:$0x4], $0x2000, $0x38;
	[tilespmem:$0x1E000] =	vst v63  }
0x486: {  	s1 =	sld [smem:$0x7B8]  }
0x487: {  	[hbm4b:s5+s2] =	stream.linear.scatter [tilespmem:s9], [sflag:$0x4], $0x2000, $0x38;
	[tilespmem:$0x1E000] =	vst v63  }
0x488: {  	s5 =	sld [smem:$0x7B9]  }
0x489: {  	[hbm4b:s1+s2] =	stream.linear.scatter [tilespmem:s10], [sflag:$0x4], $0x2000, $0x38;
	[tilespmem:$0x1E000] =	vst v63  }
0x48a: {  	_ = 	snop  }
0x48b: {  	[hbm4b:s5+s2] =	stream.linear.scatter [tilespmem:s11], [sflag:$0x4], $0x2000, $0x38;
	[tilespmem:$0x1E000] =	vst v63  }
0x48c: {  	_ =	swait.ge [sflag:s3], $0x2000  }
0x48d: {  	[sflag:s3] =	ssyncset.done $0x0  }
0x48e: {  	[sflag:s3] =	ssyncadd.s32 $0xFFFFE000  }
0x48f: {  	_ =	swait.ge [sflag:s3], $0x2000  }
0x490: {  	[sflag:s3] =	ssyncset.done $0x0  }
0x491: {  	[sflag:s3] =	ssyncadd.s32 $0xFFFFE000  }
0x492: {  	_ =	swait.ge [sflag:s3], $0x2000  }
0x493: {  	[sflag:s3] =	ssyncset.done $0x0  }
0x494: {  	[sflag:s3] =	ssyncadd.s32 $0xFFFFE000  }
0x495: {  	_ =	swait.ge [sflag:s3], $0x2000  }
0x496: {  	s1 =	sld [smem:$0x7BA]  }
0x497: {  	[sflag:s3] =	ssyncset.done $0x0  }
0x498: {  	s5 =	sld [smem:$0x7BB];
	[sflag:s3] =	ssyncadd.s32 $0xFFFFE000  }
0x499: {  	[tilespmem:s18], [sflag:$0x3] =	stream.linear.gather [hbm4b:s1+s2], $0x2000, $0x38;
	[tilespmem:$0x1E000] =	vst v63  }
0x49a: {  	s1 =	sld [smem:$0x7BC]  }
0x49b: {  	[tilespmem:s19], [sflag:$0x3] =	stream.linear.gather [hbm4b:s5+s2], $0x2000, $0x38;
	[tilespmem:$0x1E000] =	vst v63  }
0x49c: {  	s5 =	sld [smem:$0x7BD]  }
0x49d: {  	[tilespmem:s20], [sflag:$0x3] =	stream.linear.gather [hbm4b:s1+s2], $0x2000, $0x38;
	[tilespmem:$0x1E000] =	vst v63  }
0x49e: {  	s1 =	sld [smem:$0x7BE]  }
0x49f: {  	[tilespmem:s21], [sflag:$0x3] =	stream.linear.gather [hbm4b:s5+s2], $0x2000, $0x38;
	[tilespmem:$0x1E000] =	vst v63  }
0x4a0: {  	_ = 	snop  }
0x4a1: {  	[tilespmem:s31], [sflag:$0x3] =	stream.linear.gather [hbm4b:s1+s2], $0x2000, $0x38;
	[tilespmem:$0x1E000] =	vst v63  }
0x4a2: {  	_ =	swait.ge [sflag:s29], $0x2000  }
0x4a3: {  	[sflag:s29] =	ssyncset.done $0x0  }
0x4a4: {  	[sflag:s29] =	ssyncadd.s32 $0xFFFFE000  }
0x4a5: {  	_ =	swait.ge [sflag:s29], $0x2000  }
0x4a6: {  	[sflag:s29] =	ssyncset.done $0x0  }
0x4a7: {  	[sflag:s29] =	ssyncadd.s32 $0xFFFFE000  }
0x4a8: {  	_ =	swait.ge [sflag:s29], $0x2000  }
0x4a9: {  	[sflag:s29] =	ssyncset.done $0x0  }
0x4aa: {  	[sflag:s29] =	ssyncadd.s32 $0xFFFFE000  }
0x4ab: {  	_ =	swait.ge [sflag:s29], $0x2000  }
0x4ac: {  	[sflag:s29] =	ssyncset.done $0x0  }
0x4ad: {  	[sflag:s29] =	ssyncadd.s32 $0xFFFFE000  }
0x4ae: {  	_ =	swait.ge [sflag:s29], $0x2000  }
0x4af: {  	s1 =	sld [smem:$0x7BF]  }
0x4b0: {  	[sflag:s29] =	ssyncset.done $0x0  }
0x4b1: {  	s5 =	sld [smem:$0x7C0];
	[sflag:s29] =	ssyncadd.s32 $0xFFFFE000  }
0x4b2: {  	[hbm4b:s1+s2] =	stream.linear.scatter [tilespmem:s28], [sflag:$0x5], $0x2000, $0x38;
	[tilespmem:$0x1E000] =	vst v63  }
0x4b3: {  	s1 =	sld [smem:$0x7C1]  }
0x4b4: {  	[hbm4b:s5+s2] =	stream.linear.scatter [tilespmem:s26], [sflag:$0x5], $0x2000, $0x38;
	[tilespmem:$0x1E000] =	vst v63  }
0x4b5: {  	s5 =	sld [smem:$0x7C2]  }
0x4b6: {  	[hbm4b:s1+s2] =	stream.linear.scatter [tilespmem:s24], [sflag:$0x5], $0x2000, $0x38;
	[tilespmem:$0x1E000] =	vst v63  }
0x4b7: {  	_ = 	snop  }
0x4b8: {  	[hbm4b:s5+s2] =	stream.linear.scatter [tilespmem:s25], [sflag:$0x5], $0x2000, $0x38;
	[tilespmem:$0x1E000] =	vst v63  }
0x4b9: {  	_ =	swait.ge [sflag:s12], $0x2000  }
0x4ba: {  	[sflag:s12] =	ssyncset.done $0x0  }
0x4bb: {  	[sflag:s12] =	ssyncadd.s32 $0xFFFFE000  }
0x4bc: {  	_ =	swait.ge [sflag:s12], $0x2000  }
0x4bd: {  	[sflag:s12] =	ssyncset.done $0x0  }
0x4be: {  	[sflag:s12] =	ssyncadd.s32 $0xFFFFE000  }
0x4bf: {  	_ =	swait.ge [sflag:s12], $0x2000  }
0x4c0: {  	[sflag:s12] =	ssyncset.done $0x0  }
0x4c1: {  	[sflag:s12] =	ssyncadd.s32 $0xFFFFE000  }
0x4c2: {  	_ =	swait.ge [sflag:s12], $0x2000  }
0x4c3: {  	s1 =	sld [smem:$0x7C3]  }
0x4c4: {  	[sflag:s12] =	ssyncset.done $0x0  }
0x4c5: {  	s5 =	sld [smem:$0x7C4];
	[sflag:s12] =	ssyncadd.s32 $0xFFFFE000  }
0x4c6: {  	[tilespmem:s2], [sflag:$0x1] =	stream.linear.gather [hbm4b:s1+s2], $0x2000, $0x38;
	[tilespmem:$0x1E000] =	vst v63  }
0x4c7: {  	s1 =	sld [smem:$0x7C5]  }
0x4c8: {  	[tilespmem:s9], [sflag:$0x1] =	stream.linear.gather [hbm4b:s5+s2], $0x2000, $0x38;
	[tilespmem:$0x1E000] =	vst v63  }
0x4c9: {  	s5 =	sld [smem:$0x7C6]  }
0x4ca: {  	[tilespmem:s10], [sflag:$0x1] =	stream.linear.gather [hbm4b:s1+s2], $0x2000, $0x38;
	[tilespmem:$0x1E000] =	vst v63  }
0x4cb: {  	s1 =	sld [smem:$0x7C7]  }
0x4cc: {  	[tilespmem:s11], [sflag:$0x1] =	stream.linear.gather [hbm4b:s5+s2], $0x2000, $0x38;
	[tilespmem:$0x1E000] =	vst v63  }
0x4cd: {  	_ = 	snop  }
0x4ce: {  	[tilespmem:s30], [sflag:$0x1] =	stream.linear.gather [hbm4b:s1+s2], $0x2000, $0x38;
	[tilespmem:$0x1E000] =	vst v63  }
0x4cf: {  	_ =	swait.ge [sflag:s23], $0x2000  }
0x4d0: {  	[sflag:s23] =	ssyncset.done $0x0  }
0x4d1: {  	[sflag:s23] =	ssyncadd.s32 $0xFFFFE000  }
0x4d2: {  	_ =	swait.ge [sflag:s23], $0x2000  }
0x4d3: {  	[sflag:s23] =	ssyncset.done $0x0  }
0x4d4: {  	[sflag:s23] =	ssyncadd.s32 $0xFFFFE000  }
0x4d5: {  	_ =	swait.ge [sflag:s23], $0x2000  }
0x4d6: {  	[sflag:s23] =	ssyncset.done $0x0  }
0x4d7: {  	[sflag:s23] =	ssyncadd.s32 $0xFFFFE000  }
0x4d8: {  	_ =	swait.ge [sflag:s23], $0x2000  }
0x4d9: {  	[sflag:s23] =	ssyncset.done $0x0  }
0x4da: {  	[sflag:s23] =	ssyncadd.s32 $0xFFFFE000  }
0x4db: {  	_ =	swait.ge [sflag:s23], $0x2000  }
0x4dc: {  	s1 =	sld [smem:$0x7C8]  }
0x4dd: {  	[sflag:s23] =	ssyncset.done $0x0  }
0x4de: {  	s5 =	sld [smem:$0x7C9];
	[sflag:s23] =	ssyncadd.s32 $0xFFFFE000  }
0x4df: {  	[hbm4b:s1+s2] =	stream.linear.scatter [tilespmem:s18], [sflag:$0x6], $0x2000, $0x38;
	[tilespmem:$0x1E000] =	vst v63  }
0x4e0: {  	s1 =	sld [smem:$0x7CA]  }
0x4e1: {  	[hbm4b:s5+s2] =	stream.linear.scatter [tilespmem:s19], [sflag:$0x6], $0x2000, $0x38;
	[tilespmem:$0x1E000] =	vst v63  }
0x4e2: {  	s5 =	sld [smem:$0x7CB]  }
0x4e3: {  	[hbm4b:s1+s2] =	stream.linear.scatter [tilespmem:s20], [sflag:$0x6], $0x2000, $0x38;
	[tilespmem:$0x1E000] =	vst v63  }
0x4e4: {  	_ = 	snop  }
0x4e5: {  	[hbm4b:s5+s2] =	stream.linear.scatter [tilespmem:s21], [sflag:$0x6], $0x2000, $0x38;
	[tilespmem:$0x1E000] =	vst v63  }
0x4e6: {  	_ =	swait.ge [sflag:s4], $0x2000  }
0x4e7: {  	[sflag:s4] =	ssyncset.done $0x0  }
0x4e8: {  	[sflag:s4] =	ssyncadd.s32 $0xFFFFE000  }
0x4e9: {  	_ =	swait.ge [sflag:s4], $0x2000  }
0x4ea: {  	[sflag:s4] =	ssyncset.done $0x0  }
0x4eb: {  	[sflag:s4] =	ssyncadd.s32 $0xFFFFE000  }
0x4ec: {  	_ =	swait.ge [sflag:s4], $0x2000  }
0x4ed: {  	[sflag:s4] =	ssyncset.done $0x0  }
0x4ee: {  	[sflag:s4] =	ssyncadd.s32 $0xFFFFE000  }
0x4ef: {  	_ =	swait.ge [sflag:s4], $0x2000  }
0x4f0: {  	s1 =	sld [smem:$0x7CC]  }
0x4f1: {  	[sflag:s4] =	ssyncset.done $0x0  }
0x4f2: {  	s5 =	sld [smem:$0x7CD];
	[sflag:s4] =	ssyncadd.s32 $0xFFFFE000  }
0x4f3: {  	[tilespmem:s28], [sflag:$0x2] =	stream.linear.gather [hbm4b:s1+s2], $0x2000, $0x38;
	[tilespmem:$0x1E000] =	vst v63  }
0x4f4: {  	s1 =	sld [smem:$0x7CE]  }
0x4f5: {  	[tilespmem:s26], [sflag:$0x2] =	stream.linear.gather [hbm4b:s5+s2], $0x2000, $0x38;
	[tilespmem:$0x1E000] =	vst v63  }
0x4f6: {  	s5 =	sld [smem:$0x7CF]  }
0x4f7: {  	[tilespmem:s24], [sflag:$0x2] =	stream.linear.gather [hbm4b:s1+s2], $0x2000, $0x38;
	[tilespmem:$0x1E000] =	vst v63  }
0x4f8: {  	s1 =	sld [smem:$0x7D0]  }
0x4f9: {  	[tilespmem:s25], [sflag:$0x2] =	stream.linear.gather [hbm4b:s5+s2], $0x2000, $0x38;
	[tilespmem:$0x1E000] =	vst v63  }
0x4fa: {  	_ = 	snop  }
0x4fb: {  	[tilespmem:s22], [sflag:$0x2] =	stream.linear.gather [hbm4b:s1+s2], $0x2000, $0x38;
	[tilespmem:$0x1E000] =	vst v63  }
0x4fc: {  	_ =	swait.ge [sflag:s17], $0x2000  }
0x4fd: {  	[sflag:s17] =	ssyncset.done $0x0  }
0x4fe: {  	[sflag:s17] =	ssyncadd.s32 $0xFFFFE000  }
0x4ff: {  	_ =	swait.ge [sflag:s17], $0x2000  }
0x500: {  	[sflag:s17] =	ssyncset.done $0x0  }
0x501: {  	[sflag:s17] =	ssyncadd.s32 $0xFFFFE000  }
0x502: {  	_ =	swait.ge [sflag:s17], $0x2000  }
0x503: {  	[sflag:s17] =	ssyncset.done $0x0  }
0x504: {  	[sflag:s17] =	ssyncadd.s32 $0xFFFFE000  }
0x505: {  	_ =	swait.ge [sflag:s17], $0x2000  }
0x506: {  	[sflag:s17] =	ssyncset.done $0x0  }
0x507: {  	[sflag:s17] =	ssyncadd.s32 $0xFFFFE000  }
0x508: {  	_ =	swait.ge [sflag:s17], $0x2000  }
0x509: {  	s1 =	sld [smem:$0x7D1]  }
0x50a: {  	[sflag:s17] =	ssyncset.done $0x0  }
0x50b: {  	s5 =	sld [smem:$0x7D2];
	[sflag:s17] =	ssyncadd.s32 $0xFFFFE000  }
0x50c: {  	[hbm4b:s1+s2] =	stream.linear.scatter [tilespmem:s2], [sflag:$0x4], $0x2000, $0x38;
	[tilespmem:$0x1E000] =	vst v63  }
0x50d: {  	s1 =	sld [smem:$0x7D3]  }
0x50e: {  	[hbm4b:s5+s2] =	stream.linear.scatter [tilespmem:s9], [sflag:$0x4], $0x2000, $0x38;
	[tilespmem:$0x1E000] =	vst v63  }
0x50f: {  	s5 =	sld [smem:$0x7D4]  }
0x510: {  	[hbm4b:s1+s2] =	stream.linear.scatter [tilespmem:s10], [sflag:$0x4], $0x2000, $0x38;
	[tilespmem:$0x1E000] =	vst v63  }
0x511: {  	_ = 	snop  }
0x512: {  	[hbm4b:s5+s2] =	stream.linear.scatter [tilespmem:s11], [sflag:$0x4], $0x2000, $0x38;
	[tilespmem:$0x1E000] =	vst v63  }
0x513: {  	_ =	swait.ge [sflag:s3], $0x2000  }
0x514: {  	[sflag:s3] =	ssyncset.done $0x0  }
0x515: {  	[sflag:s3] =	ssyncadd.s32 $0xFFFFE000  }
0x516: {  	_ =	swait.ge [sflag:s3], $0x2000  }
0x517: {  	[sflag:s3] =	ssyncset.done $0x0  }
0x518: {  	[sflag:s3] =	ssyncadd.s32 $0xFFFFE000  }
0x519: {  	_ =	swait.ge [sflag:s3], $0x2000  }
0x51a: {  	[sflag:s3] =	ssyncset.done $0x0  }
0x51b: {  	[sflag:s3] =	ssyncadd.s32 $0xFFFFE000  }
0x51c: {  	_ =	swait.ge [sflag:s3], $0x2000  }
0x51d: {  	s1 =	sld [smem:$0x7D5]  }
0x51e: {  	[sflag:s3] =	ssyncset.done $0x0  }
0x51f: {  	s5 =	sld [smem:$0x7D6];
	[sflag:s3] =	ssyncadd.s32 $0xFFFFE000  }
0x520: {  	[tilespmem:s18], [sflag:$0x3] =	stream.linear.gather [hbm4b:s1+s2], $0x2000, $0x38;
	[tilespmem:$0x1E000] =	vst v63  }
0x521: {  	s1 =	sld [smem:$0x7D7]  }
0x522: {  	[tilespmem:s19], [sflag:$0x3] =	stream.linear.gather [hbm4b:s5+s2], $0x2000, $0x38;
	[tilespmem:$0x1E000] =	vst v63  }
0x523: {  	s5 =	sld [smem:$0x7D8]  }
0x524: {  	[tilespmem:s20], [sflag:$0x3] =	stream.linear.gather [hbm4b:s1+s2], $0x2000, $0x38;
	[tilespmem:$0x1E000] =	vst v63  }
0x525: {  	s1 =	sld [smem:$0x7D9]  }
0x526: {  	[tilespmem:s21], [sflag:$0x3] =	stream.linear.gather [hbm4b:s5+s2], $0x2000, $0x38;
	[tilespmem:$0x1E000] =	vst v63  }
0x527: {  	_ = 	snop  }
0x528: {  	[tilespmem:s31], [sflag:$0x3] =	stream.linear.gather [hbm4b:s1+s2], $0x2000, $0x38;
	[tilespmem:$0x1E000] =	vst v63  }
0x529: {  	_ =	swait.ge [sflag:s29], $0x2000  }
0x52a: {  	[sflag:s29] =	ssyncset.done $0x0  }
0x52b: {  	[sflag:s29] =	ssyncadd.s32 $0xFFFFE000  }
0x52c: {  	_ =	swait.ge [sflag:s29], $0x2000  }
0x52d: {  	[sflag:s29] =	ssyncset.done $0x0  }
0x52e: {  	[sflag:s29] =	ssyncadd.s32 $0xFFFFE000  }
0x52f: {  	_ =	swait.ge [sflag:s29], $0x2000  }
0x530: {  	[sflag:s29] =	ssyncset.done $0x0  }
0x531: {  	[sflag:s29] =	ssyncadd.s32 $0xFFFFE000  }
0x532: {  	_ =	swait.ge [sflag:s29], $0x2000  }
0x533: {  	[sflag:s29] =	ssyncset.done $0x0  }
0x534: {  	[sflag:s29] =	ssyncadd.s32 $0xFFFFE000  }
0x535: {  	_ =	swait.ge [sflag:s29], $0x2000  }
0x536: {  	s1 =	sld [smem:$0x7DA]  }
0x537: {  	[sflag:s29] =	ssyncset.done $0x0  }
0x538: {  	s5 =	sld [smem:$0x7DB];
	[sflag:s29] =	ssyncadd.s32 $0xFFFFE000  }
0x539: {  	[hbm4b:s1+s2] =	stream.linear.scatter [tilespmem:s28], [sflag:$0x5], $0x2000, $0x38;
	[tilespmem:$0x1E000] =	vst v63  }
0x53a: {  	s1 =	sld [smem:$0x7DC]  }
0x53b: {  	[hbm4b:s5+s2] =	stream.linear.scatter [tilespmem:s26], [sflag:$0x5], $0x2000, $0x38;
	[tilespmem:$0x1E000] =	vst v63  }
0x53c: {  	s5 =	sld [smem:$0x7DD]  }
0x53d: {  	[hbm4b:s1+s2] =	stream.linear.scatter [tilespmem:s24], [sflag:$0x5], $0x2000, $0x38;
	[tilespmem:$0x1E000] =	vst v63  }
0x53e: {  	_ = 	snop  }
0x53f: {  	[hbm4b:s5+s2] =	stream.linear.scatter [tilespmem:s25], [sflag:$0x5], $0x2000, $0x38;
	[tilespmem:$0x1E000] =	vst v63  }
0x540: {  	_ =	swait.ge [sflag:s12], $0x2000  }
0x541: {  	[sflag:s12] =	ssyncset.done $0x0  }
0x542: {  	[sflag:s12] =	ssyncadd.s32 $0xFFFFE000  }
0x543: {  	_ =	swait.ge [sflag:s12], $0x2000  }
0x544: {  	[sflag:s12] =	ssyncset.done $0x0  }
0x545: {  	[sflag:s12] =	ssyncadd.s32 $0xFFFFE000  }
0x546: {  	_ =	swait.ge [sflag:s12], $0x2000  }
0x547: {  	[sflag:s12] =	ssyncset.done $0x0  }
0x548: {  	[sflag:s12] =	ssyncadd.s32 $0xFFFFE000  }
0x549: {  	_ =	swait.ge [sflag:s12], $0x2000  }
0x54a: {  	s1 =	sld [smem:$0x7DE]  }
0x54b: {  	[sflag:s12] =	ssyncset.done $0x0  }
0x54c: {  	s5 =	sld [smem:$0x7DF];
	[sflag:s12] =	ssyncadd.s32 $0xFFFFE000  }
0x54d: {  	[tilespmem:s2], [sflag:$0x1] =	stream.linear.gather [hbm4b:s1+s2], $0x2000, $0x38;
	[tilespmem:$0x1E000] =	vst v63  }
0x54e: {  	s1 =	sld [smem:$0x7E0]  }
0x54f: {  	[tilespmem:s9], [sflag:$0x1] =	stream.linear.gather [hbm4b:s5+s2], $0x2000, $0x38;
	[tilespmem:$0x1E000] =	vst v63  }
0x550: {  	s5 =	sld [smem:$0x7E1]  }
0x551: {  	[tilespmem:s10], [sflag:$0x1] =	stream.linear.gather [hbm4b:s1+s2], $0x2000, $0x38;
	[tilespmem:$0x1E000] =	vst v63  }
0x552: {  	s1 =	sld [smem:$0x7E2]  }
0x553: {  	[tilespmem:s11], [sflag:$0x1] =	stream.linear.gather [hbm4b:s5+s2], $0x2000, $0x38;
	[tilespmem:$0x1E000] =	vst v63  }
0x554: {  	_ = 	snop  }
0x555: {  	[tilespmem:s30], [sflag:$0x1] =	stream.linear.gather [hbm4b:s1+s2], $0x2000, $0x38;
	[tilespmem:$0x1E000] =	vst v63  }
0x556: {  	_ =	swait.ge [sflag:s23], $0x2000  }
0x557: {  	[sflag:s23] =	ssyncset.done $0x0  }
0x558: {  	[sflag:s23] =	ssyncadd.s32 $0xFFFFE000  }
0x559: {  	_ =	swait.ge [sflag:s23], $0x2000  }
0x55a: {  	[sflag:s23] =	ssyncset.done $0x0  }
0x55b: {  	[sflag:s23] =	ssyncadd.s32 $0xFFFFE000  }
0x55c: {  	_ =	swait.ge [sflag:s23], $0x2000  }
0x55d: {  	[sflag:s23] =	ssyncset.done $0x0  }
0x55e: {  	[sflag:s23] =	ssyncadd.s32 $0xFFFFE000  }
0x55f: {  	_ =	swait.ge [sflag:s23], $0x2000  }
0x560: {  	[sflag:s23] =	ssyncset.done $0x0  }
0x561: {  	[sflag:s23] =	ssyncadd.s32 $0xFFFFE000  }
0x562: {  	_ =	swait.ge [sflag:s23], $0x2000  }
0x563: {  	s1 =	sld [smem:$0x7E3]  }
0x564: {  	[sflag:s23] =	ssyncset.done $0x0  }
0x565: {  	s5 =	sld [smem:$0x7E4];
	[sflag:s23] =	ssyncadd.s32 $0xFFFFE000  }
0x566: {  	[hbm4b:s1+s2] =	stream.linear.scatter [tilespmem:s18], [sflag:$0x6], $0x2000, $0x38;
	[tilespmem:$0x1E000] =	vst v63  }
0x567: {  	s1 =	sld [smem:$0x7E5]  }
0x568: {  	[hbm4b:s5+s2] =	stream.linear.scatter [tilespmem:s19], [sflag:$0x6], $0x2000, $0x38;
	[tilespmem:$0x1E000] =	vst v63  }
0x569: {  	s5 =	sld [smem:$0x7E6]  }
0x56a: {  	[hbm4b:s1+s2] =	stream.linear.scatter [tilespmem:s20], [sflag:$0x6], $0x2000, $0x38;
	[tilespmem:$0x1E000] =	vst v63  }
0x56b: {  	_ = 	snop  }
0x56c: {  	[hbm4b:s5+s2] =	stream.linear.scatter [tilespmem:s21], [sflag:$0x6], $0x2000, $0x38;
	[tilespmem:$0x1E000] =	vst v63  }
0x56d: {  	_ =	swait.ge [sflag:s4], $0x2000  }
0x56e: {  	[sflag:s4] =	ssyncset.done $0x0  }
0x56f: {  	[sflag:s4] =	ssyncadd.s32 $0xFFFFE000  }
0x570: {  	_ =	swait.ge [sflag:s4], $0x2000  }
0x571: {  	[sflag:s4] =	ssyncset.done $0x0  }
0x572: {  	[sflag:s4] =	ssyncadd.s32 $0xFFFFE000  }
0x573: {  	_ =	swait.ge [sflag:s4], $0x2000  }
0x574: {  	[sflag:s4] =	ssyncset.done $0x0  }
0x575: {  	[sflag:s4] =	ssyncadd.s32 $0xFFFFE000  }
0x576: {  	_ =	swait.ge [sflag:s4], $0x2000  }
0x577: {  	s1 =	sld [smem:$0x7E7]  }
0x578: {  	[sflag:s4] =	ssyncset.done $0x0  }
0x579: {  	s5 =	sld [smem:$0x7E8];
	[sflag:s4] =	ssyncadd.s32 $0xFFFFE000  }
0x57a: {  	[tilespmem:s28], [sflag:$0x2] =	stream.linear.gather [hbm4b:s1+s2], $0x2000, $0x38;
	[tilespmem:$0x1E000] =	vst v63  }
0x57b: {  	s1 =	sld [smem:$0x7E9]  }
0x57c: {  	[tilespmem:s26], [sflag:$0x2] =	stream.linear.gather [hbm4b:s5+s2], $0x2000, $0x38;
	[tilespmem:$0x1E000] =	vst v63  }
0x57d: {  	s5 =	sld [smem:$0x7EA]  }
0x57e: {  	[tilespmem:s24], [sflag:$0x2] =	stream.linear.gather [hbm4b:s1+s2], $0x2000, $0x38;
	[tilespmem:$0x1E000] =	vst v63  }
0x57f: {  	s1 =	sld [smem:$0x7EB]  }
0x580: {  	[tilespmem:s25], [sflag:$0x2] =	stream.linear.gather [hbm4b:s5+s2], $0x2000, $0x38;
	[tilespmem:$0x1E000] =	vst v63  }
0x581: {  	_ = 	snop  }
0x582: {  	[tilespmem:s22], [sflag:$0x2] =	stream.linear.gather [hbm4b:s1+s2], $0x2000, $0x38;
	[tilespmem:$0x1E000] =	vst v63  }
0x583: {  	_ =	swait.ge [sflag:s17], $0x2000  }
0x584: {  	[sflag:s17] =	ssyncset.done $0x0  }
0x585: {  	[sflag:s17] =	ssyncadd.s32 $0xFFFFE000  }
0x586: {  	_ =	swait.ge [sflag:s17], $0x2000  }
0x587: {  	[sflag:s17] =	ssyncset.done $0x0  }
0x588: {  	[sflag:s17] =	ssyncadd.s32 $0xFFFFE000  }
0x589: {  	_ =	swait.ge [sflag:s17], $0x2000  }
0x58a: {  	[sflag:s17] =	ssyncset.done $0x0  }
0x58b: {  	[sflag:s17] =	ssyncadd.s32 $0xFFFFE000  }
0x58c: {  	_ =	swait.ge [sflag:s17], $0x2000  }
0x58d: {  	[sflag:s17] =	ssyncset.done $0x0  }
0x58e: {  	[sflag:s17] =	ssyncadd.s32 $0xFFFFE000  }
0x58f: {  	_ =	swait.ge [sflag:s17], $0x2000  }
0x590: {  	s1 =	sld [smem:$0x7EC]  }
0x591: {  	[sflag:s17] =	ssyncset.done $0x0  }
0x592: {  	s5 =	sld [smem:$0x7ED];
	[sflag:s17] =	ssyncadd.s32 $0xFFFFE000  }
0x593: {  	[hbm4b:s1+s2] =	stream.linear.scatter [tilespmem:s2], [sflag:$0x4], $0x2000, $0x38;
	[tilespmem:$0x1E000] =	vst v63  }
0x594: {  	s1 =	sld [smem:$0x7EE]  }
0x595: {  	[hbm4b:s5+s2] =	stream.linear.scatter [tilespmem:s9], [sflag:$0x4], $0x2000, $0x38;
	[tilespmem:$0x1E000] =	vst v63  }
0x596: {  	s5 =	sld [smem:$0x7EF]  }
0x597: {  	[hbm4b:s1+s2] =	stream.linear.scatter [tilespmem:s10], [sflag:$0x4], $0x2000, $0x38;
	[tilespmem:$0x1E000] =	vst v63  }
0x598: {  	_ = 	snop  }
0x599: {  	[hbm4b:s5+s2] =	stream.linear.scatter [tilespmem:s11], [sflag:$0x4], $0x2000, $0x38;
	[tilespmem:$0x1E000] =	vst v63  }
0x59a: {  	_ =	swait.ge [sflag:s3], $0x2000  }
0x59b: {  	[sflag:s3] =	ssyncset.done $0x0  }
0x59c: {  	[sflag:s3] =	ssyncadd.s32 $0xFFFFE000  }
0x59d: {  	_ =	swait.ge [sflag:s3], $0x2000  }
0x59e: {  	[sflag:s3] =	ssyncset.done $0x0  }
0x59f: {  	[sflag:s3] =	ssyncadd.s32 $0xFFFFE000  }
0x5a0: {  	_ =	swait.ge [sflag:s3], $0x2000  }
0x5a1: {  	[sflag:s3] =	ssyncset.done $0x0  }
0x5a2: {  	[sflag:s3] =	ssyncadd.s32 $0xFFFFE000  }
0x5a3: {  	_ =	swait.ge [sflag:s3], $0x2000  }
0x5a4: {  	s1 =	sld [smem:$0x7F0]  }
0x5a5: {  	[sflag:s3] =	ssyncset.done $0x0  }
0x5a6: {  	s5 =	sld [smem:$0x7F1];
	[sflag:s3] =	ssyncadd.s32 $0xFFFFE000  }
0x5a7: {  	[tilespmem:s18], [sflag:$0x3] =	stream.linear.gather [hbm4b:s1+s2], $0x2000, $0x38;
	[tilespmem:$0x1E000] =	vst v63  }
0x5a8: {  	s1 =	sld [smem:$0x7F2]  }
0x5a9: {  	[tilespmem:s19], [sflag:$0x3] =	stream.linear.gather [hbm4b:s5+s2], $0x2000, $0x38;
	[tilespmem:$0x1E000] =	vst v63  }
0x5aa: {  	s5 =	sld [smem:$0x7F3]  }
0x5ab: {  	[tilespmem:s20], [sflag:$0x3] =	stream.linear.gather [hbm4b:s1+s2], $0x2000, $0x38;
	[tilespmem:$0x1E000] =	vst v63  }
0x5ac: {  	s1 =	sld [smem:$0x7F4]  }
0x5ad: {  	[tilespmem:s21], [sflag:$0x3] =	stream.linear.gather [hbm4b:s5+s2], $0x2000, $0x38;
	[tilespmem:$0x1E000] =	vst v63  }
0x5ae: {  	_ = 	snop  }
0x5af: {  	[tilespmem:s31], [sflag:$0x3] =	stream.linear.gather [hbm4b:s1+s2], $0x2000, $0x38;
	[tilespmem:$0x1E000] =	vst v63  }
0x5b0: {  	_ =	swait.ge [sflag:s29], $0x2000  }
0x5b1: {  	[sflag:s29] =	ssyncset.done $0x0  }
0x5b2: {  	[sflag:s29] =	ssyncadd.s32 $0xFFFFE000  }
0x5b3: {  	_ =	swait.ge [sflag:s29], $0x2000  }
0x5b4: {  	[sflag:s29] =	ssyncset.done $0x0  }
0x5b5: {  	[sflag:s29] =	ssyncadd.s32 $0xFFFFE000  }
0x5b6: {  	_ =	swait.ge [sflag:s29], $0x2000  }
0x5b7: {  	[sflag:s29] =	ssyncset.done $0x0  }
0x5b8: {  	[sflag:s29] =	ssyncadd.s32 $0xFFFFE000  }
0x5b9: {  	_ =	swait.ge [sflag:s29], $0x2000  }
0x5ba: {  	[sflag:s29] =	ssyncset.done $0x0  }
0x5bb: {  	[sflag:s29] =	ssyncadd.s32 $0xFFFFE000  }
0x5bc: {  	_ =	swait.ge [sflag:s29], $0x2000  }
0x5bd: {  	s1 =	sld [smem:$0x7F5]  }
0x5be: {  	[sflag:s29] =	ssyncset.done $0x0  }
0x5bf: {  	s5 =	sld [smem:$0x7F6];
	[sflag:s29] =	ssyncadd.s32 $0xFFFFE000  }
0x5c0: {  	[hbm4b:s1+s2] =	stream.linear.scatter [tilespmem:s28], [sflag:$0x5], $0x2000, $0x38;
	[tilespmem:$0x1E000] =	vst v63  }
0x5c1: {  	s1 =	sld [smem:$0x7F7]  }
0x5c2: {  	[hbm4b:s5+s2] =	stream.linear.scatter [tilespmem:s26], [sflag:$0x5], $0x2000, $0x38;
	[tilespmem:$0x1E000] =	vst v63  }
0x5c3: {  	s5 =	sld [smem:$0x7F8]  }
0x5c4: {  	[hbm4b:s1+s2] =	stream.linear.scatter [tilespmem:s24], [sflag:$0x5], $0x2000, $0x38;
	[tilespmem:$0x1E000] =	vst v63  }
0x5c5: {  	_ = 	snop  }
0x5c6: {  	[hbm4b:s5+s2] =	stream.linear.scatter [tilespmem:s25], [sflag:$0x5], $0x2000, $0x38;
	[tilespmem:$0x1E000] =	vst v63  }
0x5c7: {  	_ =	swait.ge [sflag:s12], $0x2000  }
0x5c8: {  	[sflag:s12] =	ssyncset.done $0x0  }
0x5c9: {  	[sflag:s12] =	ssyncadd.s32 $0xFFFFE000  }
0x5ca: {  	_ =	swait.ge [sflag:s12], $0x2000  }
0x5cb: {  	[sflag:s12] =	ssyncset.done $0x0  }
0x5cc: {  	[sflag:s12] =	ssyncadd.s32 $0xFFFFE000  }
0x5cd: {  	_ =	swait.ge [sflag:s12], $0x2000  }
0x5ce: {  	[sflag:s12] =	ssyncset.done $0x0  }
0x5cf: {  	[sflag:s12] =	ssyncadd.s32 $0xFFFFE000  }
0x5d0: {  	_ =	swait.ge [sflag:s12], $0x2000  }
0x5d1: {  	s1 =	sld [smem:$0x7F9]  }
0x5d2: {  	[sflag:s12] =	ssyncset.done $0x0  }
0x5d3: {  	s5 =	sld [smem:$0x7FA];
	[sflag:s12] =	ssyncadd.s32 $0xFFFFE000  }
0x5d4: {  	[tilespmem:s2], [sflag:$0x1] =	stream.linear.gather [hbm4b:s1+s2], $0x2000, $0x38;
	[tilespmem:$0x1E000] =	vst v63  }
0x5d5: {  	s1 =	sld [smem:$0x7FB]  }
0x5d6: {  	[tilespmem:s9], [sflag:$0x1] =	stream.linear.gather [hbm4b:s5+s2], $0x2000, $0x38;
	[tilespmem:$0x1E000] =	vst v63  }
0x5d7: {  	s5 =	sld [smem:$0x7FC]  }
0x5d8: {  	[tilespmem:s10], [sflag:$0x1] =	stream.linear.gather [hbm4b:s1+s2], $0x2000, $0x38;
	[tilespmem:$0x1E000] =	vst v63  }
0x5d9: {  	s1 =	sld [smem:$0x7FD]  }
0x5da: {  	[tilespmem:s11], [sflag:$0x1] =	stream.linear.gather [hbm4b:s5+s2], $0x2000, $0x38;
	[tilespmem:$0x1E000] =	vst v63  }
0x5db: {  	s5 =	smov.u32 s6;
	s6 =	smov.u32 s7;
	s7 =	smov.u32 s8  }
0x5dc: {  	s8 =	smov.u32 s13;
	s13 =	smov.u32 s14;
	s14 =	smov.u32 s15  }
0x5dd: {  	[tilespmem:s30], [sflag:$0x1] =	stream.linear.gather [hbm4b:s1+s2], $0x2000, $0x38;
	[tilespmem:$0x1E000] =	vst v63  }
0x5de: {  	s15 =	smov.u32 s16;
	s16 =	sld [smem:$0x791];
	_ =	swait.ge [sflag:s23], $0x2000  }
0x5df: {  	[sflag:s23] =	ssyncset.done $0x0  }
0x5e0: {  	[sflag:s23] =	ssyncadd.s32 $0xFFFFE000  }
0x5e1: {  	_ =	swait.ge [sflag:s23], $0x2000  }
0x5e2: {  	[sflag:s23] =	ssyncset.done $0x0  }
0x5e3: {  	[sflag:s23] =	ssyncadd.s32 $0xFFFFE000  }
0x5e4: {  	_ =	swait.ge [sflag:s23], $0x2000  }
0x5e5: {  	[sflag:s23] =	ssyncset.done $0x0  }
0x5e6: {  	[sflag:s23] =	ssyncadd.s32 $0xFFFFE000  }
0x5e7: {  	_ =	swait.ge [sflag:s23], $0x2000  }
0x5e8: {  	[sflag:s23] =	ssyncset.done $0x0  }
0x5e9: {  	[sflag:s23] =	ssyncadd.s32 $0xFFFFE000  }
0x5ea: {  	_ =	swait.ge [sflag:s23], $0x2000  }
0x5eb: {  	[sflag:s23] =	ssyncset.done $0x0  }
0x5ec: {  	[sflag:s23] =	ssyncadd.s32 $0xFFFFE000  }
0x5ed: {  	[hbm4b:s13+s2] =	stream.linear.scatter [tilespmem:s18], [sflag:$0x6], $0x2000, $0x38;
	[tilespmem:$0x1E000] =	vst v63  }
0x5ee: {  	_ = 	snop  }
0x5ef: {  	[hbm4b:s14+s2] =	stream.linear.scatter [tilespmem:s19], [sflag:$0x6], $0x2000, $0x38;
	[tilespmem:$0x1E000] =	vst v63  }
0x5f0: {  	_ = 	snop  }
0x5f1: {  	[hbm4b:s15+s2] =	stream.linear.scatter [tilespmem:s20], [sflag:$0x6], $0x2000, $0x38;
	[tilespmem:$0x1E000] =	vst v63  }
0x5f2: {  	_ = 	snop  }
0x5f3: {  	[hbm4b:s16+s2] =	stream.linear.scatter [tilespmem:s21], [sflag:$0x6], $0x2000, $0x38;
	[tilespmem:$0x1E000] =	vst v63  }
0x5f4: {  	_ =	swait.ge [sflag:s17], $0x2000  }
0x5f5: {  	[sflag:s17] =	ssyncset.done $0x0  }
0x5f6: {  	[sflag:s17] =	ssyncadd.s32 $0xFFFFE000  }
0x5f7: {  	_ =	swait.ge [sflag:s17], $0x2000  }
0x5f8: {  	[sflag:s17] =	ssyncset.done $0x0  }
0x5f9: {  	[sflag:s17] =	ssyncadd.s32 $0xFFFFE000  }
0x5fa: {  	_ =	swait.ge [sflag:s17], $0x2000  }
0x5fb: {  	[sflag:s17] =	ssyncset.done $0x0  }
0x5fc: {  	[sflag:s17] =	ssyncadd.s32 $0xFFFFE000  }
0x5fd: {  	_ =	swait.ge [sflag:s17], $0x2000  }
0x5fe: {  	[sflag:s17] =	ssyncset.done $0x0  }
0x5ff: {  	[sflag:s17] =	ssyncadd.s32 $0xFFFFE000  }
0x600: {  	_ =	swait.ge [sflag:s17], $0x2000  }
0x601: {  	[sflag:s17] =	ssyncset.done $0x0  }
0x602: {  	[sflag:s17] =	ssyncadd.s32 $0xFFFFE000  }
0x603: {  	[hbm4b:s5+s2] =	stream.linear.scatter [tilespmem:s2], [sflag:$0x4], $0x2000, $0x38;
	[tilespmem:$0x1E000] =	vst v63  }
0x604: {  	_ = 	snop  }
0x605: {  	[hbm4b:s6+s2] =	stream.linear.scatter [tilespmem:s9], [sflag:$0x4], $0x2000, $0x38;
	[tilespmem:$0x1E000] =	vst v63  }
0x606: {  	_ = 	snop  }
0x607: {  	[hbm4b:s7+s2] =	stream.linear.scatter [tilespmem:s10], [sflag:$0x4], $0x2000, $0x38;
	[tilespmem:$0x1E000] =	vst v63  }
0x608: {  	_ = 	snop  }
0x609: {  	[hbm4b:s8+s2] =	stream.linear.scatter [tilespmem:s11], [sflag:$0x4], $0x2000, $0x38;
	[tilespmem:$0x1E000] =	vst v63  }
0x60a: {  	_ =	swait.ge [sflag:s12], $0x2000  }
0x60b: {  	[sflag:s12] =	ssyncset.done $0x0  }
0x60c: {  	[sflag:s12] =	ssyncadd.s32 $0xFFFFE000  }
0x60d: {  	_ =	swait.ge [sflag:s12], $0x2000  }
0x60e: {  	[sflag:s12] =	ssyncset.done $0x0  }
0x60f: {  	[sflag:s12] =	ssyncadd.s32 $0xFFFFE000  }
0x610: {  	_ =	swait.ge [sflag:s12], $0x2000  }
0x611: {  	[sflag:s12] =	ssyncset.done $0x0  }
0x612: {  	[sflag:s12] =	ssyncadd.s32 $0xFFFFE000  }
0x613: {  	_ =	swait.ge [sflag:s12], $0x2000  }
0x614: {  	[sflag:s12] =	ssyncset.done $0x0  }
0x615: {  	[sflag:s12] =	ssyncadd.s32 $0xFFFFE000  }
0x616: {  	_ =	swait.ge [sflag:s4], $0x2000  }
0x617: {  	[sflag:s4] =	ssyncset.done $0x0  }
0x618: {  	[sflag:s4] =	ssyncadd.s32 $0xFFFFE000  }
0x619: {  	_ =	swait.ge [sflag:s4], $0x2000  }
0x61a: {  	[sflag:s4] =	ssyncset.done $0x0  }
0x61b: {  	[sflag:s4] =	ssyncadd.s32 $0xFFFFE000  }
0x61c: {  	_ =	swait.ge [sflag:s4], $0x2000  }
0x61d: {  	[sflag:s4] =	ssyncset.done $0x0  }
0x61e: {  	[sflag:s4] =	ssyncadd.s32 $0xFFFFE000  }
0x61f: {  	_ =	swait.ge [sflag:s4], $0x2000  }
0x620: {  	[sflag:s4] =	ssyncset.done $0x0  }
0x621: {  	[sflag:s4] =	ssyncadd.s32 $0xFFFFE000  }
0x622: {  	_ =	swait.ge [sflag:s3], $0x2000  }
0x623: {  	[sflag:s3] =	ssyncset.done $0x0  }
0x624: {  	[sflag:s3] =	ssyncadd.s32 $0xFFFFE000  }
0x625: {  	_ =	swait.ge [sflag:s3], $0x2000  }
0x626: {  	[sflag:s3] =	ssyncset.done $0x0  }
0x627: {  	p1 =	sne.s32 s0, $0x1;
	[sflag:s3] =	ssyncadd.s32 $0xFFFFE000  }
.Ltmp2:
0x628: {  	_ =	swait.ge [sflag:s3], $0x2000;
	(pc) =	sbr.rel @p1 .LBB2_3-.Ltmp2, $4  }
0x629: {  	[sflag:s3] =	ssyncset.done $0x0  }
0x62a: {  	[sflag:s3] =	ssyncadd.s32 $0xFFFFE000  }
0x62b: {  	_ =	swait.ge [sflag:s3], $0x2000  }
0x62c: {  	s0 =	sadd.s32 $0xFFFFFFFF, s0;
	s1 =	rddreg [dreg:$0x4];
	[sflag:s3] =	ssyncset.done $0x0  }
0x62d: {  	s30 =	simm.s32 $0x1C000;
	s22 =	simm.s32 $0x12000;
	s31 =	simm.s32 $0x8000  }
.LBB2_5:
0x62e: {  	[sflag:s3] =	ssyncadd.s32 @p0 $0xFFFFE000  }
0x62f: {  	[tilespmem:s2], [sflag:$0x1] =	stream.linear.gather [hbm4b:s1+s2], $0x2000, $0x38;
	[tilespmem:$0x1E000] =	vst v63  }
0x630: {  	s0 =	rddreg [dreg:$0x5]  }
0x631: {  	[tilespmem:s9], [sflag:$0x1] =	stream.linear.gather [hbm4b:s0+s2], $0x2000, $0x38;
	[tilespmem:$0x1E000] =	vst v63  }
0x632: {  	s1 =	rddreg [dreg:$0x6]  }
0x633: {  	[tilespmem:s10], [sflag:$0x1] =	stream.linear.gather [hbm4b:s1+s2], $0x2000, $0x38;
	[tilespmem:$0x1E000] =	vst v63  }
0x634: {  	s0 =	rddreg [dreg:$0x7]  }
0x635: {  	[tilespmem:s11], [sflag:$0x1] =	stream.linear.gather [hbm4b:s0+s2], $0x2000, $0x38;
	[tilespmem:$0x1E000] =	vst v63  }
0x636: {  	s1 =	rddreg [dreg:$0x8]  }
0x637: {  	[tilespmem:s31], [sflag:$0x1] =	stream.linear.gather [hbm4b:s1+s2], $0x2000, $0x38;
	[tilespmem:$0x1E000] =	vst v63  }
0x638: {  	s0 =	rddreg [dreg:$0x9]  }
0x639: {  	[tilespmem:s28], [sflag:$0x2] =	stream.linear.gather [hbm4b:s0+s2], $0x2000, $0x38;
	[tilespmem:$0x1E000] =	vst v63  }
0x63a: {  	s1 =	rddreg [dreg:$0xa]  }
0x63b: {  	[tilespmem:s26], [sflag:$0x2] =	stream.linear.gather [hbm4b:s1+s2], $0x2000, $0x38;
	[tilespmem:$0x1E000] =	vst v63  }
0x63c: {  	s0 =	rddreg [dreg:$0xb]  }
0x63d: {  	[tilespmem:s24], [sflag:$0x2] =	stream.linear.gather [hbm4b:s0+s2], $0x2000, $0x38;
	[tilespmem:$0x1E000] =	vst v63  }
0x63e: {  	s1 =	rddreg [dreg:$0xc]  }
0x63f: {  	[tilespmem:s25], [sflag:$0x2] =	stream.linear.gather [hbm4b:s1+s2], $0x2000, $0x38;
	[tilespmem:$0x1E000] =	vst v63  }
0x640: {  	s0 =	rddreg [dreg:$0xd]  }
0x641: {  	[tilespmem:s22], [sflag:$0x2] =	stream.linear.gather [hbm4b:s0+s2], $0x2000, $0x38;
	[tilespmem:$0x1E000] =	vst v63  }
0x642: {  	_ =	swait.ge [sflag:s17], $0x2000  }
0x643: {  	[sflag:s17] =	ssyncset.done $0x0  }
0x644: {  	[sflag:s17] =	ssyncadd.s32 $0xFFFFE000  }
0x645: {  	_ =	swait.ge [sflag:s17], $0x2000  }
0x646: {  	[sflag:s17] =	ssyncset.done $0x0  }
0x647: {  	[sflag:s17] =	ssyncadd.s32 $0xFFFFE000  }
0x648: {  	_ =	swait.ge [sflag:s17], $0x2000  }
0x649: {  	[sflag:s17] =	ssyncset.done $0x0  }
0x64a: {  	[sflag:s17] =	ssyncadd.s32 $0xFFFFE000  }
0x64b: {  	_ =	swait.ge [sflag:s17], $0x2000  }
0x64c: {  	[sflag:s17] =	ssyncset.done $0x0  }
0x64d: {  	[sflag:s17] =	ssyncadd.s32 $0xFFFFE000  }
0x64e: {  	_ =	swait.ge [sflag:s17], $0x2000  }
0x64f: {  	[sflag:s17] =	ssyncset.done $0x0  }
0x650: {  	s0 =	rddreg [dreg:$0xe];
	[sflag:s17] =	ssyncadd.s32 $0xFFFFE000  }
0x651: {  	[hbm4b:s0+s2] =	stream.linear.scatter [tilespmem:s2], [sflag:$0x4], $0x2000, $0x38;
	[tilespmem:$0x1E000] =	vst v63  }
0x652: {  	s1 =	rddreg [dreg:$0xf]  }
0x653: {  	[hbm4b:s1+s2] =	stream.linear.scatter [tilespmem:s9], [sflag:$0x4], $0x2000, $0x38;
	[tilespmem:$0x1E000] =	vst v63  }
0x654: {  	s0 =	rddreg [dreg:$0x10]  }
0x655: {  	[hbm4b:s0+s2] =	stream.linear.scatter [tilespmem:s10], [sflag:$0x4], $0x2000, $0x38;
	[tilespmem:$0x1E000] =	vst v63  }
0x656: {  	s1 =	rddreg [dreg:$0x11]  }
0x657: {  	[hbm4b:s1+s2] =	stream.linear.scatter [tilespmem:s11], [sflag:$0x4], $0x2000, $0x38;
	[tilespmem:$0x1E000] =	vst v63  }
0x658: {  	s0 =	rddreg [dreg:$0x12]  }
0x659: {  	[tilespmem:s18], [sflag:$0x3] =	stream.linear.gather [hbm4b:s0+s2], $0x2000, $0x38;
	[tilespmem:$0x1E000] =	vst v63  }
0x65a: {  	s1 =	rddreg [dreg:$0x13]  }
0x65b: {  	[tilespmem:s19], [sflag:$0x3] =	stream.linear.gather [hbm4b:s1+s2], $0x2000, $0x38;
	[tilespmem:$0x1E000] =	vst v63  }
0x65c: {  	s0 =	rddreg [dreg:$0x14]  }
0x65d: {  	[tilespmem:s20], [sflag:$0x3] =	stream.linear.gather [hbm4b:s0+s2], $0x2000, $0x38;
	[tilespmem:$0x1E000] =	vst v63  }
0x65e: {  	s1 =	rddreg [dreg:$0x15]  }
0x65f: {  	[tilespmem:s21], [sflag:$0x3] =	stream.linear.gather [hbm4b:s1+s2], $0x2000, $0x38;
	[tilespmem:$0x1E000] =	vst v63  }
0x660: {  	s0 =	rddreg [dreg:$0x16]  }
0x661: {  	[tilespmem:s30], [sflag:$0x3] =	stream.linear.gather [hbm4b:s0+s2], $0x2000, $0x38;
	[tilespmem:$0x1E000] =	vst v63  }
0x662: {  	_ =	swait.ge [sflag:s29], $0x2000  }
0x663: {  	[sflag:s29] =	ssyncset.done $0x0  }
0x664: {  	[sflag:s29] =	ssyncadd.s32 $0xFFFFE000  }
0x665: {  	_ =	swait.ge [sflag:s29], $0x2000  }
0x666: {  	[sflag:s29] =	ssyncset.done $0x0  }
0x667: {  	[sflag:s29] =	ssyncadd.s32 $0xFFFFE000  }
0x668: {  	_ =	swait.ge [sflag:s29], $0x2000  }
0x669: {  	[sflag:s29] =	ssyncset.done $0x0  }
0x66a: {  	[sflag:s29] =	ssyncadd.s32 $0xFFFFE000  }
0x66b: {  	_ =	swait.ge [sflag:s29], $0x2000  }
0x66c: {  	[sflag:s29] =	ssyncset.done $0x0  }
0x66d: {  	[sflag:s29] =	ssyncadd.s32 $0xFFFFE000  }
0x66e: {  	_ =	swait.ge [sflag:s29], $0x2000  }
0x66f: {  	[sflag:s29] =	ssyncset.done $0x0  }
0x670: {  	s0 =	rddreg [dreg:$0x17];
	[sflag:s29] =	ssyncadd.s32 $0xFFFFE000  }
0x671: {  	[hbm4b:s0+s2] =	stream.linear.scatter [tilespmem:s28], [sflag:$0x5], $0x2000, $0x38;
	[tilespmem:$0x1E000] =	vst v63  }
0x672: {  	s1 =	rddreg [dreg:$0x18]  }
0x673: {  	[hbm4b:s1+s2] =	stream.linear.scatter [tilespmem:s26], [sflag:$0x5], $0x2000, $0x38;
	[tilespmem:$0x1E000] =	vst v63  }
0x674: {  	s0 =	rddreg [dreg:$0x19]  }
0x675: {  	[hbm4b:s0+s2] =	stream.linear.scatter [tilespmem:s24], [sflag:$0x5], $0x2000, $0x38;
	[tilespmem:$0x1E000] =	vst v63  }
0x676: {  	s1 =	rddreg [dreg:$0x1a]  }
0x677: {  	[hbm4b:s1+s2] =	stream.linear.scatter [tilespmem:s25], [sflag:$0x5], $0x2000, $0x38;
	[tilespmem:$0x1E000] =	vst v63  }
0x678: {  	_ =	swait.ge [sflag:s12], $0x2000  }
0x679: {  	[sflag:s12] =	ssyncset.done $0x0  }
0x67a: {  	[sflag:s12] =	ssyncadd.s32 $0xFFFFE000  }
0x67b: {  	_ =	swait.ge [sflag:s12], $0x2000  }
0x67c: {  	[sflag:s12] =	ssyncset.done $0x0  }
0x67d: {  	[sflag:s12] =	ssyncadd.s32 $0xFFFFE000  }
0x67e: {  	_ =	swait.ge [sflag:s12], $0x2000  }
0x67f: {  	[sflag:s12] =	ssyncset.done $0x0  }
0x680: {  	[sflag:s12] =	ssyncadd.s32 $0xFFFFE000  }
0x681: {  	_ =	swait.ge [sflag:s12], $0x2000  }
0x682: {  	[sflag:s12] =	ssyncset.done $0x0  }
0x683: {  	s0 =	rddreg [dreg:$0x1b];
	[sflag:s12] =	ssyncadd.s32 $0xFFFFE000  }
0x684: {  	[tilespmem:s2], [sflag:$0x1] =	stream.linear.gather [hbm4b:s0+s2], $0x2000, $0x38;
	[tilespmem:$0x1E000] =	vst v63  }
0x685: {  	s1 =	rddreg [dreg:$0x1c]  }
0x686: {  	[tilespmem:s9], [sflag:$0x1] =	stream.linear.gather [hbm4b:s1+s2], $0x2000, $0x38;
	[tilespmem:$0x1E000] =	vst v63  }
0x687: {  	s0 =	rddreg [dreg:$0x1d]  }
0x688: {  	[tilespmem:s10], [sflag:$0x1] =	stream.linear.gather [hbm4b:s0+s2], $0x2000, $0x38;
	[tilespmem:$0x1E000] =	vst v63  }
0x689: {  	s1 =	rddreg [dreg:$0x1e]  }
0x68a: {  	[tilespmem:s11], [sflag:$0x1] =	stream.linear.gather [hbm4b:s1+s2], $0x2000, $0x38;
	[tilespmem:$0x1E000] =	vst v63  }
0x68b: {  	s0 =	rddreg [dreg:$0x1f]  }
0x68c: {  	[tilespmem:s31], [sflag:$0x1] =	stream.linear.gather [hbm4b:s0+s2], $0x2000, $0x38;
	[tilespmem:$0x1E000] =	vst v63  }
0x68d: {  	_ =	swait.ge [sflag:s23], $0x2000  }
0x68e: {  	[sflag:s23] =	ssyncset.done $0x0  }
0x68f: {  	[sflag:s23] =	ssyncadd.s32 $0xFFFFE000  }
0x690: {  	_ =	swait.ge [sflag:s23], $0x2000  }
0x691: {  	[sflag:s23] =	ssyncset.done $0x0  }
0x692: {  	[sflag:s23] =	ssyncadd.s32 $0xFFFFE000  }
0x693: {  	_ =	swait.ge [sflag:s23], $0x2000  }
0x694: {  	[sflag:s23] =	ssyncset.done $0x0  }
0x695: {  	[sflag:s23] =	ssyncadd.s32 $0xFFFFE000  }
0x696: {  	_ =	swait.ge [sflag:s23], $0x2000  }
0x697: {  	[sflag:s23] =	ssyncset.done $0x0  }
0x698: {  	[sflag:s23] =	ssyncadd.s32 $0xFFFFE000  }
0x699: {  	_ =	swait.ge [sflag:s23], $0x2000  }
0x69a: {  	s0 =	sld [smem:$0x792]  }
0x69b: {  	[sflag:s23] =	ssyncset.done $0x0  }
0x69c: {  	s1 =	sld [smem:$0x793];
	[sflag:s23] =	ssyncadd.s32 $0xFFFFE000  }
0x69d: {  	[hbm4b:s0+s2] =	stream.linear.scatter [tilespmem:s18], [sflag:$0x6], $0x2000, $0x38;
	[tilespmem:$0x1E000] =	vst v63  }
0x69e: {  	s0 =	sld [smem:$0x794]  }
0x69f: {  	[hbm4b:s1+s2] =	stream.linear.scatter [tilespmem:s19], [sflag:$0x6], $0x2000, $0x38;
	[tilespmem:$0x1E000] =	vst v63  }
0x6a0: {  	s1 =	sld [smem:$0x795]  }
0x6a1: {  	[hbm4b:s0+s2] =	stream.linear.scatter [tilespmem:s20], [sflag:$0x6], $0x2000, $0x38;
	[tilespmem:$0x1E000] =	vst v63  }
0x6a2: {  	_ = 	snop  }
0x6a3: {  	[hbm4b:s1+s2] =	stream.linear.scatter [tilespmem:s21], [sflag:$0x6], $0x2000, $0x38;
	[tilespmem:$0x1E000] =	vst v63  }
0x6a4: {  	_ =	swait.ge [sflag:s4], $0x2000  }
0x6a5: {  	[sflag:s4] =	ssyncset.done $0x0  }
0x6a6: {  	[sflag:s4] =	ssyncadd.s32 $0xFFFFE000  }
0x6a7: {  	_ =	swait.ge [sflag:s4], $0x2000  }
0x6a8: {  	[sflag:s4] =	ssyncset.done $0x0  }
0x6a9: {  	[sflag:s4] =	ssyncadd.s32 $0xFFFFE000  }
0x6aa: {  	_ =	swait.ge [sflag:s4], $0x2000  }
0x6ab: {  	[sflag:s4] =	ssyncset.done $0x0  }
0x6ac: {  	[sflag:s4] =	ssyncadd.s32 $0xFFFFE000  }
0x6ad: {  	_ =	swait.ge [sflag:s4], $0x2000  }
0x6ae: {  	s0 =	sld [smem:$0x796]  }
0x6af: {  	[sflag:s4] =	ssyncset.done $0x0  }
0x6b0: {  	s1 =	sld [smem:$0x797];
	[sflag:s4] =	ssyncadd.s32 $0xFFFFE000  }
0x6b1: {  	[tilespmem:s28], [sflag:$0x2] =	stream.linear.gather [hbm4b:s0+s2], $0x2000, $0x38;
	[tilespmem:$0x1E000] =	vst v63  }
0x6b2: {  	s0 =	sld [smem:$0x798]  }
0x6b3: {  	[tilespmem:s26], [sflag:$0x2] =	stream.linear.gather [hbm4b:s1+s2], $0x2000, $0x38;
	[tilespmem:$0x1E000] =	vst v63  }
0x6b4: {  	s1 =	sld [smem:$0x799]  }
0x6b5: {  	[tilespmem:s24], [sflag:$0x2] =	stream.linear.gather [hbm4b:s0+s2], $0x2000, $0x38;
	[tilespmem:$0x1E000] =	vst v63  }
0x6b6: {  	s0 =	sld [smem:$0x79A]  }
0x6b7: {  	[tilespmem:s25], [sflag:$0x2] =	stream.linear.gather [hbm4b:s1+s2], $0x2000, $0x38;
	[tilespmem:$0x1E000] =	vst v63  }
0x6b8: {  	_ = 	snop  }
0x6b9: {  	[tilespmem:s22], [sflag:$0x2] =	stream.linear.gather [hbm4b:s0+s2], $0x2000, $0x38;
	[tilespmem:$0x1E000] =	vst v63  }
0x6ba: {  	_ =	swait.ge [sflag:s17], $0x2000  }
0x6bb: {  	[sflag:s17] =	ssyncset.done $0x0  }
0x6bc: {  	[sflag:s17] =	ssyncadd.s32 $0xFFFFE000  }
0x6bd: {  	_ =	swait.ge [sflag:s17], $0x2000  }
0x6be: {  	[sflag:s17] =	ssyncset.done $0x0  }
0x6bf: {  	[sflag:s17] =	ssyncadd.s32 $0xFFFFE000  }
0x6c0: {  	_ =	swait.ge [sflag:s17], $0x2000  }
0x6c1: {  	[sflag:s17] =	ssyncset.done $0x0  }
0x6c2: {  	[sflag:s17] =	ssyncadd.s32 $0xFFFFE000  }
0x6c3: {  	_ =	swait.ge [sflag:s17], $0x2000  }
0x6c4: {  	[sflag:s17] =	ssyncset.done $0x0  }
0x6c5: {  	[sflag:s17] =	ssyncadd.s32 $0xFFFFE000  }
0x6c6: {  	_ =	swait.ge [sflag:s17], $0x2000  }
0x6c7: {  	s0 =	sld [smem:$0x79B]  }
0x6c8: {  	[sflag:s17] =	ssyncset.done $0x0  }
0x6c9: {  	s1 =	sld [smem:$0x79C];
	[sflag:s17] =	ssyncadd.s32 $0xFFFFE000  }
0x6ca: {  	[hbm4b:s0+s2] =	stream.linear.scatter [tilespmem:s2], [sflag:$0x4], $0x2000, $0x38;
	[tilespmem:$0x1E000] =	vst v63  }
0x6cb: {  	s0 =	sld [smem:$0x79D]  }
0x6cc: {  	[hbm4b:s1+s2] =	stream.linear.scatter [tilespmem:s9], [sflag:$0x4], $0x2000, $0x38;
	[tilespmem:$0x1E000] =	vst v63  }
0x6cd: {  	s1 =	sld [smem:$0x79E]  }
0x6ce: {  	[hbm4b:s0+s2] =	stream.linear.scatter [tilespmem:s10], [sflag:$0x4], $0x2000, $0x38;
	[tilespmem:$0x1E000] =	vst v63  }
0x6cf: {  	_ = 	snop  }
0x6d0: {  	[hbm4b:s1+s2] =	stream.linear.scatter [tilespmem:s11], [sflag:$0x4], $0x2000, $0x38;
	[tilespmem:$0x1E000] =	vst v63  }
0x6d1: {  	_ =	swait.ge [sflag:s3], $0x2000  }
0x6d2: {  	[sflag:s3] =	ssyncset.done $0x0  }
0x6d3: {  	[sflag:s3] =	ssyncadd.s32 $0xFFFFE000  }
0x6d4: {  	_ =	swait.ge [sflag:s3], $0x2000  }
0x6d5: {  	[sflag:s3] =	ssyncset.done $0x0  }
0x6d6: {  	[sflag:s3] =	ssyncadd.s32 $0xFFFFE000  }
0x6d7: {  	_ =	swait.ge [sflag:s3], $0x2000  }
0x6d8: {  	[sflag:s3] =	ssyncset.done $0x0  }
0x6d9: {  	[sflag:s3] =	ssyncadd.s32 $0xFFFFE000  }
0x6da: {  	_ =	swait.ge [sflag:s3], $0x2000  }
0x6db: {  	s0 =	sld [smem:$0x79F]  }
0x6dc: {  	[sflag:s3] =	ssyncset.done $0x0  }
0x6dd: {  	s1 =	sld [smem:$0x7A0];
	[sflag:s3] =	ssyncadd.s32 $0xFFFFE000  }
0x6de: {  	[tilespmem:s18], [sflag:$0x3] =	stream.linear.gather [hbm4b:s0+s2], $0x2000, $0x38;
	[tilespmem:$0x1E000] =	vst v63  }
0x6df: {  	s0 =	sld [smem:$0x7A1]  }
0x6e0: {  	[tilespmem:s19], [sflag:$0x3] =	stream.linear.gather [hbm4b:s1+s2], $0x2000, $0x38;
	[tilespmem:$0x1E000] =	vst v63  }
0x6e1: {  	s1 =	sld [smem:$0x7A2]  }
0x6e2: {  	[tilespmem:s20], [sflag:$0x3] =	stream.linear.gather [hbm4b:s0+s2], $0x2000, $0x38;
	[tilespmem:$0x1E000] =	vst v63  }
0x6e3: {  	s0 =	sld [smem:$0x7A3]  }
0x6e4: {  	[tilespmem:s21], [sflag:$0x3] =	stream.linear.gather [hbm4b:s1+s2], $0x2000, $0x38;
	[tilespmem:$0x1E000] =	vst v63  }
0x6e5: {  	_ = 	snop  }
0x6e6: {  	[tilespmem:s30], [sflag:$0x3] =	stream.linear.gather [hbm4b:s0+s2], $0x2000, $0x38;
	[tilespmem:$0x1E000] =	vst v63  }
0x6e7: {  	_ =	swait.ge [sflag:s29], $0x2000  }
0x6e8: {  	[sflag:s29] =	ssyncset.done $0x0  }
0x6e9: {  	[sflag:s29] =	ssyncadd.s32 $0xFFFFE000  }
0x6ea: {  	_ =	swait.ge [sflag:s29], $0x2000  }
0x6eb: {  	[sflag:s29] =	ssyncset.done $0x0  }
0x6ec: {  	[sflag:s29] =	ssyncadd.s32 $0xFFFFE000  }
0x6ed: {  	_ =	swait.ge [sflag:s29], $0x2000  }
0x6ee: {  	[sflag:s29] =	ssyncset.done $0x0  }
0x6ef: {  	[sflag:s29] =	ssyncadd.s32 $0xFFFFE000  }
0x6f0: {  	_ =	swait.ge [sflag:s29], $0x2000  }
0x6f1: {  	[sflag:s29] =	ssyncset.done $0x0  }
0x6f2: {  	[sflag:s29] =	ssyncadd.s32 $0xFFFFE000  }
0x6f3: {  	_ =	swait.ge [sflag:s29], $0x2000  }
0x6f4: {  	s0 =	sld [smem:$0x7A4]  }
0x6f5: {  	[sflag:s29] =	ssyncset.done $0x0  }
0x6f6: {  	s1 =	sld [smem:$0x7A5];
	[sflag:s29] =	ssyncadd.s32 $0xFFFFE000  }
0x6f7: {  	[hbm4b:s0+s2] =	stream.linear.scatter [tilespmem:s28], [sflag:$0x5], $0x2000, $0x38;
	[tilespmem:$0x1E000] =	vst v63  }
0x6f8: {  	s0 =	sld [smem:$0x7A6]  }
0x6f9: {  	[hbm4b:s1+s2] =	stream.linear.scatter [tilespmem:s26], [sflag:$0x5], $0x2000, $0x38;
	[tilespmem:$0x1E000] =	vst v63  }
0x6fa: {  	s1 =	sld [smem:$0x7A7]  }
0x6fb: {  	[hbm4b:s0+s2] =	stream.linear.scatter [tilespmem:s24], [sflag:$0x5], $0x2000, $0x38;
	[tilespmem:$0x1E000] =	vst v63  }
0x6fc: {  	_ = 	snop  }
0x6fd: {  	[hbm4b:s1+s2] =	stream.linear.scatter [tilespmem:s25], [sflag:$0x5], $0x2000, $0x38;
	[tilespmem:$0x1E000] =	vst v63  }
0x6fe: {  	_ =	swait.ge [sflag:s12], $0x2000  }
0x6ff: {  	[sflag:s12] =	ssyncset.done $0x0  }
0x700: {  	[sflag:s12] =	ssyncadd.s32 $0xFFFFE000  }
0x701: {  	_ =	swait.ge [sflag:s12], $0x2000  }
0x702: {  	[sflag:s12] =	ssyncset.done $0x0  }
0x703: {  	[sflag:s12] =	ssyncadd.s32 $0xFFFFE000  }
0x704: {  	_ =	swait.ge [sflag:s12], $0x2000  }
0x705: {  	[sflag:s12] =	ssyncset.done $0x0  }
0x706: {  	[sflag:s12] =	ssyncadd.s32 $0xFFFFE000  }
0x707: {  	_ =	swait.ge [sflag:s12], $0x2000  }
0x708: {  	s0 =	sld [smem:$0x7A8]  }
0x709: {  	[sflag:s12] =	ssyncset.done $0x0  }
0x70a: {  	s1 =	sld [smem:$0x7A9];
	[sflag:s12] =	ssyncadd.s32 $0xFFFFE000  }
0x70b: {  	[tilespmem:s2], [sflag:$0x1] =	stream.linear.gather [hbm4b:s0+s2], $0x2000, $0x38;
	[tilespmem:$0x1E000] =	vst v63  }
0x70c: {  	s0 =	sld [smem:$0x7AA]  }
0x70d: {  	[tilespmem:s9], [sflag:$0x1] =	stream.linear.gather [hbm4b:s1+s2], $0x2000, $0x38;
	[tilespmem:$0x1E000] =	vst v63  }
0x70e: {  	s1 =	sld [smem:$0x7AB]  }
0x70f: {  	[tilespmem:s10], [sflag:$0x1] =	stream.linear.gather [hbm4b:s0+s2], $0x2000, $0x38;
	[tilespmem:$0x1E000] =	vst v63  }
0x710: {  	s0 =	sld [smem:$0x7AC]  }
0x711: {  	[tilespmem:s11], [sflag:$0x1] =	stream.linear.gather [hbm4b:s1+s2], $0x2000, $0x38;
	[tilespmem:$0x1E000] =	vst v63  }
0x712: {  	_ = 	snop  }
0x713: {  	[tilespmem:s31], [sflag:$0x1] =	stream.linear.gather [hbm4b:s0+s2], $0x2000, $0x38;
	[tilespmem:$0x1E000] =	vst v63  }
0x714: {  	_ =	swait.ge [sflag:s23], $0x2000  }
0x715: {  	[sflag:s23] =	ssyncset.done $0x0  }
0x716: {  	[sflag:s23] =	ssyncadd.s32 $0xFFFFE000  }
0x717: {  	_ =	swait.ge [sflag:s23], $0x2000  }
0x718: {  	[sflag:s23] =	ssyncset.done $0x0  }
0x719: {  	[sflag:s23] =	ssyncadd.s32 $0xFFFFE000  }
0x71a: {  	_ =	swait.ge [sflag:s23], $0x2000  }
0x71b: {  	[sflag:s23] =	ssyncset.done $0x0  }
0x71c: {  	[sflag:s23] =	ssyncadd.s32 $0xFFFFE000  }
0x71d: {  	_ =	swait.ge [sflag:s23], $0x2000  }
0x71e: {  	[sflag:s23] =	ssyncset.done $0x0  }
0x71f: {  	[sflag:s23] =	ssyncadd.s32 $0xFFFFE000  }
0x720: {  	_ =	swait.ge [sflag:s23], $0x2000  }
0x721: {  	s0 =	sld [smem:$0x7AD]  }
0x722: {  	[sflag:s23] =	ssyncset.done $0x0  }
0x723: {  	s1 =	sld [smem:$0x7AE];
	[sflag:s23] =	ssyncadd.s32 $0xFFFFE000  }
0x724: {  	[hbm4b:s0+s2] =	stream.linear.scatter [tilespmem:s18], [sflag:$0x6], $0x2000, $0x38;
	[tilespmem:$0x1E000] =	vst v63  }
0x725: {  	s0 =	sld [smem:$0x7AF]  }
0x726: {  	[hbm4b:s1+s2] =	stream.linear.scatter [tilespmem:s19], [sflag:$0x6], $0x2000, $0x38;
	[tilespmem:$0x1E000] =	vst v63  }
0x727: {  	s1 =	sld [smem:$0x7B0]  }
0x728: {  	[hbm4b:s0+s2] =	stream.linear.scatter [tilespmem:s20], [sflag:$0x6], $0x2000, $0x38;
	[tilespmem:$0x1E000] =	vst v63  }
0x729: {  	_ = 	snop  }
0x72a: {  	[hbm4b:s1+s2] =	stream.linear.scatter [tilespmem:s21], [sflag:$0x6], $0x2000, $0x38;
	[tilespmem:$0x1E000] =	vst v63  }
0x72b: {  	_ =	swait.ge [sflag:s4], $0x2000  }
0x72c: {  	[sflag:s4] =	ssyncset.done $0x0  }
0x72d: {  	[sflag:s4] =	ssyncadd.s32 $0xFFFFE000  }
0x72e: {  	_ =	swait.ge [sflag:s4], $0x2000  }
0x72f: {  	[sflag:s4] =	ssyncset.done $0x0  }
0x730: {  	[sflag:s4] =	ssyncadd.s32 $0xFFFFE000  }
0x731: {  	_ =	swait.ge [sflag:s4], $0x2000  }
0x732: {  	[sflag:s4] =	ssyncset.done $0x0  }
0x733: {  	[sflag:s4] =	ssyncadd.s32 $0xFFFFE000  }
0x734: {  	_ =	swait.ge [sflag:s4], $0x2000  }
0x735: {  	s0 =	sld [smem:$0x7B1]  }
0x736: {  	[sflag:s4] =	ssyncset.done $0x0  }
0x737: {  	s1 =	sld [smem:$0x7B2];
	[sflag:s4] =	ssyncadd.s32 $0xFFFFE000  }
0x738: {  	[tilespmem:s28], [sflag:$0x2] =	stream.linear.gather [hbm4b:s0+s2], $0x2000, $0x38;
	[tilespmem:$0x1E000] =	vst v63  }
0x739: {  	s0 =	sld [smem:$0x7B3]  }
0x73a: {  	[tilespmem:s26], [sflag:$0x2] =	stream.linear.gather [hbm4b:s1+s2], $0x2000, $0x38;
	[tilespmem:$0x1E000] =	vst v63  }
0x73b: {  	s1 =	sld [smem:$0x7B4]  }
0x73c: {  	[tilespmem:s24], [sflag:$0x2] =	stream.linear.gather [hbm4b:s0+s2], $0x2000, $0x38;
	[tilespmem:$0x1E000] =	vst v63  }
0x73d: {  	s0 =	sld [smem:$0x7B5]  }
0x73e: {  	[tilespmem:s25], [sflag:$0x2] =	stream.linear.gather [hbm4b:s1+s2], $0x2000, $0x38;
	[tilespmem:$0x1E000] =	vst v63  }
0x73f: {  	_ = 	snop  }
0x740: {  	[tilespmem:s22], [sflag:$0x2] =	stream.linear.gather [hbm4b:s0+s2], $0x2000, $0x38;
	[tilespmem:$0x1E000] =	vst v63  }
0x741: {  	_ =	swait.ge [sflag:s17], $0x2000  }
0x742: {  	[sflag:s17] =	ssyncset.done $0x0  }
0x743: {  	[sflag:s17] =	ssyncadd.s32 $0xFFFFE000  }
0x744: {  	_ =	swait.ge [sflag:s17], $0x2000  }
0x745: {  	[sflag:s17] =	ssyncset.done $0x0  }
0x746: {  	[sflag:s17] =	ssyncadd.s32 $0xFFFFE000  }
0x747: {  	_ =	swait.ge [sflag:s17], $0x2000  }
0x748: {  	[sflag:s17] =	ssyncset.done $0x0  }
0x749: {  	[sflag:s17] =	ssyncadd.s32 $0xFFFFE000  }
0x74a: {  	_ =	swait.ge [sflag:s17], $0x2000  }
0x74b: {  	[sflag:s17] =	ssyncset.done $0x0  }
0x74c: {  	[sflag:s17] =	ssyncadd.s32 $0xFFFFE000  }
0x74d: {  	_ =	swait.ge [sflag:s17], $0x2000  }
0x74e: {  	s0 =	sld [smem:$0x7B6]  }
0x74f: {  	[sflag:s17] =	ssyncset.done $0x0  }
0x750: {  	s1 =	sld [smem:$0x7B7];
	[sflag:s17] =	ssyncadd.s32 $0xFFFFE000  }
0x751: {  	[hbm4b:s0+s2] =	stream.linear.scatter [tilespmem:s2], [sflag:$0x4], $0x2000, $0x38;
	[tilespmem:$0x1E000] =	vst v63  }
0x752: {  	s0 =	sld [smem:$0x7B8]  }
0x753: {  	[hbm4b:s1+s2] =	stream.linear.scatter [tilespmem:s9], [sflag:$0x4], $0x2000, $0x38;
	[tilespmem:$0x1E000] =	vst v63  }
0x754: {  	s1 =	sld [smem:$0x7B9]  }
0x755: {  	[hbm4b:s0+s2] =	stream.linear.scatter [tilespmem:s10], [sflag:$0x4], $0x2000, $0x38;
	[tilespmem:$0x1E000] =	vst v63  }
0x756: {  	_ = 	snop  }
0x757: {  	[hbm4b:s1+s2] =	stream.linear.scatter [tilespmem:s11], [sflag:$0x4], $0x2000, $0x38;
	[tilespmem:$0x1E000] =	vst v63  }
0x758: {  	_ =	swait.ge [sflag:s3], $0x2000  }
0x759: {  	[sflag:s3] =	ssyncset.done $0x0  }
0x75a: {  	[sflag:s3] =	ssyncadd.s32 $0xFFFFE000  }
0x75b: {  	_ =	swait.ge [sflag:s3], $0x2000  }
0x75c: {  	[sflag:s3] =	ssyncset.done $0x0  }
0x75d: {  	[sflag:s3] =	ssyncadd.s32 $0xFFFFE000  }
0x75e: {  	_ =	swait.ge [sflag:s3], $0x2000  }
0x75f: {  	[sflag:s3] =	ssyncset.done $0x0  }
0x760: {  	[sflag:s3] =	ssyncadd.s32 $0xFFFFE000  }
0x761: {  	_ =	swait.ge [sflag:s3], $0x2000  }
0x762: {  	s0 =	sld [smem:$0x7BA]  }
0x763: {  	[sflag:s3] =	ssyncset.done $0x0  }
0x764: {  	s1 =	sld [smem:$0x7BB];
	[sflag:s3] =	ssyncadd.s32 $0xFFFFE000  }
0x765: {  	[tilespmem:s18], [sflag:$0x3] =	stream.linear.gather [hbm4b:s0+s2], $0x2000, $0x38;
	[tilespmem:$0x1E000] =	vst v63  }
0x766: {  	s0 =	sld [smem:$0x7BC]  }
0x767: {  	[tilespmem:s19], [sflag:$0x3] =	stream.linear.gather [hbm4b:s1+s2], $0x2000, $0x38;
	[tilespmem:$0x1E000] =	vst v63  }
0x768: {  	s1 =	sld [smem:$0x7BD]  }
0x769: {  	[tilespmem:s20], [sflag:$0x3] =	stream.linear.gather [hbm4b:s0+s2], $0x2000, $0x38;
	[tilespmem:$0x1E000] =	vst v63  }
0x76a: {  	s0 =	sld [smem:$0x7BE]  }
0x76b: {  	[tilespmem:s21], [sflag:$0x3] =	stream.linear.gather [hbm4b:s1+s2], $0x2000, $0x38;
	[tilespmem:$0x1E000] =	vst v63  }
0x76c: {  	_ = 	snop  }
0x76d: {  	[tilespmem:s30], [sflag:$0x3] =	stream.linear.gather [hbm4b:s0+s2], $0x2000, $0x38;
	[tilespmem:$0x1E000] =	vst v63  }
0x76e: {  	_ =	swait.ge [sflag:s29], $0x2000  }
0x76f: {  	[sflag:s29] =	ssyncset.done $0x0  }
0x770: {  	[sflag:s29] =	ssyncadd.s32 $0xFFFFE000  }
0x771: {  	_ =	swait.ge [sflag:s29], $0x2000  }
0x772: {  	[sflag:s29] =	ssyncset.done $0x0  }
0x773: {  	[sflag:s29] =	ssyncadd.s32 $0xFFFFE000  }
0x774: {  	_ =	swait.ge [sflag:s29], $0x2000  }
0x775: {  	[sflag:s29] =	ssyncset.done $0x0  }
0x776: {  	[sflag:s29] =	ssyncadd.s32 $0xFFFFE000  }
0x777: {  	_ =	swait.ge [sflag:s29], $0x2000  }
0x778: {  	[sflag:s29] =	ssyncset.done $0x0  }
0x779: {  	[sflag:s29] =	ssyncadd.s32 $0xFFFFE000  }
0x77a: {  	_ =	swait.ge [sflag:s29], $0x2000  }
0x77b: {  	s0 =	sld [smem:$0x7BF]  }
0x77c: {  	[sflag:s29] =	ssyncset.done $0x0  }
0x77d: {  	s1 =	sld [smem:$0x7C0];
	[sflag:s29] =	ssyncadd.s32 $0xFFFFE000  }
0x77e: {  	[hbm4b:s0+s2] =	stream.linear.scatter [tilespmem:s28], [sflag:$0x5], $0x2000, $0x38;
	[tilespmem:$0x1E000] =	vst v63  }
0x77f: {  	s0 =	sld [smem:$0x7C1]  }
0x780: {  	[hbm4b:s1+s2] =	stream.linear.scatter [tilespmem:s26], [sflag:$0x5], $0x2000, $0x38;
	[tilespmem:$0x1E000] =	vst v63  }
0x781: {  	s1 =	sld [smem:$0x7C2]  }
0x782: {  	[hbm4b:s0+s2] =	stream.linear.scatter [tilespmem:s24], [sflag:$0x5], $0x2000, $0x38;
	[tilespmem:$0x1E000] =	vst v63  }
0x783: {  	_ = 	snop  }
0x784: {  	[hbm4b:s1+s2] =	stream.linear.scatter [tilespmem:s25], [sflag:$0x5], $0x2000, $0x38;
	[tilespmem:$0x1E000] =	vst v63  }
0x785: {  	_ =	swait.ge [sflag:s12], $0x2000  }
0x786: {  	[sflag:s12] =	ssyncset.done $0x0  }
0x787: {  	[sflag:s12] =	ssyncadd.s32 $0xFFFFE000  }
0x788: {  	_ =	swait.ge [sflag:s12], $0x2000  }
0x789: {  	[sflag:s12] =	ssyncset.done $0x0  }
0x78a: {  	[sflag:s12] =	ssyncadd.s32 $0xFFFFE000  }
0x78b: {  	_ =	swait.ge [sflag:s12], $0x2000  }
0x78c: {  	[sflag:s12] =	ssyncset.done $0x0  }
0x78d: {  	[sflag:s12] =	ssyncadd.s32 $0xFFFFE000  }
0x78e: {  	_ =	swait.ge [sflag:s12], $0x2000  }
0x78f: {  	s0 =	sld [smem:$0x7C3]  }
0x790: {  	[sflag:s12] =	ssyncset.done $0x0  }
0x791: {  	s1 =	sld [smem:$0x7C4];
	[sflag:s12] =	ssyncadd.s32 $0xFFFFE000  }
0x792: {  	[tilespmem:s2], [sflag:$0x1] =	stream.linear.gather [hbm4b:s0+s2], $0x2000, $0x38;
	[tilespmem:$0x1E000] =	vst v63  }
0x793: {  	s0 =	sld [smem:$0x7C5]  }
0x794: {  	[tilespmem:s9], [sflag:$0x1] =	stream.linear.gather [hbm4b:s1+s2], $0x2000, $0x38;
	[tilespmem:$0x1E000] =	vst v63  }
0x795: {  	s1 =	sld [smem:$0x7C6]  }
0x796: {  	[tilespmem:s10], [sflag:$0x1] =	stream.linear.gather [hbm4b:s0+s2], $0x2000, $0x38;
	[tilespmem:$0x1E000] =	vst v63  }
0x797: {  	s0 =	sld [smem:$0x7C7]  }
0x798: {  	[tilespmem:s11], [sflag:$0x1] =	stream.linear.gather [hbm4b:s1+s2], $0x2000, $0x38;
	[tilespmem:$0x1E000] =	vst v63  }
0x799: {  	_ = 	snop  }
0x79a: {  	[tilespmem:s31], [sflag:$0x1] =	stream.linear.gather [hbm4b:s0+s2], $0x2000, $0x38;
	[tilespmem:$0x1E000] =	vst v63  }
0x79b: {  	_ =	swait.ge [sflag:s23], $0x2000  }
0x79c: {  	[sflag:s23] =	ssyncset.done $0x0  }
0x79d: {  	[sflag:s23] =	ssyncadd.s32 $0xFFFFE000  }
0x79e: {  	_ =	swait.ge [sflag:s23], $0x2000  }
0x79f: {  	[sflag:s23] =	ssyncset.done $0x0  }
0x7a0: {  	[sflag:s23] =	ssyncadd.s32 $0xFFFFE000  }
0x7a1: {  	_ =	swait.ge [sflag:s23], $0x2000  }
0x7a2: {  	[sflag:s23] =	ssyncset.done $0x0  }
0x7a3: {  	[sflag:s23] =	ssyncadd.s32 $0xFFFFE000  }
0x7a4: {  	_ =	swait.ge [sflag:s23], $0x2000  }
0x7a5: {  	[sflag:s23] =	ssyncset.done $0x0  }
0x7a6: {  	[sflag:s23] =	ssyncadd.s32 $0xFFFFE000  }
0x7a7: {  	_ =	swait.ge [sflag:s23], $0x2000  }
0x7a8: {  	s0 =	sld [smem:$0x7C8]  }
0x7a9: {  	[sflag:s23] =	ssyncset.done $0x0  }
0x7aa: {  	s1 =	sld [smem:$0x7C9];
	[sflag:s23] =	ssyncadd.s32 $0xFFFFE000  }
0x7ab: {  	[hbm4b:s0+s2] =	stream.linear.scatter [tilespmem:s18], [sflag:$0x6], $0x2000, $0x38;
	[tilespmem:$0x1E000] =	vst v63  }
0x7ac: {  	s0 =	sld [smem:$0x7CA]  }
0x7ad: {  	[hbm4b:s1+s2] =	stream.linear.scatter [tilespmem:s19], [sflag:$0x6], $0x2000, $0x38;
	[tilespmem:$0x1E000] =	vst v63  }
0x7ae: {  	s1 =	sld [smem:$0x7CB]  }
0x7af: {  	[hbm4b:s0+s2] =	stream.linear.scatter [tilespmem:s20], [sflag:$0x6], $0x2000, $0x38;
	[tilespmem:$0x1E000] =	vst v63  }
0x7b0: {  	_ = 	snop  }
0x7b1: {  	[hbm4b:s1+s2] =	stream.linear.scatter [tilespmem:s21], [sflag:$0x6], $0x2000, $0x38;
	[tilespmem:$0x1E000] =	vst v63  }
0x7b2: {  	_ =	swait.ge [sflag:s4], $0x2000  }
0x7b3: {  	[sflag:s4] =	ssyncset.done $0x0  }
0x7b4: {  	[sflag:s4] =	ssyncadd.s32 $0xFFFFE000  }
0x7b5: {  	_ =	swait.ge [sflag:s4], $0x2000  }
0x7b6: {  	[sflag:s4] =	ssyncset.done $0x0  }
0x7b7: {  	[sflag:s4] =	ssyncadd.s32 $0xFFFFE000  }
0x7b8: {  	_ =	swait.ge [sflag:s4], $0x2000  }
0x7b9: {  	[sflag:s4] =	ssyncset.done $0x0  }
0x7ba: {  	[sflag:s4] =	ssyncadd.s32 $0xFFFFE000  }
0x7bb: {  	_ =	swait.ge [sflag:s4], $0x2000  }
0x7bc: {  	s0 =	sld [smem:$0x7CC]  }
0x7bd: {  	[sflag:s4] =	ssyncset.done $0x0  }
0x7be: {  	s1 =	sld [smem:$0x7CD];
	[sflag:s4] =	ssyncadd.s32 $0xFFFFE000  }
0x7bf: {  	[tilespmem:s28], [sflag:$0x2] =	stream.linear.gather [hbm4b:s0+s2], $0x2000, $0x38;
	[tilespmem:$0x1E000] =	vst v63  }
0x7c0: {  	s0 =	sld [smem:$0x7CE]  }
0x7c1: {  	[tilespmem:s26], [sflag:$0x2] =	stream.linear.gather [hbm4b:s1+s2], $0x2000, $0x38;
	[tilespmem:$0x1E000] =	vst v63  }
0x7c2: {  	s1 =	sld [smem:$0x7CF]  }
0x7c3: {  	[tilespmem:s24], [sflag:$0x2] =	stream.linear.gather [hbm4b:s0+s2], $0x2000, $0x38;
	[tilespmem:$0x1E000] =	vst v63  }
0x7c4: {  	s0 =	sld [smem:$0x7D0]  }
0x7c5: {  	[tilespmem:s25], [sflag:$0x2] =	stream.linear.gather [hbm4b:s1+s2], $0x2000, $0x38;
	[tilespmem:$0x1E000] =	vst v63  }
0x7c6: {  	_ = 	snop  }
0x7c7: {  	[tilespmem:s22], [sflag:$0x2] =	stream.linear.gather [hbm4b:s0+s2], $0x2000, $0x38;
	[tilespmem:$0x1E000] =	vst v63  }
0x7c8: {  	_ =	swait.ge [sflag:s17], $0x2000  }
0x7c9: {  	[sflag:s17] =	ssyncset.done $0x0  }
0x7ca: {  	[sflag:s17] =	ssyncadd.s32 $0xFFFFE000  }
0x7cb: {  	_ =	swait.ge [sflag:s17], $0x2000  }
0x7cc: {  	[sflag:s17] =	ssyncset.done $0x0  }
0x7cd: {  	[sflag:s17] =	ssyncadd.s32 $0xFFFFE000  }
0x7ce: {  	_ =	swait.ge [sflag:s17], $0x2000  }
0x7cf: {  	[sflag:s17] =	ssyncset.done $0x0  }
0x7d0: {  	[sflag:s17] =	ssyncadd.s32 $0xFFFFE000  }
0x7d1: {  	_ =	swait.ge [sflag:s17], $0x2000  }
0x7d2: {  	[sflag:s17] =	ssyncset.done $0x0  }
0x7d3: {  	[sflag:s17] =	ssyncadd.s32 $0xFFFFE000  }
0x7d4: {  	_ =	swait.ge [sflag:s17], $0x2000  }
0x7d5: {  	s0 =	sld [smem:$0x7D1]  }
0x7d6: {  	[sflag:s17] =	ssyncset.done $0x0  }
0x7d7: {  	s1 =	sld [smem:$0x7D2];
	[sflag:s17] =	ssyncadd.s32 $0xFFFFE000  }
0x7d8: {  	[hbm4b:s0+s2] =	stream.linear.scatter [tilespmem:s2], [sflag:$0x4], $0x2000, $0x38;
	[tilespmem:$0x1E000] =	vst v63  }
0x7d9: {  	s0 =	sld [smem:$0x7D3]  }
0x7da: {  	[hbm4b:s1+s2] =	stream.linear.scatter [tilespmem:s9], [sflag:$0x4], $0x2000, $0x38;
	[tilespmem:$0x1E000] =	vst v63  }
0x7db: {  	s1 =	sld [smem:$0x7D4]  }
0x7dc: {  	[hbm4b:s0+s2] =	stream.linear.scatter [tilespmem:s10], [sflag:$0x4], $0x2000, $0x38;
	[tilespmem:$0x1E000] =	vst v63  }
0x7dd: {  	_ = 	snop  }
0x7de: {  	[hbm4b:s1+s2] =	stream.linear.scatter [tilespmem:s11], [sflag:$0x4], $0x2000, $0x38;
	[tilespmem:$0x1E000] =	vst v63  }
0x7df: {  	_ =	swait.ge [sflag:s3], $0x2000  }
0x7e0: {  	[sflag:s3] =	ssyncset.done $0x0  }
0x7e1: {  	[sflag:s3] =	ssyncadd.s32 $0xFFFFE000  }
0x7e2: {  	_ =	swait.ge [sflag:s3], $0x2000  }
0x7e3: {  	[sflag:s3] =	ssyncset.done $0x0  }
0x7e4: {  	[sflag:s3] =	ssyncadd.s32 $0xFFFFE000  }
0x7e5: {  	_ =	swait.ge [sflag:s3], $0x2000  }
0x7e6: {  	[sflag:s3] =	ssyncset.done $0x0  }
0x7e7: {  	[sflag:s3] =	ssyncadd.s32 $0xFFFFE000  }
0x7e8: {  	_ =	swait.ge [sflag:s3], $0x2000  }
0x7e9: {  	s0 =	sld [smem:$0x7D5]  }
0x7ea: {  	[sflag:s3] =	ssyncset.done $0x0  }
0x7eb: {  	s1 =	sld [smem:$0x7D6];
	[sflag:s3] =	ssyncadd.s32 $0xFFFFE000  }
0x7ec: {  	[tilespmem:s18], [sflag:$0x3] =	stream.linear.gather [hbm4b:s0+s2], $0x2000, $0x38;
	[tilespmem:$0x1E000] =	vst v63  }
0x7ed: {  	s0 =	sld [smem:$0x7D7]  }
0x7ee: {  	[tilespmem:s19], [sflag:$0x3] =	stream.linear.gather [hbm4b:s1+s2], $0x2000, $0x38;
	[tilespmem:$0x1E000] =	vst v63  }
0x7ef: {  	s1 =	sld [smem:$0x7D8]  }
0x7f0: {  	[tilespmem:s20], [sflag:$0x3] =	stream.linear.gather [hbm4b:s0+s2], $0x2000, $0x38;
	[tilespmem:$0x1E000] =	vst v63  }
0x7f1: {  	s0 =	sld [smem:$0x7D9]  }
0x7f2: {  	[tilespmem:s21], [sflag:$0x3] =	stream.linear.gather [hbm4b:s1+s2], $0x2000, $0x38;
	[tilespmem:$0x1E000] =	vst v63  }
0x7f3: {  	_ = 	snop  }
0x7f4: {  	[tilespmem:s30], [sflag:$0x3] =	stream.linear.gather [hbm4b:s0+s2], $0x2000, $0x38;
	[tilespmem:$0x1E000] =	vst v63  }
0x7f5: {  	_ =	swait.ge [sflag:s29], $0x2000  }
0x7f6: {  	[sflag:s29] =	ssyncset.done $0x0  }
0x7f7: {  	[sflag:s29] =	ssyncadd.s32 $0xFFFFE000  }
0x7f8: {  	_ =	swait.ge [sflag:s29], $0x2000  }
0x7f9: {  	[sflag:s29] =	ssyncset.done $0x0  }
0x7fa: {  	[sflag:s29] =	ssyncadd.s32 $0xFFFFE000  }
0x7fb: {  	_ =	swait.ge [sflag:s29], $0x2000  }
0x7fc: {  	[sflag:s29] =	ssyncset.done $0x0  }
0x7fd: {  	[sflag:s29] =	ssyncadd.s32 $0xFFFFE000  }
0x7fe: {  	_ =	swait.ge [sflag:s29], $0x2000  }
0x7ff: {  	[sflag:s29] =	ssyncset.done $0x0  }
0x800: {  	[sflag:s29] =	ssyncadd.s32 $0xFFFFE000  }
0x801: {  	_ =	swait.ge [sflag:s29], $0x2000  }
0x802: {  	s0 =	sld [smem:$0x7DA]  }
0x803: {  	[sflag:s29] =	ssyncset.done $0x0  }
0x804: {  	s1 =	sld [smem:$0x7DB];
	[sflag:s29] =	ssyncadd.s32 $0xFFFFE000  }
0x805: {  	[hbm4b:s0+s2] =	stream.linear.scatter [tilespmem:s28], [sflag:$0x5], $0x2000, $0x38;
	[tilespmem:$0x1E000] =	vst v63  }
0x806: {  	s0 =	sld [smem:$0x7DC]  }
0x807: {  	[hbm4b:s1+s2] =	stream.linear.scatter [tilespmem:s26], [sflag:$0x5], $0x2000, $0x38;
	[tilespmem:$0x1E000] =	vst v63  }
0x808: {  	s1 =	sld [smem:$0x7DD]  }
0x809: {  	[hbm4b:s0+s2] =	stream.linear.scatter [tilespmem:s24], [sflag:$0x5], $0x2000, $0x38;
	[tilespmem:$0x1E000] =	vst v63  }
0x80a: {  	_ = 	snop  }
0x80b: {  	[hbm4b:s1+s2] =	stream.linear.scatter [tilespmem:s25], [sflag:$0x5], $0x2000, $0x38;
	[tilespmem:$0x1E000] =	vst v63  }
0x80c: {  	_ =	swait.ge [sflag:s12], $0x2000  }
0x80d: {  	[sflag:s12] =	ssyncset.done $0x0  }
0x80e: {  	[sflag:s12] =	ssyncadd.s32 $0xFFFFE000  }
0x80f: {  	_ =	swait.ge [sflag:s12], $0x2000  }
0x810: {  	[sflag:s12] =	ssyncset.done $0x0  }
0x811: {  	[sflag:s12] =	ssyncadd.s32 $0xFFFFE000  }
0x812: {  	_ =	swait.ge [sflag:s12], $0x2000  }
0x813: {  	[sflag:s12] =	ssyncset.done $0x0  }
0x814: {  	[sflag:s12] =	ssyncadd.s32 $0xFFFFE000  }
0x815: {  	_ =	swait.ge [sflag:s12], $0x2000  }
0x816: {  	s0 =	sld [smem:$0x7DE]  }
0x817: {  	[sflag:s12] =	ssyncset.done $0x0  }
0x818: {  	s1 =	sld [smem:$0x7DF];
	[sflag:s12] =	ssyncadd.s32 $0xFFFFE000  }
0x819: {  	[tilespmem:s2], [sflag:$0x1] =	stream.linear.gather [hbm4b:s0+s2], $0x2000, $0x38;
	[tilespmem:$0x1E000] =	vst v63  }
0x81a: {  	s0 =	sld [smem:$0x7E0]  }
0x81b: {  	[tilespmem:s9], [sflag:$0x1] =	stream.linear.gather [hbm4b:s1+s2], $0x2000, $0x38;
	[tilespmem:$0x1E000] =	vst v63  }
0x81c: {  	s1 =	sld [smem:$0x7E1]  }
0x81d: {  	[tilespmem:s10], [sflag:$0x1] =	stream.linear.gather [hbm4b:s0+s2], $0x2000, $0x38;
	[tilespmem:$0x1E000] =	vst v63  }
0x81e: {  	s0 =	sld [smem:$0x7E2]  }
0x81f: {  	[tilespmem:s11], [sflag:$0x1] =	stream.linear.gather [hbm4b:s1+s2], $0x2000, $0x38;
	[tilespmem:$0x1E000] =	vst v63  }
0x820: {  	_ = 	snop  }
0x821: {  	[tilespmem:s31], [sflag:$0x1] =	stream.linear.gather [hbm4b:s0+s2], $0x2000, $0x38;
	[tilespmem:$0x1E000] =	vst v63  }
0x822: {  	_ =	swait.ge [sflag:s23], $0x2000  }
0x823: {  	[sflag:s23] =	ssyncset.done $0x0  }
0x824: {  	[sflag:s23] =	ssyncadd.s32 $0xFFFFE000  }
0x825: {  	_ =	swait.ge [sflag:s23], $0x2000  }
0x826: {  	[sflag:s23] =	ssyncset.done $0x0  }
0x827: {  	[sflag:s23] =	ssyncadd.s32 $0xFFFFE000  }
0x828: {  	_ =	swait.ge [sflag:s23], $0x2000  }
0x829: {  	[sflag:s23] =	ssyncset.done $0x0  }
0x82a: {  	[sflag:s23] =	ssyncadd.s32 $0xFFFFE000  }
0x82b: {  	_ =	swait.ge [sflag:s23], $0x2000  }
0x82c: {  	[sflag:s23] =	ssyncset.done $0x0  }
0x82d: {  	[sflag:s23] =	ssyncadd.s32 $0xFFFFE000  }
0x82e: {  	_ =	swait.ge [sflag:s23], $0x2000  }
0x82f: {  	s0 =	sld [smem:$0x7E3]  }
0x830: {  	[sflag:s23] =	ssyncset.done $0x0  }
0x831: {  	s1 =	sld [smem:$0x7E4];
	[sflag:s23] =	ssyncadd.s32 $0xFFFFE000  }
0x832: {  	[hbm4b:s0+s2] =	stream.linear.scatter [tilespmem:s18], [sflag:$0x6], $0x2000, $0x38;
	[tilespmem:$0x1E000] =	vst v63  }
0x833: {  	s0 =	sld [smem:$0x7E5]  }
0x834: {  	[hbm4b:s1+s2] =	stream.linear.scatter [tilespmem:s19], [sflag:$0x6], $0x2000, $0x38;
	[tilespmem:$0x1E000] =	vst v63  }
0x835: {  	s1 =	sld [smem:$0x7E6]  }
0x836: {  	[hbm4b:s0+s2] =	stream.linear.scatter [tilespmem:s20], [sflag:$0x6], $0x2000, $0x38;
	[tilespmem:$0x1E000] =	vst v63  }
0x837: {  	_ = 	snop  }
0x838: {  	[hbm4b:s1+s2] =	stream.linear.scatter [tilespmem:s21], [sflag:$0x6], $0x2000, $0x38;
	[tilespmem:$0x1E000] =	vst v63  }
0x839: {  	_ =	swait.ge [sflag:s4], $0x2000  }
0x83a: {  	[sflag:s4] =	ssyncset.done $0x0  }
0x83b: {  	[sflag:s4] =	ssyncadd.s32 $0xFFFFE000  }
0x83c: {  	_ =	swait.ge [sflag:s4], $0x2000  }
0x83d: {  	[sflag:s4] =	ssyncset.done $0x0  }
0x83e: {  	[sflag:s4] =	ssyncadd.s32 $0xFFFFE000  }
0x83f: {  	_ =	swait.ge [sflag:s4], $0x2000  }
0x840: {  	[sflag:s4] =	ssyncset.done $0x0  }
0x841: {  	[sflag:s4] =	ssyncadd.s32 $0xFFFFE000  }
0x842: {  	_ =	swait.ge [sflag:s4], $0x2000  }
0x843: {  	s0 =	sld [smem:$0x7E7]  }
0x844: {  	[sflag:s4] =	ssyncset.done $0x0  }
0x845: {  	s1 =	sld [smem:$0x7E8];
	[sflag:s4] =	ssyncadd.s32 $0xFFFFE000  }
0x846: {  	[tilespmem:s28], [sflag:$0x2] =	stream.linear.gather [hbm4b:s0+s2], $0x2000, $0x38;
	[tilespmem:$0x1E000] =	vst v63  }
0x847: {  	s0 =	sld [smem:$0x7E9]  }
0x848: {  	[tilespmem:s26], [sflag:$0x2] =	stream.linear.gather [hbm4b:s1+s2], $0x2000, $0x38;
	[tilespmem:$0x1E000] =	vst v63  }
0x849: {  	s1 =	sld [smem:$0x7EA]  }
0x84a: {  	[tilespmem:s24], [sflag:$0x2] =	stream.linear.gather [hbm4b:s0+s2], $0x2000, $0x38;
	[tilespmem:$0x1E000] =	vst v63  }
0x84b: {  	s0 =	sld [smem:$0x7EB]  }
0x84c: {  	[tilespmem:s25], [sflag:$0x2] =	stream.linear.gather [hbm4b:s1+s2], $0x2000, $0x38;
	[tilespmem:$0x1E000] =	vst v63  }
0x84d: {  	_ = 	snop  }
0x84e: {  	[tilespmem:s22], [sflag:$0x2] =	stream.linear.gather [hbm4b:s0+s2], $0x2000, $0x38;
	[tilespmem:$0x1E000] =	vst v63  }
0x84f: {  	_ =	swait.ge [sflag:s17], $0x2000  }
0x850: {  	[sflag:s17] =	ssyncset.done $0x0  }
0x851: {  	[sflag:s17] =	ssyncadd.s32 $0xFFFFE000  }
0x852: {  	_ =	swait.ge [sflag:s17], $0x2000  }
0x853: {  	[sflag:s17] =	ssyncset.done $0x0  }
0x854: {  	[sflag:s17] =	ssyncadd.s32 $0xFFFFE000  }
0x855: {  	_ =	swait.ge [sflag:s17], $0x2000  }
0x856: {  	[sflag:s17] =	ssyncset.done $0x0  }
0x857: {  	[sflag:s17] =	ssyncadd.s32 $0xFFFFE000  }
0x858: {  	_ =	swait.ge [sflag:s17], $0x2000  }
0x859: {  	[sflag:s17] =	ssyncset.done $0x0  }
0x85a: {  	[sflag:s17] =	ssyncadd.s32 $0xFFFFE000  }
0x85b: {  	_ =	swait.ge [sflag:s17], $0x2000  }
0x85c: {  	s1 =	sld [smem:$0x7EC]  }
0x85d: {  	[sflag:s17] =	ssyncset.done $0x0  }
0x85e: {  	s22 =	sld [smem:$0x7ED];
	[sflag:s17] =	ssyncadd.s32 $0xFFFFE000  }
0x85f: {  	[hbm4b:s1+s2] =	stream.linear.scatter [tilespmem:s2], [sflag:$0x4], $0x2000, $0x38;
	[tilespmem:$0x1E000] =	vst v63  }
0x860: {  	s0 =	sld [smem:$0x7EE]  }
0x861: {  	[hbm4b:s22+s2] =	stream.linear.scatter [tilespmem:s9], [sflag:$0x4], $0x2000, $0x38;
	[tilespmem:$0x1E000] =	vst v63  }
0x862: {  	s22 =	sld [smem:$0x7EF]  }
0x863: {  	[hbm4b:s0+s2] =	stream.linear.scatter [tilespmem:s10], [sflag:$0x4], $0x2000, $0x38;
	[tilespmem:$0x1E000] =	vst v63  }
0x864: {  	_ = 	snop  }
0x865: {  	[hbm4b:s22+s2] =	stream.linear.scatter [tilespmem:s11], [sflag:$0x4], $0x2000, $0x38;
	[tilespmem:$0x1E000] =	vst v63  }
0x866: {  	_ =	swait.ge [sflag:s3], $0x2000  }
0x867: {  	[sflag:s3] =	ssyncset.done $0x0  }
0x868: {  	[sflag:s3] =	ssyncadd.s32 $0xFFFFE000  }
0x869: {  	_ =	swait.ge [sflag:s3], $0x2000  }
0x86a: {  	[sflag:s3] =	ssyncset.done $0x0  }
0x86b: {  	[sflag:s3] =	ssyncadd.s32 $0xFFFFE000  }
0x86c: {  	_ =	swait.ge [sflag:s3], $0x2000  }
0x86d: {  	[sflag:s3] =	ssyncset.done $0x0  }
0x86e: {  	[sflag:s3] =	ssyncadd.s32 $0xFFFFE000  }
0x86f: {  	_ =	swait.ge [sflag:s3], $0x2000  }
0x870: {  	s22 =	sld [smem:$0x7F0]  }
0x871: {  	[sflag:s3] =	ssyncset.done $0x0  }
0x872: {  	s1 =	sld [smem:$0x7F1];
	[sflag:s3] =	ssyncadd.s32 $0xFFFFE000  }
0x873: {  	[tilespmem:s18], [sflag:$0x3] =	stream.linear.gather [hbm4b:s22+s2], $0x2000, $0x38;
	[tilespmem:$0x1E000] =	vst v63  }
0x874: {  	s22 =	sld [smem:$0x7F2]  }
0x875: {  	[tilespmem:s19], [sflag:$0x3] =	stream.linear.gather [hbm4b:s1+s2], $0x2000, $0x38;
	[tilespmem:$0x1E000] =	vst v63  }
0x876: {  	s1 =	sld [smem:$0x7F3]  }
0x877: {  	[tilespmem:s20], [sflag:$0x3] =	stream.linear.gather [hbm4b:s22+s2], $0x2000, $0x38;
	[tilespmem:$0x1E000] =	vst v63  }
0x878: {  	s22 =	sld [smem:$0x7F4]  }
0x879: {  	[tilespmem:s21], [sflag:$0x3] =	stream.linear.gather [hbm4b:s1+s2], $0x2000, $0x38;
	[tilespmem:$0x1E000] =	vst v63  }
0x87a: {  	_ = 	snop  }
0x87b: {  	[tilespmem:s30], [sflag:$0x3] =	stream.linear.gather [hbm4b:s22+s2], $0x2000, $0x38;
	[tilespmem:$0x1E000] =	vst v63  }
0x87c: {  	_ =	swait.ge [sflag:s29], $0x2000  }
0x87d: {  	[sflag:s29] =	ssyncset.done $0x0  }
0x87e: {  	[sflag:s29] =	ssyncadd.s32 $0xFFFFE000  }
0x87f: {  	_ =	swait.ge [sflag:s29], $0x2000  }
0x880: {  	[sflag:s29] =	ssyncset.done $0x0  }
0x881: {  	[sflag:s29] =	ssyncadd.s32 $0xFFFFE000  }
0x882: {  	_ =	swait.ge [sflag:s29], $0x2000  }
0x883: {  	[sflag:s29] =	ssyncset.done $0x0  }
0x884: {  	[sflag:s29] =	ssyncadd.s32 $0xFFFFE000  }
0x885: {  	_ =	swait.ge [sflag:s29], $0x2000  }
0x886: {  	[sflag:s29] =	ssyncset.done $0x0  }
0x887: {  	[sflag:s29] =	ssyncadd.s32 $0xFFFFE000  }
0x888: {  	_ =	swait.ge [sflag:s29], $0x2000  }
0x889: {  	s22 =	sld [smem:$0x7F5]  }
0x88a: {  	[sflag:s29] =	ssyncset.done $0x0  }
0x88b: {  	[sflag:s29] =	ssyncadd.s32 $0xFFFFE000;
	s29 =	sld [smem:$0x7F6]  }
0x88c: {  	[hbm4b:s22+s2] =	stream.linear.scatter [tilespmem:s28], [sflag:$0x5], $0x2000, $0x38;
	[tilespmem:$0x1E000] =	vst v63  }
0x88d: {  	s30 =	sld [smem:$0x7F7]  }
0x88e: {  	[hbm4b:s29+s2] =	stream.linear.scatter [tilespmem:s26], [sflag:$0x5], $0x2000, $0x38;
	[tilespmem:$0x1E000] =	vst v63  }
0x88f: {  	s22 =	sld [smem:$0x7F8]  }
0x890: {  	[hbm4b:s30+s2] =	stream.linear.scatter [tilespmem:s24], [sflag:$0x5], $0x2000, $0x38;
	[tilespmem:$0x1E000] =	vst v63  }
0x891: {  	_ = 	snop  }
0x892: {  	[hbm4b:s22+s2] =	stream.linear.scatter [tilespmem:s25], [sflag:$0x5], $0x2000, $0x38;
	[tilespmem:$0x1E000] =	vst v63  }
0x893: {  	_ =	swait.ge [sflag:s12], $0x2000  }
0x894: {  	[sflag:s12] =	ssyncset.done $0x0  }
0x895: {  	[sflag:s12] =	ssyncadd.s32 $0xFFFFE000  }
0x896: {  	_ =	swait.ge [sflag:s12], $0x2000  }
0x897: {  	[sflag:s12] =	ssyncset.done $0x0  }
0x898: {  	[sflag:s12] =	ssyncadd.s32 $0xFFFFE000  }
0x899: {  	_ =	swait.ge [sflag:s12], $0x2000  }
0x89a: {  	[sflag:s12] =	ssyncset.done $0x0  }
0x89b: {  	[sflag:s12] =	ssyncadd.s32 $0xFFFFE000  }
0x89c: {  	_ =	swait.ge [sflag:s12], $0x2000  }
0x89d: {  	s25 =	sld [smem:$0x7F9]  }
0x89e: {  	[sflag:s12] =	ssyncset.done $0x0  }
0x89f: {  	s26 =	sld [smem:$0x7FA];
	[sflag:s12] =	ssyncadd.s32 $0xFFFFE000  }
0x8a0: {  	[tilespmem:s2], [sflag:$0x1] =	stream.linear.gather [hbm4b:s25+s2], $0x2000, $0x38;
	[tilespmem:$0x1E000] =	vst v63  }
0x8a1: {  	s28 =	sld [smem:$0x7FB]  }
0x8a2: {  	[tilespmem:s9], [sflag:$0x1] =	stream.linear.gather [hbm4b:s26+s2], $0x2000, $0x38;
	[tilespmem:$0x1E000] =	vst v63  }
0x8a3: {  	s29 =	sld [smem:$0x7FC]  }
0x8a4: {  	[tilespmem:s10], [sflag:$0x1] =	stream.linear.gather [hbm4b:s28+s2], $0x2000, $0x38;
	[tilespmem:$0x1E000] =	vst v63  }
0x8a5: {  	s30 =	sld [smem:$0x7FD]  }
0x8a6: {  	[tilespmem:s11], [sflag:$0x1] =	stream.linear.gather [hbm4b:s29+s2], $0x2000, $0x38;
	[tilespmem:$0x1E000] =	vst v63  }
0x8a7: {  	_ = 	snop  }
0x8a8: {  	[tilespmem:s31], [sflag:$0x1] =	stream.linear.gather [hbm4b:s30+s2], $0x2000, $0x38;
	[tilespmem:$0x1E000] =	vst v63  }
0x8a9: {  	_ =	swait.ge [sflag:s23], $0x2000  }
0x8aa: {  	[sflag:s23] =	ssyncset.done $0x0  }
0x8ab: {  	[sflag:s23] =	ssyncadd.s32 $0xFFFFE000  }
0x8ac: {  	_ =	swait.ge [sflag:s23], $0x2000  }
0x8ad: {  	[sflag:s23] =	ssyncset.done $0x0  }
0x8ae: {  	[sflag:s23] =	ssyncadd.s32 $0xFFFFE000  }
0x8af: {  	_ =	swait.ge [sflag:s23], $0x2000  }
0x8b0: {  	[sflag:s23] =	ssyncset.done $0x0  }
0x8b1: {  	[sflag:s23] =	ssyncadd.s32 $0xFFFFE000  }
0x8b2: {  	_ =	swait.ge [sflag:s23], $0x2000  }
0x8b3: {  	[sflag:s23] =	ssyncset.done $0x0  }
0x8b4: {  	[sflag:s23] =	ssyncadd.s32 $0xFFFFE000  }
0x8b5: {  	_ =	swait.ge [sflag:s23], $0x2000  }
0x8b6: {  	[sflag:s23] =	ssyncset.done $0x0  }
0x8b7: {  	[sflag:s23] =	ssyncadd.s32 $0xFFFFE000  }
0x8b8: {  	[hbm4b:s13+s2] =	stream.linear.scatter [tilespmem:s18], [sflag:$0x6], $0x2000, $0x38;
	[tilespmem:$0x1E000] =	vst v63  }
0x8b9: {  	_ = 	snop  }
0x8ba: {  	[hbm4b:s14+s2] =	stream.linear.scatter [tilespmem:s19], [sflag:$0x6], $0x2000, $0x38;
	[tilespmem:$0x1E000] =	vst v63  }
0x8bb: {  	_ = 	snop  }
0x8bc: {  	[hbm4b:s15+s2] =	stream.linear.scatter [tilespmem:s20], [sflag:$0x6], $0x2000, $0x38;
	[tilespmem:$0x1E000] =	vst v63  }
0x8bd: {  	_ = 	snop  }
0x8be: {  	[hbm4b:s16+s2] =	stream.linear.scatter [tilespmem:s21], [sflag:$0x6], $0x2000, $0x38;
	[tilespmem:$0x1E000] =	vst v63  }
0x8bf: {  	_ =	swait.ge [sflag:s17], $0x2000  }
0x8c0: {  	[sflag:s17] =	ssyncset.done $0x0  }
0x8c1: {  	[sflag:s17] =	ssyncadd.s32 $0xFFFFE000  }
0x8c2: {  	_ =	swait.ge [sflag:s17], $0x2000  }
0x8c3: {  	[sflag:s17] =	ssyncset.done $0x0  }
0x8c4: {  	[sflag:s17] =	ssyncadd.s32 $0xFFFFE000  }
0x8c5: {  	_ =	swait.ge [sflag:s17], $0x2000  }
0x8c6: {  	[sflag:s17] =	ssyncset.done $0x0  }
0x8c7: {  	[sflag:s17] =	ssyncadd.s32 $0xFFFFE000  }
0x8c8: {  	_ =	swait.ge [sflag:s17], $0x2000  }
0x8c9: {  	[sflag:s17] =	ssyncset.done $0x0  }
0x8ca: {  	[sflag:s17] =	ssyncadd.s32 $0xFFFFE000  }
0x8cb: {  	_ =	swait.ge [sflag:s17], $0x2000  }
0x8cc: {  	[sflag:s17] =	ssyncset.done $0x0  }
0x8cd: {  	[sflag:s17] =	ssyncadd.s32 $0xFFFFE000  }
0x8ce: {  	[hbm4b:s5+s2] =	stream.linear.scatter [tilespmem:s2], [sflag:$0x4], $0x2000, $0x38;
	[tilespmem:$0x1E000] =	vst v63  }
0x8cf: {  	_ = 	snop  }
0x8d0: {  	[hbm4b:s6+s2] =	stream.linear.scatter [tilespmem:s9], [sflag:$0x4], $0x2000, $0x38;
	[tilespmem:$0x1E000] =	vst v63  }
0x8d1: {  	_ = 	snop  }
0x8d2: {  	[hbm4b:s7+s2] =	stream.linear.scatter [tilespmem:s10], [sflag:$0x4], $0x2000, $0x38;
	[tilespmem:$0x1E000] =	vst v63  }
0x8d3: {  	_ = 	snop  }
0x8d4: {  	[hbm4b:s8+s2] =	stream.linear.scatter [tilespmem:s11], [sflag:$0x4], $0x2000, $0x38;
	[tilespmem:$0x1E000] =	vst v63  }
0x8d5: {  	_ =	swait.ge [sflag:s12], $0x2000  }
0x8d6: {  	[sflag:s12] =	ssyncset.done $0x0  }
0x8d7: {  	[sflag:s12] =	ssyncadd.s32 $0xFFFFE000  }
0x8d8: {  	_ =	swait.ge [sflag:s12], $0x2000  }
0x8d9: {  	[sflag:s12] =	ssyncset.done $0x0  }
0x8da: {  	[sflag:s12] =	ssyncadd.s32 $0xFFFFE000  }
0x8db: {  	_ =	swait.ge [sflag:s12], $0x2000  }
0x8dc: {  	[sflag:s12] =	ssyncset.done $0x0  }
0x8dd: {  	[sflag:s12] =	ssyncadd.s32 $0xFFFFE000  }
0x8de: {  	_ =	swait.ge [sflag:s12], $0x2000  }
0x8df: {  	[sflag:s12] =	ssyncset.done $0x0  }
0x8e0: {  	[sflag:s12] =	ssyncadd.s32 $0xFFFFE000  }
0x8e1: {  	_ =	swait.ge [sflag:s4], $0x2000  }
0x8e2: {  	[sflag:s4] =	ssyncset.done $0x0  }
0x8e3: {  	[sflag:s4] =	ssyncadd.s32 $0xFFFFE000  }
0x8e4: {  	_ =	swait.ge [sflag:s4], $0x2000  }
0x8e5: {  	[sflag:s4] =	ssyncset.done $0x0  }
0x8e6: {  	[sflag:s4] =	ssyncadd.s32 $0xFFFFE000  }
0x8e7: {  	_ =	swait.ge [sflag:s4], $0x2000  }
0x8e8: {  	[sflag:s4] =	ssyncset.done $0x0  }
0x8e9: {  	[sflag:s4] =	ssyncadd.s32 $0xFFFFE000  }
0x8ea: {  	_ =	swait.ge [sflag:s4], $0x2000  }
0x8eb: {  	[sflag:s4] =	ssyncset.done $0x0  }
0x8ec: {  	[sflag:s4] =	ssyncadd.s32 $0xFFFFE000  }
0x8ed: {  	_ =	swait.ge [sflag:s3], $0x2000  }
0x8ee: {  	[sflag:s3] =	ssyncset.done $0x0  }
0x8ef: {  	[sflag:s3] =	ssyncadd.s32 $0xFFFFE000  }
0x8f0: {  	_ =	swait.ge [sflag:s3], $0x2000  }
0x8f1: {  	[sflag:s3] =	ssyncset.done $0x0  }
0x8f2: {  	[sflag:s3] =	ssyncadd.s32 $0xFFFFE000  }
0x8f3: {  	_ =	swait.ge [sflag:s3], $0x2000  }
0x8f4: {  	[sflag:s3] =	ssyncset.done $0x0  }
0x8f5: {  	[sflag:s3] =	ssyncadd.s32 $0xFFFFE000  }
0x8f6: {  	_ =	swait.ge [sflag:s3], $0x2000  }
0x8f7: {  	[sflag:s3] =	ssyncset.done $0x0  }
0x8f8: {  	[sflag:s3] =	ssyncadd.s32 $0xFFFFE000  }
0x8f9: {  	_ =	sfence.sel $0x180000  }
0x8fa: {  	[bflag:$0x0] =	sbarrier.arrive $0xFFFF  }
0x8fb: {  	_ =	strace $0x90000047  }
0x8fc: {  	s31 =	stileid.u32;
	[bflag:$0x2] =	sbarrier.arrive $0xFFFF  }
0x8fd: {  	p0 =	sne.s32 s31, $0x0;
	s0 =	rddreg [dreg:$0x3]  }
0x8fe: {  	s0 =	sadd.s32 @!p0 $0x100000, s0  }
0x8ff: {  	[sflag:s0] =	ssyncadd.tile.s32 @!p0 $0x1;
	_ =	shalt  }
.LBB2_2:
.Ltmp3:
0x900: {  	(pc) =	sbr.rel .LBB2_5-.Ltmp3, $2  }
0x901: {  	_ =	sdelay $0x2  }
0x902: {  	s30 =	simm.s32 $0x1C000;
	s22 =	simm.s32 $0x12000;
	s31 =	simm.s32 $0x8000  }
.Lfunc_end2:
_tile_overlayer_lowered:
.L_overlay_start_2:
0x903: {  	(tag) =	ssettag $0x2  }
0x904: {  	s0 =	rddreg [dreg:$0x0];
	s2 =	stileid.u32  }
0x905: {  	s1 =	rddreg [dreg:$0x1];
	p0 =	sne.s32 s2, $0x0  }
0x906: {  	s3 =	rddreg [dreg:$0x2];
	[bflag:$0x3] =	sbarrier.arrive $0xFFFF;
	s2 =	simm.s32 @!p0 $0x1C07  }
0x907: {  	[timem:s3], [sflag:s2] =	dma.local @!p0 [hbm:s0], s1  }
0x908: {  	s0 =	simm.s32 @!p0 $0x7  }
0x909: {  	_ =	swait.ge @!p0 [sflag:s0], s1  }
0x90a: {  	s1 =	ssub.s32 @!p0 $0x0, s1;
	[sflag:s0] =	ssyncset.done @!p0 $0x0  }
0x90b: {  	[sflag:s0] =	ssyncadd.s32 @!p0 s1  }
0x90c: {  	[bflag:$0x3] =	sbarrier.arrive $0xFFFF  }
0x90d: {  	_ =	shalt  }

</sc_bundles>
